<compile_context>
chip_gen: v7x
topology: tpu7x:2x2x1
jax: 0.10.2.dev20260603
libtpu: 0.0.44.dev20260713+nightly
codegen_flags: <defaults>
</compile_context>

<pallas_src>
import functools

import jax
import jax.numpy as jnp
from jax import lax
from jax.experimental import pallas as pl
from jax.experimental.pallas import tpu as pltpu
from jax.experimental.pallas import tpu_sc as plsc

VOCAB = 1000000
EMB_DIM = 64
INPUT_LEN = 2048
LATENT_LEN = 512
OUTPUT_LEN = 256
BATCH = 4

NC = 2
NS = 16
L = 16
NW = NC * NS

B_TOK = BATCH * INPUT_LEN
CH = 512
N_FULL = VOCAB // CH
TAIL_C = N_FULL
TAIL_W = VOCAB - N_FULL * CH
X_ROWS = B_TOK + NW
X_COLS = 2 * EMB_DIM


def _sc_body(idx_hbm, table_hbm, tail_hbm, enc_hbm, proc_hbm, dec_hbm,
             x_out, lat_out, dec_out,
             idx_v, mtok, mpos, ctok, cpos, buf3, tbuf, flags,
             stage, ebuf, posbuf, pmod, gsem, esem):
    cid = lax.axis_index("c")
    sid = lax.axis_index("s")
    wid = sid * NC + cid
    iota = lax.iota(jnp.int32, L)

    pltpu.async_copy(table_hbm.at[:, pl.ds(wid * CH, CH)], buf3.at[0], gsem)

    pltpu.sync_copy(idx_hbm, idx_v)

    @pl.when(wid < 16)
    def _lat():
        b = wid // 4
        ch = wid % 4
        pltpu.sync_copy(proc_hbm.at[:, pl.ds(ch * 128, 128)], tbuf)
        pltpu.sync_copy(tbuf, lat_out.at[b, :, pl.ds(ch * 128, 128)])

    @pl.when((wid >= 16) & (wid < 24))
    def _dec():
        b = (wid - 16) // 2
        ch = (wid - 16) % 2
        pltpu.sync_copy(dec_hbm.at[:, pl.ds(ch * 128, 128)], tbuf)

        def dbl(r, _):
            for c4 in range(128 // L):
                sl = pl.ds(c4 * L, L)
                v = tbuf[r, sl]
                tbuf[r, sl] = v + v
            return 0

        lax.fori_loop(0, EMB_DIM, dbl, 0)
        pltpu.sync_copy(tbuf, dec_out.at[b, :, pl.ds(ch * 128, 128)])

    zero = jnp.zeros((L,), jnp.int32)

    def zf(g, _):
        flags[pl.ds(g * L, L)] = zero
        return 0

    lax.fori_loop(0, (VOCAB // 128 + 2 * L) // L, zf, 0)

    one = jnp.full((L,), 1, jnp.int32)

    def scan(g, off):
        v = idx_v[g // 8, pl.ds((g % 8) * L, L)]
        pv = g * L + iota
        m = ((v >> 9) & 31) == wid
        plsc.store_compressed(mtok.at[pl.ds(off, L)], v, mask=m)
        plsc.store_compressed(mpos.at[pl.ds(off, L)], pv, mask=m)
        plsc.store_scatter(flags, [v >> 7], one, mask=m)
        return off + plsc.all_reduce_population_count(m)[0]

    mcnt = lax.fori_loop(0, B_TOK // L, scan, 0)

    dump_row = B_TOK + wid
    nvreg = (mcnt + L - 1) >> 4

    def flush(pvs):
        for si in range(4):
            posbuf[0, pl.ds(si * L, L)] = pvs[si]
            pmod[0, pl.ds(si * L, L)] = pvs[si] & (INPUT_LEN - 1)
        pltpu.async_copy(enc_hbm.at[pmod.at[0]], ebuf, esem).wait()

        def addrow(r, _):
            for k4 in range(EMB_DIM // L):
                sl = pl.ds(k4 * L, L)
                stage[r, sl] = stage[r, sl] + ebuf[r, sl]
            return 0

        lax.fori_loop(0, 4 * L, addrow, 0)
        pltpu.sync_copy(stage, x_out.at[posbuf.at[0]])

    n_my_chunks = ((TAIL_C - wid) >> 5) + 1

    def start_dma(c, par):
        for q in range(4):
            f = flags[pl.ds(c * 4 + q, L)][0]

            @pl.when((f > 0) & (c != TAIL_C))
            def _s1():
                pltpu.async_copy(
                    table_hbm.at[:, pl.ds(c * CH + q * 128, 128)],
                    buf3.at[par, :, pl.ds(q * 128, 128)], gsem)

            @pl.when((f > 0) & (c == TAIL_C) & (q == 0))
            def _s2():
                pltpu.async_copy(tail_hbm, buf3.at[par, :, pl.ds(0, 128)],
                                 gsem)

    def wait_dma(c, par):
        for q in range(4):
            f = flags[pl.ds(c * 4 + q, L)][0]

            @pl.when(f > 0)
            def _w1():
                pltpu.make_async_copy(
                    table_hbm.at[:, pl.ds(0, 128)],
                    buf3.at[par, :, pl.ds(q * 128, 128)], gsem).wait()

    def chunk_step(i, carry):
        j16, posv = carry
        c = wid + NW * i
        cbase = c * CH
        par = i & 1

        @pl.when(i + 1 < n_my_chunks)
        def _pref():
            start_dma(wid + NW * (i + 1), 1 - par)

        @pl.when(i == 0)
        def _w0():
            pltpu.make_async_copy(table_hbm.at[:, pl.ds(0, CH)],
                                  buf3.at[par], gsem).wait()

        @pl.when(i != 0)
        def _wn():
            wait_dma(c, par)
        parv = jnp.full((L,), par, jnp.int32)

        def list_step(g, carry2):
            jj, pv2 = carry2
            mt = mtok[pl.ds(g * L, L)]
            mp = mpos[pl.ds(g * L, L)]
            valid = (g * L + iota) < mcnt
            m = valid & ((mt >> 9) == c)
            plsc.store_compressed(ctok.at[pl.ds(0, L)], mt, mask=m)
            plsc.store_compressed(cpos.at[pl.ds(0, L)], mp, mask=m)
            k = plsc.all_reduce_population_count(m)[0]

            def entry(kk, carry3):
                j3, pvs = carry3
                tok = ctok[pl.ds(kk, L)][0]
                p = cpos[pl.ds(kk, L)][0]
                col = tok - cbase
                jm = j3 & (4 * L - 1)
                s = jm >> 4
                lane = jm & (L - 1)
                cvec = jnp.full((L,), col, jnp.int32)
                for k4 in range(EMB_DIM // L):
                    dvec = iota + k4 * L
                    vals = plsc.load_gather(buf3, [parv, dvec, cvec])
                    stage[jm, pl.ds(k4 * L, L)] = vals
                pvs = tuple(
                    jnp.where((iota == lane) & (s == si), p, pvs[si])
                    for si in range(4))

                @pl.when(jm == 4 * L - 1)
                def _f():
                    flush(pvs)

                dumpv = jnp.full((L,), dump_row, jnp.int32)
                pvs = tuple(
                    jnp.where(jm == 4 * L - 1, dumpv, pvs[si])
                    for si in range(4))
                return j3 + 1, pvs

            return lax.fori_loop(0, k, entry, (jj, pv2))

        return lax.fori_loop(0, nvreg, list_step, (j16, posv))

    posv0 = jnp.full((L,), dump_row, jnp.int32)
    j16, posvs = lax.fori_loop(0, n_my_chunks, chunk_step,
                               (0, (posv0, posv0, posv0, posv0)))

    flush(posvs)


@jax.jit
def _embed(idx_2d, table_t, tail_p, enc_p, proc_t, dec_t):
    mesh = plsc.VectorSubcoreMesh(core_axis_name="c", subcore_axis_name="s")
    out_type = [
        jax.ShapeDtypeStruct((X_ROWS, X_COLS), jnp.float32),
        jax.ShapeDtypeStruct((BATCH, EMB_DIM, LATENT_LEN), jnp.float32),
        jax.ShapeDtypeStruct((BATCH, EMB_DIM, OUTPUT_LEN), jnp.float32),
    ]
    scratch = [
        pltpu.VMEM((B_TOK // 128, 128), jnp.int32),
        pltpu.VMEM((B_TOK + L,), jnp.int32),
        pltpu.VMEM((B_TOK + L,), jnp.int32),
        pltpu.VMEM((2 * L,), jnp.int32),
        pltpu.VMEM((2 * L,), jnp.int32),
        pltpu.VMEM((2, EMB_DIM, CH), jnp.float32),
        pltpu.VMEM((EMB_DIM, 128), jnp.float32),
        pltpu.VMEM((VOCAB // 128 + 2 * L,), jnp.int32),
        pltpu.VMEM((4 * L, X_COLS), jnp.float32),
        pltpu.VMEM((4 * L, X_COLS), jnp.float32),
        pltpu.VMEM((1, 4 * L), jnp.int32),
        pltpu.VMEM((1, 4 * L), jnp.int32),
        pltpu.SemaphoreType.DMA,
        pltpu.SemaphoreType.DMA,
    ]
    run = functools.partial(
        pl.kernel, mesh=mesh, out_type=out_type, scratch_types=scratch,
        compiler_params=pltpu.CompilerParams(use_tc_tiling_on_sc=True, needs_layout_passes=False),
    )(_sc_body)
    return run(idx_2d, table_t, tail_p, enc_p, proc_t, dec_t)


def kernel(input_array, emb_table, pos_emb_encoder, pos_emb_processor, pos_emb_decoder):
    idx_2d = input_array.reshape(B_TOK // 128, 128)
    tail_p = jnp.pad(emb_table[N_FULL * CH:].T, ((0, 0), (0, X_COLS - TAIL_W)))
    enc_p = jnp.pad(pos_emb_encoder, ((0, 0), (0, X_COLS - EMB_DIM)))
    xs, lat_t, dec_t = _embed(idx_2d, emb_table.T, tail_p, enc_p,
                              pos_emb_processor.T, pos_emb_decoder.T)
    x = xs[:B_TOK, :EMB_DIM].reshape(BATCH, INPUT_LEN, EMB_DIM)
    return (
        x,
        lat_t.transpose(0, 2, 1),
        dec_t.transpose(0, 2, 1),
    )

# --- scband reference (transcript-rebuilt; emitter-appended) ---
"""Pipeline reference for scband-embeddings-28106265985537 (READ-ONLY COPY).

The authoritative reference and input builder live on the scoring server;
editing this copy changes nothing except your own understanding.
"""

import jax, jax.numpy as jnp
import numpy as np

VOCAB = 1000000
EMB_DIM = 64
INPUT_LEN = 2048
LATENT_LEN = 512
LATENT_DIM = 64
OUTPUT_LEN = 256
OUTPUT_DIM = 64
BATCH = 4
POS_STD = 0.02


def setup_inputs(seed: int = 0) -> dict:
    key = jax.random.key(seed)
    k1, k2, k3, k4, k5 = jax.random.split(key, 5)
    input_array = jax.random.randint(k1, (BATCH, INPUT_LEN), 0, VOCAB, dtype=jnp.int32)
    # nn.Embedding default init: N(0, 1)
    emb_table = jax.random.normal(k2, (VOCAB, EMB_DIM), dtype=jnp.float32)
    # trainable positional encodings: N(0, pos_init_std)
    pos_emb_encoder = jax.random.normal(k3, (INPUT_LEN, EMB_DIM), dtype=jnp.float32) * POS_STD
    pos_emb_processor = jax.random.normal(k4, (LATENT_LEN, LATENT_DIM), dtype=jnp.float32) * POS_STD
    pos_emb_decoder = jax.random.normal(k5, (OUTPUT_LEN, OUTPUT_DIM), dtype=jnp.float32) * POS_STD
    return {
        "input_array": input_array,
        "emb_table": emb_table,
        "pos_emb_encoder": pos_emb_encoder,
        "pos_emb_processor": pos_emb_processor,
        "pos_emb_decoder": pos_emb_decoder,
    }


def reference(input_array, emb_table, pos_emb_encoder, pos_emb_processor, pos_emb_decoder):
    # attention_mask=None, output_array=None path of Embeddings.forward
    # token embedding lookup (gather)
    x = jnp.take(emb_table, input_array, axis=0)
    # add encoder positional embedding
    x = x + pos_emb_encoder[None, : x.shape[1], :]
    b = x.shape[0]
    # output_array is None -> cat decoder pos emb over batch, then add pos emb again
    output_array = jnp.concatenate([pos_emb_decoder[None, ...] for _ in range(b)], axis=0)
    output_array = output_array + pos_emb_decoder[None, : output_array.shape[1], :]
    # latent array: cat processor pos emb over batch
    latent_array = jnp.concatenate([pos_emb_processor[None, ...] for _ in range(b)], axis=0)
    # original returns (input_array, attention_mask=None, latent_array, output_array);
    # we return the three array outputs (None dropped)
    return (x, latent_array, output_array)

if __name__ == "__main__":
    import jax
    _d = setup_inputs()
    print(jax.jit(kernel)(*tuple(_d.values())))

</pallas_src>

<mosaic_0001>
#map = affine_map<(d0, d1) -> (0, 0)>
#map1 = affine_map<(d0, d1) -> (0, 0, 0)>
module attributes {stable_mosaic.version = 14 : i64} {
  func.func @_sc_body(%arg0: i32, %arg1: i32, %arg2: memref<64x128xi32, #tpu.memory_space<hbm>>, %arg3: memref<64x1000000xf32, #tpu.memory_space<hbm>>, %arg4: memref<64x128xf32, #tpu.memory_space<hbm>>, %arg5: memref<2048x128xf32, #tpu.memory_space<hbm>>, %arg6: memref<64x512xf32, #tpu.memory_space<hbm>>, %arg7: memref<64x256xf32, #tpu.memory_space<hbm>>, %arg8: memref<8224x128xf32, #tpu.memory_space<hbm>>, %arg9: memref<4x64x512xf32, #tpu.memory_space<hbm>>, %arg10: memref<4x64x256xf32, #tpu.memory_space<hbm>>, %arg11: memref<64x128xi32, #tpu.memory_space<vmem>>, %arg12: memref<8208xi32, #tpu.memory_space<vmem>>, %arg13: memref<8208xi32, #tpu.memory_space<vmem>>, %arg14: memref<32xi32, #tpu.memory_space<vmem>>, %arg15: memref<32xi32, #tpu.memory_space<vmem>>, %arg16: memref<2x64x512xf32, #tpu.memory_space<vmem>>, %arg17: memref<64x128xf32, #tpu.memory_space<vmem>>, %arg18: memref<7844xi32, #tpu.memory_space<vmem>>, %arg19: memref<64x128xf32, #tpu.memory_space<vmem>>, %arg20: memref<64x128xf32, #tpu.memory_space<vmem>>, %arg21: memref<1x64xi32, #tpu.memory_space<vmem>>, %arg22: memref<1x64xi32, #tpu.memory_space<vmem>>, %arg23: memref<!tpu.dma_semaphore, #tpu.memory_space<semaphore_mem>>, %arg24: memref<!tpu.dma_semaphore, #tpu.memory_space<semaphore_mem>>) attributes {dimension_semantics = [#tpu.dimension_semantics<core_parallel>, #tpu.dimension_semantics<subcore_parallel>], iteration_bounds = array<i64: 2, 16>, scalar_prefetch = 0 : i64, scratch_operands = 14 : i64, tpu.core_type = #tpu.core_type<sc_vector_subcore>, window_params = [{transform_indices = #map}, {transform_indices = #map}, {transform_indices = #map}, {transform_indices = #map}, {transform_indices = #map}, {transform_indices = #map}, {transform_indices = #map}, {transform_indices = #map1}, {transform_indices = #map1}]} {
    %mul3A = arith.constant 2 : i32
    %mul3A_0 = arith.muli %arg1, %mul3A : i32
    %add3A = arith.addi %mul3A_0, %arg0 : i32
    %iota3A = tpu.iota {dimensions = array<i32: 0>} : vector<16xi32>
    %mul3A_1 = arith.constant 512 : i32
    %mul3A_2 = arith.muli %add3A, %mul3A_1 : i32
    %dma_start3A = arith.constant 0 : i32
    %dma_start3A_3 = arith.constant 0 : i32
    %dma_start3A_4 = arith.constant 0 : i32
    %dma_start3A_5 = tpu.memref_slice %arg16[%dma_start3A, %dma_start3A_3, %dma_start3A_4] : memref<2x64x512xf32, #tpu.memory_space<vmem>> -> memref<1x64x512xf32, #tpu.memory_space<vmem>>
    %dma_start3A_6 = tpu.memref_squeeze %dma_start3A_5 : memref<1x64x512xf32, #tpu.memory_space<vmem>> -> memref<64x512xf32, #tpu.memory_space<vmem>>
    %dma_start3A_7 = arith.constant 0 : i32
    %dma_start3A_8 = tpu.memref_slice %arg3[%dma_start3A_7, %mul3A_2] : memref<64x1000000xf32, #tpu.memory_space<hbm>> -> memref<64x512xf32, #tpu.memory_space<hbm>>
    %dma_start3A_9 = arith.constant 0 : i32
    %dma_start3A_10 = arith.constant 0 : i32
    %dma_start3A_11 = tpu.memref_slice %arg16[%dma_start3A, %dma_start3A_9, %dma_start3A_10] : memref<2x64x512xf32, #tpu.memory_space<vmem>> -> memref<1x64x512xf32, #tpu.memory_space<vmem>>
    %dma_start3A_12 = tpu.memref_squeeze %dma_start3A_11 : memref<1x64x512xf32, #tpu.memory_space<vmem>> -> memref<64x512xf32, #tpu.memory_space<vmem>>
    %dma_start3A_13 = arith.constant 0 : i32
    %dma_start3A_14 = tpu.memref_slice %arg3[%dma_start3A_13, %mul3A_2] : memref<64x1000000xf32, #tpu.memory_space<hbm>> -> memref<64x512xf32, #tpu.memory_space<hbm>>
    tpu.enqueue_dma source(%dma_start3A_14 : memref<64x512xf32, #tpu.memory_space<hbm>>) target(%dma_start3A_12 : memref<64x512xf32, #tpu.memory_space<vmem>>) target_semaphore(%arg23 : memref<!tpu.dma_semaphore, #tpu.memory_space<semaphore_mem>>)
    "tpu.region"() ({
      %run_scoped3A_126 = tpu.sem_alloc : memref<!tpu.dma_semaphore, #tpu.memory_space<semaphore_mem>>
      tpu.enqueue_dma source(%arg2 : memref<64x128xi32, #tpu.memory_space<hbm>>) target(%arg11 : memref<64x128xi32, #tpu.memory_space<vmem>>) target_semaphore(%run_scoped3A_126 : memref<!tpu.dma_semaphore, #tpu.memory_space<semaphore_mem>>)
      tpu.wait_dma2 semaphore(%run_scoped3A_126 : memref<!tpu.dma_semaphore, #tpu.memory_space<semaphore_mem>>) src(%arg2 : memref<64x128xi32, #tpu.memory_space<hbm>>) dst(%arg11 : memref<64x128xi32, #tpu.memory_space<vmem>>)
      tpu.yield
    }) : () -> ()
    %lt3A = arith.constant 16 : i32
    %lt3A_15 = arith.cmpi slt, %add3A, %lt3A : i32
    %convert_element_type3A = arith.extui %lt3A_15 : i1 to i32
    %cond3A = arith.constant 0 : i32
    %cond3A_16 = arith.cmpi ne, %convert_element_type3A, %cond3A : i32
    scf.if %cond3A_16 {
      %jit3A = arith.constant 4 : i32
      %div3A = arith.divsi %add3A, %jit3A : i32
      %sign3A = arith.constant 0 : i32
      %sign3A_126 = arith.cmpi sgt, %add3A, %sign3A : i32
      %sign3A_127 = arith.extui %sign3A_126 : i1 to i32
      %sign3A_128 = arith.constant 0 : i32
      %sign3A_129 = arith.cmpi slt, %add3A, %sign3A_128 : i32
      %sign3A_130 = arith.extui %sign3A_129 : i1 to i32
      %sign3A_131 = arith.subi %sign3A_127, %sign3A_130 : i32
      %sign3A_132 = arith.constant 0 : i32
      %sign3A_133 = arith.cmpi sgt, %jit3A, %sign3A_132 : i32
      %sign3A_134 = arith.extui %sign3A_133 : i1 to i32
      %sign3A_135 = arith.constant 0 : i32
      %sign3A_136 = arith.cmpi slt, %jit3A, %sign3A_135 : i32
      %sign3A_137 = arith.extui %sign3A_136 : i1 to i32
      %sign3A_138 = arith.subi %sign3A_134, %sign3A_137 : i32
      %ne3A = arith.cmpi ne, %sign3A_131, %sign3A_138 : i32
      %rem3A = arith.remsi %add3A, %jit3A : i32
      %ne3A_139 = arith.constant 0 : i32
      %ne3A_140 = arith.cmpi ne, %rem3A, %ne3A_139 : i32
      %and3A_141 = arith.andi %ne3A, %ne3A_140 : i1
      %sub3A_142 = arith.constant 1 : i32
      %sub3A_143 = arith.subi %div3A, %sub3A_142 : i32
      %select_n3A = arith.select %and3A_141, %sub3A_143, %div3A : i32
      %jit3A_144 = arith.constant 4 : i32
      %eq3A = arith.constant 0 : i32
      %eq3A_145 = arith.cmpi eq, %jit3A_144, %eq3A : i32
      %jit3A_146 = arith.constant 1 : i32
      %select_n3A_147 = arith.select %eq3A_145, %jit3A_146, %jit3A_144 : i32
      %rem3A_148 = arith.remsi %add3A, %select_n3A_147 : i32
      %ne3A_149 = arith.constant 0 : i32
      %ne3A_150 = arith.cmpi ne, %rem3A_148, %ne3A_149 : i32
      %lt3A_151 = arith.constant 0 : i32
      %lt3A_152 = arith.cmpi slt, %rem3A_148, %lt3A_151 : i32
      %lt3A_153 = arith.constant 0 : i32
      %lt3A_154 = arith.cmpi slt, %select_n3A_147, %lt3A_153 : i32
      %ne3A_155 = arith.xori %lt3A_152, %lt3A_154 : i1
      %and3A_156 = arith.andi %ne3A_155, %ne3A_150 : i1
      %add3A_157 = arith.addi %rem3A_148, %select_n3A_147 : i32
      %select_n3A_158 = arith.select %and3A_156, %add3A_157, %rem3A_148 : i32
      %mul3A_159 = arith.constant 128 : i32
      %mul3A_160 = arith.muli %select_n3A_158, %mul3A_159 : i32
      "tpu.region"() ({
        %run_scoped3A_163 = tpu.sem_alloc : memref<!tpu.dma_semaphore, #tpu.memory_space<semaphore_mem>>
        %dma_start3A_164 = arith.constant 0 : i32
        %dma_start3A_165 = tpu.memref_slice %arg6[%dma_start3A_164, %mul3A_160] : memref<64x512xf32, #tpu.memory_space<hbm>> -> memref<64x128xf32, #tpu.memory_space<hbm>>
        %dma_start3A_166 = arith.constant 0 : i32
        %dma_start3A_167 = tpu.memref_slice %arg6[%dma_start3A_166, %mul3A_160] : memref<64x512xf32, #tpu.memory_space<hbm>> -> memref<64x128xf32, #tpu.memory_space<hbm>>
        tpu.enqueue_dma source(%dma_start3A_167 : memref<64x128xf32, #tpu.memory_space<hbm>>) target(%arg17 : memref<64x128xf32, #tpu.memory_space<vmem>>) target_semaphore(%run_scoped3A_163 : memref<!tpu.dma_semaphore, #tpu.memory_space<semaphore_mem>>)
        %dma_wait3A_168 = arith.constant 0 : i32
        %dma_wait3A_169 = tpu.memref_slice %arg6[%dma_wait3A_168, %mul3A_160] : memref<64x512xf32, #tpu.memory_space<hbm>> -> memref<64x128xf32, #tpu.memory_space<hbm>>
        %dma_wait3A_170 = arith.constant 0 : i32
        %dma_wait3A_171 = tpu.memref_slice %arg6[%dma_wait3A_170, %mul3A_160] : memref<64x512xf32, #tpu.memory_space<hbm>> -> memref<64x128xf32, #tpu.memory_space<hbm>>
        tpu.wait_dma2 semaphore(%run_scoped3A_163 : memref<!tpu.dma_semaphore, #tpu.memory_space<semaphore_mem>>) src(%dma_wait3A_171 : memref<64x128xf32, #tpu.memory_space<hbm>>) dst(%arg17 : memref<64x128xf32, #tpu.memory_space<vmem>>)
        tpu.yield
      }) : () -> ()
      %mul3A_161 = arith.constant 128 : i32
      %mul3A_162 = arith.muli %select_n3A_158, %mul3A_161 : i32
      "tpu.region"() ({
        %run_scoped3A_163 = tpu.sem_alloc : memref<!tpu.dma_semaphore, #tpu.memory_space<semaphore_mem>>
        %dma_start3A_164 = arith.constant 0 : i32
        %dma_start3A_165 = tpu.memref_slice %arg9[%select_n3A, %dma_start3A_164, %mul3A_162] : memref<4x64x512xf32, #tpu.memory_space<hbm>> -> memref<1x64x128xf32, #tpu.memory_space<hbm>>
        %dma_start3A_166 = tpu.memref_squeeze %dma_start3A_165 : memref<1x64x128xf32, #tpu.memory_space<hbm>> -> memref<64x128xf32, #tpu.memory_space<hbm>>
        %dma_start3A_167 = arith.constant 0 : i32
        %dma_start3A_168 = tpu.memref_slice %arg9[%select_n3A, %dma_start3A_167, %mul3A_162] : memref<4x64x512xf32, #tpu.memory_space<hbm>> -> memref<1x64x128xf32, #tpu.memory_space<hbm>>
        %dma_start3A_169 = tpu.memref_squeeze %dma_start3A_168 : memref<1x64x128xf32, #tpu.memory_space<hbm>> -> memref<64x128xf32, #tpu.memory_space<hbm>>
        tpu.enqueue_dma source(%arg17 : memref<64x128xf32, #tpu.memory_space<vmem>>) target(%dma_start3A_169 : memref<64x128xf32, #tpu.memory_space<hbm>>) target_semaphore(%run_scoped3A_163 : memref<!tpu.dma_semaphore, #tpu.memory_space<semaphore_mem>>)
        %dma_wait3A_170 = arith.constant 0 : i32
        %dma_wait3A_171 = tpu.memref_slice %arg9[%select_n3A, %dma_wait3A_170, %mul3A_162] : memref<4x64x512xf32, #tpu.memory_space<hbm>> -> memref<1x64x128xf32, #tpu.memory_space<hbm>>
        %dma_wait3A_172 = tpu.memref_squeeze %dma_wait3A_171 : memref<1x64x128xf32, #tpu.memory_space<hbm>> -> memref<64x128xf32, #tpu.memory_space<hbm>>
        %dma_wait3A_173 = arith.constant 0 : i32
        %dma_wait3A_174 = tpu.memref_slice %arg9[%select_n3A, %dma_wait3A_173, %mul3A_162] : memref<4x64x512xf32, #tpu.memory_space<hbm>> -> memref<1x64x128xf32, #tpu.memory_space<hbm>>
        %dma_wait3A_175 = tpu.memref_squeeze %dma_wait3A_174 : memref<1x64x128xf32, #tpu.memory_space<hbm>> -> memref<64x128xf32, #tpu.memory_space<hbm>>
        tpu.wait_dma2 semaphore(%run_scoped3A_163 : memref<!tpu.dma_semaphore, #tpu.memory_space<semaphore_mem>>) src(%arg17 : memref<64x128xf32, #tpu.memory_space<vmem>>) dst(%dma_wait3A_175 : memref<64x128xf32, #tpu.memory_space<hbm>>)
        tpu.yield
      }) : () -> ()
    } else {
    }
    %ge3A = arith.constant 16 : i32
    %ge3A_17 = arith.cmpi sge, %add3A, %ge3A : i32
    %lt3A_18 = arith.constant 24 : i32
    %lt3A_19 = arith.cmpi slt, %add3A, %lt3A_18 : i32
    %and3A = arith.andi %ge3A_17, %lt3A_19 : i1
    %convert_element_type3A_20 = arith.extui %and3A : i1 to i32
    %cond3A_21 = arith.constant 0 : i32
    %cond3A_22 = arith.cmpi ne, %convert_element_type3A_20, %cond3A_21 : i32
    scf.if %cond3A_22 {
      %sub3A_126 = arith.constant 16 : i32
      %sub3A_127 = arith.subi %add3A, %sub3A_126 : i32
      %jit3A = arith.constant 2 : i32
      %div3A = arith.divsi %sub3A_127, %jit3A : i32
      %sign3A = arith.constant 0 : i32
      %sign3A_128 = arith.cmpi sgt, %sub3A_127, %sign3A : i32
      %sign3A_129 = arith.extui %sign3A_128 : i1 to i32
      %sign3A_130 = arith.constant 0 : i32
      %sign3A_131 = arith.cmpi slt, %sub3A_127, %sign3A_130 : i32
      %sign3A_132 = arith.extui %sign3A_131 : i1 to i32
      %sign3A_133 = arith.subi %sign3A_129, %sign3A_132 : i32
      %sign3A_134 = arith.constant 0 : i32
      %sign3A_135 = arith.cmpi sgt, %jit3A, %sign3A_134 : i32
      %sign3A_136 = arith.extui %sign3A_135 : i1 to i32
      %sign3A_137 = arith.constant 0 : i32
      %sign3A_138 = arith.cmpi slt, %jit3A, %sign3A_137 : i32
      %sign3A_139 = arith.extui %sign3A_138 : i1 to i32
      %sign3A_140 = arith.subi %sign3A_136, %sign3A_139 : i32
      %ne3A = arith.cmpi ne, %sign3A_133, %sign3A_140 : i32
      %rem3A = arith.remsi %sub3A_127, %jit3A : i32
      %ne3A_141 = arith.constant 0 : i32
      %ne3A_142 = arith.cmpi ne, %rem3A, %ne3A_141 : i32
      %and3A_143 = arith.andi %ne3A, %ne3A_142 : i1
      %sub3A_144 = arith.constant 1 : i32
      %sub3A_145 = arith.subi %div3A, %sub3A_144 : i32
      %select_n3A = arith.select %and3A_143, %sub3A_145, %div3A : i32
      %sub3A_146 = arith.constant 16 : i32
      %sub3A_147 = arith.subi %add3A, %sub3A_146 : i32
      %jit3A_148 = arith.constant 2 : i32
      %eq3A = arith.constant 0 : i32
      %eq3A_149 = arith.cmpi eq, %jit3A_148, %eq3A : i32
      %jit3A_150 = arith.constant 1 : i32
      %select_n3A_151 = arith.select %eq3A_149, %jit3A_150, %jit3A_148 : i32
      %rem3A_152 = arith.remsi %sub3A_147, %select_n3A_151 : i32
      %ne3A_153 = arith.constant 0 : i32
      %ne3A_154 = arith.cmpi ne, %rem3A_152, %ne3A_153 : i32
      %lt3A_155 = arith.constant 0 : i32
      %lt3A_156 = arith.cmpi slt, %rem3A_152, %lt3A_155 : i32
      %lt3A_157 = arith.constant 0 : i32
      %lt3A_158 = arith.cmpi slt, %select_n3A_151, %lt3A_157 : i32
      %ne3A_159 = arith.xori %lt3A_156, %lt3A_158 : i1
      %and3A_160 = arith.andi %ne3A_159, %ne3A_154 : i1
      %add3A_161 = arith.addi %rem3A_152, %select_n3A_151 : i32
      %select_n3A_162 = arith.select %and3A_160, %add3A_161, %rem3A_152 : i32
      %mul3A_163 = arith.constant 128 : i32
      %mul3A_164 = arith.muli %select_n3A_162, %mul3A_163 : i32
      "tpu.region"() ({
        %run_scoped3A_174 = tpu.sem_alloc : memref<!tpu.dma_semaphore, #tpu.memory_space<semaphore_mem>>
        %dma_start3A_175 = arith.constant 0 : i32
        %dma_start3A_176 = tpu.memref_slice %arg7[%dma_start3A_175, %mul3A_164] : memref<64x256xf32, #tpu.memory_space<hbm>> -> memref<64x128xf32, #tpu.memory_space<hbm>>
        %dma_start3A_177 = arith.constant 0 : i32
        %dma_start3A_178 = tpu.memref_slice %arg7[%dma_start3A_177, %mul3A_164] : memref<64x256xf32, #tpu.memory_space<hbm>> -> memref<64x128xf32, #tpu.memory_space<hbm>>
        tpu.enqueue_dma source(%dma_start3A_178 : memref<64x128xf32, #tpu.memory_space<hbm>>) target(%arg17 : memref<64x128xf32, #tpu.memory_space<vmem>>) target_semaphore(%run_scoped3A_174 : memref<!tpu.dma_semaphore, #tpu.memory_space<semaphore_mem>>)
        %dma_wait3A_179 = arith.constant 0 : i32
        %dma_wait3A_180 = tpu.memref_slice %arg7[%dma_wait3A_179, %mul3A_164] : memref<64x256xf32, #tpu.memory_space<hbm>> -> memref<64x128xf32, #tpu.memory_space<hbm>>
        %dma_wait3A_181 = arith.constant 0 : i32
        %dma_wait3A_182 = tpu.memref_slice %arg7[%dma_wait3A_181, %mul3A_164] : memref<64x256xf32, #tpu.memory_space<hbm>> -> memref<64x128xf32, #tpu.memory_space<hbm>>
        tpu.wait_dma2 semaphore(%run_scoped3A_174 : memref<!tpu.dma_semaphore, #tpu.memory_space<semaphore_mem>>) src(%dma_wait3A_182 : memref<64x128xf32, #tpu.memory_space<hbm>>) dst(%arg17 : memref<64x128xf32, #tpu.memory_space<vmem>>)
        tpu.yield
      }) : () -> ()
      %scan3A_165 = arith.constant 0 : i32
      %scan3A_166 = arith.constant 0 : i32
      %scan3A_167 = arith.constant 64 : i32
      %scan3A_168 = arith.addi %scan3A_166, %scan3A_167 : i32
      %scan3A_169 = arith.constant 1 : i32
      %scan3A_170 = scf.for %scan3A_174 = %scan3A_166 to %scan3A_168 step %scan3A_169 iter_args(%scan3A_175 = %scan3A_165) -> (i32)  : i32 {
        %get3A = arith.index_cast %scan3A_174 : i32 to index
        %get3A_176 = arith.constant 0 : index
        %get3A_177 = tpu.vector_load %arg17[%get3A, %get3A_176] {strides = array<i32>} : memref<64x128xf32, #tpu.memory_space<vmem>>, vector<16xf32>,
        %add3A_178 = arith.addf %get3A_177, %get3A_177 : vector<16xf32>
        %swap3A_179 = arith.index_cast %scan3A_174 : i32 to index
        %swap3A_180 = arith.constant 0 : index
        %swap3A_181 = tpu.vector_load %arg17[%swap3A_179, %swap3A_180] {strides = array<i32>} : memref<64x128xf32, #tpu.memory_space<vmem>>, vector<16xf32>,
        tpu.vector_store %arg17[%swap3A_179, %swap3A_180], %add3A_178 {strides = array<i32>} : memref<64x128xf32, #tpu.memory_space<vmem>>, vector<16xf32>,
        %get3A_182 = arith.index_cast %scan3A_174 : i32 to index
        %get3A_183 = arith.constant 16 : index
        %get3A_184 = tpu.vector_load %arg17[%get3A_182, %get3A_183] {strides = array<i32>} : memref<64x128xf32, #tpu.memory_space<vmem>>, vector<16xf32>,
        %add3A_185 = arith.addf %get3A_184, %get3A_184 : vector<16xf32>
        %swap3A_186 = arith.index_cast %scan3A_174 : i32 to index
        %swap3A_187 = arith.constant 16 : index
        %swap3A_188 = tpu.vector_load %arg17[%swap3A_186, %swap3A_187] {strides = array<i32>} : memref<64x128xf32, #tpu.memory_space<vmem>>, vector<16xf32>,
        tpu.vector_store %arg17[%swap3A_186, %swap3A_187], %add3A_185 {strides = array<i32>} : memref<64x128xf32, #tpu.memory_space<vmem>>, vector<16xf32>,
        %get3A_189 = arith.index_cast %scan3A_174 : i32 to index
        %get3A_190 = arith.constant 32 : index
        %get3A_191 = tpu.vector_load %arg17[%get3A_189, %get3A_190] {strides = array<i32>} : memref<64x128xf32, #tpu.memory_space<vmem>>, vector<16xf32>,
        %add3A_192 = arith.addf %get3A_191, %get3A_191 : vector<16xf32>
        %swap3A_193 = arith.index_cast %scan3A_174 : i32 to index
        %swap3A_194 = arith.constant 32 : index
        %swap3A_195 = tpu.vector_load %arg17[%swap3A_193, %swap3A_194] {strides = array<i32>} : memref<64x128xf32, #tpu.memory_space<vmem>>, vector<16xf32>,
        tpu.vector_store %arg17[%swap3A_193, %swap3A_194], %add3A_192 {strides = array<i32>} : memref<64x128xf32, #tpu.memory_space<vmem>>, vector<16xf32>,
        %get3A_196 = arith.index_cast %scan3A_174 : i32 to index
        %get3A_197 = arith.constant 48 : index
        %get3A_198 = tpu.vector_load %arg17[%get3A_196, %get3A_197] {strides = array<i32>} : memref<64x128xf32, #tpu.memory_space<vmem>>, vector<16xf32>,
        %add3A_199 = arith.addf %get3A_198, %get3A_198 : vector<16xf32>
        %swap3A_200 = arith.index_cast %scan3A_174 : i32 to index
        %swap3A_201 = arith.constant 48 : index
        %swap3A_202 = tpu.vector_load %arg17[%swap3A_200, %swap3A_201] {strides = array<i32>} : memref<64x128xf32, #tpu.memory_space<vmem>>, vector<16xf32>,
        tpu.vector_store %arg17[%swap3A_200, %swap3A_201], %add3A_199 {strides = array<i32>} : memref<64x128xf32, #tpu.memory_space<vmem>>, vector<16xf32>,
        %get3A_203 = arith.index_cast %scan3A_174 : i32 to index
        %get3A_204 = arith.constant 64 : index
        %get3A_205 = tpu.vector_load %arg17[%get3A_203, %get3A_204] {strides = array<i32>} : memref<64x128xf32, #tpu.memory_space<vmem>>, vector<16xf32>,
        %add3A_206 = arith.addf %get3A_205, %get3A_205 : vector<16xf32>
        %swap3A_207 = arith.index_cast %scan3A_174 : i32 to index
        %swap3A_208 = arith.constant 64 : index
        %swap3A_209 = tpu.vector_load %arg17[%swap3A_207, %swap3A_208] {strides = array<i32>} : memref<64x128xf32, #tpu.memory_space<vmem>>, vector<16xf32>,
        tpu.vector_store %arg17[%swap3A_207, %swap3A_208], %add3A_206 {strides = array<i32>} : memref<64x128xf32, #tpu.memory_space<vmem>>, vector<16xf32>,
        %get3A_210 = arith.index_cast %scan3A_174 : i32 to index
        %get3A_211 = arith.constant 80 : index
        %get3A_212 = tpu.vector_load %arg17[%get3A_210, %get3A_211] {strides = array<i32>} : memref<64x128xf32, #tpu.memory_space<vmem>>, vector<16xf32>,
        %add3A_213 = arith.addf %get3A_212, %get3A_212 : vector<16xf32>
        %swap3A_214 = arith.index_cast %scan3A_174 : i32 to index
        %swap3A_215 = arith.constant 80 : index
        %swap3A_216 = tpu.vector_load %arg17[%swap3A_214, %swap3A_215] {strides = array<i32>} : memref<64x128xf32, #tpu.memory_space<vmem>>, vector<16xf32>,
        tpu.vector_store %arg17[%swap3A_214, %swap3A_215], %add3A_213 {strides = array<i32>} : memref<64x128xf32, #tpu.memory_space<vmem>>, vector<16xf32>,
        %get3A_217 = arith.index_cast %scan3A_174 : i32 to index
        %get3A_218 = arith.constant 96 : index
        %get3A_219 = tpu.vector_load %arg17[%get3A_217, %get3A_218] {strides = array<i32>} : memref<64x128xf32, #tpu.memory_space<vmem>>, vector<16xf32>,
        %add3A_220 = arith.addf %get3A_219, %get3A_219 : vector<16xf32>
        %swap3A_221 = arith.index_cast %scan3A_174 : i32 to index
        %swap3A_222 = arith.constant 96 : index
        %swap3A_223 = tpu.vector_load %arg17[%swap3A_221, %swap3A_222] {strides = array<i32>} : memref<64x128xf32, #tpu.memory_space<vmem>>, vector<16xf32>,
        tpu.vector_store %arg17[%swap3A_221, %swap3A_222], %add3A_220 {strides = array<i32>} : memref<64x128xf32, #tpu.memory_space<vmem>>, vector<16xf32>,
        %get3A_224 = arith.index_cast %scan3A_174 : i32 to index
        %get3A_225 = arith.constant 112 : index
        %get3A_226 = tpu.vector_load %arg17[%get3A_224, %get3A_225] {strides = array<i32>} : memref<64x128xf32, #tpu.memory_space<vmem>>, vector<16xf32>,
        %add3A_227 = arith.addf %get3A_226, %get3A_226 : vector<16xf32>
        %swap3A_228 = arith.index_cast %scan3A_174 : i32 to index
        %swap3A_229 = arith.constant 112 : index
        %swap3A_230 = tpu.vector_load %arg17[%swap3A_228, %swap3A_229] {strides = array<i32>} : memref<64x128xf32, #tpu.memory_space<vmem>>, vector<16xf32>,
        tpu.vector_store %arg17[%swap3A_228, %swap3A_229], %add3A_227 {strides = array<i32>} : memref<64x128xf32, #tpu.memory_space<vmem>>, vector<16xf32>,
        %scan3A_231 = arith.constant 0 : i32
        scf.yield %scan3A_231 : i32
      }
      %scan3A_171 = arith.constant 64 : i32
      %mul3A_172 = arith.constant 128 : i32
      %mul3A_173 = arith.muli %select_n3A_162, %mul3A_172 : i32
      "tpu.region"() ({
        %run_scoped3A_174 = tpu.sem_alloc : memref<!tpu.dma_semaphore, #tpu.memory_space<semaphore_mem>>
        %dma_start3A_175 = arith.constant 0 : i32
        %dma_start3A_176 = tpu.memref_slice %arg10[%select_n3A, %dma_start3A_175, %mul3A_173] : memref<4x64x256xf32, #tpu.memory_space<hbm>> -> memref<1x64x128xf32, #tpu.memory_space<hbm>>
        %dma_start3A_177 = tpu.memref_squeeze %dma_start3A_176 : memref<1x64x128xf32, #tpu.memory_space<hbm>> -> memref<64x128xf32, #tpu.memory_space<hbm>>
        %dma_start3A_178 = arith.constant 0 : i32
        %dma_start3A_179 = tpu.memref_slice %arg10[%select_n3A, %dma_start3A_178, %mul3A_173] : memref<4x64x256xf32, #tpu.memory_space<hbm>> -> memref<1x64x128xf32, #tpu.memory_space<hbm>>
        %dma_start3A_180 = tpu.memref_squeeze %dma_start3A_179 : memref<1x64x128xf32, #tpu.memory_space<hbm>> -> memref<64x128xf32, #tpu.memory_space<hbm>>
        tpu.enqueue_dma source(%arg17 : memref<64x128xf32, #tpu.memory_space<vmem>>) target(%dma_start3A_180 : memref<64x128xf32, #tpu.memory_space<hbm>>) target_semaphore(%run_scoped3A_174 : memref<!tpu.dma_semaphore, #tpu.memory_space<semaphore_mem>>)
        %dma_wait3A_181 = arith.constant 0 : i32
        %dma_wait3A_182 = tpu.memref_slice %arg10[%select_n3A, %dma_wait3A_181, %mul3A_173] : memref<4x64x256xf32, #tpu.memory_space<hbm>> -> memref<1x64x128xf32, #tpu.memory_space<hbm>>
        %dma_wait3A_183 = tpu.memref_squeeze %dma_wait3A_182 : memref<1x64x128xf32, #tpu.memory_space<hbm>> -> memref<64x128xf32, #tpu.memory_space<hbm>>
        %dma_wait3A_184 = arith.constant 0 : i32
        %dma_wait3A_185 = tpu.memref_slice %arg10[%select_n3A, %dma_wait3A_184, %mul3A_173] : memref<4x64x256xf32, #tpu.memory_space<hbm>> -> memref<1x64x128xf32, #tpu.memory_space<hbm>>
        %dma_wait3A_186 = tpu.memref_squeeze %dma_wait3A_185 : memref<1x64x128xf32, #tpu.memory_space<hbm>> -> memref<64x128xf32, #tpu.memory_space<hbm>>
        tpu.wait_dma2 semaphore(%run_scoped3A_174 : memref<!tpu.dma_semaphore, #tpu.memory_space<semaphore_mem>>) src(%arg17 : memref<64x128xf32, #tpu.memory_space<vmem>>) dst(%dma_wait3A_186 : memref<64x128xf32, #tpu.memory_space<hbm>>)
        tpu.yield
      }) : () -> ()
    } else {
    }
    %broadcast_in_dim3A = arith.constant 0 : i32
    %broadcast_in_dim3A_23 = vector.broadcast %broadcast_in_dim3A : i32 to vector<16xi32>
    %scan3A = arith.constant 0 : i32
    %scan3A_24 = arith.constant 0 : i32
    %scan3A_25 = arith.constant 490 : i32
    %scan3A_26 = arith.addi %scan3A_24, %scan3A_25 : i32
    %scan3A_27 = arith.constant 1 : i32
    %scan3A_28 = scf.for %scan3A_126 = %scan3A_24 to %scan3A_26 step %scan3A_27 iter_args(%scan3A_127 = %scan3A) -> (i32)  : i32 {
      %mul3A_128 = arith.constant 16 : i32
      %mul3A_129 = arith.muli %scan3A_126, %mul3A_128 : i32
      %swap3A_130 = arith.index_cast %mul3A_129 : i32 to index
      %swap3A_131 = tpu.vector_load %arg18[%swap3A_130] {strides = array<i32>} : memref<7844xi32, #tpu.memory_space<vmem>>, vector<16xi32>,
      tpu.vector_store %arg18[%swap3A_130], %broadcast_in_dim3A_23 {strides = array<i32>} : memref<7844xi32, #tpu.memory_space<vmem>>, vector<16xi32>,
      %scan3A_132 = arith.constant 0 : i32
      scf.yield %scan3A_132 : i32
    }
    %scan3A_29 = arith.constant 490 : i32
    %broadcast_in_dim3A_30 = arith.constant 1 : i32
    %broadcast_in_dim3A_31 = vector.broadcast %broadcast_in_dim3A_30 : i32 to vector<16xi32>
    %scan3A_32 = arith.constant 0 : i32
    %scan3A_33 = arith.constant 0 : i32
    %scan3A_34 = arith.constant 512 : i32
    %scan3A_35 = arith.addi %scan3A_33, %scan3A_34 : i32
    %scan3A_36 = arith.constant 1 : i32
    %scan3A_37 = scf.for %scan3A_126 = %scan3A_33 to %scan3A_35 step %scan3A_36 iter_args(%scan3A_127 = %scan3A_32) -> (i32)  : i32 {
      %jit3A = arith.constant 8 : i32
      %div3A = arith.divsi %scan3A_126, %jit3A : i32
      %sign3A = arith.constant 0 : i32
      %sign3A_128 = arith.cmpi sgt, %scan3A_126, %sign3A : i32
      %sign3A_129 = arith.extui %sign3A_128 : i1 to i32
      %sign3A_130 = arith.constant 0 : i32
      %sign3A_131 = arith.cmpi slt, %scan3A_126, %sign3A_130 : i32
      %sign3A_132 = arith.extui %sign3A_131 : i1 to i32
      %sign3A_133 = arith.subi %sign3A_129, %sign3A_132 : i32
      %sign3A_134 = arith.constant 0 : i32
      %sign3A_135 = arith.cmpi sgt, %jit3A, %sign3A_134 : i32
      %sign3A_136 = arith.extui %sign3A_135 : i1 to i32
      %sign3A_137 = arith.constant 0 : i32
      %sign3A_138 = arith.cmpi slt, %jit3A, %sign3A_137 : i32
      %sign3A_139 = arith.extui %sign3A_138 : i1 to i32
      %sign3A_140 = arith.subi %sign3A_136, %sign3A_139 : i32
      %ne3A = arith.cmpi ne, %sign3A_133, %sign3A_140 : i32
      %rem3A = arith.remsi %scan3A_126, %jit3A : i32
      %ne3A_141 = arith.constant 0 : i32
      %ne3A_142 = arith.cmpi ne, %rem3A, %ne3A_141 : i32
      %and3A_143 = arith.andi %ne3A, %ne3A_142 : i1
      %sub3A_144 = arith.constant 1 : i32
      %sub3A_145 = arith.subi %div3A, %sub3A_144 : i32
      %select_n3A = arith.select %and3A_143, %sub3A_145, %div3A : i32
      %jit3A_146 = arith.constant 8 : i32
      %eq3A = arith.constant 0 : i32
      %eq3A_147 = arith.cmpi eq, %jit3A_146, %eq3A : i32
      %jit3A_148 = arith.constant 1 : i32
      %select_n3A_149 = arith.select %eq3A_147, %jit3A_148, %jit3A_146 : i32
      %rem3A_150 = arith.remsi %scan3A_126, %select_n3A_149 : i32
      %ne3A_151 = arith.constant 0 : i32
      %ne3A_152 = arith.cmpi ne, %rem3A_150, %ne3A_151 : i32
      %lt3A_153 = arith.constant 0 : i32
      %lt3A_154 = arith.cmpi slt, %rem3A_150, %lt3A_153 : i32
      %lt3A_155 = arith.constant 0 : i32
      %lt3A_156 = arith.cmpi slt, %select_n3A_149, %lt3A_155 : i32
      %ne3A_157 = arith.xori %lt3A_154, %lt3A_156 : i1
      %and3A_158 = arith.andi %ne3A_157, %ne3A_152 : i1
      %add3A_159 = arith.addi %rem3A_150, %select_n3A_149 : i32
      %select_n3A_160 = arith.select %and3A_158, %add3A_159, %rem3A_150 : i32
      %mul3A_161 = arith.constant 16 : i32
      %mul3A_162 = arith.muli %select_n3A_160, %mul3A_161 : i32
      %get3A = arith.index_cast %select_n3A : i32 to index
      %get3A_163 = arith.index_cast %mul3A_162 : i32 to index
      %get3A_164 = tpu.vector_load %arg11[%get3A, %get3A_163] {strides = array<i32>} : memref<64x128xi32, #tpu.memory_space<vmem>>, vector<16xi32>,
      %mul3A_165 = arith.constant 16 : i32
      %mul3A_166 = arith.muli %scan3A_126, %mul3A_165 : i32
      %add3A_167 = vector.broadcast %mul3A_166 : i32 to vector<16xi32>
      %add3A_168 = arith.addi %add3A_167, %iota3A : vector<16xi32>
      %shift_right_arithmetic3A_169 = arith.constant 9 : i32
      %shift_right_arithmetic3A_170 = vector.broadcast %shift_right_arithmetic3A_169 : i32 to vector<16xi32>
      %shift_right_arithmetic3A_171 = arith.shrsi %get3A_164, %shift_right_arithmetic3A_170 : vector<16xi32>
      %and3A_172 = arith.constant 31 : i32
      %and3A_173 = vector.broadcast %and3A_172 : i32 to vector<16xi32>
      %and3A_174 = arith.andi %shift_right_arithmetic3A_171, %and3A_173 : vector<16xi32>
      %eq3A_175 = vector.broadcast %add3A : i32 to vector<16xi32>
      %eq3A_176 = arith.cmpi eq, %and3A_174, %eq3A_175 : vector<16xi32>
      %swap3A_177 = arith.index_cast %scan3A_127 : i32 to index
      %swap3A_178 = tpu.vector_load %arg12[%swap3A_177] masked %eq3A_176 {strides = array<i32>} : memref<8208xi32, #tpu.memory_space<vmem>>, vector<16xi32>, vector<16xi1>
      tpu.vector_store %arg12[%swap3A_177], %get3A_164 masked %eq3A_176 {strides = array<i32>} : memref<8208xi32, #tpu.memory_space<vmem>>, vector<16xi32>, vector<16xi1>
      %swap3A_179 = arith.index_cast %scan3A_127 : i32 to index
      %swap3A_180 = tpu.vector_load %arg13[%swap3A_179] masked %eq3A_176 {strides = array<i32>} : memref<8208xi32, #tpu.memory_space<vmem>>, vector<16xi32>, vector<16xi1>
      tpu.vector_store %arg13[%swap3A_179], %add3A_168 masked %eq3A_176 {strides = array<i32>} : memref<8208xi32, #tpu.memory_space<vmem>>, vector<16xi32>, vector<16xi1>
      %shift_right_arithmetic3A_181 = arith.constant 7 : i32
      %shift_right_arithmetic3A_182 = vector.broadcast %shift_right_arithmetic3A_181 : i32 to vector<16xi32>
      %shift_right_arithmetic3A_183 = arith.shrsi %get3A_164, %shift_right_arithmetic3A_182 : vector<16xi32>
      tpu.vector_store_idx %arg18[%shift_right_arithmetic3A_183], %broadcast_in_dim3A_31 masked %eq3A_176 : memref<7844xi32, #tpu.memory_space<vmem>>[vector<16xi32>], vector<16xi32>, vector<16xi1>
      %all_reduce_population_count3A = tpu.all_reduce %eq3A_176 {dim = 0 : i64, kind = #tpu.reduction_kind<sum>} : vector<16xi1> -> vector<16xi32>
      %slice3A = vector.extract_strided_slice %all_reduce_population_count3A {offsets = [0], sizes = [1], strides = [1]} : vector<16xi32> to vector<1xi32>
      %squeeze3A = vector.extract %slice3A[0] : i32 from vector<1xi32>
      %add3A_184 = arith.addi %scan3A_127, %squeeze3A : i32
      scf.yield %add3A_184 : i32
    }
    %scan3A_38 = arith.constant 512 : i32
    %add3A_39 = arith.constant 8192 : i32
    %add3A_40 = arith.addi %add3A_39, %add3A : i32
    %add3A_41 = arith.constant 16 : i32
    %add3A_42 = arith.addi %scan3A_37, %add3A_41 : i32
    %sub3A = arith.constant 1 : i32
    %sub3A_43 = arith.subi %add3A_42, %sub3A : i32
    %shift_right_arithmetic3A = arith.constant 4 : i32
    %shift_right_arithmetic3A_44 = arith.shrsi %sub3A_43, %shift_right_arithmetic3A : i32
    %sub3A_45 = arith.constant 1953 : i32
    %sub3A_46 = arith.subi %sub3A_45, %add3A : i32
    %shift_right_arithmetic3A_47 = arith.constant 5 : i32
    %shift_right_arithmetic3A_48 = arith.shrsi %sub3A_46, %shift_right_arithmetic3A_47 : i32
    %add3A_49 = arith.constant 1 : i32
    %add3A_50 = arith.addi %shift_right_arithmetic3A_48, %add3A_49 : i32
    %broadcast_in_dim3A_51 = vector.broadcast %add3A_40 : i32 to vector<16xi32>
    %while3A = arith.constant 0 : i32
    %while3A_52 = arith.constant 0 : i32
    %while3A_53 = arith.subi %add3A_50, %while3A : i32
    %while3A_54 = arith.addi %while3A, %while3A_53 : i32
    %while3A_55 = arith.constant 1 : i32
    %while3A_56 = arith.divsi %while3A_53, %while3A_55 : i32
    %while3A_57 = arith.muli %while3A_56, %while3A_55 : i32
    %while3A_58 = arith.addi %while3A, %while3A_57 : i32
    %while3A_59 = arith.constant 1 : i32
    %while3A_60:5 = scf.for %while3A_126 = %while3A to %while3A_58 step %while3A_59 iter_args(%while3A_127 = %while3A_52, %while3A_128 = %broadcast_in_dim3A_51, %while3A_129 = %broadcast_in_dim3A_51, %while3A_130 = %broadcast_in_dim3A_51, %while3A_131 = %broadcast_in_dim3A_51) -> (i32, vector<16xi32>, vector<16xi32>, vector<16xi32>, vector<16xi32>)  : i32 {
      %mul3A_132 = arith.constant 32 : i32
      %mul3A_133 = arith.muli %mul3A_132, %while3A_126 : i32
      %add3A_134 = arith.addi %add3A, %mul3A_133 : i32
      %mul3A_135 = arith.constant 512 : i32
      %mul3A_136 = arith.muli %add3A_134, %mul3A_135 : i32
      %and3A_137 = arith.constant 1 : i32
      %and3A_138 = arith.andi %while3A_126, %and3A_137 : i32
      %add3A_139 = arith.constant 1 : i32
      %add3A_140 = arith.addi %while3A_126, %add3A_139 : i32
      %lt3A_141 = arith.cmpi slt, %add3A_140, %add3A_50 : i32
      %convert_element_type3A_142 = arith.extui %lt3A_141 : i1 to i32
      %cond3A_143 = arith.constant 0 : i32
      %cond3A_144 = arith.cmpi ne, %convert_element_type3A_142, %cond3A_143 : i32
      scf.if %cond3A_144 {
        %add3A_165 = arith.constant 1 : i32
        %add3A_166 = arith.addi %while3A_126, %add3A_165 : i32
        %mul3A_167 = arith.constant 32 : i32
        %mul3A_168 = arith.muli %mul3A_167, %add3A_166 : i32
        %add3A_169 = arith.addi %add3A, %mul3A_168 : i32
        %sub3A_170 = arith.constant 1 : i32
        %sub3A_171 = arith.subi %sub3A_170, %and3A_138 : i32
        %mul3A_172 = arith.constant 4 : i32
        %mul3A_173 = arith.muli %add3A_169, %mul3A_172 : i32
        %add3A_174 = arith.constant 0 : i32
        %add3A_175 = arith.addi %mul3A_173, %add3A_174 : i32
        %get3A = arith.index_cast %add3A_175 : i32 to index
        %get3A_176 = tpu.vector_load %arg18[%get3A] {strides = array<i32>} : memref<7844xi32, #tpu.memory_space<vmem>>, vector<16xi32>,
        %slice3A = vector.extract_strided_slice %get3A_176 {offsets = [0], sizes = [1], strides = [1]} : vector<16xi32> to vector<1xi32>
        %squeeze3A = vector.extract %slice3A[0] : i32 from vector<1xi32>
        %gt3A = arith.constant 0 : i32
        %gt3A_177 = arith.cmpi sgt, %squeeze3A, %gt3A : i32
        %ne3A_178 = arith.constant 1953 : i32
        %ne3A_179 = arith.cmpi ne, %add3A_169, %ne3A_178 : i32
        %and3A_180 = arith.andi %gt3A_177, %ne3A_179 : i1
        %convert_element_type3A_181 = arith.extui %and3A_180 : i1 to i32
        %cond3A_182 = arith.constant 0 : i32
        %cond3A_183 = arith.cmpi ne, %convert_element_type3A_181, %cond3A_182 : i32
        scf.if %cond3A_183 {
          %mul3A_272 = arith.constant 512 : i32
          %mul3A_273 = arith.muli %add3A_169, %mul3A_272 : i32
          %add3A_274 = arith.constant 0 : i32
          %add3A_275 = arith.addi %mul3A_273, %add3A_274 : i32
          %dma_start3A_276 = arith.constant 0 : i32
          %dma_start3A_277 = arith.constant 0 : i32
          %dma_start3A_278 = tpu.memref_slice %arg16[%sub3A_171, %dma_start3A_276, %dma_start3A_277] : memref<2x64x512xf32, #tpu.memory_space<vmem>> -> memref<1x64x128xf32, #tpu.memory_space<vmem>>
          %dma_start3A_279 = tpu.memref_squeeze %dma_start3A_278 : memref<1x64x128xf32, #tpu.memory_space<vmem>> -> memref<64x128xf32, #tpu.memory_space<vmem>>
          %dma_start3A_280 = arith.constant 0 : i32
          %dma_start3A_281 = tpu.memref_slice %arg3[%dma_start3A_280, %add3A_275] : memref<64x1000000xf32, #tpu.memory_space<hbm>> -> memref<64x128xf32, #tpu.memory_space<hbm>>
          %dma_start3A_282 = arith.constant 0 : i32
          %dma_start3A_283 = arith.constant 0 : i32
          %dma_start3A_284 = tpu.memref_slice %arg16[%sub3A_171, %dma_start3A_282, %dma_start3A_283] : memref<2x64x512xf32, #tpu.memory_space<vmem>> -> memref<1x64x128xf32, #tpu.memory_space<vmem>>
          %dma_start3A_285 = tpu.memref_squeeze %dma_start3A_284 : memref<1x64x128xf32, #tpu.memory_space<vmem>> -> memref<64x128xf32, #tpu.memory_space<vmem>>
          %dma_start3A_286 = arith.constant 0 : i32
          %dma_start3A_287 = tpu.memref_slice %arg3[%dma_start3A_286, %add3A_275] : memref<64x1000000xf32, #tpu.memory_space<hbm>> -> memref<64x128xf32, #tpu.memory_space<hbm>>
          tpu.enqueue_dma source(%dma_start3A_287 : memref<64x128xf32, #tpu.memory_space<hbm>>) target(%dma_start3A_285 : memref<64x128xf32, #tpu.memory_space<vmem>>) target_semaphore(%arg23 : memref<!tpu.dma_semaphore, #tpu.memory_space<semaphore_mem>>)
        } else {
        }
        %gt3A_184 = arith.constant 0 : i32
        %gt3A_185 = arith.cmpi sgt, %squeeze3A, %gt3A_184 : i32
        %eq3A_186 = arith.constant 1953 : i32
        %eq3A_187 = arith.cmpi eq, %add3A_169, %eq3A_186 : i32
        %and3A_188 = arith.andi %gt3A_185, %eq3A_187 : i1
        %and3A_189 = arith.constant true
        %and3A_190 = arith.andi %and3A_188, %and3A_189 : i1
        %convert_element_type3A_191 = arith.extui %and3A_190 : i1 to i32
        %cond3A_192 = arith.constant 0 : i32
        %cond3A_193 = arith.cmpi ne, %convert_element_type3A_191, %cond3A_192 : i32
        scf.if %cond3A_193 {
          %dma_start3A_272 = arith.constant 0 : i32
          %dma_start3A_273 = arith.constant 0 : i32
          %dma_start3A_274 = tpu.memref_slice %arg16[%sub3A_171, %dma_start3A_272, %dma_start3A_273] : memref<2x64x512xf32, #tpu.memory_space<vmem>> -> memref<1x64x128xf32, #tpu.memory_space<vmem>>
          %dma_start3A_275 = tpu.memref_squeeze %dma_start3A_274 : memref<1x64x128xf32, #tpu.memory_space<vmem>> -> memref<64x128xf32, #tpu.memory_space<vmem>>
          %dma_start3A_276 = arith.constant 0 : i32
          %dma_start3A_277 = arith.constant 0 : i32
          %dma_start3A_278 = tpu.memref_slice %arg16[%sub3A_171, %dma_start3A_276, %dma_start3A_277] : memref<2x64x512xf32, #tpu.memory_space<vmem>> -> memref<1x64x128xf32, #tpu.memory_space<vmem>>
          %dma_start3A_279 = tpu.memref_squeeze %dma_start3A_278 : memref<1x64x128xf32, #tpu.memory_space<vmem>> -> memref<64x128xf32, #tpu.memory_space<vmem>>
          tpu.enqueue_dma source(%arg4 : memref<64x128xf32, #tpu.memory_space<hbm>>) target(%dma_start3A_279 : memref<64x128xf32, #tpu.memory_space<vmem>>) target_semaphore(%arg23 : memref<!tpu.dma_semaphore, #tpu.memory_space<semaphore_mem>>)
        } else {
        }
        %mul3A_194 = arith.constant 4 : i32
        %mul3A_195 = arith.muli %add3A_169, %mul3A_194 : i32
        %add3A_196 = arith.constant 1 : i32
        %add3A_197 = arith.addi %mul3A_195, %add3A_196 : i32
        %get3A_198 = arith.index_cast %add3A_197 : i32 to index
        %get3A_199 = tpu.vector_load %arg18[%get3A_198] {strides = array<i32>} : memref<7844xi32, #tpu.memory_space<vmem>>, vector<16xi32>,
        %slice3A_200 = vector.extract_strided_slice %get3A_199 {offsets = [0], sizes = [1], strides = [1]} : vector<16xi32> to vector<1xi32>
        %squeeze3A_201 = vector.extract %slice3A_200[0] : i32 from vector<1xi32>
        %gt3A_202 = arith.constant 0 : i32
        %gt3A_203 = arith.cmpi sgt, %squeeze3A_201, %gt3A_202 : i32
        %ne3A_204 = arith.constant 1953 : i32
        %ne3A_205 = arith.cmpi ne, %add3A_169, %ne3A_204 : i32
        %and3A_206 = arith.andi %gt3A_203, %ne3A_205 : i1
        %convert_element_type3A_207 = arith.extui %and3A_206 : i1 to i32
        %cond3A_208 = arith.constant 0 : i32
        %cond3A_209 = arith.cmpi ne, %convert_element_type3A_207, %cond3A_208 : i32
        scf.if %cond3A_209 {
          %mul3A_272 = arith.constant 512 : i32
          %mul3A_273 = arith.muli %add3A_169, %mul3A_272 : i32
          %add3A_274 = arith.constant 128 : i32
          %add3A_275 = arith.addi %mul3A_273, %add3A_274 : i32
          %dma_start3A_276 = arith.constant 0 : i32
          %dma_start3A_277 = arith.constant 128 : i32
          %dma_start3A_278 = tpu.memref_slice %arg16[%sub3A_171, %dma_start3A_276, %dma_start3A_277] : memref<2x64x512xf32, #tpu.memory_space<vmem>> -> memref<1x64x128xf32, #tpu.memory_space<vmem>>
          %dma_start3A_279 = tpu.memref_squeeze %dma_start3A_278 : memref<1x64x128xf32, #tpu.memory_space<vmem>> -> memref<64x128xf32, #tpu.memory_space<vmem>>
          %dma_start3A_280 = arith.constant 0 : i32
          %dma_start3A_281 = tpu.memref_slice %arg3[%dma_start3A_280, %add3A_275] : memref<64x1000000xf32, #tpu.memory_space<hbm>> -> memref<64x128xf32, #tpu.memory_space<hbm>>
          %dma_start3A_282 = arith.constant 0 : i32
          %dma_start3A_283 = arith.constant 128 : i32
          %dma_start3A_284 = tpu.memref_slice %arg16[%sub3A_171, %dma_start3A_282, %dma_start3A_283] : memref<2x64x512xf32, #tpu.memory_space<vmem>> -> memref<1x64x128xf32, #tpu.memory_space<vmem>>
          %dma_start3A_285 = tpu.memref_squeeze %dma_start3A_284 : memref<1x64x128xf32, #tpu.memory_space<vmem>> -> memref<64x128xf32, #tpu.memory_space<vmem>>
          %dma_start3A_286 = arith.constant 0 : i32
          %dma_start3A_287 = tpu.memref_slice %arg3[%dma_start3A_286, %add3A_275] : memref<64x1000000xf32, #tpu.memory_space<hbm>> -> memref<64x128xf32, #tpu.memory_space<hbm>>
          tpu.enqueue_dma source(%dma_start3A_287 : memref<64x128xf32, #tpu.memory_space<hbm>>) target(%dma_start3A_285 : memref<64x128xf32, #tpu.memory_space<vmem>>) target_semaphore(%arg23 : memref<!tpu.dma_semaphore, #tpu.memory_space<semaphore_mem>>)
        } else {
        }
        %gt3A_210 = arith.constant 0 : i32
        %gt3A_211 = arith.cmpi sgt, %squeeze3A_201, %gt3A_210 : i32
        %eq3A_212 = arith.constant 1953 : i32
        %eq3A_213 = arith.cmpi eq, %add3A_169, %eq3A_212 : i32
        %and3A_214 = arith.andi %gt3A_211, %eq3A_213 : i1
        %and3A_215 = arith.constant false
        %and3A_216 = arith.andi %and3A_214, %and3A_215 : i1
        %convert_element_type3A_217 = arith.extui %and3A_216 : i1 to i32
        %cond3A_218 = arith.constant 0 : i32
        %cond3A_219 = arith.cmpi ne, %convert_element_type3A_217, %cond3A_218 : i32
        scf.if %cond3A_219 {
          %dma_start3A_272 = arith.constant 0 : i32
          %dma_start3A_273 = arith.constant 0 : i32
          %dma_start3A_274 = tpu.memref_slice %arg16[%sub3A_171, %dma_start3A_272, %dma_start3A_273] : memref<2x64x512xf32, #tpu.memory_space<vmem>> -> memref<1x64x128xf32, #tpu.memory_space<vmem>>
          %dma_start3A_275 = tpu.memref_squeeze %dma_start3A_274 : memref<1x64x128xf32, #tpu.memory_space<vmem>> -> memref<64x128xf32, #tpu.memory_space<vmem>>
          %dma_start3A_276 = arith.constant 0 : i32
          %dma_start3A_277 = arith.constant 0 : i32
          %dma_start3A_278 = tpu.memref_slice %arg16[%sub3A_171, %dma_start3A_276, %dma_start3A_277] : memref<2x64x512xf32, #tpu.memory_space<vmem>> -> memref<1x64x128xf32, #tpu.memory_space<vmem>>
          %dma_start3A_279 = tpu.memref_squeeze %dma_start3A_278 : memref<1x64x128xf32, #tpu.memory_space<vmem>> -> memref<64x128xf32, #tpu.memory_space<vmem>>
          tpu.enqueue_dma source(%arg4 : memref<64x128xf32, #tpu.memory_space<hbm>>) target(%dma_start3A_279 : memref<64x128xf32, #tpu.memory_space<vmem>>) target_semaphore(%arg23 : memref<!tpu.dma_semaphore, #tpu.memory_space<semaphore_mem>>)
        } else {
        }
        %mul3A_220 = arith.constant 4 : i32
        %mul3A_221 = arith.muli %add3A_169, %mul3A_220 : i32
        %add3A_222 = arith.constant 2 : i32
        %add3A_223 = arith.addi %mul3A_221, %add3A_222 : i32
        %get3A_224 = arith.index_cast %add3A_223 : i32 to index
        %get3A_225 = tpu.vector_load %arg18[%get3A_224] {strides = array<i32>} : memref<7844xi32, #tpu.memory_space<vmem>>, vector<16xi32>,
        %slice3A_226 = vector.extract_strided_slice %get3A_225 {offsets = [0], sizes = [1], strides = [1]} : vector<16xi32> to vector<1xi32>
        %squeeze3A_227 = vector.extract %slice3A_226[0] : i32 from vector<1xi32>
        %gt3A_228 = arith.constant 0 : i32
        %gt3A_229 = arith.cmpi sgt, %squeeze3A_227, %gt3A_228 : i32
        %ne3A_230 = arith.constant 1953 : i32
        %ne3A_231 = arith.cmpi ne, %add3A_169, %ne3A_230 : i32
        %and3A_232 = arith.andi %gt3A_229, %ne3A_231 : i1
        %convert_element_type3A_233 = arith.extui %and3A_232 : i1 to i32
        %cond3A_234 = arith.constant 0 : i32
        %cond3A_235 = arith.cmpi ne, %convert_element_type3A_233, %cond3A_234 : i32
        scf.if %cond3A_235 {
          %mul3A_272 = arith.constant 512 : i32
          %mul3A_273 = arith.muli %add3A_169, %mul3A_272 : i32
          %add3A_274 = arith.constant 256 : i32
          %add3A_275 = arith.addi %mul3A_273, %add3A_274 : i32
          %dma_start3A_276 = arith.constant 0 : i32
          %dma_start3A_277 = arith.constant 256 : i32
          %dma_start3A_278 = tpu.memref_slice %arg16[%sub3A_171, %dma_start3A_276, %dma_start3A_277] : memref<2x64x512xf32, #tpu.memory_space<vmem>> -> memref<1x64x128xf32, #tpu.memory_space<vmem>>
          %dma_start3A_279 = tpu.memref_squeeze %dma_start3A_278 : memref<1x64x128xf32, #tpu.memory_space<vmem>> -> memref<64x128xf32, #tpu.memory_space<vmem>>
          %dma_start3A_280 = arith.constant 0 : i32
          %dma_start3A_281 = tpu.memref_slice %arg3[%dma_start3A_280, %add3A_275] : memref<64x1000000xf32, #tpu.memory_space<hbm>> -> memref<64x128xf32, #tpu.memory_space<hbm>>
          %dma_start3A_282 = arith.constant 0 : i32
          %dma_start3A_283 = arith.constant 256 : i32
          %dma_start3A_284 = tpu.memref_slice %arg16[%sub3A_171, %dma_start3A_282, %dma_start3A_283] : memref<2x64x512xf32, #tpu.memory_space<vmem>> -> memref<1x64x128xf32, #tpu.memory_space<vmem>>
          %dma_start3A_285 = tpu.memref_squeeze %dma_start3A_284 : memref<1x64x128xf32, #tpu.memory_space<vmem>> -> memref<64x128xf32, #tpu.memory_space<vmem>>
          %dma_start3A_286 = arith.constant 0 : i32
          %dma_start3A_287 = tpu.memref_slice %arg3[%dma_start3A_286, %add3A_275] : memref<64x1000000xf32, #tpu.memory_space<hbm>> -> memref<64x128xf32, #tpu.memory_space<hbm>>
          tpu.enqueue_dma source(%dma_start3A_287 : memref<64x128xf32, #tpu.memory_space<hbm>>) target(%dma_start3A_285 : memref<64x128xf32, #tpu.memory_space<vmem>>) target_semaphore(%arg23 : memref<!tpu.dma_semaphore, #tpu.memory_space<semaphore_mem>>)
        } else {
        }
        %gt3A_236 = arith.constant 0 : i32
        %gt3A_237 = arith.cmpi sgt, %squeeze3A_227, %gt3A_236 : i32
        %eq3A_238 = arith.constant 1953 : i32
        %eq3A_239 = arith.cmpi eq, %add3A_169, %eq3A_238 : i32
        %and3A_240 = arith.andi %gt3A_237, %eq3A_239 : i1
        %and3A_241 = arith.constant false
        %and3A_242 = arith.andi %and3A_240, %and3A_241 : i1
        %convert_element_type3A_243 = arith.extui %and3A_242 : i1 to i32
        %cond3A_244 = arith.constant 0 : i32
        %cond3A_245 = arith.cmpi ne, %convert_element_type3A_243, %cond3A_244 : i32
        scf.if %cond3A_245 {
          %dma_start3A_272 = arith.constant 0 : i32
          %dma_start3A_273 = arith.constant 0 : i32
          %dma_start3A_274 = tpu.memref_slice %arg16[%sub3A_171, %dma_start3A_272, %dma_start3A_273] : memref<2x64x512xf32, #tpu.memory_space<vmem>> -> memref<1x64x128xf32, #tpu.memory_space<vmem>>
          %dma_start3A_275 = tpu.memref_squeeze %dma_start3A_274 : memref<1x64x128xf32, #tpu.memory_space<vmem>> -> memref<64x128xf32, #tpu.memory_space<vmem>>
          %dma_start3A_276 = arith.constant 0 : i32
          %dma_start3A_277 = arith.constant 0 : i32
          %dma_start3A_278 = tpu.memref_slice %arg16[%sub3A_171, %dma_start3A_276, %dma_start3A_277] : memref<2x64x512xf32, #tpu.memory_space<vmem>> -> memref<1x64x128xf32, #tpu.memory_space<vmem>>
          %dma_start3A_279 = tpu.memref_squeeze %dma_start3A_278 : memref<1x64x128xf32, #tpu.memory_space<vmem>> -> memref<64x128xf32, #tpu.memory_space<vmem>>
          tpu.enqueue_dma source(%arg4 : memref<64x128xf32, #tpu.memory_space<hbm>>) target(%dma_start3A_279 : memref<64x128xf32, #tpu.memory_space<vmem>>) target_semaphore(%arg23 : memref<!tpu.dma_semaphore, #tpu.memory_space<semaphore_mem>>)
        } else {
        }
        %mul3A_246 = arith.constant 4 : i32
        %mul3A_247 = arith.muli %add3A_169, %mul3A_246 : i32
        %add3A_248 = arith.constant 3 : i32
        %add3A_249 = arith.addi %mul3A_247, %add3A_248 : i32
        %get3A_250 = arith.index_cast %add3A_249 : i32 to index
        %get3A_251 = tpu.vector_load %arg18[%get3A_250] {strides = array<i32>} : memref<7844xi32, #tpu.memory_space<vmem>>, vector<16xi32>,
        %slice3A_252 = vector.extract_strided_slice %get3A_251 {offsets = [0], sizes = [1], strides = [1]} : vector<16xi32> to vector<1xi32>
        %squeeze3A_253 = vector.extract %slice3A_252[0] : i32 from vector<1xi32>
        %gt3A_254 = arith.constant 0 : i32
        %gt3A_255 = arith.cmpi sgt, %squeeze3A_253, %gt3A_254 : i32
        %ne3A_256 = arith.constant 1953 : i32
        %ne3A_257 = arith.cmpi ne, %add3A_169, %ne3A_256 : i32
        %and3A_258 = arith.andi %gt3A_255, %ne3A_257 : i1
        %convert_element_type3A_259 = arith.extui %and3A_258 : i1 to i32
        %cond3A_260 = arith.constant 0 : i32
        %cond3A_261 = arith.cmpi ne, %convert_element_type3A_259, %cond3A_260 : i32
        scf.if %cond3A_261 {
          %mul3A_272 = arith.constant 512 : i32
          %mul3A_273 = arith.muli %add3A_169, %mul3A_272 : i32
          %add3A_274 = arith.constant 384 : i32
          %add3A_275 = arith.addi %mul3A_273, %add3A_274 : i32
          %dma_start3A_276 = arith.constant 0 : i32
          %dma_start3A_277 = arith.constant 384 : i32
          %dma_start3A_278 = tpu.memref_slice %arg16[%sub3A_171, %dma_start3A_276, %dma_start3A_277] : memref<2x64x512xf32, #tpu.memory_space<vmem>> -> memref<1x64x128xf32, #tpu.memory_space<vmem>>
          %dma_start3A_279 = tpu.memref_squeeze %dma_start3A_278 : memref<1x64x128xf32, #tpu.memory_space<vmem>> -> memref<64x128xf32, #tpu.memory_space<vmem>>
          %dma_start3A_280 = arith.constant 0 : i32
          %dma_start3A_281 = tpu.memref_slice %arg3[%dma_start3A_280, %add3A_275] : memref<64x1000000xf32, #tpu.memory_space<hbm>> -> memref<64x128xf32, #tpu.memory_space<hbm>>
          %dma_start3A_282 = arith.constant 0 : i32
          %dma_start3A_283 = arith.constant 384 : i32
          %dma_start3A_284 = tpu.memref_slice %arg16[%sub3A_171, %dma_start3A_282, %dma_start3A_283] : memref<2x64x512xf32, #tpu.memory_space<vmem>> -> memref<1x64x128xf32, #tpu.memory_space<vmem>>
          %dma_start3A_285 = tpu.memref_squeeze %dma_start3A_284 : memref<1x64x128xf32, #tpu.memory_space<vmem>> -> memref<64x128xf32, #tpu.memory_space<vmem>>
          %dma_start3A_286 = arith.constant 0 : i32
          %dma_start3A_287 = tpu.memref_slice %arg3[%dma_start3A_286, %add3A_275] : memref<64x1000000xf32, #tpu.memory_space<hbm>> -> memref<64x128xf32, #tpu.memory_space<hbm>>
          tpu.enqueue_dma source(%dma_start3A_287 : memref<64x128xf32, #tpu.memory_space<hbm>>) target(%dma_start3A_285 : memref<64x128xf32, #tpu.memory_space<vmem>>) target_semaphore(%arg23 : memref<!tpu.dma_semaphore, #tpu.memory_space<semaphore_mem>>)
        } else {
        }
        %gt3A_262 = arith.constant 0 : i32
        %gt3A_263 = arith.cmpi sgt, %squeeze3A_253, %gt3A_262 : i32
        %eq3A_264 = arith.constant 1953 : i32
        %eq3A_265 = arith.cmpi eq, %add3A_169, %eq3A_264 : i32
        %and3A_266 = arith.andi %gt3A_263, %eq3A_265 : i1
        %and3A_267 = arith.constant false
        %and3A_268 = arith.andi %and3A_266, %and3A_267 : i1
        %convert_element_type3A_269 = arith.extui %and3A_268 : i1 to i32
        %cond3A_270 = arith.constant 0 : i32
        %cond3A_271 = arith.cmpi ne, %convert_element_type3A_269, %cond3A_270 : i32
        scf.if %cond3A_271 {
          %dma_start3A_272 = arith.constant 0 : i32
          %dma_start3A_273 = arith.constant 0 : i32
          %dma_start3A_274 = tpu.memref_slice %arg16[%sub3A_171, %dma_start3A_272, %dma_start3A_273] : memref<2x64x512xf32, #tpu.memory_space<vmem>> -> memref<1x64x128xf32, #tpu.memory_space<vmem>>
          %dma_start3A_275 = tpu.memref_squeeze %dma_start3A_274 : memref<1x64x128xf32, #tpu.memory_space<vmem>> -> memref<64x128xf32, #tpu.memory_space<vmem>>
          %dma_start3A_276 = arith.constant 0 : i32
          %dma_start3A_277 = arith.constant 0 : i32
          %dma_start3A_278 = tpu.memref_slice %arg16[%sub3A_171, %dma_start3A_276, %dma_start3A_277] : memref<2x64x512xf32, #tpu.memory_space<vmem>> -> memref<1x64x128xf32, #tpu.memory_space<vmem>>
          %dma_start3A_279 = tpu.memref_squeeze %dma_start3A_278 : memref<1x64x128xf32, #tpu.memory_space<vmem>> -> memref<64x128xf32, #tpu.memory_space<vmem>>
          tpu.enqueue_dma source(%arg4 : memref<64x128xf32, #tpu.memory_space<hbm>>) target(%dma_start3A_279 : memref<64x128xf32, #tpu.memory_space<vmem>>) target_semaphore(%arg23 : memref<!tpu.dma_semaphore, #tpu.memory_space<semaphore_mem>>)
        } else {
        }
      } else {
      }
      %eq3A = arith.constant 0 : i32
      %eq3A_145 = arith.cmpi eq, %while3A_126, %eq3A : i32
      %convert_element_type3A_146 = arith.extui %eq3A_145 : i1 to i32
      %cond3A_147 = arith.constant 0 : i32
      %cond3A_148 = arith.cmpi ne, %convert_element_type3A_146, %cond3A_147 : i32
      scf.if %cond3A_148 {
        %dma_wait3A_165 = arith.constant 0 : i32
        %dma_wait3A_166 = arith.constant 0 : i32
        %dma_wait3A_167 = tpu.memref_slice %arg16[%and3A_138, %dma_wait3A_165, %dma_wait3A_166] : memref<2x64x512xf32, #tpu.memory_space<vmem>> -> memref<1x64x512xf32, #tpu.memory_space<vmem>>
        %dma_wait3A_168 = tpu.memref_squeeze %dma_wait3A_167 : memref<1x64x512xf32, #tpu.memory_space<vmem>> -> memref<64x512xf32, #tpu.memory_space<vmem>>
        %dma_wait3A_169 = arith.constant 0 : i32
        %dma_wait3A_170 = arith.constant 0 : i32
        %dma_wait3A_171 = tpu.memref_slice %arg3[%dma_wait3A_169, %dma_wait3A_170] : memref<64x1000000xf32, #tpu.memory_space<hbm>> -> memref<64x512xf32, #tpu.memory_space<hbm>>
        %dma_wait3A_172 = arith.constant 0 : i32
        %dma_wait3A_173 = arith.constant 0 : i32
        %dma_wait3A_174 = tpu.memref_slice %arg16[%and3A_138, %dma_wait3A_172, %dma_wait3A_173] : memref<2x64x512xf32, #tpu.memory_space<vmem>> -> memref<1x64x512xf32, #tpu.memory_space<vmem>>
        %dma_wait3A_175 = tpu.memref_squeeze %dma_wait3A_174 : memref<1x64x512xf32, #tpu.memory_space<vmem>> -> memref<64x512xf32, #tpu.memory_space<vmem>>
        %dma_wait3A_176 = arith.constant 0 : i32
        %dma_wait3A_177 = arith.constant 0 : i32
        %dma_wait3A_178 = tpu.memref_slice %arg3[%dma_wait3A_176, %dma_wait3A_177] : memref<64x1000000xf32, #tpu.memory_space<hbm>> -> memref<64x512xf32, #tpu.memory_space<hbm>>
        tpu.wait_dma2 semaphore(%arg23 : memref<!tpu.dma_semaphore, #tpu.memory_space<semaphore_mem>>) src(%dma_wait3A_178 : memref<64x512xf32, #tpu.memory_space<hbm>>) dst(%dma_wait3A_175 : memref<64x512xf32, #tpu.memory_space<vmem>>)
      } else {
      }
      %ne3A = arith.constant 0 : i32
      %ne3A_149 = arith.cmpi ne, %while3A_126, %ne3A : i32
      %convert_element_type3A_150 = arith.extui %ne3A_149 : i1 to i32
      %cond3A_151 = arith.constant 0 : i32
      %cond3A_152 = arith.cmpi ne, %convert_element_type3A_150, %cond3A_151 : i32
      scf.if %cond3A_152 {
        %mul3A_165 = arith.constant 4 : i32
        %mul3A_166 = arith.muli %add3A_134, %mul3A_165 : i32
        %add3A_167 = arith.constant 0 : i32
        %add3A_168 = arith.addi %mul3A_166, %add3A_167 : i32
        %get3A = arith.index_cast %add3A_168 : i32 to index
        %get3A_169 = tpu.vector_load %arg18[%get3A] {strides = array<i32>} : memref<7844xi32, #tpu.memory_space<vmem>>, vector<16xi32>,
        %slice3A = vector.extract_strided_slice %get3A_169 {offsets = [0], sizes = [1], strides = [1]} : vector<16xi32> to vector<1xi32>
        %squeeze3A = vector.extract %slice3A[0] : i32 from vector<1xi32>
        %gt3A = arith.constant 0 : i32
        %gt3A_170 = arith.cmpi sgt, %squeeze3A, %gt3A : i32
        %convert_element_type3A_171 = arith.extui %gt3A_170 : i1 to i32
        %cond3A_172 = arith.constant 0 : i32
        %cond3A_173 = arith.cmpi ne, %convert_element_type3A_171, %cond3A_172 : i32
        scf.if %cond3A_173 {
          %dma_wait3A_213 = arith.constant 0 : i32
          %dma_wait3A_214 = arith.constant 0 : i32
          %dma_wait3A_215 = tpu.memref_slice %arg16[%and3A_138, %dma_wait3A_213, %dma_wait3A_214] : memref<2x64x512xf32, #tpu.memory_space<vmem>> -> memref<1x64x128xf32, #tpu.memory_space<vmem>>
          %dma_wait3A_216 = tpu.memref_squeeze %dma_wait3A_215 : memref<1x64x128xf32, #tpu.memory_space<vmem>> -> memref<64x128xf32, #tpu.memory_space<vmem>>
          %dma_wait3A_217 = arith.constant 0 : i32
          %dma_wait3A_218 = arith.constant 0 : i32
          %dma_wait3A_219 = tpu.memref_slice %arg3[%dma_wait3A_217, %dma_wait3A_218] : memref<64x1000000xf32, #tpu.memory_space<hbm>> -> memref<64x128xf32, #tpu.memory_space<hbm>>
          %dma_wait3A_220 = arith.constant 0 : i32
          %dma_wait3A_221 = arith.constant 0 : i32
          %dma_wait3A_222 = tpu.memref_slice %arg16[%and3A_138, %dma_wait3A_220, %dma_wait3A_221] : memref<2x64x512xf32, #tpu.memory_space<vmem>> -> memref<1x64x128xf32, #tpu.memory_space<vmem>>
          %dma_wait3A_223 = tpu.memref_squeeze %dma_wait3A_222 : memref<1x64x128xf32, #tpu.memory_space<vmem>> -> memref<64x128xf32, #tpu.memory_space<vmem>>
          %dma_wait3A_224 = arith.constant 0 : i32
          %dma_wait3A_225 = arith.constant 0 : i32
          %dma_wait3A_226 = tpu.memref_slice %arg3[%dma_wait3A_224, %dma_wait3A_225] : memref<64x1000000xf32, #tpu.memory_space<hbm>> -> memref<64x128xf32, #tpu.memory_space<hbm>>
          tpu.wait_dma2 semaphore(%arg23 : memref<!tpu.dma_semaphore, #tpu.memory_space<semaphore_mem>>) src(%dma_wait3A_226 : memref<64x128xf32, #tpu.memory_space<hbm>>) dst(%dma_wait3A_223 : memref<64x128xf32, #tpu.memory_space<vmem>>)
        } else {
        }
        %mul3A_174 = arith.constant 4 : i32
        %mul3A_175 = arith.muli %add3A_134, %mul3A_174 : i32
        %add3A_176 = arith.constant 1 : i32
        %add3A_177 = arith.addi %mul3A_175, %add3A_176 : i32
        %get3A_178 = arith.index_cast %add3A_177 : i32 to index
        %get3A_179 = tpu.vector_load %arg18[%get3A_178] {strides = array<i32>} : memref<7844xi32, #tpu.memory_space<vmem>>, vector<16xi32>,
        %slice3A_180 = vector.extract_strided_slice %get3A_179 {offsets = [0], sizes = [1], strides = [1]} : vector<16xi32> to vector<1xi32>
        %squeeze3A_181 = vector.extract %slice3A_180[0] : i32 from vector<1xi32>
        %gt3A_182 = arith.constant 0 : i32
        %gt3A_183 = arith.cmpi sgt, %squeeze3A_181, %gt3A_182 : i32
        %convert_element_type3A_184 = arith.extui %gt3A_183 : i1 to i32
        %cond3A_185 = arith.constant 0 : i32
        %cond3A_186 = arith.cmpi ne, %convert_element_type3A_184, %cond3A_185 : i32
        scf.if %cond3A_186 {
          %dma_wait3A_213 = arith.constant 0 : i32
          %dma_wait3A_214 = arith.constant 128 : i32
          %dma_wait3A_215 = tpu.memref_slice %arg16[%and3A_138, %dma_wait3A_213, %dma_wait3A_214] : memref<2x64x512xf32, #tpu.memory_space<vmem>> -> memref<1x64x128xf32, #tpu.memory_space<vmem>>
          %dma_wait3A_216 = tpu.memref_squeeze %dma_wait3A_215 : memref<1x64x128xf32, #tpu.memory_space<vmem>> -> memref<64x128xf32, #tpu.memory_space<vmem>>
          %dma_wait3A_217 = arith.constant 0 : i32
          %dma_wait3A_218 = arith.constant 0 : i32
          %dma_wait3A_219 = tpu.memref_slice %arg3[%dma_wait3A_217, %dma_wait3A_218] : memref<64x1000000xf32, #tpu.memory_space<hbm>> -> memref<64x128xf32, #tpu.memory_space<hbm>>
          %dma_wait3A_220 = arith.constant 0 : i32
          %dma_wait3A_221 = arith.constant 128 : i32
          %dma_wait3A_222 = tpu.memref_slice %arg16[%and3A_138, %dma_wait3A_220, %dma_wait3A_221] : memref<2x64x512xf32, #tpu.memory_space<vmem>> -> memref<1x64x128xf32, #tpu.memory_space<vmem>>
          %dma_wait3A_223 = tpu.memref_squeeze %dma_wait3A_222 : memref<1x64x128xf32, #tpu.memory_space<vmem>> -> memref<64x128xf32, #tpu.memory_space<vmem>>
          %dma_wait3A_224 = arith.constant 0 : i32
          %dma_wait3A_225 = arith.constant 0 : i32
          %dma_wait3A_226 = tpu.memref_slice %arg3[%dma_wait3A_224, %dma_wait3A_225] : memref<64x1000000xf32, #tpu.memory_space<hbm>> -> memref<64x128xf32, #tpu.memory_space<hbm>>
          tpu.wait_dma2 semaphore(%arg23 : memref<!tpu.dma_semaphore, #tpu.memory_space<semaphore_mem>>) src(%dma_wait3A_226 : memref<64x128xf32, #tpu.memory_space<hbm>>) dst(%dma_wait3A_223 : memref<64x128xf32, #tpu.memory_space<vmem>>)
        } else {
        }
        %mul3A_187 = arith.constant 4 : i32
        %mul3A_188 = arith.muli %add3A_134, %mul3A_187 : i32
        %add3A_189 = arith.constant 2 : i32
        %add3A_190 = arith.addi %mul3A_188, %add3A_189 : i32
        %get3A_191 = arith.index_cast %add3A_190 : i32 to index
        %get3A_192 = tpu.vector_load %arg18[%get3A_191] {strides = array<i32>} : memref<7844xi32, #tpu.memory_space<vmem>>, vector<16xi32>,
        %slice3A_193 = vector.extract_strided_slice %get3A_192 {offsets = [0], sizes = [1], strides = [1]} : vector<16xi32> to vector<1xi32>
        %squeeze3A_194 = vector.extract %slice3A_193[0] : i32 from vector<1xi32>
        %gt3A_195 = arith.constant 0 : i32
        %gt3A_196 = arith.cmpi sgt, %squeeze3A_194, %gt3A_195 : i32
        %convert_element_type3A_197 = arith.extui %gt3A_196 : i1 to i32
        %cond3A_198 = arith.constant 0 : i32
        %cond3A_199 = arith.cmpi ne, %convert_element_type3A_197, %cond3A_198 : i32
        scf.if %cond3A_199 {
          %dma_wait3A_213 = arith.constant 0 : i32
          %dma_wait3A_214 = arith.constant 256 : i32
          %dma_wait3A_215 = tpu.memref_slice %arg16[%and3A_138, %dma_wait3A_213, %dma_wait3A_214] : memref<2x64x512xf32, #tpu.memory_space<vmem>> -> memref<1x64x128xf32, #tpu.memory_space<vmem>>
          %dma_wait3A_216 = tpu.memref_squeeze %dma_wait3A_215 : memref<1x64x128xf32, #tpu.memory_space<vmem>> -> memref<64x128xf32, #tpu.memory_space<vmem>>
          %dma_wait3A_217 = arith.constant 0 : i32
          %dma_wait3A_218 = arith.constant 0 : i32
          %dma_wait3A_219 = tpu.memref_slice %arg3[%dma_wait3A_217, %dma_wait3A_218] : memref<64x1000000xf32, #tpu.memory_space<hbm>> -> memref<64x128xf32, #tpu.memory_space<hbm>>
          %dma_wait3A_220 = arith.constant 0 : i32
          %dma_wait3A_221 = arith.constant 256 : i32
          %dma_wait3A_222 = tpu.memref_slice %arg16[%and3A_138, %dma_wait3A_220, %dma_wait3A_221] : memref<2x64x512xf32, #tpu.memory_space<vmem>> -> memref<1x64x128xf32, #tpu.memory_space<vmem>>
          %dma_wait3A_223 = tpu.memref_squeeze %dma_wait3A_222 : memref<1x64x128xf32, #tpu.memory_space<vmem>> -> memref<64x128xf32, #tpu.memory_space<vmem>>
          %dma_wait3A_224 = arith.constant 0 : i32
          %dma_wait3A_225 = arith.constant 0 : i32
          %dma_wait3A_226 = tpu.memref_slice %arg3[%dma_wait3A_224, %dma_wait3A_225] : memref<64x1000000xf32, #tpu.memory_space<hbm>> -> memref<64x128xf32, #tpu.memory_space<hbm>>
          tpu.wait_dma2 semaphore(%arg23 : memref<!tpu.dma_semaphore, #tpu.memory_space<semaphore_mem>>) src(%dma_wait3A_226 : memref<64x128xf32, #tpu.memory_space<hbm>>) dst(%dma_wait3A_223 : memref<64x128xf32, #tpu.memory_space<vmem>>)
        } else {
        }
        %mul3A_200 = arith.constant 4 : i32
        %mul3A_201 = arith.muli %add3A_134, %mul3A_200 : i32
        %add3A_202 = arith.constant 3 : i32
        %add3A_203 = arith.addi %mul3A_201, %add3A_202 : i32
        %get3A_204 = arith.index_cast %add3A_203 : i32 to index
        %get3A_205 = tpu.vector_load %arg18[%get3A_204] {strides = array<i32>} : memref<7844xi32, #tpu.memory_space<vmem>>, vector<16xi32>,
        %slice3A_206 = vector.extract_strided_slice %get3A_205 {offsets = [0], sizes = [1], strides = [1]} : vector<16xi32> to vector<1xi32>
        %squeeze3A_207 = vector.extract %slice3A_206[0] : i32 from vector<1xi32>
        %gt3A_208 = arith.constant 0 : i32
        %gt3A_209 = arith.cmpi sgt, %squeeze3A_207, %gt3A_208 : i32
        %convert_element_type3A_210 = arith.extui %gt3A_209 : i1 to i32
        %cond3A_211 = arith.constant 0 : i32
        %cond3A_212 = arith.cmpi ne, %convert_element_type3A_210, %cond3A_211 : i32
        scf.if %cond3A_212 {
          %dma_wait3A_213 = arith.constant 0 : i32
          %dma_wait3A_214 = arith.constant 384 : i32
          %dma_wait3A_215 = tpu.memref_slice %arg16[%and3A_138, %dma_wait3A_213, %dma_wait3A_214] : memref<2x64x512xf32, #tpu.memory_space<vmem>> -> memref<1x64x128xf32, #tpu.memory_space<vmem>>
          %dma_wait3A_216 = tpu.memref_squeeze %dma_wait3A_215 : memref<1x64x128xf32, #tpu.memory_space<vmem>> -> memref<64x128xf32, #tpu.memory_space<vmem>>
          %dma_wait3A_217 = arith.constant 0 : i32
          %dma_wait3A_218 = arith.constant 0 : i32
          %dma_wait3A_219 = tpu.memref_slice %arg3[%dma_wait3A_217, %dma_wait3A_218] : memref<64x1000000xf32, #tpu.memory_space<hbm>> -> memref<64x128xf32, #tpu.memory_space<hbm>>
          %dma_wait3A_220 = arith.constant 0 : i32
          %dma_wait3A_221 = arith.constant 384 : i32
          %dma_wait3A_222 = tpu.memref_slice %arg16[%and3A_138, %dma_wait3A_220, %dma_wait3A_221] : memref<2x64x512xf32, #tpu.memory_space<vmem>> -> memref<1x64x128xf32, #tpu.memory_space<vmem>>
          %dma_wait3A_223 = tpu.memref_squeeze %dma_wait3A_222 : memref<1x64x128xf32, #tpu.memory_space<vmem>> -> memref<64x128xf32, #tpu.memory_space<vmem>>
          %dma_wait3A_224 = arith.constant 0 : i32
          %dma_wait3A_225 = arith.constant 0 : i32
          %dma_wait3A_226 = tpu.memref_slice %arg3[%dma_wait3A_224, %dma_wait3A_225] : memref<64x1000000xf32, #tpu.memory_space<hbm>> -> memref<64x128xf32, #tpu.memory_space<hbm>>
          tpu.wait_dma2 semaphore(%arg23 : memref<!tpu.dma_semaphore, #tpu.memory_space<semaphore_mem>>) src(%dma_wait3A_226 : memref<64x128xf32, #tpu.memory_space<hbm>>) dst(%dma_wait3A_223 : memref<64x128xf32, #tpu.memory_space<vmem>>)
        } else {
        }
      } else {
      }
      %broadcast_in_dim3A_153 = vector.broadcast %and3A_138 : i32 to vector<16xi32>
      %while3A_154 = arith.constant 0 : i32
      %while3A_155 = arith.subi %shift_right_arithmetic3A_44, %while3A_154 : i32
      %while3A_156 = arith.addi %while3A_154, %while3A_155 : i32
      %while3A_157 = arith.constant 1 : i32
      %while3A_158 = arith.divsi %while3A_155, %while3A_157 : i32
      %while3A_159 = arith.muli %while3A_158, %while3A_157 : i32
      %while3A_160 = arith.addi %while3A_154, %while3A_159 : i32
      %while3A_161 = arith.constant 1 : i32
      %while3A_162:5 = scf.for %while3A_165 = %while3A_154 to %while3A_160 step %while3A_161 iter_args(%while3A_166 = %while3A_127, %while3A_167 = %while3A_128, %while3A_168 = %while3A_129, %while3A_169 = %while3A_130, %while3A_170 = %while3A_131) -> (i32, vector<16xi32>, vector<16xi32>, vector<16xi32>, vector<16xi32>)  : i32 {
        %mul3A_171 = arith.constant 16 : i32
        %mul3A_172 = arith.muli %while3A_165, %mul3A_171 : i32
        %get3A = arith.index_cast %mul3A_172 : i32 to index
        %get3A_173 = tpu.vector_load %arg12[%get3A] {strides = array<i32>} : memref<8208xi32, #tpu.memory_space<vmem>>, vector<16xi32>,
        %mul3A_174 = arith.constant 16 : i32
        %mul3A_175 = arith.muli %while3A_165, %mul3A_174 : i32
        %get3A_176 = arith.index_cast %mul3A_175 : i32 to index
        %get3A_177 = tpu.vector_load %arg13[%get3A_176] {strides = array<i32>} : memref<8208xi32, #tpu.memory_space<vmem>>, vector<16xi32>,
        %mul3A_178 = arith.constant 16 : i32
        %mul3A_179 = arith.muli %while3A_165, %mul3A_178 : i32
        %add3A_180 = vector.broadcast %mul3A_179 : i32 to vector<16xi32>
        %add3A_181 = arith.addi %add3A_180, %iota3A : vector<16xi32>
        %lt3A_182 = vector.broadcast %scan3A_37 : i32 to vector<16xi32>
        %lt3A_183 = arith.cmpi slt, %add3A_181, %lt3A_182 : vector<16xi32>
        %shift_right_arithmetic3A_184 = arith.constant 9 : i32
        %shift_right_arithmetic3A_185 = vector.broadcast %shift_right_arithmetic3A_184 : i32 to vector<16xi32>
        %shift_right_arithmetic3A_186 = arith.shrsi %get3A_173, %shift_right_arithmetic3A_185 : vector<16xi32>
        %eq3A_187 = vector.broadcast %add3A_134 : i32 to vector<16xi32>
        %eq3A_188 = arith.cmpi eq, %shift_right_arithmetic3A_186, %eq3A_187 : vector<16xi32>
        %and3A_189 = arith.andi %lt3A_183, %eq3A_188 : vector<16xi1>
        %swap3A_190 = arith.constant 0 : index
        %swap3A_191 = tpu.vector_load %arg14[%swap3A_190] masked %and3A_189 {strides = array<i32>} : memref<32xi32, #tpu.memory_space<vmem>>, vector<16xi32>, vector<16xi1>
        tpu.vector_store %arg14[%swap3A_190], %get3A_173 masked %and3A_189 {strides = array<i32>} : memref<32xi32, #tpu.memory_space<vmem>>, vector<16xi32>, vector<16xi1>
        %swap3A_192 = arith.constant 0 : index
        %swap3A_193 = tpu.vector_load %arg15[%swap3A_192] masked %and3A_189 {strides = array<i32>} : memref<32xi32, #tpu.memory_space<vmem>>, vector<16xi32>, vector<16xi1>
        tpu.vector_store %arg15[%swap3A_192], %get3A_177 masked %and3A_189 {strides = array<i32>} : memref<32xi32, #tpu.memory_space<vmem>>, vector<16xi32>, vector<16xi1>
        %all_reduce_population_count3A = tpu.all_reduce %and3A_189 {dim = 0 : i64, kind = #tpu.reduction_kind<sum>} : vector<16xi1> -> vector<16xi32>
        %slice3A = vector.extract_strided_slice %all_reduce_population_count3A {offsets = [0], sizes = [1], strides = [1]} : vector<16xi32> to vector<1xi32>
        %squeeze3A = vector.extract %slice3A[0] : i32 from vector<1xi32>
        %while3A_194 = arith.constant 0 : i32
        %while3A_195 = arith.subi %squeeze3A, %while3A_194 : i32
        %while3A_196 = arith.addi %while3A_194, %while3A_195 : i32
        %while3A_197 = arith.constant 1 : i32
        %while3A_198 = arith.divsi %while3A_195, %while3A_197 : i32
        %while3A_199 = arith.muli %while3A_198, %while3A_197 : i32
        %while3A_200 = arith.addi %while3A_194, %while3A_199 : i32
        %while3A_201 = arith.constant 1 : i32
        %while3A_202:5 = scf.for %while3A_205 = %while3A_194 to %while3A_200 step %while3A_201 iter_args(%while3A_206 = %while3A_166, %while3A_207 = %while3A_167, %while3A_208 = %while3A_168, %while3A_209 = %while3A_169, %while3A_210 = %while3A_170) -> (i32, vector<16xi32>, vector<16xi32>, vector<16xi32>, vector<16xi32>)  : i32 {
          %get3A_211 = arith.index_cast %while3A_205 : i32 to index
          %get3A_212 = tpu.vector_load %arg14[%get3A_211] {strides = array<i32>} : memref<32xi32, #tpu.memory_space<vmem>>, vector<16xi32>,
          %slice3A_213 = vector.extract_strided_slice %get3A_212 {offsets = [0], sizes = [1], strides = [1]} : vector<16xi32> to vector<1xi32>
          %squeeze3A_214 = vector.extract %slice3A_213[0] : i32 from vector<1xi32>
          %get3A_215 = arith.index_cast %while3A_205 : i32 to index
          %get3A_216 = tpu.vector_load %arg15[%get3A_215] {strides = array<i32>} : memref<32xi32, #tpu.memory_space<vmem>>, vector<16xi32>,
          %slice3A_217 = vector.extract_strided_slice %get3A_216 {offsets = [0], sizes = [1], strides = [1]} : vector<16xi32> to vector<1xi32>
          %squeeze3A_218 = vector.extract %slice3A_217[0] : i32 from vector<1xi32>
          %sub3A_219 = arith.subi %squeeze3A_214, %mul3A_136 : i32
          %and3A_220 = arith.constant 63 : i32
          %and3A_221 = arith.andi %while3A_206, %and3A_220 : i32
          %shift_right_arithmetic3A_222 = arith.constant 4 : i32
          %shift_right_arithmetic3A_223 = arith.shrsi %and3A_221, %shift_right_arithmetic3A_222 : i32
          %and3A_224 = arith.constant 15 : i32
          %and3A_225 = arith.andi %and3A_221, %and3A_224 : i32
          %broadcast_in_dim3A_226 = vector.broadcast %sub3A_219 : i32 to vector<16xi32>
          %add3A_227 = arith.constant 0 : i32
          %add3A_228 = vector.broadcast %add3A_227 : i32 to vector<16xi32>
          %add3A_229 = arith.addi %iota3A, %add3A_228 : vector<16xi32>
          %gather3A = tpu.vector_load_idx %arg16[%broadcast_in_dim3A_153, %add3A_229, %broadcast_in_dim3A_226] : memref<2x64x512xf32, #tpu.memory_space<vmem>>[vector<16xi32>, vector<16xi32>, vector<16xi32>], vector<16xf32>,
          %swap3A_230 = arith.index_cast %and3A_221 : i32 to index
          %swap3A_231 = arith.constant 0 : index
          %swap3A_232 = tpu.vector_load %arg19[%swap3A_230, %swap3A_231] {strides = array<i32>} : memref<64x128xf32, #tpu.memory_space<vmem>>, vector<16xf32>,
          tpu.vector_store %arg19[%swap3A_230, %swap3A_231], %gather3A {strides = array<i32>} : memref<64x128xf32, #tpu.memory_space<vmem>>, vector<16xf32>,
          %add3A_233 = arith.constant 16 : i32
          %add3A_234 = vector.broadcast %add3A_233 : i32 to vector<16xi32>
          %add3A_235 = arith.addi %iota3A, %add3A_234 : vector<16xi32>
          %gather3A_236 = tpu.vector_load_idx %arg16[%broadcast_in_dim3A_153, %add3A_235, %broadcast_in_dim3A_226] : memref<2x64x512xf32, #tpu.memory_space<vmem>>[vector<16xi32>, vector<16xi32>, vector<16xi32>], vector<16xf32>,
          %swap3A_237 = arith.index_cast %and3A_221 : i32 to index
          %swap3A_238 = arith.constant 16 : index
          %swap3A_239 = tpu.vector_load %arg19[%swap3A_237, %swap3A_238] {strides = array<i32>} : memref<64x128xf32, #tpu.memory_space<vmem>>, vector<16xf32>,
          tpu.vector_store %arg19[%swap3A_237, %swap3A_238], %gather3A_236 {strides = array<i32>} : memref<64x128xf32, #tpu.memory_space<vmem>>, vector<16xf32>,
          %add3A_240 = arith.constant 32 : i32
          %add3A_241 = vector.broadcast %add3A_240 : i32 to vector<16xi32>
          %add3A_242 = arith.addi %iota3A, %add3A_241 : vector<16xi32>
          %gather3A_243 = tpu.vector_load_idx %arg16[%broadcast_in_dim3A_153, %add3A_242, %broadcast_in_dim3A_226] : memref<2x64x512xf32, #tpu.memory_space<vmem>>[vector<16xi32>, vector<16xi32>, vector<16xi32>], vector<16xf32>,
          %swap3A_244 = arith.index_cast %and3A_221 : i32 to index
          %swap3A_245 = arith.constant 32 : index
          %swap3A_246 = tpu.vector_load %arg19[%swap3A_244, %swap3A_245] {strides = array<i32>} : memref<64x128xf32, #tpu.memory_space<vmem>>, vector<16xf32>,
          tpu.vector_store %arg19[%swap3A_244, %swap3A_245], %gather3A_243 {strides = array<i32>} : memref<64x128xf32, #tpu.memory_space<vmem>>, vector<16xf32>,
          %add3A_247 = arith.constant 48 : i32
          %add3A_248 = vector.broadcast %add3A_247 : i32 to vector<16xi32>
          %add3A_249 = arith.addi %iota3A, %add3A_248 : vector<16xi32>
          %gather3A_250 = tpu.vector_load_idx %arg16[%broadcast_in_dim3A_153, %add3A_249, %broadcast_in_dim3A_226] : memref<2x64x512xf32, #tpu.memory_space<vmem>>[vector<16xi32>, vector<16xi32>, vector<16xi32>], vector<16xf32>,
          %swap3A_251 = arith.index_cast %and3A_221 : i32 to index
          %swap3A_252 = arith.constant 48 : index
          %swap3A_253 = tpu.vector_load %arg19[%swap3A_251, %swap3A_252] {strides = array<i32>} : memref<64x128xf32, #tpu.memory_space<vmem>>, vector<16xf32>,
          tpu.vector_store %arg19[%swap3A_251, %swap3A_252], %gather3A_250 {strides = array<i32>} : memref<64x128xf32, #tpu.memory_space<vmem>>, vector<16xf32>,
          %eq3A_254 = vector.broadcast %and3A_225 : i32 to vector<16xi32>
          %eq3A_255 = arith.cmpi eq, %iota3A, %eq3A_254 : vector<16xi32>
          %eq3A_256 = arith.constant 0 : i32
          %eq3A_257 = arith.cmpi eq, %shift_right_arithmetic3A_223, %eq3A_256 : i32
          %and3A_258 = vector.broadcast %eq3A_257 : i1 to vector<16xi1>
          %and3A_259 = arith.andi %eq3A_255, %and3A_258 : vector<16xi1>
          %broadcast_in_dim3A_260 = vector.broadcast %squeeze3A_218 : i32 to vector<16xi32>
          %select_n3A = arith.select %and3A_259, %broadcast_in_dim3A_260, %while3A_207 : vector<16xi1>, vector<16xi32>
          %eq3A_261 = vector.broadcast %and3A_225 : i32 to vector<16xi32>
          %eq3A_262 = arith.cmpi eq, %iota3A, %eq3A_261 : vector<16xi32>
          %eq3A_263 = arith.constant 1 : i32
          %eq3A_264 = arith.cmpi eq, %shift_right_arithmetic3A_223, %eq3A_263 : i32
          %and3A_265 = vector.broadcast %eq3A_264 : i1 to vector<16xi1>
          %and3A_266 = arith.andi %eq3A_262, %and3A_265 : vector<16xi1>
          %broadcast_in_dim3A_267 = vector.broadcast %squeeze3A_218 : i32 to vector<16xi32>
          %select_n3A_268 = arith.select %and3A_266, %broadcast_in_dim3A_267, %while3A_208 : vector<16xi1>, vector<16xi32>
          %eq3A_269 = vector.broadcast %and3A_225 : i32 to vector<16xi32>
          %eq3A_270 = arith.cmpi eq, %iota3A, %eq3A_269 : vector<16xi32>
          %eq3A_271 = arith.constant 2 : i32
          %eq3A_272 = arith.cmpi eq, %shift_right_arithmetic3A_223, %eq3A_271 : i32
          %and3A_273 = vector.broadcast %eq3A_272 : i1 to vector<16xi1>
          %and3A_274 = arith.andi %eq3A_270, %and3A_273 : vector<16xi1>
          %broadcast_in_dim3A_275 = vector.broadcast %squeeze3A_218 : i32 to vector<16xi32>
          %select_n3A_276 = arith.select %and3A_274, %broadcast_in_dim3A_275, %while3A_209 : vector<16xi1>, vector<16xi32>
          %eq3A_277 = vector.broadcast %and3A_225 : i32 to vector<16xi32>
          %eq3A_278 = arith.cmpi eq, %iota3A, %eq3A_277 : vector<16xi32>
          %eq3A_279 = arith.constant 3 : i32
          %eq3A_280 = arith.cmpi eq, %shift_right_arithmetic3A_223, %eq3A_279 : i32
          %and3A_281 = vector.broadcast %eq3A_280 : i1 to vector<16xi1>
          %and3A_282 = arith.andi %eq3A_278, %and3A_281 : vector<16xi1>
          %broadcast_in_dim3A_283 = vector.broadcast %squeeze3A_218 : i32 to vector<16xi32>
          %select_n3A_284 = arith.select %and3A_282, %broadcast_in_dim3A_283, %while3A_210 : vector<16xi1>, vector<16xi32>
          %eq3A_285 = arith.constant 63 : i32
          %eq3A_286 = arith.cmpi eq, %and3A_221, %eq3A_285 : i32
          %convert_element_type3A_287 = arith.extui %eq3A_286 : i1 to i32
          %cond3A_288 = arith.constant 0 : i32
          %cond3A_289 = arith.cmpi ne, %convert_element_type3A_287, %cond3A_288 : i32
          scf.if %cond3A_289 {
            %swap3A_305 = arith.constant 0 : i32
            %swap3A_306 = arith.index_cast %swap3A_305 : i32 to index
            %swap3A_307 = arith.constant 0 : index
            %swap3A_308 = tpu.vector_load %arg21[%swap3A_306, %swap3A_307] {strides = array<i32>} : memref<1x64xi32, #tpu.memory_space<vmem>>, vector<16xi32>,
            tpu.vector_store %arg21[%swap3A_306, %swap3A_307], %select_n3A {strides = array<i32>} : memref<1x64xi32, #tpu.memory_space<vmem>>, vector<16xi32>,
            %and3A_309 = arith.constant 2047 : i32
            %and3A_310 = vector.broadcast %and3A_309 : i32 to vector<16xi32>
            %and3A_311 = arith.andi %select_n3A, %and3A_310 : vector<16xi32>
            %swap3A_312 = arith.constant 0 : i32
            %swap3A_313 = arith.index_cast %swap3A_312 : i32 to index
            %swap3A_314 = arith.constant 0 : index
            %swap3A_315 = tpu.vector_load %arg22[%swap3A_313, %swap3A_314] {strides = array<i32>} : memref<1x64xi32, #tpu.memory_space<vmem>>, vector<16xi32>,
            tpu.vector_store %arg22[%swap3A_313, %swap3A_314], %and3A_311 {strides = array<i32>} : memref<1x64xi32, #tpu.memory_space<vmem>>, vector<16xi32>,
            %swap3A_316 = arith.constant 0 : i32
            %swap3A_317 = arith.index_cast %swap3A_316 : i32 to index
            %swap3A_318 = arith.constant 16 : index
            %swap3A_319 = tpu.vector_load %arg21[%swap3A_317, %swap3A_318] {strides = array<i32>} : memref<1x64xi32, #tpu.memory_space<vmem>>, vector<16xi32>,
            tpu.vector_store %arg21[%swap3A_317, %swap3A_318], %select_n3A_268 {strides = array<i32>} : memref<1x64xi32, #tpu.memory_space<vmem>>, vector<16xi32>,
            %and3A_320 = arith.constant 2047 : i32
            %and3A_321 = vector.broadcast %and3A_320 : i32 to vector<16xi32>
            %and3A_322 = arith.andi %select_n3A_268, %and3A_321 : vector<16xi32>
            %swap3A_323 = arith.constant 0 : i32
            %swap3A_324 = arith.index_cast %swap3A_323 : i32 to index
            %swap3A_325 = arith.constant 16 : index
            %swap3A_326 = tpu.vector_load %arg22[%swap3A_324, %swap3A_325] {strides = array<i32>} : memref<1x64xi32, #tpu.memory_space<vmem>>, vector<16xi32>,
            tpu.vector_store %arg22[%swap3A_324, %swap3A_325], %and3A_322 {strides = array<i32>} : memref<1x64xi32, #tpu.memory_space<vmem>>, vector<16xi32>,
            %swap3A_327 = arith.constant 0 : i32
            %swap3A_328 = arith.index_cast %swap3A_327 : i32 to index
            %swap3A_329 = arith.constant 32 : index
            %swap3A_330 = tpu.vector_load %arg21[%swap3A_328, %swap3A_329] {strides = array<i32>} : memref<1x64xi32, #tpu.memory_space<vmem>>, vector<16xi32>,
            tpu.vector_store %arg21[%swap3A_328, %swap3A_329], %select_n3A_276 {strides = array<i32>} : memref<1x64xi32, #tpu.memory_space<vmem>>, vector<16xi32>,
            %and3A_331 = arith.constant 2047 : i32
            %and3A_332 = vector.broadcast %and3A_331 : i32 to vector<16xi32>
            %and3A_333 = arith.andi %select_n3A_276, %and3A_332 : vector<16xi32>
            %swap3A_334 = arith.constant 0 : i32
            %swap3A_335 = arith.index_cast %swap3A_334 : i32 to index
            %swap3A_336 = arith.constant 32 : index
            %swap3A_337 = tpu.vector_load %arg22[%swap3A_335, %swap3A_336] {strides = array<i32>} : memref<1x64xi32, #tpu.memory_space<vmem>>, vector<16xi32>,
            tpu.vector_store %arg22[%swap3A_335, %swap3A_336], %and3A_333 {strides = array<i32>} : memref<1x64xi32, #tpu.memory_space<vmem>>, vector<16xi32>,
            %swap3A_338 = arith.constant 0 : i32
            %swap3A_339 = arith.index_cast %swap3A_338 : i32 to index
            %swap3A_340 = arith.constant 48 : index
            %swap3A_341 = tpu.vector_load %arg21[%swap3A_339, %swap3A_340] {strides = array<i32>} : memref<1x64xi32, #tpu.memory_space<vmem>>, vector<16xi32>,
            tpu.vector_store %arg21[%swap3A_339, %swap3A_340], %select_n3A_284 {strides = array<i32>} : memref<1x64xi32, #tpu.memory_space<vmem>>, vector<16xi32>,
            %and3A_342 = arith.constant 2047 : i32
            %and3A_343 = vector.broadcast %and3A_342 : i32 to vector<16xi32>
            %and3A_344 = arith.andi %select_n3A_284, %and3A_343 : vector<16xi32>
            %swap3A_345 = arith.constant 0 : i32
            %swap3A_346 = arith.index_cast %swap3A_345 : i32 to index
            %swap3A_347 = arith.constant 48 : index
            %swap3A_348 = tpu.vector_load %arg22[%swap3A_346, %swap3A_347] {strides = array<i32>} : memref<1x64xi32, #tpu.memory_space<vmem>>, vector<16xi32>,
            tpu.vector_store %arg22[%swap3A_346, %swap3A_347], %and3A_344 {strides = array<i32>} : memref<1x64xi32, #tpu.memory_space<vmem>>, vector<16xi32>,
            %dma_start3A_349 = arith.constant 0 : i32
            %dma_start3A_350 = arith.constant 0 : i32
            %dma_start3A_351 = tpu.memref_slice %arg22[%dma_start3A_349, %dma_start3A_350] : memref<1x64xi32, #tpu.memory_space<vmem>> -> memref<1x64xi32, #tpu.memory_space<vmem>>
            %dma_start3A_352 = tpu.memref_squeeze %dma_start3A_351 : memref<1x64xi32, #tpu.memory_space<vmem>> -> memref<64xi32, #tpu.memory_space<vmem>>
            %dma_start3A_353 = arith.constant 0 : i32
            %dma_start3A_354 = arith.constant 0 : i32
            %dma_start3A_355 = tpu.memref_slice %arg5[%dma_start3A_353, %dma_start3A_354] : memref<2048x128xf32, #tpu.memory_space<hbm>> -> memref<2048x128xf32, #tpu.memory_space<hbm>>
            tpu.enqueue_indirect_dma source(%dma_start3A_355 : memref<2048x128xf32, #tpu.memory_space<hbm>>) target(%arg20 : memref<64x128xf32, #tpu.memory_space<vmem>>) offsets(%dma_start3A_352 : memref<64xi32, #tpu.memory_space<vmem>>) semaphore(%arg24 : memref<!tpu.dma_semaphore, #tpu.memory_space<semaphore_mem>>)
            %dma_wait3A_356 = arith.constant 0 : i32
            %dma_wait3A_357 = arith.constant 0 : i32
            %dma_wait3A_358 = tpu.memref_slice %arg22[%dma_wait3A_356, %dma_wait3A_357] : memref<1x64xi32, #tpu.memory_space<vmem>> -> memref<1x64xi32, #tpu.memory_space<vmem>>
            %dma_wait3A_359 = tpu.memref_squeeze %dma_wait3A_358 : memref<1x64xi32, #tpu.memory_space<vmem>> -> memref<64xi32, #tpu.memory_space<vmem>>
            %dma_wait3A_360 = arith.constant 0 : i32
            %dma_wait3A_361 = arith.constant 0 : i32
            %dma_wait3A_362 = tpu.memref_slice %arg5[%dma_wait3A_360, %dma_wait3A_361] : memref<2048x128xf32, #tpu.memory_space<hbm>> -> memref<2048x128xf32, #tpu.memory_space<hbm>>
            tpu.wait_indirect_dma semaphore(%arg24 : memref<!tpu.dma_semaphore, #tpu.memory_space<semaphore_mem>>) src(%dma_wait3A_362 : memref<2048x128xf32, #tpu.memory_space<hbm>>) dst(%arg20 : memref<64x128xf32, #tpu.memory_space<vmem>>)
            %scan3A_363 = arith.constant 0 : i32
            %scan3A_364 = arith.constant 0 : i32
            %scan3A_365 = arith.constant 64 : i32
            %scan3A_366 = arith.addi %scan3A_364, %scan3A_365 : i32
            %scan3A_367 = arith.constant 1 : i32
            %scan3A_368 = scf.for %scan3A_371 = %scan3A_364 to %scan3A_366 step %scan3A_367 iter_args(%scan3A_372 = %scan3A_363) -> (i32)  : i32 {
              %get3A_373 = arith.index_cast %scan3A_371 : i32 to index
              %get3A_374 = arith.constant 0 : index
              %get3A_375 = tpu.vector_load %arg19[%get3A_373, %get3A_374] {strides = array<i32>} : memref<64x128xf32, #tpu.memory_space<vmem>>, vector<16xf32>,
              %get3A_376 = arith.index_cast %scan3A_371 : i32 to index
              %get3A_377 = arith.constant 0 : index
              %get3A_378 = tpu.vector_load %arg20[%get3A_376, %get3A_377] {strides = array<i32>} : memref<64x128xf32, #tpu.memory_space<vmem>>, vector<16xf32>,
              %add3A_379 = arith.addf %get3A_375, %get3A_378 : vector<16xf32>
              %swap3A_380 = arith.index_cast %scan3A_371 : i32 to index
              %swap3A_381 = arith.constant 0 : index
              %swap3A_382 = tpu.vector_load %arg19[%swap3A_380, %swap3A_381] {strides = array<i32>} : memref<64x128xf32, #tpu.memory_space<vmem>>, vector<16xf32>,
              tpu.vector_store %arg19[%swap3A_380, %swap3A_381], %add3A_379 {strides = array<i32>} : memref<64x128xf32, #tpu.memory_space<vmem>>, vector<16xf32>,
              %get3A_383 = arith.index_cast %scan3A_371 : i32 to index
              %get3A_384 = arith.constant 16 : index
              %get3A_385 = tpu.vector_load %arg19[%get3A_383, %get3A_384] {strides = array<i32>} : memref<64x128xf32, #tpu.memory_space<vmem>>, vector<16xf32>,
              %get3A_386 = arith.index_cast %scan3A_371 : i32 to index
              %get3A_387 = arith.constant 16 : index
              %get3A_388 = tpu.vector_load %arg20[%get3A_386, %get3A_387] {strides = array<i32>} : memref<64x128xf32, #tpu.memory_space<vmem>>, vector<16xf32>,
              %add3A_389 = arith.addf %get3A_385, %get3A_388 : vector<16xf32>
              %swap3A_390 = arith.index_cast %scan3A_371 : i32 to index
              %swap3A_391 = arith.constant 16 : index
              %swap3A_392 = tpu.vector_load %arg19[%swap3A_390, %swap3A_391] {strides = array<i32>} : memref<64x128xf32, #tpu.memory_space<vmem>>, vector<16xf32>,
              tpu.vector_store %arg19[%swap3A_390, %swap3A_391], %add3A_389 {strides = array<i32>} : memref<64x128xf32, #tpu.memory_space<vmem>>, vector<16xf32>,
              %get3A_393 = arith.index_cast %scan3A_371 : i32 to index
              %get3A_394 = arith.constant 32 : index
              %get3A_395 = tpu.vector_load %arg19[%get3A_393, %get3A_394] {strides = array<i32>} : memref<64x128xf32, #tpu.memory_space<vmem>>, vector<16xf32>,
              %get3A_396 = arith.index_cast %scan3A_371 : i32 to index
              %get3A_397 = arith.constant 32 : index
              %get3A_398 = tpu.vector_load %arg20[%get3A_396, %get3A_397] {strides = array<i32>} : memref<64x128xf32, #tpu.memory_space<vmem>>, vector<16xf32>,
              %add3A_399 = arith.addf %get3A_395, %get3A_398 : vector<16xf32>
              %swap3A_400 = arith.index_cast %scan3A_371 : i32 to index
              %swap3A_401 = arith.constant 32 : index
              %swap3A_402 = tpu.vector_load %arg19[%swap3A_400, %swap3A_401] {strides = array<i32>} : memref<64x128xf32, #tpu.memory_space<vmem>>, vector<16xf32>,
              tpu.vector_store %arg19[%swap3A_400, %swap3A_401], %add3A_399 {strides = array<i32>} : memref<64x128xf32, #tpu.memory_space<vmem>>, vector<16xf32>,
              %get3A_403 = arith.index_cast %scan3A_371 : i32 to index
              %get3A_404 = arith.constant 48 : index
              %get3A_405 = tpu.vector_load %arg19[%get3A_403, %get3A_404] {strides = array<i32>} : memref<64x128xf32, #tpu.memory_space<vmem>>, vector<16xf32>,
              %get3A_406 = arith.index_cast %scan3A_371 : i32 to index
              %get3A_407 = arith.constant 48 : index
              %get3A_408 = tpu.vector_load %arg20[%get3A_406, %get3A_407] {strides = array<i32>} : memref<64x128xf32, #tpu.memory_space<vmem>>, vector<16xf32>,
              %add3A_409 = arith.addf %get3A_405, %get3A_408 : vector<16xf32>
              %swap3A_410 = arith.index_cast %scan3A_371 : i32 to index
              %swap3A_411 = arith.constant 48 : index
              %swap3A_412 = tpu.vector_load %arg19[%swap3A_410, %swap3A_411] {strides = array<i32>} : memref<64x128xf32, #tpu.memory_space<vmem>>, vector<16xf32>,
              tpu.vector_store %arg19[%swap3A_410, %swap3A_411], %add3A_409 {strides = array<i32>} : memref<64x128xf32, #tpu.memory_space<vmem>>, vector<16xf32>,
              %scan3A_413 = arith.constant 0 : i32
              scf.yield %scan3A_413 : i32
            }
            %scan3A_369 = arith.constant 64 : i32
            %run_scoped3A_370 = arith.constant 0 : i32
            "tpu.region"() ({
              %run_scoped3A_371 = tpu.sem_alloc : memref<!tpu.dma_semaphore, #tpu.memory_space<semaphore_mem>>
              %dma_start3A_372 = arith.constant 0 : i32
              %dma_start3A_373 = tpu.memref_slice %arg21[%run_scoped3A_370, %dma_start3A_372] : memref<1x64xi32, #tpu.memory_space<vmem>> -> memref<1x64xi32, #tpu.memory_space<vmem>>
              %dma_start3A_374 = tpu.memref_squeeze %dma_start3A_373 : memref<1x64xi32, #tpu.memory_space<vmem>> -> memref<64xi32, #tpu.memory_space<vmem>>
              %dma_start3A_375 = arith.constant 0 : i32
              %dma_start3A_376 = arith.constant 0 : i32
              %dma_start3A_377 = tpu.memref_slice %arg8[%dma_start3A_375, %dma_start3A_376] : memref<8224x128xf32, #tpu.memory_space<hbm>> -> memref<8224x128xf32, #tpu.memory_space<hbm>>
              tpu.enqueue_indirect_dma source(%arg19 : memref<64x128xf32, #tpu.memory_space<vmem>>) target(%dma_start3A_377 : memref<8224x128xf32, #tpu.memory_space<hbm>>) offsets(%dma_start3A_374 : memref<64xi32, #tpu.memory_space<vmem>>) semaphore(%run_scoped3A_371 : memref<!tpu.dma_semaphore, #tpu.memory_space<semaphore_mem>>)
              %dma_wait3A_378 = arith.constant 0 : i32
              %dma_wait3A_379 = tpu.memref_slice %arg21[%run_scoped3A_370, %dma_wait3A_378] : memref<1x64xi32, #tpu.memory_space<vmem>> -> memref<1x64xi32, #tpu.memory_space<vmem>>
              %dma_wait3A_380 = tpu.memref_squeeze %dma_wait3A_379 : memref<1x64xi32, #tpu.memory_space<vmem>> -> memref<64xi32, #tpu.memory_space<vmem>>
              %dma_wait3A_381 = arith.constant 0 : i32
              %dma_wait3A_382 = arith.constant 0 : i32
              %dma_wait3A_383 = tpu.memref_slice %arg8[%dma_wait3A_381, %dma_wait3A_382] : memref<8224x128xf32, #tpu.memory_space<hbm>> -> memref<8224x128xf32, #tpu.memory_space<hbm>>
              tpu.wait_indirect_dma semaphore(%run_scoped3A_371 : memref<!tpu.dma_semaphore, #tpu.memory_space<semaphore_mem>>) src(%arg19 : memref<64x128xf32, #tpu.memory_space<vmem>>) dst(%dma_wait3A_383 : memref<8224x128xf32, #tpu.memory_space<hbm>>)
              tpu.yield
            }) : () -> ()
          } else {
          }
          %broadcast_in_dim3A_290 = vector.broadcast %add3A_40 : i32 to vector<16xi32>
          %eq3A_291 = arith.constant 63 : i32
          %eq3A_292 = arith.cmpi eq, %and3A_221, %eq3A_291 : i32
          %select_n3A_293 = arith.select %eq3A_292, %broadcast_in_dim3A_290, %select_n3A : vector<16xi32>
          %eq3A_294 = arith.constant 63 : i32
          %eq3A_295 = arith.cmpi eq, %and3A_221, %eq3A_294 : i32
          %select_n3A_296 = arith.select %eq3A_295, %broadcast_in_dim3A_290, %select_n3A_268 : vector<16xi32>
          %eq3A_297 = arith.constant 63 : i32
          %eq3A_298 = arith.cmpi eq, %and3A_221, %eq3A_297 : i32
          %select_n3A_299 = arith.select %eq3A_298, %broadcast_in_dim3A_290, %select_n3A_276 : vector<16xi32>
          %eq3A_300 = arith.constant 63 : i32
          %eq3A_301 = arith.cmpi eq, %and3A_221, %eq3A_300 : i32
          %select_n3A_302 = arith.select %eq3A_301, %broadcast_in_dim3A_290, %select_n3A_284 : vector<16xi32>
          %add3A_303 = arith.constant 1 : i32
          %add3A_304 = arith.addi %while3A_206, %add3A_303 : i32
          scf.yield %add3A_304, %select_n3A_293, %select_n3A_296, %select_n3A_299, %select_n3A_302 : i32, vector<16xi32>, vector<16xi32>, vector<16xi32>, vector<16xi32>
        }
        %while3A_203 = arith.constant 1 : i32
        %while3A_204:5 = scf.for %while3A_205 = %while3A_200 to %while3A_196 step %while3A_203 iter_args(%while3A_206 = %while3A_202#0, %while3A_207 = %while3A_202#1, %while3A_208 = %while3A_202#2, %while3A_209 = %while3A_202#3, %while3A_210 = %while3A_202#4) -> (i32, vector<16xi32>, vector<16xi32>, vector<16xi32>, vector<16xi32>)  : i32 {
          %get3A_211 = arith.index_cast %while3A_205 : i32 to index
          %get3A_212 = tpu.vector_load %arg14[%get3A_211] {strides = array<i32>} : memref<32xi32, #tpu.memory_space<vmem>>, vector<16xi32>,
          %slice3A_213 = vector.extract_strided_slice %get3A_212 {offsets = [0], sizes = [1], strides = [1]} : vector<16xi32> to vector<1xi32>
          %squeeze3A_214 = vector.extract %slice3A_213[0] : i32 from vector<1xi32>
          %get3A_215 = arith.index_cast %while3A_205 : i32 to index
          %get3A_216 = tpu.vector_load %arg15[%get3A_215] {strides = array<i32>} : memref<32xi32, #tpu.memory_space<vmem>>, vector<16xi32>,
          %slice3A_217 = vector.extract_strided_slice %get3A_216 {offsets = [0], sizes = [1], strides = [1]} : vector<16xi32> to vector<1xi32>
          %squeeze3A_218 = vector.extract %slice3A_217[0] : i32 from vector<1xi32>
          %sub3A_219 = arith.subi %squeeze3A_214, %mul3A_136 : i32
          %and3A_220 = arith.constant 63 : i32
          %and3A_221 = arith.andi %while3A_206, %and3A_220 : i32
          %shift_right_arithmetic3A_222 = arith.constant 4 : i32
          %shift_right_arithmetic3A_223 = arith.shrsi %and3A_221, %shift_right_arithmetic3A_222 : i32
          %and3A_224 = arith.constant 15 : i32
          %and3A_225 = arith.andi %and3A_221, %and3A_224 : i32
          %broadcast_in_dim3A_226 = vector.broadcast %sub3A_219 : i32 to vector<16xi32>
          %add3A_227 = arith.constant 0 : i32
          %add3A_228 = vector.broadcast %add3A_227 : i32 to vector<16xi32>
          %add3A_229 = arith.addi %iota3A, %add3A_228 : vector<16xi32>
          %gather3A = tpu.vector_load_idx %arg16[%broadcast_in_dim3A_153, %add3A_229, %broadcast_in_dim3A_226] : memref<2x64x512xf32, #tpu.memory_space<vmem>>[vector<16xi32>, vector<16xi32>, vector<16xi32>], vector<16xf32>,
          %swap3A_230 = arith.index_cast %and3A_221 : i32 to index
          %swap3A_231 = arith.constant 0 : index
          %swap3A_232 = tpu.vector_load %arg19[%swap3A_230, %swap3A_231] {strides = array<i32>} : memref<64x128xf32, #tpu.memory_space<vmem>>, vector<16xf32>,
          tpu.vector_store %arg19[%swap3A_230, %swap3A_231], %gather3A {strides = array<i32>} : memref<64x128xf32, #tpu.memory_space<vmem>>, vector<16xf32>,
          %add3A_233 = arith.constant 16 : i32
          %add3A_234 = vector.broadcast %add3A_233 : i32 to vector<16xi32>
          %add3A_235 = arith.addi %iota3A, %add3A_234 : vector<16xi32>
          %gather3A_236 = tpu.vector_load_idx %arg16[%broadcast_in_dim3A_153, %add3A_235, %broadcast_in_dim3A_226] : memref<2x64x512xf32, #tpu.memory_space<vmem>>[vector<16xi32>, vector<16xi32>, vector<16xi32>], vector<16xf32>,
          %swap3A_237 = arith.index_cast %and3A_221 : i32 to index
          %swap3A_238 = arith.constant 16 : index
          %swap3A_239 = tpu.vector_load %arg19[%swap3A_237, %swap3A_238] {strides = array<i32>} : memref<64x128xf32, #tpu.memory_space<vmem>>, vector<16xf32>,
          tpu.vector_store %arg19[%swap3A_237, %swap3A_238], %gather3A_236 {strides = array<i32>} : memref<64x128xf32, #tpu.memory_space<vmem>>, vector<16xf32>,
          %add3A_240 = arith.constant 32 : i32
          %add3A_241 = vector.broadcast %add3A_240 : i32 to vector<16xi32>
          %add3A_242 = arith.addi %iota3A, %add3A_241 : vector<16xi32>
          %gather3A_243 = tpu.vector_load_idx %arg16[%broadcast_in_dim3A_153, %add3A_242, %broadcast_in_dim3A_226] : memref<2x64x512xf32, #tpu.memory_space<vmem>>[vector<16xi32>, vector<16xi32>, vector<16xi32>], vector<16xf32>,
          %swap3A_244 = arith.index_cast %and3A_221 : i32 to index
          %swap3A_245 = arith.constant 32 : index
          %swap3A_246 = tpu.vector_load %arg19[%swap3A_244, %swap3A_245] {strides = array<i32>} : memref<64x128xf32, #tpu.memory_space<vmem>>, vector<16xf32>,
          tpu.vector_store %arg19[%swap3A_244, %swap3A_245], %gather3A_243 {strides = array<i32>} : memref<64x128xf32, #tpu.memory_space<vmem>>, vector<16xf32>,
          %add3A_247 = arith.constant 48 : i32
          %add3A_248 = vector.broadcast %add3A_247 : i32 to vector<16xi32>
          %add3A_249 = arith.addi %iota3A, %add3A_248 : vector<16xi32>
          %gather3A_250 = tpu.vector_load_idx %arg16[%broadcast_in_dim3A_153, %add3A_249, %broadcast_in_dim3A_226] : memref<2x64x512xf32, #tpu.memory_space<vmem>>[vector<16xi32>, vector<16xi32>, vector<16xi32>], vector<16xf32>,
          %swap3A_251 = arith.index_cast %and3A_221 : i32 to index
          %swap3A_252 = arith.constant 48 : index
          %swap3A_253 = tpu.vector_load %arg19[%swap3A_251, %swap3A_252] {strides = array<i32>} : memref<64x128xf32, #tpu.memory_space<vmem>>, vector<16xf32>,
          tpu.vector_store %arg19[%swap3A_251, %swap3A_252], %gather3A_250 {strides = array<i32>} : memref<64x128xf32, #tpu.memory_space<vmem>>, vector<16xf32>,
          %eq3A_254 = vector.broadcast %and3A_225 : i32 to vector<16xi32>
          %eq3A_255 = arith.cmpi eq, %iota3A, %eq3A_254 : vector<16xi32>
          %eq3A_256 = arith.constant 0 : i32
          %eq3A_257 = arith.cmpi eq, %shift_right_arithmetic3A_223, %eq3A_256 : i32
          %and3A_258 = vector.broadcast %eq3A_257 : i1 to vector<16xi1>
          %and3A_259 = arith.andi %eq3A_255, %and3A_258 : vector<16xi1>
          %broadcast_in_dim3A_260 = vector.broadcast %squeeze3A_218 : i32 to vector<16xi32>
          %select_n3A = arith.select %and3A_259, %broadcast_in_dim3A_260, %while3A_207 : vector<16xi1>, vector<16xi32>
          %eq3A_261 = vector.broadcast %and3A_225 : i32 to vector<16xi32>
          %eq3A_262 = arith.cmpi eq, %iota3A, %eq3A_261 : vector<16xi32>
          %eq3A_263 = arith.constant 1 : i32
          %eq3A_264 = arith.cmpi eq, %shift_right_arithmetic3A_223, %eq3A_263 : i32
          %and3A_265 = vector.broadcast %eq3A_264 : i1 to vector<16xi1>
          %and3A_266 = arith.andi %eq3A_262, %and3A_265 : vector<16xi1>
          %broadcast_in_dim3A_267 = vector.broadcast %squeeze3A_218 : i32 to vector<16xi32>
          %select_n3A_268 = arith.select %and3A_266, %broadcast_in_dim3A_267, %while3A_208 : vector<16xi1>, vector<16xi32>
          %eq3A_269 = vector.broadcast %and3A_225 : i32 to vector<16xi32>
          %eq3A_270 = arith.cmpi eq, %iota3A, %eq3A_269 : vector<16xi32>
          %eq3A_271 = arith.constant 2 : i32
          %eq3A_272 = arith.cmpi eq, %shift_right_arithmetic3A_223, %eq3A_271 : i32
          %and3A_273 = vector.broadcast %eq3A_272 : i1 to vector<16xi1>
          %and3A_274 = arith.andi %eq3A_270, %and3A_273 : vector<16xi1>
          %broadcast_in_dim3A_275 = vector.broadcast %squeeze3A_218 : i32 to vector<16xi32>
          %select_n3A_276 = arith.select %and3A_274, %broadcast_in_dim3A_275, %while3A_209 : vector<16xi1>, vector<16xi32>
          %eq3A_277 = vector.broadcast %and3A_225 : i32 to vector<16xi32>
          %eq3A_278 = arith.cmpi eq, %iota3A, %eq3A_277 : vector<16xi32>
          %eq3A_279 = arith.constant 3 : i32
          %eq3A_280 = arith.cmpi eq, %shift_right_arithmetic3A_223, %eq3A_279 : i32
          %and3A_281 = vector.broadcast %eq3A_280 : i1 to vector<16xi1>
          %and3A_282 = arith.andi %eq3A_278, %and3A_281 : vector<16xi1>
          %broadcast_in_dim3A_283 = vector.broadcast %squeeze3A_218 : i32 to vector<16xi32>
          %select_n3A_284 = arith.select %and3A_282, %broadcast_in_dim3A_283, %while3A_210 : vector<16xi1>, vector<16xi32>
          %eq3A_285 = arith.constant 63 : i32
          %eq3A_286 = arith.cmpi eq, %and3A_221, %eq3A_285 : i32
          %convert_element_type3A_287 = arith.extui %eq3A_286 : i1 to i32
          %cond3A_288 = arith.constant 0 : i32
          %cond3A_289 = arith.cmpi ne, %convert_element_type3A_287, %cond3A_288 : i32
          scf.if %cond3A_289 {
            %swap3A_305 = arith.constant 0 : i32
            %swap3A_306 = arith.index_cast %swap3A_305 : i32 to index
            %swap3A_307 = arith.constant 0 : index
            %swap3A_308 = tpu.vector_load %arg21[%swap3A_306, %swap3A_307] {strides = array<i32>} : memref<1x64xi32, #tpu.memory_space<vmem>>, vector<16xi32>,
            tpu.vector_store %arg21[%swap3A_306, %swap3A_307], %select_n3A {strides = array<i32>} : memref<1x64xi32, #tpu.memory_space<vmem>>, vector<16xi32>,
            %and3A_309 = arith.constant 2047 : i32
            %and3A_310 = vector.broadcast %and3A_309 : i32 to vector<16xi32>
            %and3A_311 = arith.andi %select_n3A, %and3A_310 : vector<16xi32>
            %swap3A_312 = arith.constant 0 : i32
            %swap3A_313 = arith.index_cast %swap3A_312 : i32 to index
            %swap3A_314 = arith.constant 0 : index
            %swap3A_315 = tpu.vector_load %arg22[%swap3A_313, %swap3A_314] {strides = array<i32>} : memref<1x64xi32, #tpu.memory_space<vmem>>, vector<16xi32>,
            tpu.vector_store %arg22[%swap3A_313, %swap3A_314], %and3A_311 {strides = array<i32>} : memref<1x64xi32, #tpu.memory_space<vmem>>, vector<16xi32>,
            %swap3A_316 = arith.constant 0 : i32
            %swap3A_317 = arith.index_cast %swap3A_316 : i32 to index
            %swap3A_318 = arith.constant 16 : index
            %swap3A_319 = tpu.vector_load %arg21[%swap3A_317, %swap3A_318] {strides = array<i32>} : memref<1x64xi32, #tpu.memory_space<vmem>>, vector<16xi32>,
            tpu.vector_store %arg21[%swap3A_317, %swap3A_318], %select_n3A_268 {strides = array<i32>} : memref<1x64xi32, #tpu.memory_space<vmem>>, vector<16xi32>,
            %and3A_320 = arith.constant 2047 : i32
            %and3A_321 = vector.broadcast %and3A_320 : i32 to vector<16xi32>
            %and3A_322 = arith.andi %select_n3A_268, %and3A_321 : vector<16xi32>
            %swap3A_323 = arith.constant 0 : i32
            %swap3A_324 = arith.index_cast %swap3A_323 : i32 to index
            %swap3A_325 = arith.constant 16 : index
            %swap3A_326 = tpu.vector_load %arg22[%swap3A_324, %swap3A_325] {strides = array<i32>} : memref<1x64xi32, #tpu.memory_space<vmem>>, vector<16xi32>,
            tpu.vector_store %arg22[%swap3A_324, %swap3A_325], %and3A_322 {strides = array<i32>} : memref<1x64xi32, #tpu.memory_space<vmem>>, vector<16xi32>,
            %swap3A_327 = arith.constant 0 : i32
            %swap3A_328 = arith.index_cast %swap3A_327 : i32 to index
            %swap3A_329 = arith.constant 32 : index
            %swap3A_330 = tpu.vector_load %arg21[%swap3A_328, %swap3A_329] {strides = array<i32>} : memref<1x64xi32, #tpu.memory_space<vmem>>, vector<16xi32>,
            tpu.vector_store %arg21[%swap3A_328, %swap3A_329], %select_n3A_276 {strides = array<i32>} : memref<1x64xi32, #tpu.memory_space<vmem>>, vector<16xi32>,
            %and3A_331 = arith.constant 2047 : i32
            %and3A_332 = vector.broadcast %and3A_331 : i32 to vector<16xi32>
            %and3A_333 = arith.andi %select_n3A_276, %and3A_332 : vector<16xi32>
            %swap3A_334 = arith.constant 0 : i32
            %swap3A_335 = arith.index_cast %swap3A_334 : i32 to index
            %swap3A_336 = arith.constant 32 : index
            %swap3A_337 = tpu.vector_load %arg22[%swap3A_335, %swap3A_336] {strides = array<i32>} : memref<1x64xi32, #tpu.memory_space<vmem>>, vector<16xi32>,
            tpu.vector_store %arg22[%swap3A_335, %swap3A_336], %and3A_333 {strides = array<i32>} : memref<1x64xi32, #tpu.memory_space<vmem>>, vector<16xi32>,
            %swap3A_338 = arith.constant 0 : i32
            %swap3A_339 = arith.index_cast %swap3A_338 : i32 to index
            %swap3A_340 = arith.constant 48 : index
            %swap3A_341 = tpu.vector_load %arg21[%swap3A_339, %swap3A_340] {strides = array<i32>} : memref<1x64xi32, #tpu.memory_space<vmem>>, vector<16xi32>,
            tpu.vector_store %arg21[%swap3A_339, %swap3A_340], %select_n3A_284 {strides = array<i32>} : memref<1x64xi32, #tpu.memory_space<vmem>>, vector<16xi32>,
            %and3A_342 = arith.constant 2047 : i32
            %and3A_343 = vector.broadcast %and3A_342 : i32 to vector<16xi32>
            %and3A_344 = arith.andi %select_n3A_284, %and3A_343 : vector<16xi32>
            %swap3A_345 = arith.constant 0 : i32
            %swap3A_346 = arith.index_cast %swap3A_345 : i32 to index
            %swap3A_347 = arith.constant 48 : index
            %swap3A_348 = tpu.vector_load %arg22[%swap3A_346, %swap3A_347] {strides = array<i32>} : memref<1x64xi32, #tpu.memory_space<vmem>>, vector<16xi32>,
            tpu.vector_store %arg22[%swap3A_346, %swap3A_347], %and3A_344 {strides = array<i32>} : memref<1x64xi32, #tpu.memory_space<vmem>>, vector<16xi32>,
            %dma_start3A_349 = arith.constant 0 : i32
            %dma_start3A_350 = arith.constant 0 : i32
            %dma_start3A_351 = tpu.memref_slice %arg22[%dma_start3A_349, %dma_start3A_350] : memref<1x64xi32, #tpu.memory_space<vmem>> -> memref<1x64xi32, #tpu.memory_space<vmem>>
            %dma_start3A_352 = tpu.memref_squeeze %dma_start3A_351 : memref<1x64xi32, #tpu.memory_space<vmem>> -> memref<64xi32, #tpu.memory_space<vmem>>
            %dma_start3A_353 = arith.constant 0 : i32
            %dma_start3A_354 = arith.constant 0 : i32
            %dma_start3A_355 = tpu.memref_slice %arg5[%dma_start3A_353, %dma_start3A_354] : memref<2048x128xf32, #tpu.memory_space<hbm>> -> memref<2048x128xf32, #tpu.memory_space<hbm>>
            tpu.enqueue_indirect_dma source(%dma_start3A_355 : memref<2048x128xf32, #tpu.memory_space<hbm>>) target(%arg20 : memref<64x128xf32, #tpu.memory_space<vmem>>) offsets(%dma_start3A_352 : memref<64xi32, #tpu.memory_space<vmem>>) semaphore(%arg24 : memref<!tpu.dma_semaphore, #tpu.memory_space<semaphore_mem>>)
            %dma_wait3A_356 = arith.constant 0 : i32
            %dma_wait3A_357 = arith.constant 0 : i32
            %dma_wait3A_358 = tpu.memref_slice %arg22[%dma_wait3A_356, %dma_wait3A_357] : memref<1x64xi32, #tpu.memory_space<vmem>> -> memref<1x64xi32, #tpu.memory_space<vmem>>
            %dma_wait3A_359 = tpu.memref_squeeze %dma_wait3A_358 : memref<1x64xi32, #tpu.memory_space<vmem>> -> memref<64xi32, #tpu.memory_space<vmem>>
            %dma_wait3A_360 = arith.constant 0 : i32
            %dma_wait3A_361 = arith.constant 0 : i32
            %dma_wait3A_362 = tpu.memref_slice %arg5[%dma_wait3A_360, %dma_wait3A_361] : memref<2048x128xf32, #tpu.memory_space<hbm>> -> memref<2048x128xf32, #tpu.memory_space<hbm>>
            tpu.wait_indirect_dma semaphore(%arg24 : memref<!tpu.dma_semaphore, #tpu.memory_space<semaphore_mem>>) src(%dma_wait3A_362 : memref<2048x128xf32, #tpu.memory_space<hbm>>) dst(%arg20 : memref<64x128xf32, #tpu.memory_space<vmem>>)
            %scan3A_363 = arith.constant 0 : i32
            %scan3A_364 = arith.constant 0 : i32
            %scan3A_365 = arith.constant 64 : i32
            %scan3A_366 = arith.addi %scan3A_364, %scan3A_365 : i32
            %scan3A_367 = arith.constant 1 : i32
            %scan3A_368 = scf.for %scan3A_371 = %scan3A_364 to %scan3A_366 step %scan3A_367 iter_args(%scan3A_372 = %scan3A_363) -> (i32)  : i32 {
              %get3A_373 = arith.index_cast %scan3A_371 : i32 to index
              %get3A_374 = arith.constant 0 : index
              %get3A_375 = tpu.vector_load %arg19[%get3A_373, %get3A_374] {strides = array<i32>} : memref<64x128xf32, #tpu.memory_space<vmem>>, vector<16xf32>,
              %get3A_376 = arith.index_cast %scan3A_371 : i32 to index
              %get3A_377 = arith.constant 0 : index
              %get3A_378 = tpu.vector_load %arg20[%get3A_376, %get3A_377] {strides = array<i32>} : memref<64x128xf32, #tpu.memory_space<vmem>>, vector<16xf32>,
              %add3A_379 = arith.addf %get3A_375, %get3A_378 : vector<16xf32>
              %swap3A_380 = arith.index_cast %scan3A_371 : i32 to index
              %swap3A_381 = arith.constant 0 : index
              %swap3A_382 = tpu.vector_load %arg19[%swap3A_380, %swap3A_381] {strides = array<i32>} : memref<64x128xf32, #tpu.memory_space<vmem>>, vector<16xf32>,
              tpu.vector_store %arg19[%swap3A_380, %swap3A_381], %add3A_379 {strides = array<i32>} : memref<64x128xf32, #tpu.memory_space<vmem>>, vector<16xf32>,
              %get3A_383 = arith.index_cast %scan3A_371 : i32 to index
              %get3A_384 = arith.constant 16 : index
              %get3A_385 = tpu.vector_load %arg19[%get3A_383, %get3A_384] {strides = array<i32>} : memref<64x128xf32, #tpu.memory_space<vmem>>, vector<16xf32>,
              %get3A_386 = arith.index_cast %scan3A_371 : i32 to index
              %get3A_387 = arith.constant 16 : index
              %get3A_388 = tpu.vector_load %arg20[%get3A_386, %get3A_387] {strides = array<i32>} : memref<64x128xf32, #tpu.memory_space<vmem>>, vector<16xf32>,
              %add3A_389 = arith.addf %get3A_385, %get3A_388 : vector<16xf32>
              %swap3A_390 = arith.index_cast %scan3A_371 : i32 to index
              %swap3A_391 = arith.constant 16 : index
              %swap3A_392 = tpu.vector_load %arg19[%swap3A_390, %swap3A_391] {strides = array<i32>} : memref<64x128xf32, #tpu.memory_space<vmem>>, vector<16xf32>,
              tpu.vector_store %arg19[%swap3A_390, %swap3A_391], %add3A_389 {strides = array<i32>} : memref<64x128xf32, #tpu.memory_space<vmem>>, vector<16xf32>,
              %get3A_393 = arith.index_cast %scan3A_371 : i32 to index
              %get3A_394 = arith.constant 32 : index
              %get3A_395 = tpu.vector_load %arg19[%get3A_393, %get3A_394] {strides = array<i32>} : memref<64x128xf32, #tpu.memory_space<vmem>>, vector<16xf32>,
              %get3A_396 = arith.index_cast %scan3A_371 : i32 to index
              %get3A_397 = arith.constant 32 : index
              %get3A_398 = tpu.vector_load %arg20[%get3A_396, %get3A_397] {strides = array<i32>} : memref<64x128xf32, #tpu.memory_space<vmem>>, vector<16xf32>,
              %add3A_399 = arith.addf %get3A_395, %get3A_398 : vector<16xf32>
              %swap3A_400 = arith.index_cast %scan3A_371 : i32 to index
              %swap3A_401 = arith.constant 32 : index
              %swap3A_402 = tpu.vector_load %arg19[%swap3A_400, %swap3A_401] {strides = array<i32>} : memref<64x128xf32, #tpu.memory_space<vmem>>, vector<16xf32>,
              tpu.vector_store %arg19[%swap3A_400, %swap3A_401], %add3A_399 {strides = array<i32>} : memref<64x128xf32, #tpu.memory_space<vmem>>, vector<16xf32>,
              %get3A_403 = arith.index_cast %scan3A_371 : i32 to index
              %get3A_404 = arith.constant 48 : index
              %get3A_405 = tpu.vector_load %arg19[%get3A_403, %get3A_404] {strides = array<i32>} : memref<64x128xf32, #tpu.memory_space<vmem>>, vector<16xf32>,
              %get3A_406 = arith.index_cast %scan3A_371 : i32 to index
              %get3A_407 = arith.constant 48 : index
              %get3A_408 = tpu.vector_load %arg20[%get3A_406, %get3A_407] {strides = array<i32>} : memref<64x128xf32, #tpu.memory_space<vmem>>, vector<16xf32>,
              %add3A_409 = arith.addf %get3A_405, %get3A_408 : vector<16xf32>
              %swap3A_410 = arith.index_cast %scan3A_371 : i32 to index
              %swap3A_411 = arith.constant 48 : index
              %swap3A_412 = tpu.vector_load %arg19[%swap3A_410, %swap3A_411] {strides = array<i32>} : memref<64x128xf32, #tpu.memory_space<vmem>>, vector<16xf32>,
              tpu.vector_store %arg19[%swap3A_410, %swap3A_411], %add3A_409 {strides = array<i32>} : memref<64x128xf32, #tpu.memory_space<vmem>>, vector<16xf32>,
              %scan3A_413 = arith.constant 0 : i32
              scf.yield %scan3A_413 : i32
            }
            %scan3A_369 = arith.constant 64 : i32
            %run_scoped3A_370 = arith.constant 0 : i32
            "tpu.region"() ({
              %run_scoped3A_371 = tpu.sem_alloc : memref<!tpu.dma_semaphore, #tpu.memory_space<semaphore_mem>>
              %dma_start3A_372 = arith.constant 0 : i32
              %dma_start3A_373 = tpu.memref_slice %arg21[%run_scoped3A_370, %dma_start3A_372] : memref<1x64xi32, #tpu.memory_space<vmem>> -> memref<1x64xi32, #tpu.memory_space<vmem>>
              %dma_start3A_374 = tpu.memref_squeeze %dma_start3A_373 : memref<1x64xi32, #tpu.memory_space<vmem>> -> memref<64xi32, #tpu.memory_space<vmem>>
              %dma_start3A_375 = arith.constant 0 : i32
              %dma_start3A_376 = arith.constant 0 : i32
              %dma_start3A_377 = tpu.memref_slice %arg8[%dma_start3A_375, %dma_start3A_376] : memref<8224x128xf32, #tpu.memory_space<hbm>> -> memref<8224x128xf32, #tpu.memory_space<hbm>>
              tpu.enqueue_indirect_dma source(%arg19 : memref<64x128xf32, #tpu.memory_space<vmem>>) target(%dma_start3A_377 : memref<8224x128xf32, #tpu.memory_space<hbm>>) offsets(%dma_start3A_374 : memref<64xi32, #tpu.memory_space<vmem>>) semaphore(%run_scoped3A_371 : memref<!tpu.dma_semaphore, #tpu.memory_space<semaphore_mem>>)
              %dma_wait3A_378 = arith.constant 0 : i32
              %dma_wait3A_379 = tpu.memref_slice %arg21[%run_scoped3A_370, %dma_wait3A_378] : memref<1x64xi32, #tpu.memory_space<vmem>> -> memref<1x64xi32, #tpu.memory_space<vmem>>
              %dma_wait3A_380 = tpu.memref_squeeze %dma_wait3A_379 : memref<1x64xi32, #tpu.memory_space<vmem>> -> memref<64xi32, #tpu.memory_space<vmem>>
              %dma_wait3A_381 = arith.constant 0 : i32
              %dma_wait3A_382 = arith.constant 0 : i32
              %dma_wait3A_383 = tpu.memref_slice %arg8[%dma_wait3A_381, %dma_wait3A_382] : memref<8224x128xf32, #tpu.memory_space<hbm>> -> memref<8224x128xf32, #tpu.memory_space<hbm>>
              tpu.wait_indirect_dma semaphore(%run_scoped3A_371 : memref<!tpu.dma_semaphore, #tpu.memory_space<semaphore_mem>>) src(%arg19 : memref<64x128xf32, #tpu.memory_space<vmem>>) dst(%dma_wait3A_383 : memref<8224x128xf32, #tpu.memory_space<hbm>>)
              tpu.yield
            }) : () -> ()
          } else {
          }
          %broadcast_in_dim3A_290 = vector.broadcast %add3A_40 : i32 to vector<16xi32>
          %eq3A_291 = arith.constant 63 : i32
          %eq3A_292 = arith.cmpi eq, %and3A_221, %eq3A_291 : i32
          %select_n3A_293 = arith.select %eq3A_292, %broadcast_in_dim3A_290, %select_n3A : vector<16xi32>
          %eq3A_294 = arith.constant 63 : i32
          %eq3A_295 = arith.cmpi eq, %and3A_221, %eq3A_294 : i32
          %select_n3A_296 = arith.select %eq3A_295, %broadcast_in_dim3A_290, %select_n3A_268 : vector<16xi32>
          %eq3A_297 = arith.constant 63 : i32
          %eq3A_298 = arith.cmpi eq, %and3A_221, %eq3A_297 : i32
          %select_n3A_299 = arith.select %eq3A_298, %broadcast_in_dim3A_290, %select_n3A_276 : vector<16xi32>
          %eq3A_300 = arith.constant 63 : i32
          %eq3A_301 = arith.cmpi eq, %and3A_221, %eq3A_300 : i32
          %select_n3A_302 = arith.select %eq3A_301, %broadcast_in_dim3A_290, %select_n3A_284 : vector<16xi32>
          %add3A_303 = arith.constant 1 : i32
          %add3A_304 = arith.addi %while3A_206, %add3A_303 : i32
          scf.yield %add3A_304, %select_n3A_293, %select_n3A_296, %select_n3A_299, %select_n3A_302 : i32, vector<16xi32>, vector<16xi32>, vector<16xi32>, vector<16xi32>
        }
        scf.yield %while3A_204#0, %while3A_204#1, %while3A_204#2, %while3A_204#3, %while3A_204#4 : i32, vector<16xi32>, vector<16xi32>, vector<16xi32>, vector<16xi32>
      }
      %while3A_163 = arith.constant 1 : i32
      %while3A_164:5 = scf.for %while3A_165 = %while3A_160 to %while3A_156 step %while3A_163 iter_args(%while3A_166 = %while3A_162#0, %while3A_167 = %while3A_162#1, %while3A_168 = %while3A_162#2, %while3A_169 = %while3A_162#3, %while3A_170 = %while3A_162#4) -> (i32, vector<16xi32>, vector<16xi32>, vector<16xi32>, vector<16xi32>)  : i32 {
        %mul3A_171 = arith.constant 16 : i32
        %mul3A_172 = arith.muli %while3A_165, %mul3A_171 : i32
        %get3A = arith.index_cast %mul3A_172 : i32 to index
        %get3A_173 = tpu.vector_load %arg12[%get3A] {strides = array<i32>} : memref<8208xi32, #tpu.memory_space<vmem>>, vector<16xi32>,
        %mul3A_174 = arith.constant 16 : i32
        %mul3A_175 = arith.muli %while3A_165, %mul3A_174 : i32
        %get3A_176 = arith.index_cast %mul3A_175 : i32 to index
        %get3A_177 = tpu.vector_load %arg13[%get3A_176] {strides = array<i32>} : memref<8208xi32, #tpu.memory_space<vmem>>, vector<16xi32>,
        %mul3A_178 = arith.constant 16 : i32
        %mul3A_179 = arith.muli %while3A_165, %mul3A_178 : i32
        %add3A_180 = vector.broadcast %mul3A_179 : i32 to vector<16xi32>
        %add3A_181 = arith.addi %add3A_180, %iota3A : vector<16xi32>
        %lt3A_182 = vector.broadcast %scan3A_37 : i32 to vector<16xi32>
        %lt3A_183 = arith.cmpi slt, %add3A_181, %lt3A_182 : vector<16xi32>
        %shift_right_arithmetic3A_184 = arith.constant 9 : i32
        %shift_right_arithmetic3A_185 = vector.broadcast %shift_right_arithmetic3A_184 : i32 to vector<16xi32>
        %shift_right_arithmetic3A_186 = arith.shrsi %get3A_173, %shift_right_arithmetic3A_185 : vector<16xi32>
        %eq3A_187 = vector.broadcast %add3A_134 : i32 to vector<16xi32>
        %eq3A_188 = arith.cmpi eq, %shift_right_arithmetic3A_186, %eq3A_187 : vector<16xi32>
        %and3A_189 = arith.andi %lt3A_183, %eq3A_188 : vector<16xi1>
        %swap3A_190 = arith.constant 0 : index
        %swap3A_191 = tpu.vector_load %arg14[%swap3A_190] masked %and3A_189 {strides = array<i32>} : memref<32xi32, #tpu.memory_space<vmem>>, vector<16xi32>, vector<16xi1>
        tpu.vector_store %arg14[%swap3A_190], %get3A_173 masked %and3A_189 {strides = array<i32>} : memref<32xi32, #tpu.memory_space<vmem>>, vector<16xi32>, vector<16xi1>
        %swap3A_192 = arith.constant 0 : index
        %swap3A_193 = tpu.vector_load %arg15[%swap3A_192] masked %and3A_189 {strides = array<i32>} : memref<32xi32, #tpu.memory_space<vmem>>, vector<16xi32>, vector<16xi1>
        tpu.vector_store %arg15[%swap3A_192], %get3A_177 masked %and3A_189 {strides = array<i32>} : memref<32xi32, #tpu.memory_space<vmem>>, vector<16xi32>, vector<16xi1>
        %all_reduce_population_count3A = tpu.all_reduce %and3A_189 {dim = 0 : i64, kind = #tpu.reduction_kind<sum>} : vector<16xi1> -> vector<16xi32>
        %slice3A = vector.extract_strided_slice %all_reduce_population_count3A {offsets = [0], sizes = [1], strides = [1]} : vector<16xi32> to vector<1xi32>
        %squeeze3A = vector.extract %slice3A[0] : i32 from vector<1xi32>
        %while3A_194 = arith.constant 0 : i32
        %while3A_195 = arith.subi %squeeze3A, %while3A_194 : i32
        %while3A_196 = arith.addi %while3A_194, %while3A_195 : i32
        %while3A_197 = arith.constant 1 : i32
        %while3A_198 = arith.divsi %while3A_195, %while3A_197 : i32
        %while3A_199 = arith.muli %while3A_198, %while3A_197 : i32
        %while3A_200 = arith.addi %while3A_194, %while3A_199 : i32
        %while3A_201 = arith.constant 1 : i32
        %while3A_202:5 = scf.for %while3A_205 = %while3A_194 to %while3A_200 step %while3A_201 iter_args(%while3A_206 = %while3A_166, %while3A_207 = %while3A_167, %while3A_208 = %while3A_168, %while3A_209 = %while3A_169, %while3A_210 = %while3A_170) -> (i32, vector<16xi32>, vector<16xi32>, vector<16xi32>, vector<16xi32>)  : i32 {
          %get3A_211 = arith.index_cast %while3A_205 : i32 to index
          %get3A_212 = tpu.vector_load %arg14[%get3A_211] {strides = array<i32>} : memref<32xi32, #tpu.memory_space<vmem>>, vector<16xi32>,
          %slice3A_213 = vector.extract_strided_slice %get3A_212 {offsets = [0], sizes = [1], strides = [1]} : vector<16xi32> to vector<1xi32>
          %squeeze3A_214 = vector.extract %slice3A_213[0] : i32 from vector<1xi32>
          %get3A_215 = arith.index_cast %while3A_205 : i32 to index
          %get3A_216 = tpu.vector_load %arg15[%get3A_215] {strides = array<i32>} : memref<32xi32, #tpu.memory_space<vmem>>, vector<16xi32>,
          %slice3A_217 = vector.extract_strided_slice %get3A_216 {offsets = [0], sizes = [1], strides = [1]} : vector<16xi32> to vector<1xi32>
          %squeeze3A_218 = vector.extract %slice3A_217[0] : i32 from vector<1xi32>
          %sub3A_219 = arith.subi %squeeze3A_214, %mul3A_136 : i32
          %and3A_220 = arith.constant 63 : i32
          %and3A_221 = arith.andi %while3A_206, %and3A_220 : i32
          %shift_right_arithmetic3A_222 = arith.constant 4 : i32
          %shift_right_arithmetic3A_223 = arith.shrsi %and3A_221, %shift_right_arithmetic3A_222 : i32
          %and3A_224 = arith.constant 15 : i32
          %and3A_225 = arith.andi %and3A_221, %and3A_224 : i32
          %broadcast_in_dim3A_226 = vector.broadcast %sub3A_219 : i32 to vector<16xi32>
          %add3A_227 = arith.constant 0 : i32
          %add3A_228 = vector.broadcast %add3A_227 : i32 to vector<16xi32>
          %add3A_229 = arith.addi %iota3A, %add3A_228 : vector<16xi32>
          %gather3A = tpu.vector_load_idx %arg16[%broadcast_in_dim3A_153, %add3A_229, %broadcast_in_dim3A_226] : memref<2x64x512xf32, #tpu.memory_space<vmem>>[vector<16xi32>, vector<16xi32>, vector<16xi32>], vector<16xf32>,
          %swap3A_230 = arith.index_cast %and3A_221 : i32 to index
          %swap3A_231 = arith.constant 0 : index
          %swap3A_232 = tpu.vector_load %arg19[%swap3A_230, %swap3A_231] {strides = array<i32>} : memref<64x128xf32, #tpu.memory_space<vmem>>, vector<16xf32>,
          tpu.vector_store %arg19[%swap3A_230, %swap3A_231], %gather3A {strides = array<i32>} : memref<64x128xf32, #tpu.memory_space<vmem>>, vector<16xf32>,
          %add3A_233 = arith.constant 16 : i32
          %add3A_234 = vector.broadcast %add3A_233 : i32 to vector<16xi32>
          %add3A_235 = arith.addi %iota3A, %add3A_234 : vector<16xi32>
          %gather3A_236 = tpu.vector_load_idx %arg16[%broadcast_in_dim3A_153, %add3A_235, %broadcast_in_dim3A_226] : memref<2x64x512xf32, #tpu.memory_space<vmem>>[vector<16xi32>, vector<16xi32>, vector<16xi32>], vector<16xf32>,
          %swap3A_237 = arith.index_cast %and3A_221 : i32 to index
          %swap3A_238 = arith.constant 16 : index
          %swap3A_239 = tpu.vector_load %arg19[%swap3A_237, %swap3A_238] {strides = array<i32>} : memref<64x128xf32, #tpu.memory_space<vmem>>, vector<16xf32>,
          tpu.vector_store %arg19[%swap3A_237, %swap3A_238], %gather3A_236 {strides = array<i32>} : memref<64x128xf32, #tpu.memory_space<vmem>>, vector<16xf32>,
          %add3A_240 = arith.constant 32 : i32
          %add3A_241 = vector.broadcast %add3A_240 : i32 to vector<16xi32>
          %add3A_242 = arith.addi %iota3A, %add3A_241 : vector<16xi32>
          %gather3A_243 = tpu.vector_load_idx %arg16[%broadcast_in_dim3A_153, %add3A_242, %broadcast_in_dim3A_226] : memref<2x64x512xf32, #tpu.memory_space<vmem>>[vector<16xi32>, vector<16xi32>, vector<16xi32>], vector<16xf32>,
          %swap3A_244 = arith.index_cast %and3A_221 : i32 to index
          %swap3A_245 = arith.constant 32 : index
          %swap3A_246 = tpu.vector_load %arg19[%swap3A_244, %swap3A_245] {strides = array<i32>} : memref<64x128xf32, #tpu.memory_space<vmem>>, vector<16xf32>,
          tpu.vector_store %arg19[%swap3A_244, %swap3A_245], %gather3A_243 {strides = array<i32>} : memref<64x128xf32, #tpu.memory_space<vmem>>, vector<16xf32>,
          %add3A_247 = arith.constant 48 : i32
          %add3A_248 = vector.broadcast %add3A_247 : i32 to vector<16xi32>
          %add3A_249 = arith.addi %iota3A, %add3A_248 : vector<16xi32>
          %gather3A_250 = tpu.vector_load_idx %arg16[%broadcast_in_dim3A_153, %add3A_249, %broadcast_in_dim3A_226] : memref<2x64x512xf32, #tpu.memory_space<vmem>>[vector<16xi32>, vector<16xi32>, vector<16xi32>], vector<16xf32>,
          %swap3A_251 = arith.index_cast %and3A_221 : i32 to index
          %swap3A_252 = arith.constant 48 : index
          %swap3A_253 = tpu.vector_load %arg19[%swap3A_251, %swap3A_252] {strides = array<i32>} : memref<64x128xf32, #tpu.memory_space<vmem>>, vector<16xf32>,
          tpu.vector_store %arg19[%swap3A_251, %swap3A_252], %gather3A_250 {strides = array<i32>} : memref<64x128xf32, #tpu.memory_space<vmem>>, vector<16xf32>,
          %eq3A_254 = vector.broadcast %and3A_225 : i32 to vector<16xi32>
          %eq3A_255 = arith.cmpi eq, %iota3A, %eq3A_254 : vector<16xi32>
          %eq3A_256 = arith.constant 0 : i32
          %eq3A_257 = arith.cmpi eq, %shift_right_arithmetic3A_223, %eq3A_256 : i32
          %and3A_258 = vector.broadcast %eq3A_257 : i1 to vector<16xi1>
          %and3A_259 = arith.andi %eq3A_255, %and3A_258 : vector<16xi1>
          %broadcast_in_dim3A_260 = vector.broadcast %squeeze3A_218 : i32 to vector<16xi32>
          %select_n3A = arith.select %and3A_259, %broadcast_in_dim3A_260, %while3A_207 : vector<16xi1>, vector<16xi32>
          %eq3A_261 = vector.broadcast %and3A_225 : i32 to vector<16xi32>
          %eq3A_262 = arith.cmpi eq, %iota3A, %eq3A_261 : vector<16xi32>
          %eq3A_263 = arith.constant 1 : i32
          %eq3A_264 = arith.cmpi eq, %shift_right_arithmetic3A_223, %eq3A_263 : i32
          %and3A_265 = vector.broadcast %eq3A_264 : i1 to vector<16xi1>
          %and3A_266 = arith.andi %eq3A_262, %and3A_265 : vector<16xi1>
          %broadcast_in_dim3A_267 = vector.broadcast %squeeze3A_218 : i32 to vector<16xi32>
          %select_n3A_268 = arith.select %and3A_266, %broadcast_in_dim3A_267, %while3A_208 : vector<16xi1>, vector<16xi32>
          %eq3A_269 = vector.broadcast %and3A_225 : i32 to vector<16xi32>
          %eq3A_270 = arith.cmpi eq, %iota3A, %eq3A_269 : vector<16xi32>
          %eq3A_271 = arith.constant 2 : i32
          %eq3A_272 = arith.cmpi eq, %shift_right_arithmetic3A_223, %eq3A_271 : i32
          %and3A_273 = vector.broadcast %eq3A_272 : i1 to vector<16xi1>
          %and3A_274 = arith.andi %eq3A_270, %and3A_273 : vector<16xi1>
          %broadcast_in_dim3A_275 = vector.broadcast %squeeze3A_218 : i32 to vector<16xi32>
          %select_n3A_276 = arith.select %and3A_274, %broadcast_in_dim3A_275, %while3A_209 : vector<16xi1>, vector<16xi32>
          %eq3A_277 = vector.broadcast %and3A_225 : i32 to vector<16xi32>
          %eq3A_278 = arith.cmpi eq, %iota3A, %eq3A_277 : vector<16xi32>
          %eq3A_279 = arith.constant 3 : i32
          %eq3A_280 = arith.cmpi eq, %shift_right_arithmetic3A_223, %eq3A_279 : i32
          %and3A_281 = vector.broadcast %eq3A_280 : i1 to vector<16xi1>
          %and3A_282 = arith.andi %eq3A_278, %and3A_281 : vector<16xi1>
          %broadcast_in_dim3A_283 = vector.broadcast %squeeze3A_218 : i32 to vector<16xi32>
          %select_n3A_284 = arith.select %and3A_282, %broadcast_in_dim3A_283, %while3A_210 : vector<16xi1>, vector<16xi32>
          %eq3A_285 = arith.constant 63 : i32
          %eq3A_286 = arith.cmpi eq, %and3A_221, %eq3A_285 : i32
          %convert_element_type3A_287 = arith.extui %eq3A_286 : i1 to i32
          %cond3A_288 = arith.constant 0 : i32
          %cond3A_289 = arith.cmpi ne, %convert_element_type3A_287, %cond3A_288 : i32
          scf.if %cond3A_289 {
            %swap3A_305 = arith.constant 0 : i32
            %swap3A_306 = arith.index_cast %swap3A_305 : i32 to index
            %swap3A_307 = arith.constant 0 : index
            %swap3A_308 = tpu.vector_load %arg21[%swap3A_306, %swap3A_307] {strides = array<i32>} : memref<1x64xi32, #tpu.memory_space<vmem>>, vector<16xi32>,
            tpu.vector_store %arg21[%swap3A_306, %swap3A_307], %select_n3A {strides = array<i32>} : memref<1x64xi32, #tpu.memory_space<vmem>>, vector<16xi32>,
            %and3A_309 = arith.constant 2047 : i32
            %and3A_310 = vector.broadcast %and3A_309 : i32 to vector<16xi32>
            %and3A_311 = arith.andi %select_n3A, %and3A_310 : vector<16xi32>
            %swap3A_312 = arith.constant 0 : i32
            %swap3A_313 = arith.index_cast %swap3A_312 : i32 to index
            %swap3A_314 = arith.constant 0 : index
            %swap3A_315 = tpu.vector_load %arg22[%swap3A_313, %swap3A_314] {strides = array<i32>} : memref<1x64xi32, #tpu.memory_space<vmem>>, vector<16xi32>,
            tpu.vector_store %arg22[%swap3A_313, %swap3A_314], %and3A_311 {strides = array<i32>} : memref<1x64xi32, #tpu.memory_space<vmem>>, vector<16xi32>,
            %swap3A_316 = arith.constant 0 : i32
            %swap3A_317 = arith.index_cast %swap3A_316 : i32 to index
            %swap3A_318 = arith.constant 16 : index
            %swap3A_319 = tpu.vector_load %arg21[%swap3A_317, %swap3A_318] {strides = array<i32>} : memref<1x64xi32, #tpu.memory_space<vmem>>, vector<16xi32>,
            tpu.vector_store %arg21[%swap3A_317, %swap3A_318], %select_n3A_268 {strides = array<i32>} : memref<1x64xi32, #tpu.memory_space<vmem>>, vector<16xi32>,
            %and3A_320 = arith.constant 2047 : i32
            %and3A_321 = vector.broadcast %and3A_320 : i32 to vector<16xi32>
            %and3A_322 = arith.andi %select_n3A_268, %and3A_321 : vector<16xi32>
            %swap3A_323 = arith.constant 0 : i32
            %swap3A_324 = arith.index_cast %swap3A_323 : i32 to index
            %swap3A_325 = arith.constant 16 : index
            %swap3A_326 = tpu.vector_load %arg22[%swap3A_324, %swap3A_325] {strides = array<i32>} : memref<1x64xi32, #tpu.memory_space<vmem>>, vector<16xi32>,
            tpu.vector_store %arg22[%swap3A_324, %swap3A_325], %and3A_322 {strides = array<i32>} : memref<1x64xi32, #tpu.memory_space<vmem>>, vector<16xi32>,
            %swap3A_327 = arith.constant 0 : i32
            %swap3A_328 = arith.index_cast %swap3A_327 : i32 to index
            %swap3A_329 = arith.constant 32 : index
            %swap3A_330 = tpu.vector_load %arg21[%swap3A_328, %swap3A_329] {strides = array<i32>} : memref<1x64xi32, #tpu.memory_space<vmem>>, vector<16xi32>,
            tpu.vector_store %arg21[%swap3A_328, %swap3A_329], %select_n3A_276 {strides = array<i32>} : memref<1x64xi32, #tpu.memory_space<vmem>>, vector<16xi32>,
            %and3A_331 = arith.constant 2047 : i32
            %and3A_332 = vector.broadcast %and3A_331 : i32 to vector<16xi32>
            %and3A_333 = arith.andi %select_n3A_276, %and3A_332 : vector<16xi32>
            %swap3A_334 = arith.constant 0 : i32
            %swap3A_335 = arith.index_cast %swap3A_334 : i32 to index
            %swap3A_336 = arith.constant 32 : index
            %swap3A_337 = tpu.vector_load %arg22[%swap3A_335, %swap3A_336] {strides = array<i32>} : memref<1x64xi32, #tpu.memory_space<vmem>>, vector<16xi32>,
            tpu.vector_store %arg22[%swap3A_335, %swap3A_336], %and3A_333 {strides = array<i32>} : memref<1x64xi32, #tpu.memory_space<vmem>>, vector<16xi32>,
            %swap3A_338 = arith.constant 0 : i32
            %swap3A_339 = arith.index_cast %swap3A_338 : i32 to index
            %swap3A_340 = arith.constant 48 : index
            %swap3A_341 = tpu.vector_load %arg21[%swap3A_339, %swap3A_340] {strides = array<i32>} : memref<1x64xi32, #tpu.memory_space<vmem>>, vector<16xi32>,
            tpu.vector_store %arg21[%swap3A_339, %swap3A_340], %select_n3A_284 {strides = array<i32>} : memref<1x64xi32, #tpu.memory_space<vmem>>, vector<16xi32>,
            %and3A_342 = arith.constant 2047 : i32
            %and3A_343 = vector.broadcast %and3A_342 : i32 to vector<16xi32>
            %and3A_344 = arith.andi %select_n3A_284, %and3A_343 : vector<16xi32>
            %swap3A_345 = arith.constant 0 : i32
            %swap3A_346 = arith.index_cast %swap3A_345 : i32 to index
            %swap3A_347 = arith.constant 48 : index
            %swap3A_348 = tpu.vector_load %arg22[%swap3A_346, %swap3A_347] {strides = array<i32>} : memref<1x64xi32, #tpu.memory_space<vmem>>, vector<16xi32>,
            tpu.vector_store %arg22[%swap3A_346, %swap3A_347], %and3A_344 {strides = array<i32>} : memref<1x64xi32, #tpu.memory_space<vmem>>, vector<16xi32>,
            %dma_start3A_349 = arith.constant 0 : i32
            %dma_start3A_350 = arith.constant 0 : i32
            %dma_start3A_351 = tpu.memref_slice %arg22[%dma_start3A_349, %dma_start3A_350] : memref<1x64xi32, #tpu.memory_space<vmem>> -> memref<1x64xi32, #tpu.memory_space<vmem>>
            %dma_start3A_352 = tpu.memref_squeeze %dma_start3A_351 : memref<1x64xi32, #tpu.memory_space<vmem>> -> memref<64xi32, #tpu.memory_space<vmem>>
            %dma_start3A_353 = arith.constant 0 : i32
            %dma_start3A_354 = arith.constant 0 : i32
            %dma_start3A_355 = tpu.memref_slice %arg5[%dma_start3A_353, %dma_start3A_354] : memref<2048x128xf32, #tpu.memory_space<hbm>> -> memref<2048x128xf32, #tpu.memory_space<hbm>>
            tpu.enqueue_indirect_dma source(%dma_start3A_355 : memref<2048x128xf32, #tpu.memory_space<hbm>>) target(%arg20 : memref<64x128xf32, #tpu.memory_space<vmem>>) offsets(%dma_start3A_352 : memref<64xi32, #tpu.memory_space<vmem>>) semaphore(%arg24 : memref<!tpu.dma_semaphore, #tpu.memory_space<semaphore_mem>>)
            %dma_wait3A_356 = arith.constant 0 : i32
            %dma_wait3A_357 = arith.constant 0 : i32
            %dma_wait3A_358 = tpu.memref_slice %arg22[%dma_wait3A_356, %dma_wait3A_357] : memref<1x64xi32, #tpu.memory_space<vmem>> -> memref<1x64xi32, #tpu.memory_space<vmem>>
            %dma_wait3A_359 = tpu.memref_squeeze %dma_wait3A_358 : memref<1x64xi32, #tpu.memory_space<vmem>> -> memref<64xi32, #tpu.memory_space<vmem>>
            %dma_wait3A_360 = arith.constant 0 : i32
            %dma_wait3A_361 = arith.constant 0 : i32
            %dma_wait3A_362 = tpu.memref_slice %arg5[%dma_wait3A_360, %dma_wait3A_361] : memref<2048x128xf32, #tpu.memory_space<hbm>> -> memref<2048x128xf32, #tpu.memory_space<hbm>>
            tpu.wait_indirect_dma semaphore(%arg24 : memref<!tpu.dma_semaphore, #tpu.memory_space<semaphore_mem>>) src(%dma_wait3A_362 : memref<2048x128xf32, #tpu.memory_space<hbm>>) dst(%arg20 : memref<64x128xf32, #tpu.memory_space<vmem>>)
            %scan3A_363 = arith.constant 0 : i32
            %scan3A_364 = arith.constant 0 : i32
            %scan3A_365 = arith.constant 64 : i32
            %scan3A_366 = arith.addi %scan3A_364, %scan3A_365 : i32
            %scan3A_367 = arith.constant 1 : i32
            %scan3A_368 = scf.for %scan3A_371 = %scan3A_364 to %scan3A_366 step %scan3A_367 iter_args(%scan3A_372 = %scan3A_363) -> (i32)  : i32 {
              %get3A_373 = arith.index_cast %scan3A_371 : i32 to index
              %get3A_374 = arith.constant 0 : index
              %get3A_375 = tpu.vector_load %arg19[%get3A_373, %get3A_374] {strides = array<i32>} : memref<64x128xf32, #tpu.memory_space<vmem>>, vector<16xf32>,
              %get3A_376 = arith.index_cast %scan3A_371 : i32 to index
              %get3A_377 = arith.constant 0 : index
              %get3A_378 = tpu.vector_load %arg20[%get3A_376, %get3A_377] {strides = array<i32>} : memref<64x128xf32, #tpu.memory_space<vmem>>, vector<16xf32>,
              %add3A_379 = arith.addf %get3A_375, %get3A_378 : vector<16xf32>
              %swap3A_380 = arith.index_cast %scan3A_371 : i32 to index
              %swap3A_381 = arith.constant 0 : index
              %swap3A_382 = tpu.vector_load %arg19[%swap3A_380, %swap3A_381] {strides = array<i32>} : memref<64x128xf32, #tpu.memory_space<vmem>>, vector<16xf32>,
              tpu.vector_store %arg19[%swap3A_380, %swap3A_381], %add3A_379 {strides = array<i32>} : memref<64x128xf32, #tpu.memory_space<vmem>>, vector<16xf32>,
              %get3A_383 = arith.index_cast %scan3A_371 : i32 to index
              %get3A_384 = arith.constant 16 : index
              %get3A_385 = tpu.vector_load %arg19[%get3A_383, %get3A_384] {strides = array<i32>} : memref<64x128xf32, #tpu.memory_space<vmem>>, vector<16xf32>,
              %get3A_386 = arith.index_cast %scan3A_371 : i32 to index
              %get3A_387 = arith.constant 16 : index
              %get3A_388 = tpu.vector_load %arg20[%get3A_386, %get3A_387] {strides = array<i32>} : memref<64x128xf32, #tpu.memory_space<vmem>>, vector<16xf32>,
              %add3A_389 = arith.addf %get3A_385, %get3A_388 : vector<16xf32>
              %swap3A_390 = arith.index_cast %scan3A_371 : i32 to index
              %swap3A_391 = arith.constant 16 : index
              %swap3A_392 = tpu.vector_load %arg19[%swap3A_390, %swap3A_391] {strides = array<i32>} : memref<64x128xf32, #tpu.memory_space<vmem>>, vector<16xf32>,
              tpu.vector_store %arg19[%swap3A_390, %swap3A_391], %add3A_389 {strides = array<i32>} : memref<64x128xf32, #tpu.memory_space<vmem>>, vector<16xf32>,
              %get3A_393 = arith.index_cast %scan3A_371 : i32 to index
              %get3A_394 = arith.constant 32 : index
              %get3A_395 = tpu.vector_load %arg19[%get3A_393, %get3A_394] {strides = array<i32>} : memref<64x128xf32, #tpu.memory_space<vmem>>, vector<16xf32>,
              %get3A_396 = arith.index_cast %scan3A_371 : i32 to index
              %get3A_397 = arith.constant 32 : index
              %get3A_398 = tpu.vector_load %arg20[%get3A_396, %get3A_397] {strides = array<i32>} : memref<64x128xf32, #tpu.memory_space<vmem>>, vector<16xf32>,
              %add3A_399 = arith.addf %get3A_395, %get3A_398 : vector<16xf32>
              %swap3A_400 = arith.index_cast %scan3A_371 : i32 to index
              %swap3A_401 = arith.constant 32 : index
              %swap3A_402 = tpu.vector_load %arg19[%swap3A_400, %swap3A_401] {strides = array<i32>} : memref<64x128xf32, #tpu.memory_space<vmem>>, vector<16xf32>,
              tpu.vector_store %arg19[%swap3A_400, %swap3A_401], %add3A_399 {strides = array<i32>} : memref<64x128xf32, #tpu.memory_space<vmem>>, vector<16xf32>,
              %get3A_403 = arith.index_cast %scan3A_371 : i32 to index
              %get3A_404 = arith.constant 48 : index
              %get3A_405 = tpu.vector_load %arg19[%get3A_403, %get3A_404] {strides = array<i32>} : memref<64x128xf32, #tpu.memory_space<vmem>>, vector<16xf32>,
              %get3A_406 = arith.index_cast %scan3A_371 : i32 to index
              %get3A_407 = arith.constant 48 : index
              %get3A_408 = tpu.vector_load %arg20[%get3A_406, %get3A_407] {strides = array<i32>} : memref<64x128xf32, #tpu.memory_space<vmem>>, vector<16xf32>,
              %add3A_409 = arith.addf %get3A_405, %get3A_408 : vector<16xf32>
              %swap3A_410 = arith.index_cast %scan3A_371 : i32 to index
              %swap3A_411 = arith.constant 48 : index
              %swap3A_412 = tpu.vector_load %arg19[%swap3A_410, %swap3A_411] {strides = array<i32>} : memref<64x128xf32, #tpu.memory_space<vmem>>, vector<16xf32>,
              tpu.vector_store %arg19[%swap3A_410, %swap3A_411], %add3A_409 {strides = array<i32>} : memref<64x128xf32, #tpu.memory_space<vmem>>, vector<16xf32>,
              %scan3A_413 = arith.constant 0 : i32
              scf.yield %scan3A_413 : i32
            }
            %scan3A_369 = arith.constant 64 : i32
            %run_scoped3A_370 = arith.constant 0 : i32
            "tpu.region"() ({
              %run_scoped3A_371 = tpu.sem_alloc : memref<!tpu.dma_semaphore, #tpu.memory_space<semaphore_mem>>
              %dma_start3A_372 = arith.constant 0 : i32
              %dma_start3A_373 = tpu.memref_slice %arg21[%run_scoped3A_370, %dma_start3A_372] : memref<1x64xi32, #tpu.memory_space<vmem>> -> memref<1x64xi32, #tpu.memory_space<vmem>>
              %dma_start3A_374 = tpu.memref_squeeze %dma_start3A_373 : memref<1x64xi32, #tpu.memory_space<vmem>> -> memref<64xi32, #tpu.memory_space<vmem>>
              %dma_start3A_375 = arith.constant 0 : i32
              %dma_start3A_376 = arith.constant 0 : i32
              %dma_start3A_377 = tpu.memref_slice %arg8[%dma_start3A_375, %dma_start3A_376] : memref<8224x128xf32, #tpu.memory_space<hbm>> -> memref<8224x128xf32, #tpu.memory_space<hbm>>
              tpu.enqueue_indirect_dma source(%arg19 : memref<64x128xf32, #tpu.memory_space<vmem>>) target(%dma_start3A_377 : memref<8224x128xf32, #tpu.memory_space<hbm>>) offsets(%dma_start3A_374 : memref<64xi32, #tpu.memory_space<vmem>>) semaphore(%run_scoped3A_371 : memref<!tpu.dma_semaphore, #tpu.memory_space<semaphore_mem>>)
              %dma_wait3A_378 = arith.constant 0 : i32
              %dma_wait3A_379 = tpu.memref_slice %arg21[%run_scoped3A_370, %dma_wait3A_378] : memref<1x64xi32, #tpu.memory_space<vmem>> -> memref<1x64xi32, #tpu.memory_space<vmem>>
              %dma_wait3A_380 = tpu.memref_squeeze %dma_wait3A_379 : memref<1x64xi32, #tpu.memory_space<vmem>> -> memref<64xi32, #tpu.memory_space<vmem>>
              %dma_wait3A_381 = arith.constant 0 : i32
              %dma_wait3A_382 = arith.constant 0 : i32
              %dma_wait3A_383 = tpu.memref_slice %arg8[%dma_wait3A_381, %dma_wait3A_382] : memref<8224x128xf32, #tpu.memory_space<hbm>> -> memref<8224x128xf32, #tpu.memory_space<hbm>>
              tpu.wait_indirect_dma semaphore(%run_scoped3A_371 : memref<!tpu.dma_semaphore, #tpu.memory_space<semaphore_mem>>) src(%arg19 : memref<64x128xf32, #tpu.memory_space<vmem>>) dst(%dma_wait3A_383 : memref<8224x128xf32, #tpu.memory_space<hbm>>)
              tpu.yield
            }) : () -> ()
          } else {
          }
          %broadcast_in_dim3A_290 = vector.broadcast %add3A_40 : i32 to vector<16xi32>
          %eq3A_291 = arith.constant 63 : i32
          %eq3A_292 = arith.cmpi eq, %and3A_221, %eq3A_291 : i32
          %select_n3A_293 = arith.select %eq3A_292, %broadcast_in_dim3A_290, %select_n3A : vector<16xi32>
          %eq3A_294 = arith.constant 63 : i32
          %eq3A_295 = arith.cmpi eq, %and3A_221, %eq3A_294 : i32
          %select_n3A_296 = arith.select %eq3A_295, %broadcast_in_dim3A_290, %select_n3A_268 : vector<16xi32>
          %eq3A_297 = arith.constant 63 : i32
          %eq3A_298 = arith.cmpi eq, %and3A_221, %eq3A_297 : i32
          %select_n3A_299 = arith.select %eq3A_298, %broadcast_in_dim3A_290, %select_n3A_276 : vector<16xi32>
          %eq3A_300 = arith.constant 63 : i32
          %eq3A_301 = arith.cmpi eq, %and3A_221, %eq3A_300 : i32
          %select_n3A_302 = arith.select %eq3A_301, %broadcast_in_dim3A_290, %select_n3A_284 : vector<16xi32>
          %add3A_303 = arith.constant 1 : i32
          %add3A_304 = arith.addi %while3A_206, %add3A_303 : i32
          scf.yield %add3A_304, %select_n3A_293, %select_n3A_296, %select_n3A_299, %select_n3A_302 : i32, vector<16xi32>, vector<16xi32>, vector<16xi32>, vector<16xi32>
        }
        %while3A_203 = arith.constant 1 : i32
        %while3A_204:5 = scf.for %while3A_205 = %while3A_200 to %while3A_196 step %while3A_203 iter_args(%while3A_206 = %while3A_202#0, %while3A_207 = %while3A_202#1, %while3A_208 = %while3A_202#2, %while3A_209 = %while3A_202#3, %while3A_210 = %while3A_202#4) -> (i32, vector<16xi32>, vector<16xi32>, vector<16xi32>, vector<16xi32>)  : i32 {
          %get3A_211 = arith.index_cast %while3A_205 : i32 to index
          %get3A_212 = tpu.vector_load %arg14[%get3A_211] {strides = array<i32>} : memref<32xi32, #tpu.memory_space<vmem>>, vector<16xi32>,
          %slice3A_213 = vector.extract_strided_slice %get3A_212 {offsets = [0], sizes = [1], strides = [1]} : vector<16xi32> to vector<1xi32>
          %squeeze3A_214 = vector.extract %slice3A_213[0] : i32 from vector<1xi32>
          %get3A_215 = arith.index_cast %while3A_205 : i32 to index
          %get3A_216 = tpu.vector_load %arg15[%get3A_215] {strides = array<i32>} : memref<32xi32, #tpu.memory_space<vmem>>, vector<16xi32>,
          %slice3A_217 = vector.extract_strided_slice %get3A_216 {offsets = [0], sizes = [1], strides = [1]} : vector<16xi32> to vector<1xi32>
          %squeeze3A_218 = vector.extract %slice3A_217[0] : i32 from vector<1xi32>
          %sub3A_219 = arith.subi %squeeze3A_214, %mul3A_136 : i32
          %and3A_220 = arith.constant 63 : i32
          %and3A_221 = arith.andi %while3A_206, %and3A_220 : i32
          %shift_right_arithmetic3A_222 = arith.constant 4 : i32
          %shift_right_arithmetic3A_223 = arith.shrsi %and3A_221, %shift_right_arithmetic3A_222 : i32
          %and3A_224 = arith.constant 15 : i32
          %and3A_225 = arith.andi %and3A_221, %and3A_224 : i32
          %broadcast_in_dim3A_226 = vector.broadcast %sub3A_219 : i32 to vector<16xi32>
          %add3A_227 = arith.constant 0 : i32
          %add3A_228 = vector.broadcast %add3A_227 : i32 to vector<16xi32>
          %add3A_229 = arith.addi %iota3A, %add3A_228 : vector<16xi32>
          %gather3A = tpu.vector_load_idx %arg16[%broadcast_in_dim3A_153, %add3A_229, %broadcast_in_dim3A_226] : memref<2x64x512xf32, #tpu.memory_space<vmem>>[vector<16xi32>, vector<16xi32>, vector<16xi32>], vector<16xf32>,
          %swap3A_230 = arith.index_cast %and3A_221 : i32 to index
          %swap3A_231 = arith.constant 0 : index
          %swap3A_232 = tpu.vector_load %arg19[%swap3A_230, %swap3A_231] {strides = array<i32>} : memref<64x128xf32, #tpu.memory_space<vmem>>, vector<16xf32>,
          tpu.vector_store %arg19[%swap3A_230, %swap3A_231], %gather3A {strides = array<i32>} : memref<64x128xf32, #tpu.memory_space<vmem>>, vector<16xf32>,
          %add3A_233 = arith.constant 16 : i32
          %add3A_234 = vector.broadcast %add3A_233 : i32 to vector<16xi32>
          %add3A_235 = arith.addi %iota3A, %add3A_234 : vector<16xi32>
          %gather3A_236 = tpu.vector_load_idx %arg16[%broadcast_in_dim3A_153, %add3A_235, %broadcast_in_dim3A_226] : memref<2x64x512xf32, #tpu.memory_space<vmem>>[vector<16xi32>, vector<16xi32>, vector<16xi32>], vector<16xf32>,
          %swap3A_237 = arith.index_cast %and3A_221 : i32 to index
          %swap3A_238 = arith.constant 16 : index
          %swap3A_239 = tpu.vector_load %arg19[%swap3A_237, %swap3A_238] {strides = array<i32>} : memref<64x128xf32, #tpu.memory_space<vmem>>, vector<16xf32>,
          tpu.vector_store %arg19[%swap3A_237, %swap3A_238], %gather3A_236 {strides = array<i32>} : memref<64x128xf32, #tpu.memory_space<vmem>>, vector<16xf32>,
          %add3A_240 = arith.constant 32 : i32
          %add3A_241 = vector.broadcast %add3A_240 : i32 to vector<16xi32>
          %add3A_242 = arith.addi %iota3A, %add3A_241 : vector<16xi32>
          %gather3A_243 = tpu.vector_load_idx %arg16[%broadcast_in_dim3A_153, %add3A_242, %broadcast_in_dim3A_226] : memref<2x64x512xf32, #tpu.memory_space<vmem>>[vector<16xi32>, vector<16xi32>, vector<16xi32>], vector<16xf32>,
          %swap3A_244 = arith.index_cast %and3A_221 : i32 to index
          %swap3A_245 = arith.constant 32 : index
          %swap3A_246 = tpu.vector_load %arg19[%swap3A_244, %swap3A_245] {strides = array<i32>} : memref<64x128xf32, #tpu.memory_space<vmem>>, vector<16xf32>,
          tpu.vector_store %arg19[%swap3A_244, %swap3A_245], %gather3A_243 {strides = array<i32>} : memref<64x128xf32, #tpu.memory_space<vmem>>, vector<16xf32>,
          %add3A_247 = arith.constant 48 : i32
          %add3A_248 = vector.broadcast %add3A_247 : i32 to vector<16xi32>
          %add3A_249 = arith.addi %iota3A, %add3A_248 : vector<16xi32>
          %gather3A_250 = tpu.vector_load_idx %arg16[%broadcast_in_dim3A_153, %add3A_249, %broadcast_in_dim3A_226] : memref<2x64x512xf32, #tpu.memory_space<vmem>>[vector<16xi32>, vector<16xi32>, vector<16xi32>], vector<16xf32>,
          %swap3A_251 = arith.index_cast %and3A_221 : i32 to index
          %swap3A_252 = arith.constant 48 : index
          %swap3A_253 = tpu.vector_load %arg19[%swap3A_251, %swap3A_252] {strides = array<i32>} : memref<64x128xf32, #tpu.memory_space<vmem>>, vector<16xf32>,
          tpu.vector_store %arg19[%swap3A_251, %swap3A_252], %gather3A_250 {strides = array<i32>} : memref<64x128xf32, #tpu.memory_space<vmem>>, vector<16xf32>,
          %eq3A_254 = vector.broadcast %and3A_225 : i32 to vector<16xi32>
          %eq3A_255 = arith.cmpi eq, %iota3A, %eq3A_254 : vector<16xi32>
          %eq3A_256 = arith.constant 0 : i32
          %eq3A_257 = arith.cmpi eq, %shift_right_arithmetic3A_223, %eq3A_256 : i32
          %and3A_258 = vector.broadcast %eq3A_257 : i1 to vector<16xi1>
          %and3A_259 = arith.andi %eq3A_255, %and3A_258 : vector<16xi1>
          %broadcast_in_dim3A_260 = vector.broadcast %squeeze3A_218 : i32 to vector<16xi32>
          %select_n3A = arith.select %and3A_259, %broadcast_in_dim3A_260, %while3A_207 : vector<16xi1>, vector<16xi32>
          %eq3A_261 = vector.broadcast %and3A_225 : i32 to vector<16xi32>
          %eq3A_262 = arith.cmpi eq, %iota3A, %eq3A_261 : vector<16xi32>
          %eq3A_263 = arith.constant 1 : i32
          %eq3A_264 = arith.cmpi eq, %shift_right_arithmetic3A_223, %eq3A_263 : i32
          %and3A_265 = vector.broadcast %eq3A_264 : i1 to vector<16xi1>
          %and3A_266 = arith.andi %eq3A_262, %and3A_265 : vector<16xi1>
          %broadcast_in_dim3A_267 = vector.broadcast %squeeze3A_218 : i32 to vector<16xi32>
          %select_n3A_268 = arith.select %and3A_266, %broadcast_in_dim3A_267, %while3A_208 : vector<16xi1>, vector<16xi32>
          %eq3A_269 = vector.broadcast %and3A_225 : i32 to vector<16xi32>
          %eq3A_270 = arith.cmpi eq, %iota3A, %eq3A_269 : vector<16xi32>
          %eq3A_271 = arith.constant 2 : i32
          %eq3A_272 = arith.cmpi eq, %shift_right_arithmetic3A_223, %eq3A_271 : i32
          %and3A_273 = vector.broadcast %eq3A_272 : i1 to vector<16xi1>
          %and3A_274 = arith.andi %eq3A_270, %and3A_273 : vector<16xi1>
          %broadcast_in_dim3A_275 = vector.broadcast %squeeze3A_218 : i32 to vector<16xi32>
          %select_n3A_276 = arith.select %and3A_274, %broadcast_in_dim3A_275, %while3A_209 : vector<16xi1>, vector<16xi32>
          %eq3A_277 = vector.broadcast %and3A_225 : i32 to vector<16xi32>
          %eq3A_278 = arith.cmpi eq, %iota3A, %eq3A_277 : vector<16xi32>
          %eq3A_279 = arith.constant 3 : i32
          %eq3A_280 = arith.cmpi eq, %shift_right_arithmetic3A_223, %eq3A_279 : i32
          %and3A_281 = vector.broadcast %eq3A_280 : i1 to vector<16xi1>
          %and3A_282 = arith.andi %eq3A_278, %and3A_281 : vector<16xi1>
          %broadcast_in_dim3A_283 = vector.broadcast %squeeze3A_218 : i32 to vector<16xi32>
          %select_n3A_284 = arith.select %and3A_282, %broadcast_in_dim3A_283, %while3A_210 : vector<16xi1>, vector<16xi32>
          %eq3A_285 = arith.constant 63 : i32
          %eq3A_286 = arith.cmpi eq, %and3A_221, %eq3A_285 : i32
          %convert_element_type3A_287 = arith.extui %eq3A_286 : i1 to i32
          %cond3A_288 = arith.constant 0 : i32
          %cond3A_289 = arith.cmpi ne, %convert_element_type3A_287, %cond3A_288 : i32
          scf.if %cond3A_289 {
            %swap3A_305 = arith.constant 0 : i32
            %swap3A_306 = arith.index_cast %swap3A_305 : i32 to index
            %swap3A_307 = arith.constant 0 : index
            %swap3A_308 = tpu.vector_load %arg21[%swap3A_306, %swap3A_307] {strides = array<i32>} : memref<1x64xi32, #tpu.memory_space<vmem>>, vector<16xi32>,
            tpu.vector_store %arg21[%swap3A_306, %swap3A_307], %select_n3A {strides = array<i32>} : memref<1x64xi32, #tpu.memory_space<vmem>>, vector<16xi32>,
            %and3A_309 = arith.constant 2047 : i32
            %and3A_310 = vector.broadcast %and3A_309 : i32 to vector<16xi32>
            %and3A_311 = arith.andi %select_n3A, %and3A_310 : vector<16xi32>
            %swap3A_312 = arith.constant 0 : i32
            %swap3A_313 = arith.index_cast %swap3A_312 : i32 to index
            %swap3A_314 = arith.constant 0 : index
            %swap3A_315 = tpu.vector_load %arg22[%swap3A_313, %swap3A_314] {strides = array<i32>} : memref<1x64xi32, #tpu.memory_space<vmem>>, vector<16xi32>,
            tpu.vector_store %arg22[%swap3A_313, %swap3A_314], %and3A_311 {strides = array<i32>} : memref<1x64xi32, #tpu.memory_space<vmem>>, vector<16xi32>,
            %swap3A_316 = arith.constant 0 : i32
            %swap3A_317 = arith.index_cast %swap3A_316 : i32 to index
            %swap3A_318 = arith.constant 16 : index
            %swap3A_319 = tpu.vector_load %arg21[%swap3A_317, %swap3A_318] {strides = array<i32>} : memref<1x64xi32, #tpu.memory_space<vmem>>, vector<16xi32>,
            tpu.vector_store %arg21[%swap3A_317, %swap3A_318], %select_n3A_268 {strides = array<i32>} : memref<1x64xi32, #tpu.memory_space<vmem>>, vector<16xi32>,
            %and3A_320 = arith.constant 2047 : i32
            %and3A_321 = vector.broadcast %and3A_320 : i32 to vector<16xi32>
            %and3A_322 = arith.andi %select_n3A_268, %and3A_321 : vector<16xi32>
            %swap3A_323 = arith.constant 0 : i32
            %swap3A_324 = arith.index_cast %swap3A_323 : i32 to index
            %swap3A_325 = arith.constant 16 : index
            %swap3A_326 = tpu.vector_load %arg22[%swap3A_324, %swap3A_325] {strides = array<i32>} : memref<1x64xi32, #tpu.memory_space<vmem>>, vector<16xi32>,
            tpu.vector_store %arg22[%swap3A_324, %swap3A_325], %and3A_322 {strides = array<i32>} : memref<1x64xi32, #tpu.memory_space<vmem>>, vector<16xi32>,
            %swap3A_327 = arith.constant 0 : i32
            %swap3A_328 = arith.index_cast %swap3A_327 : i32 to index
            %swap3A_329 = arith.constant 32 : index
            %swap3A_330 = tpu.vector_load %arg21[%swap3A_328, %swap3A_329] {strides = array<i32>} : memref<1x64xi32, #tpu.memory_space<vmem>>, vector<16xi32>,
            tpu.vector_store %arg21[%swap3A_328, %swap3A_329], %select_n3A_276 {strides = array<i32>} : memref<1x64xi32, #tpu.memory_space<vmem>>, vector<16xi32>,
            %and3A_331 = arith.constant 2047 : i32
            %and3A_332 = vector.broadcast %and3A_331 : i32 to vector<16xi32>
            %and3A_333 = arith.andi %select_n3A_276, %and3A_332 : vector<16xi32>
            %swap3A_334 = arith.constant 0 : i32
            %swap3A_335 = arith.index_cast %swap3A_334 : i32 to index
            %swap3A_336 = arith.constant 32 : index
            %swap3A_337 = tpu.vector_load %arg22[%swap3A_335, %swap3A_336] {strides = array<i32>} : memref<1x64xi32, #tpu.memory_space<vmem>>, vector<16xi32>,
            tpu.vector_store %arg22[%swap3A_335, %swap3A_336], %and3A_333 {strides = array<i32>} : memref<1x64xi32, #tpu.memory_space<vmem>>, vector<16xi32>,
            %swap3A_338 = arith.constant 0 : i32
            %swap3A_339 = arith.index_cast %swap3A_338 : i32 to index
            %swap3A_340 = arith.constant 48 : index
            %swap3A_341 = tpu.vector_load %arg21[%swap3A_339, %swap3A_340] {strides = array<i32>} : memref<1x64xi32, #tpu.memory_space<vmem>>, vector<16xi32>,
            tpu.vector_store %arg21[%swap3A_339, %swap3A_340], %select_n3A_284 {strides = array<i32>} : memref<1x64xi32, #tpu.memory_space<vmem>>, vector<16xi32>,
            %and3A_342 = arith.constant 2047 : i32
            %and3A_343 = vector.broadcast %and3A_342 : i32 to vector<16xi32>
            %and3A_344 = arith.andi %select_n3A_284, %and3A_343 : vector<16xi32>
            %swap3A_345 = arith.constant 0 : i32
            %swap3A_346 = arith.index_cast %swap3A_345 : i32 to index
            %swap3A_347 = arith.constant 48 : index
            %swap3A_348 = tpu.vector_load %arg22[%swap3A_346, %swap3A_347] {strides = array<i32>} : memref<1x64xi32, #tpu.memory_space<vmem>>, vector<16xi32>,
            tpu.vector_store %arg22[%swap3A_346, %swap3A_347], %and3A_344 {strides = array<i32>} : memref<1x64xi32, #tpu.memory_space<vmem>>, vector<16xi32>,
            %dma_start3A_349 = arith.constant 0 : i32
            %dma_start3A_350 = arith.constant 0 : i32
            %dma_start3A_351 = tpu.memref_slice %arg22[%dma_start3A_349, %dma_start3A_350] : memref<1x64xi32, #tpu.memory_space<vmem>> -> memref<1x64xi32, #tpu.memory_space<vmem>>
            %dma_start3A_352 = tpu.memref_squeeze %dma_start3A_351 : memref<1x64xi32, #tpu.memory_space<vmem>> -> memref<64xi32, #tpu.memory_space<vmem>>
            %dma_start3A_353 = arith.constant 0 : i32
            %dma_start3A_354 = arith.constant 0 : i32
            %dma_start3A_355 = tpu.memref_slice %arg5[%dma_start3A_353, %dma_start3A_354] : memref<2048x128xf32, #tpu.memory_space<hbm>> -> memref<2048x128xf32, #tpu.memory_space<hbm>>
            tpu.enqueue_indirect_dma source(%dma_start3A_355 : memref<2048x128xf32, #tpu.memory_space<hbm>>) target(%arg20 : memref<64x128xf32, #tpu.memory_space<vmem>>) offsets(%dma_start3A_352 : memref<64xi32, #tpu.memory_space<vmem>>) semaphore(%arg24 : memref<!tpu.dma_semaphore, #tpu.memory_space<semaphore_mem>>)
            %dma_wait3A_356 = arith.constant 0 : i32
            %dma_wait3A_357 = arith.constant 0 : i32
            %dma_wait3A_358 = tpu.memref_slice %arg22[%dma_wait3A_356, %dma_wait3A_357] : memref<1x64xi32, #tpu.memory_space<vmem>> -> memref<1x64xi32, #tpu.memory_space<vmem>>
            %dma_wait3A_359 = tpu.memref_squeeze %dma_wait3A_358 : memref<1x64xi32, #tpu.memory_space<vmem>> -> memref<64xi32, #tpu.memory_space<vmem>>
            %dma_wait3A_360 = arith.constant 0 : i32
            %dma_wait3A_361 = arith.constant 0 : i32
            %dma_wait3A_362 = tpu.memref_slice %arg5[%dma_wait3A_360, %dma_wait3A_361] : memref<2048x128xf32, #tpu.memory_space<hbm>> -> memref<2048x128xf32, #tpu.memory_space<hbm>>
            tpu.wait_indirect_dma semaphore(%arg24 : memref<!tpu.dma_semaphore, #tpu.memory_space<semaphore_mem>>) src(%dma_wait3A_362 : memref<2048x128xf32, #tpu.memory_space<hbm>>) dst(%arg20 : memref<64x128xf32, #tpu.memory_space<vmem>>)
            %scan3A_363 = arith.constant 0 : i32
            %scan3A_364 = arith.constant 0 : i32
            %scan3A_365 = arith.constant 64 : i32
            %scan3A_366 = arith.addi %scan3A_364, %scan3A_365 : i32
            %scan3A_367 = arith.constant 1 : i32
            %scan3A_368 = scf.for %scan3A_371 = %scan3A_364 to %scan3A_366 step %scan3A_367 iter_args(%scan3A_372 = %scan3A_363) -> (i32)  : i32 {
              %get3A_373 = arith.index_cast %scan3A_371 : i32 to index
              %get3A_374 = arith.constant 0 : index
              %get3A_375 = tpu.vector_load %arg19[%get3A_373, %get3A_374] {strides = array<i32>} : memref<64x128xf32, #tpu.memory_space<vmem>>, vector<16xf32>,
              %get3A_376 = arith.index_cast %scan3A_371 : i32 to index
              %get3A_377 = arith.constant 0 : index
              %get3A_378 = tpu.vector_load %arg20[%get3A_376, %get3A_377] {strides = array<i32>} : memref<64x128xf32, #tpu.memory_space<vmem>>, vector<16xf32>,
              %add3A_379 = arith.addf %get3A_375, %get3A_378 : vector<16xf32>
              %swap3A_380 = arith.index_cast %scan3A_371 : i32 to index
              %swap3A_381 = arith.constant 0 : index
              %swap3A_382 = tpu.vector_load %arg19[%swap3A_380, %swap3A_381] {strides = array<i32>} : memref<64x128xf32, #tpu.memory_space<vmem>>, vector<16xf32>,
              tpu.vector_store %arg19[%swap3A_380, %swap3A_381], %add3A_379 {strides = array<i32>} : memref<64x128xf32, #tpu.memory_space<vmem>>, vector<16xf32>,
              %get3A_383 = arith.index_cast %scan3A_371 : i32 to index
              %get3A_384 = arith.constant 16 : index
              %get3A_385 = tpu.vector_load %arg19[%get3A_383, %get3A_384] {strides = array<i32>} : memref<64x128xf32, #tpu.memory_space<vmem>>, vector<16xf32>,
              %get3A_386 = arith.index_cast %scan3A_371 : i32 to index
              %get3A_387 = arith.constant 16 : index
              %get3A_388 = tpu.vector_load %arg20[%get3A_386, %get3A_387] {strides = array<i32>} : memref<64x128xf32, #tpu.memory_space<vmem>>, vector<16xf32>,
              %add3A_389 = arith.addf %get3A_385, %get3A_388 : vector<16xf32>
              %swap3A_390 = arith.index_cast %scan3A_371 : i32 to index
              %swap3A_391 = arith.constant 16 : index
              %swap3A_392 = tpu.vector_load %arg19[%swap3A_390, %swap3A_391] {strides = array<i32>} : memref<64x128xf32, #tpu.memory_space<vmem>>, vector<16xf32>,
              tpu.vector_store %arg19[%swap3A_390, %swap3A_391], %add3A_389 {strides = array<i32>} : memref<64x128xf32, #tpu.memory_space<vmem>>, vector<16xf32>,
              %get3A_393 = arith.index_cast %scan3A_371 : i32 to index
              %get3A_394 = arith.constant 32 : index
              %get3A_395 = tpu.vector_load %arg19[%get3A_393, %get3A_394] {strides = array<i32>} : memref<64x128xf32, #tpu.memory_space<vmem>>, vector<16xf32>,
              %get3A_396 = arith.index_cast %scan3A_371 : i32 to index
              %get3A_397 = arith.constant 32 : index
              %get3A_398 = tpu.vector_load %arg20[%get3A_396, %get3A_397] {strides = array<i32>} : memref<64x128xf32, #tpu.memory_space<vmem>>, vector<16xf32>,
              %add3A_399 = arith.addf %get3A_395, %get3A_398 : vector<16xf32>
              %swap3A_400 = arith.index_cast %scan3A_371 : i32 to index
              %swap3A_401 = arith.constant 32 : index
              %swap3A_402 = tpu.vector_load %arg19[%swap3A_400, %swap3A_401] {strides = array<i32>} : memref<64x128xf32, #tpu.memory_space<vmem>>, vector<16xf32>,
              tpu.vector_store %arg19[%swap3A_400, %swap3A_401], %add3A_399 {strides = array<i32>} : memref<64x128xf32, #tpu.memory_space<vmem>>, vector<16xf32>,
              %get3A_403 = arith.index_cast %scan3A_371 : i32 to index
              %get3A_404 = arith.constant 48 : index
              %get3A_405 = tpu.vector_load %arg19[%get3A_403, %get3A_404] {strides = array<i32>} : memref<64x128xf32, #tpu.memory_space<vmem>>, vector<16xf32>,
              %get3A_406 = arith.index_cast %scan3A_371 : i32 to index
              %get3A_407 = arith.constant 48 : index
              %get3A_408 = tpu.vector_load %arg20[%get3A_406, %get3A_407] {strides = array<i32>} : memref<64x128xf32, #tpu.memory_space<vmem>>, vector<16xf32>,
              %add3A_409 = arith.addf %get3A_405, %get3A_408 : vector<16xf32>
              %swap3A_410 = arith.index_cast %scan3A_371 : i32 to index
              %swap3A_411 = arith.constant 48 : index
              %swap3A_412 = tpu.vector_load %arg19[%swap3A_410, %swap3A_411] {strides = array<i32>} : memref<64x128xf32, #tpu.memory_space<vmem>>, vector<16xf32>,
              tpu.vector_store %arg19[%swap3A_410, %swap3A_411], %add3A_409 {strides = array<i32>} : memref<64x128xf32, #tpu.memory_space<vmem>>, vector<16xf32>,
              %scan3A_413 = arith.constant 0 : i32
              scf.yield %scan3A_413 : i32
            }
            %scan3A_369 = arith.constant 64 : i32
            %run_scoped3A_370 = arith.constant 0 : i32
            "tpu.region"() ({
              %run_scoped3A_371 = tpu.sem_alloc : memref<!tpu.dma_semaphore, #tpu.memory_space<semaphore_mem>>
              %dma_start3A_372 = arith.constant 0 : i32
              %dma_start3A_373 = tpu.memref_slice %arg21[%run_scoped3A_370, %dma_start3A_372] : memref<1x64xi32, #tpu.memory_space<vmem>> -> memref<1x64xi32, #tpu.memory_space<vmem>>
              %dma_start3A_374 = tpu.memref_squeeze %dma_start3A_373 : memref<1x64xi32, #tpu.memory_space<vmem>> -> memref<64xi32, #tpu.memory_space<vmem>>
              %dma_start3A_375 = arith.constant 0 : i32
              %dma_start3A_376 = arith.constant 0 : i32
              %dma_start3A_377 = tpu.memref_slice %arg8[%dma_start3A_375, %dma_start3A_376] : memref<8224x128xf32, #tpu.memory_space<hbm>> -> memref<8224x128xf32, #tpu.memory_space<hbm>>
              tpu.enqueue_indirect_dma source(%arg19 : memref<64x128xf32, #tpu.memory_space<vmem>>) target(%dma_start3A_377 : memref<8224x128xf32, #tpu.memory_space<hbm>>) offsets(%dma_start3A_374 : memref<64xi32, #tpu.memory_space<vmem>>) semaphore(%run_scoped3A_371 : memref<!tpu.dma_semaphore, #tpu.memory_space<semaphore_mem>>)
              %dma_wait3A_378 = arith.constant 0 : i32
              %dma_wait3A_379 = tpu.memref_slice %arg21[%run_scoped3A_370, %dma_wait3A_378] : memref<1x64xi32, #tpu.memory_space<vmem>> -> memref<1x64xi32, #tpu.memory_space<vmem>>
              %dma_wait3A_380 = tpu.memref_squeeze %dma_wait3A_379 : memref<1x64xi32, #tpu.memory_space<vmem>> -> memref<64xi32, #tpu.memory_space<vmem>>
              %dma_wait3A_381 = arith.constant 0 : i32
              %dma_wait3A_382 = arith.constant 0 : i32
              %dma_wait3A_383 = tpu.memref_slice %arg8[%dma_wait3A_381, %dma_wait3A_382] : memref<8224x128xf32, #tpu.memory_space<hbm>> -> memref<8224x128xf32, #tpu.memory_space<hbm>>
              tpu.wait_indirect_dma semaphore(%run_scoped3A_371 : memref<!tpu.dma_semaphore, #tpu.memory_space<semaphore_mem>>) src(%arg19 : memref<64x128xf32, #tpu.memory_space<vmem>>) dst(%dma_wait3A_383 : memref<8224x128xf32, #tpu.memory_space<hbm>>)
              tpu.yield
            }) : () -> ()
          } else {
          }
          %broadcast_in_dim3A_290 = vector.broadcast %add3A_40 : i32 to vector<16xi32>
          %eq3A_291 = arith.constant 63 : i32
          %eq3A_292 = arith.cmpi eq, %and3A_221, %eq3A_291 : i32
          %select_n3A_293 = arith.select %eq3A_292, %broadcast_in_dim3A_290, %select_n3A : vector<16xi32>
          %eq3A_294 = arith.constant 63 : i32
          %eq3A_295 = arith.cmpi eq, %and3A_221, %eq3A_294 : i32
          %select_n3A_296 = arith.select %eq3A_295, %broadcast_in_dim3A_290, %select_n3A_268 : vector<16xi32>
          %eq3A_297 = arith.constant 63 : i32
          %eq3A_298 = arith.cmpi eq, %and3A_221, %eq3A_297 : i32
          %select_n3A_299 = arith.select %eq3A_298, %broadcast_in_dim3A_290, %select_n3A_276 : vector<16xi32>
          %eq3A_300 = arith.constant 63 : i32
          %eq3A_301 = arith.cmpi eq, %and3A_221, %eq3A_300 : i32
          %select_n3A_302 = arith.select %eq3A_301, %broadcast_in_dim3A_290, %select_n3A_284 : vector<16xi32>
          %add3A_303 = arith.constant 1 : i32
          %add3A_304 = arith.addi %while3A_206, %add3A_303 : i32
          scf.yield %add3A_304, %select_n3A_293, %select_n3A_296, %select_n3A_299, %select_n3A_302 : i32, vector<16xi32>, vector<16xi32>, vector<16xi32>, vector<16xi32>
        }
        scf.yield %while3A_204#0, %while3A_204#1, %while3A_204#2, %while3A_204#3, %while3A_204#4 : i32, vector<16xi32>, vector<16xi32>, vector<16xi32>, vector<16xi32>
      }
      scf.yield %while3A_164#0, %while3A_164#1, %while3A_164#2, %while3A_164#3, %while3A_164#4 : i32, vector<16xi32>, vector<16xi32>, vector<16xi32>, vector<16xi32>
    }
    %while3A_61 = arith.constant 1 : i32
    %while3A_62:5 = scf.for %while3A_126 = %while3A_58 to %while3A_54 step %while3A_61 iter_args(%while3A_127 = %while3A_60#0, %while3A_128 = %while3A_60#1, %while3A_129 = %while3A_60#2, %while3A_130 = %while3A_60#3, %while3A_131 = %while3A_60#4) -> (i32, vector<16xi32>, vector<16xi32>, vector<16xi32>, vector<16xi32>)  : i32 {
      %mul3A_132 = arith.constant 32 : i32
      %mul3A_133 = arith.muli %mul3A_132, %while3A_126 : i32
      %add3A_134 = arith.addi %add3A, %mul3A_133 : i32
      %mul3A_135 = arith.constant 512 : i32
      %mul3A_136 = arith.muli %add3A_134, %mul3A_135 : i32
      %and3A_137 = arith.constant 1 : i32
      %and3A_138 = arith.andi %while3A_126, %and3A_137 : i32
      %add3A_139 = arith.constant 1 : i32
      %add3A_140 = arith.addi %while3A_126, %add3A_139 : i32
      %lt3A_141 = arith.cmpi slt, %add3A_140, %add3A_50 : i32
      %convert_element_type3A_142 = arith.extui %lt3A_141 : i1 to i32
      %cond3A_143 = arith.constant 0 : i32
      %cond3A_144 = arith.cmpi ne, %convert_element_type3A_142, %cond3A_143 : i32
      scf.if %cond3A_144 {
        %add3A_165 = arith.constant 1 : i32
        %add3A_166 = arith.addi %while3A_126, %add3A_165 : i32
        %mul3A_167 = arith.constant 32 : i32
        %mul3A_168 = arith.muli %mul3A_167, %add3A_166 : i32
        %add3A_169 = arith.addi %add3A, %mul3A_168 : i32
        %sub3A_170 = arith.constant 1 : i32
        %sub3A_171 = arith.subi %sub3A_170, %and3A_138 : i32
        %mul3A_172 = arith.constant 4 : i32
        %mul3A_173 = arith.muli %add3A_169, %mul3A_172 : i32
        %add3A_174 = arith.constant 0 : i32
        %add3A_175 = arith.addi %mul3A_173, %add3A_174 : i32
        %get3A = arith.index_cast %add3A_175 : i32 to index
        %get3A_176 = tpu.vector_load %arg18[%get3A] {strides = array<i32>} : memref<7844xi32, #tpu.memory_space<vmem>>, vector<16xi32>,
        %slice3A = vector.extract_strided_slice %get3A_176 {offsets = [0], sizes = [1], strides = [1]} : vector<16xi32> to vector<1xi32>
        %squeeze3A = vector.extract %slice3A[0] : i32 from vector<1xi32>
        %gt3A = arith.constant 0 : i32
        %gt3A_177 = arith.cmpi sgt, %squeeze3A, %gt3A : i32
        %ne3A_178 = arith.constant 1953 : i32
        %ne3A_179 = arith.cmpi ne, %add3A_169, %ne3A_178 : i32
        %and3A_180 = arith.andi %gt3A_177, %ne3A_179 : i1
        %convert_element_type3A_181 = arith.extui %and3A_180 : i1 to i32
        %cond3A_182 = arith.constant 0 : i32
        %cond3A_183 = arith.cmpi ne, %convert_element_type3A_181, %cond3A_182 : i32
        scf.if %cond3A_183 {
          %mul3A_272 = arith.constant 512 : i32
          %mul3A_273 = arith.muli %add3A_169, %mul3A_272 : i32
          %add3A_274 = arith.constant 0 : i32
          %add3A_275 = arith.addi %mul3A_273, %add3A_274 : i32
          %dma_start3A_276 = arith.constant 0 : i32
          %dma_start3A_277 = arith.constant 0 : i32
          %dma_start3A_278 = tpu.memref_slice %arg16[%sub3A_171, %dma_start3A_276, %dma_start3A_277] : memref<2x64x512xf32, #tpu.memory_space<vmem>> -> memref<1x64x128xf32, #tpu.memory_space<vmem>>
          %dma_start3A_279 = tpu.memref_squeeze %dma_start3A_278 : memref<1x64x128xf32, #tpu.memory_space<vmem>> -> memref<64x128xf32, #tpu.memory_space<vmem>>
          %dma_start3A_280 = arith.constant 0 : i32
          %dma_start3A_281 = tpu.memref_slice %arg3[%dma_start3A_280, %add3A_275] : memref<64x1000000xf32, #tpu.memory_space<hbm>> -> memref<64x128xf32, #tpu.memory_space<hbm>>
          %dma_start3A_282 = arith.constant 0 : i32
          %dma_start3A_283 = arith.constant 0 : i32
          %dma_start3A_284 = tpu.memref_slice %arg16[%sub3A_171, %dma_start3A_282, %dma_start3A_283] : memref<2x64x512xf32, #tpu.memory_space<vmem>> -> memref<1x64x128xf32, #tpu.memory_space<vmem>>
          %dma_start3A_285 = tpu.memref_squeeze %dma_start3A_284 : memref<1x64x128xf32, #tpu.memory_space<vmem>> -> memref<64x128xf32, #tpu.memory_space<vmem>>
          %dma_start3A_286 = arith.constant 0 : i32
          %dma_start3A_287 = tpu.memref_slice %arg3[%dma_start3A_286, %add3A_275] : memref<64x1000000xf32, #tpu.memory_space<hbm>> -> memref<64x128xf32, #tpu.memory_space<hbm>>
          tpu.enqueue_dma source(%dma_start3A_287 : memref<64x128xf32, #tpu.memory_space<hbm>>) target(%dma_start3A_285 : memref<64x128xf32, #tpu.memory_space<vmem>>) target_semaphore(%arg23 : memref<!tpu.dma_semaphore, #tpu.memory_space<semaphore_mem>>)
        } else {
        }
        %gt3A_184 = arith.constant 0 : i32
        %gt3A_185 = arith.cmpi sgt, %squeeze3A, %gt3A_184 : i32
        %eq3A_186 = arith.constant 1953 : i32
        %eq3A_187 = arith.cmpi eq, %add3A_169, %eq3A_186 : i32
        %and3A_188 = arith.andi %gt3A_185, %eq3A_187 : i1
        %and3A_189 = arith.constant true
        %and3A_190 = arith.andi %and3A_188, %and3A_189 : i1
        %convert_element_type3A_191 = arith.extui %and3A_190 : i1 to i32
        %cond3A_192 = arith.constant 0 : i32
        %cond3A_193 = arith.cmpi ne, %convert_element_type3A_191, %cond3A_192 : i32
        scf.if %cond3A_193 {
          %dma_start3A_272 = arith.constant 0 : i32
          %dma_start3A_273 = arith.constant 0 : i32
          %dma_start3A_274 = tpu.memref_slice %arg16[%sub3A_171, %dma_start3A_272, %dma_start3A_273] : memref<2x64x512xf32, #tpu.memory_space<vmem>> -> memref<1x64x128xf32, #tpu.memory_space<vmem>>
          %dma_start3A_275 = tpu.memref_squeeze %dma_start3A_274 : memref<1x64x128xf32, #tpu.memory_space<vmem>> -> memref<64x128xf32, #tpu.memory_space<vmem>>
          %dma_start3A_276 = arith.constant 0 : i32
          %dma_start3A_277 = arith.constant 0 : i32
          %dma_start3A_278 = tpu.memref_slice %arg16[%sub3A_171, %dma_start3A_276, %dma_start3A_277] : memref<2x64x512xf32, #tpu.memory_space<vmem>> -> memref<1x64x128xf32, #tpu.memory_space<vmem>>
          %dma_start3A_279 = tpu.memref_squeeze %dma_start3A_278 : memref<1x64x128xf32, #tpu.memory_space<vmem>> -> memref<64x128xf32, #tpu.memory_space<vmem>>
          tpu.enqueue_dma source(%arg4 : memref<64x128xf32, #tpu.memory_space<hbm>>) target(%dma_start3A_279 : memref<64x128xf32, #tpu.memory_space<vmem>>) target_semaphore(%arg23 : memref<!tpu.dma_semaphore, #tpu.memory_space<semaphore_mem>>)
        } else {
        }
        %mul3A_194 = arith.constant 4 : i32
        %mul3A_195 = arith.muli %add3A_169, %mul3A_194 : i32
        %add3A_196 = arith.constant 1 : i32
        %add3A_197 = arith.addi %mul3A_195, %add3A_196 : i32
        %get3A_198 = arith.index_cast %add3A_197 : i32 to index
        %get3A_199 = tpu.vector_load %arg18[%get3A_198] {strides = array<i32>} : memref<7844xi32, #tpu.memory_space<vmem>>, vector<16xi32>,
        %slice3A_200 = vector.extract_strided_slice %get3A_199 {offsets = [0], sizes = [1], strides = [1]} : vector<16xi32> to vector<1xi32>
        %squeeze3A_201 = vector.extract %slice3A_200[0] : i32 from vector<1xi32>
        %gt3A_202 = arith.constant 0 : i32
        %gt3A_203 = arith.cmpi sgt, %squeeze3A_201, %gt3A_202 : i32
        %ne3A_204 = arith.constant 1953 : i32
        %ne3A_205 = arith.cmpi ne, %add3A_169, %ne3A_204 : i32
        %and3A_206 = arith.andi %gt3A_203, %ne3A_205 : i1
        %convert_element_type3A_207 = arith.extui %and3A_206 : i1 to i32
        %cond3A_208 = arith.constant 0 : i32
        %cond3A_209 = arith.cmpi ne, %convert_element_type3A_207, %cond3A_208 : i32
        scf.if %cond3A_209 {
          %mul3A_272 = arith.constant 512 : i32
          %mul3A_273 = arith.muli %add3A_169, %mul3A_272 : i32
          %add3A_274 = arith.constant 128 : i32
          %add3A_275 = arith.addi %mul3A_273, %add3A_274 : i32
          %dma_start3A_276 = arith.constant 0 : i32
          %dma_start3A_277 = arith.constant 128 : i32
          %dma_start3A_278 = tpu.memref_slice %arg16[%sub3A_171, %dma_start3A_276, %dma_start3A_277] : memref<2x64x512xf32, #tpu.memory_space<vmem>> -> memref<1x64x128xf32, #tpu.memory_space<vmem>>
          %dma_start3A_279 = tpu.memref_squeeze %dma_start3A_278 : memref<1x64x128xf32, #tpu.memory_space<vmem>> -> memref<64x128xf32, #tpu.memory_space<vmem>>
          %dma_start3A_280 = arith.constant 0 : i32
          %dma_start3A_281 = tpu.memref_slice %arg3[%dma_start3A_280, %add3A_275] : memref<64x1000000xf32, #tpu.memory_space<hbm>> -> memref<64x128xf32, #tpu.memory_space<hbm>>
          %dma_start3A_282 = arith.constant 0 : i32
          %dma_start3A_283 = arith.constant 128 : i32
          %dma_start3A_284 = tpu.memref_slice %arg16[%sub3A_171, %dma_start3A_282, %dma_start3A_283] : memref<2x64x512xf32, #tpu.memory_space<vmem>> -> memref<1x64x128xf32, #tpu.memory_space<vmem>>
          %dma_start3A_285 = tpu.memref_squeeze %dma_start3A_284 : memref<1x64x128xf32, #tpu.memory_space<vmem>> -> memref<64x128xf32, #tpu.memory_space<vmem>>
          %dma_start3A_286 = arith.constant 0 : i32
          %dma_start3A_287 = tpu.memref_slice %arg3[%dma_start3A_286, %add3A_275] : memref<64x1000000xf32, #tpu.memory_space<hbm>> -> memref<64x128xf32, #tpu.memory_space<hbm>>
          tpu.enqueue_dma source(%dma_start3A_287 : memref<64x128xf32, #tpu.memory_space<hbm>>) target(%dma_start3A_285 : memref<64x128xf32, #tpu.memory_space<vmem>>) target_semaphore(%arg23 : memref<!tpu.dma_semaphore, #tpu.memory_space<semaphore_mem>>)
        } else {
        }
        %gt3A_210 = arith.constant 0 : i32
        %gt3A_211 = arith.cmpi sgt, %squeeze3A_201, %gt3A_210 : i32
        %eq3A_212 = arith.constant 1953 : i32
        %eq3A_213 = arith.cmpi eq, %add3A_169, %eq3A_212 : i32
        %and3A_214 = arith.andi %gt3A_211, %eq3A_213 : i1
        %and3A_215 = arith.constant false
        %and3A_216 = arith.andi %and3A_214, %and3A_215 : i1
        %convert_element_type3A_217 = arith.extui %and3A_216 : i1 to i32
        %cond3A_218 = arith.constant 0 : i32
        %cond3A_219 = arith.cmpi ne, %convert_element_type3A_217, %cond3A_218 : i32
        scf.if %cond3A_219 {
          %dma_start3A_272 = arith.constant 0 : i32
          %dma_start3A_273 = arith.constant 0 : i32
          %dma_start3A_274 = tpu.memref_slice %arg16[%sub3A_171, %dma_start3A_272, %dma_start3A_273] : memref<2x64x512xf32, #tpu.memory_space<vmem>> -> memref<1x64x128xf32, #tpu.memory_space<vmem>>
          %dma_start3A_275 = tpu.memref_squeeze %dma_start3A_274 : memref<1x64x128xf32, #tpu.memory_space<vmem>> -> memref<64x128xf32, #tpu.memory_space<vmem>>
          %dma_start3A_276 = arith.constant 0 : i32
          %dma_start3A_277 = arith.constant 0 : i32
          %dma_start3A_278 = tpu.memref_slice %arg16[%sub3A_171, %dma_start3A_276, %dma_start3A_277] : memref<2x64x512xf32, #tpu.memory_space<vmem>> -> memref<1x64x128xf32, #tpu.memory_space<vmem>>
          %dma_start3A_279 = tpu.memref_squeeze %dma_start3A_278 : memref<1x64x128xf32, #tpu.memory_space<vmem>> -> memref<64x128xf32, #tpu.memory_space<vmem>>
          tpu.enqueue_dma source(%arg4 : memref<64x128xf32, #tpu.memory_space<hbm>>) target(%dma_start3A_279 : memref<64x128xf32, #tpu.memory_space<vmem>>) target_semaphore(%arg23 : memref<!tpu.dma_semaphore, #tpu.memory_space<semaphore_mem>>)
        } else {
        }
        %mul3A_220 = arith.constant 4 : i32
        %mul3A_221 = arith.muli %add3A_169, %mul3A_220 : i32
        %add3A_222 = arith.constant 2 : i32
        %add3A_223 = arith.addi %mul3A_221, %add3A_222 : i32
        %get3A_224 = arith.index_cast %add3A_223 : i32 to index
        %get3A_225 = tpu.vector_load %arg18[%get3A_224] {strides = array<i32>} : memref<7844xi32, #tpu.memory_space<vmem>>, vector<16xi32>,
        %slice3A_226 = vector.extract_strided_slice %get3A_225 {offsets = [0], sizes = [1], strides = [1]} : vector<16xi32> to vector<1xi32>
        %squeeze3A_227 = vector.extract %slice3A_226[0] : i32 from vector<1xi32>
        %gt3A_228 = arith.constant 0 : i32
        %gt3A_229 = arith.cmpi sgt, %squeeze3A_227, %gt3A_228 : i32
        %ne3A_230 = arith.constant 1953 : i32
        %ne3A_231 = arith.cmpi ne, %add3A_169, %ne3A_230 : i32
        %and3A_232 = arith.andi %gt3A_229, %ne3A_231 : i1
        %convert_element_type3A_233 = arith.extui %and3A_232 : i1 to i32
        %cond3A_234 = arith.constant 0 : i32
        %cond3A_235 = arith.cmpi ne, %convert_element_type3A_233, %cond3A_234 : i32
        scf.if %cond3A_235 {
          %mul3A_272 = arith.constant 512 : i32
          %mul3A_273 = arith.muli %add3A_169, %mul3A_272 : i32
          %add3A_274 = arith.constant 256 : i32
          %add3A_275 = arith.addi %mul3A_273, %add3A_274 : i32
          %dma_start3A_276 = arith.constant 0 : i32
          %dma_start3A_277 = arith.constant 256 : i32
          %dma_start3A_278 = tpu.memref_slice %arg16[%sub3A_171, %dma_start3A_276, %dma_start3A_277] : memref<2x64x512xf32, #tpu.memory_space<vmem>> -> memref<1x64x128xf32, #tpu.memory_space<vmem>>
          %dma_start3A_279 = tpu.memref_squeeze %dma_start3A_278 : memref<1x64x128xf32, #tpu.memory_space<vmem>> -> memref<64x128xf32, #tpu.memory_space<vmem>>
          %dma_start3A_280 = arith.constant 0 : i32
          %dma_start3A_281 = tpu.memref_slice %arg3[%dma_start3A_280, %add3A_275] : memref<64x1000000xf32, #tpu.memory_space<hbm>> -> memref<64x128xf32, #tpu.memory_space<hbm>>
          %dma_start3A_282 = arith.constant 0 : i32
          %dma_start3A_283 = arith.constant 256 : i32
          %dma_start3A_284 = tpu.memref_slice %arg16[%sub3A_171, %dma_start3A_282, %dma_start3A_283] : memref<2x64x512xf32, #tpu.memory_space<vmem>> -> memref<1x64x128xf32, #tpu.memory_space<vmem>>
          %dma_start3A_285 = tpu.memref_squeeze %dma_start3A_284 : memref<1x64x128xf32, #tpu.memory_space<vmem>> -> memref<64x128xf32, #tpu.memory_space<vmem>>
          %dma_start3A_286 = arith.constant 0 : i32
          %dma_start3A_287 = tpu.memref_slice %arg3[%dma_start3A_286, %add3A_275] : memref<64x1000000xf32, #tpu.memory_space<hbm>> -> memref<64x128xf32, #tpu.memory_space<hbm>>
          tpu.enqueue_dma source(%dma_start3A_287 : memref<64x128xf32, #tpu.memory_space<hbm>>) target(%dma_start3A_285 : memref<64x128xf32, #tpu.memory_space<vmem>>) target_semaphore(%arg23 : memref<!tpu.dma_semaphore, #tpu.memory_space<semaphore_mem>>)
        } else {
        }
        %gt3A_236 = arith.constant 0 : i32
        %gt3A_237 = arith.cmpi sgt, %squeeze3A_227, %gt3A_236 : i32
        %eq3A_238 = arith.constant 1953 : i32
        %eq3A_239 = arith.cmpi eq, %add3A_169, %eq3A_238 : i32
        %and3A_240 = arith.andi %gt3A_237, %eq3A_239 : i1
        %and3A_241 = arith.constant false
        %and3A_242 = arith.andi %and3A_240, %and3A_241 : i1
        %convert_element_type3A_243 = arith.extui %and3A_242 : i1 to i32
        %cond3A_244 = arith.constant 0 : i32
        %cond3A_245 = arith.cmpi ne, %convert_element_type3A_243, %cond3A_244 : i32
        scf.if %cond3A_245 {
          %dma_start3A_272 = arith.constant 0 : i32
          %dma_start3A_273 = arith.constant 0 : i32
          %dma_start3A_274 = tpu.memref_slice %arg16[%sub3A_171, %dma_start3A_272, %dma_start3A_273] : memref<2x64x512xf32, #tpu.memory_space<vmem>> -> memref<1x64x128xf32, #tpu.memory_space<vmem>>
          %dma_start3A_275 = tpu.memref_squeeze %dma_start3A_274 : memref<1x64x128xf32, #tpu.memory_space<vmem>> -> memref<64x128xf32, #tpu.memory_space<vmem>>
          %dma_start3A_276 = arith.constant 0 : i32
          %dma_start3A_277 = arith.constant 0 : i32
          %dma_start3A_278 = tpu.memref_slice %arg16[%sub3A_171, %dma_start3A_276, %dma_start3A_277] : memref<2x64x512xf32, #tpu.memory_space<vmem>> -> memref<1x64x128xf32, #tpu.memory_space<vmem>>
          %dma_start3A_279 = tpu.memref_squeeze %dma_start3A_278 : memref<1x64x128xf32, #tpu.memory_space<vmem>> -> memref<64x128xf32, #tpu.memory_space<vmem>>
          tpu.enqueue_dma source(%arg4 : memref<64x128xf32, #tpu.memory_space<hbm>>) target(%dma_start3A_279 : memref<64x128xf32, #tpu.memory_space<vmem>>) target_semaphore(%arg23 : memref<!tpu.dma_semaphore, #tpu.memory_space<semaphore_mem>>)
        } else {
        }
        %mul3A_246 = arith.constant 4 : i32
        %mul3A_247 = arith.muli %add3A_169, %mul3A_246 : i32
        %add3A_248 = arith.constant 3 : i32
        %add3A_249 = arith.addi %mul3A_247, %add3A_248 : i32
        %get3A_250 = arith.index_cast %add3A_249 : i32 to index
        %get3A_251 = tpu.vector_load %arg18[%get3A_250] {strides = array<i32>} : memref<7844xi32, #tpu.memory_space<vmem>>, vector<16xi32>,
        %slice3A_252 = vector.extract_strided_slice %get3A_251 {offsets = [0], sizes = [1], strides = [1]} : vector<16xi32> to vector<1xi32>
        %squeeze3A_253 = vector.extract %slice3A_252[0] : i32 from vector<1xi32>
        %gt3A_254 = arith.constant 0 : i32
        %gt3A_255 = arith.cmpi sgt, %squeeze3A_253, %gt3A_254 : i32
        %ne3A_256 = arith.constant 1953 : i32
        %ne3A_257 = arith.cmpi ne, %add3A_169, %ne3A_256 : i32
        %and3A_258 = arith.andi %gt3A_255, %ne3A_257 : i1
        %convert_element_type3A_259 = arith.extui %and3A_258 : i1 to i32
        %cond3A_260 = arith.constant 0 : i32
        %cond3A_261 = arith.cmpi ne, %convert_element_type3A_259, %cond3A_260 : i32
        scf.if %cond3A_261 {
          %mul3A_272 = arith.constant 512 : i32
          %mul3A_273 = arith.muli %add3A_169, %mul3A_272 : i32
          %add3A_274 = arith.constant 384 : i32
          %add3A_275 = arith.addi %mul3A_273, %add3A_274 : i32
          %dma_start3A_276 = arith.constant 0 : i32
          %dma_start3A_277 = arith.constant 384 : i32
          %dma_start3A_278 = tpu.memref_slice %arg16[%sub3A_171, %dma_start3A_276, %dma_start3A_277] : memref<2x64x512xf32, #tpu.memory_space<vmem>> -> memref<1x64x128xf32, #tpu.memory_space<vmem>>
          %dma_start3A_279 = tpu.memref_squeeze %dma_start3A_278 : memref<1x64x128xf32, #tpu.memory_space<vmem>> -> memref<64x128xf32, #tpu.memory_space<vmem>>
          %dma_start3A_280 = arith.constant 0 : i32
          %dma_start3A_281 = tpu.memref_slice %arg3[%dma_start3A_280, %add3A_275] : memref<64x1000000xf32, #tpu.memory_space<hbm>> -> memref<64x128xf32, #tpu.memory_space<hbm>>
          %dma_start3A_282 = arith.constant 0 : i32
          %dma_start3A_283 = arith.constant 384 : i32
          %dma_start3A_284 = tpu.memref_slice %arg16[%sub3A_171, %dma_start3A_282, %dma_start3A_283] : memref<2x64x512xf32, #tpu.memory_space<vmem>> -> memref<1x64x128xf32, #tpu.memory_space<vmem>>
          %dma_start3A_285 = tpu.memref_squeeze %dma_start3A_284 : memref<1x64x128xf32, #tpu.memory_space<vmem>> -> memref<64x128xf32, #tpu.memory_space<vmem>>
          %dma_start3A_286 = arith.constant 0 : i32
          %dma_start3A_287 = tpu.memref_slice %arg3[%dma_start3A_286, %add3A_275] : memref<64x1000000xf32, #tpu.memory_space<hbm>> -> memref<64x128xf32, #tpu.memory_space<hbm>>
          tpu.enqueue_dma source(%dma_start3A_287 : memref<64x128xf32, #tpu.memory_space<hbm>>) target(%dma_start3A_285 : memref<64x128xf32, #tpu.memory_space<vmem>>) target_semaphore(%arg23 : memref<!tpu.dma_semaphore, #tpu.memory_space<semaphore_mem>>)
        } else {
        }
        %gt3A_262 = arith.constant 0 : i32
        %gt3A_263 = arith.cmpi sgt, %squeeze3A_253, %gt3A_262 : i32
        %eq3A_264 = arith.constant 1953 : i32
        %eq3A_265 = arith.cmpi eq, %add3A_169, %eq3A_264 : i32
        %and3A_266 = arith.andi %gt3A_263, %eq3A_265 : i1
        %and3A_267 = arith.constant false
        %and3A_268 = arith.andi %and3A_266, %and3A_267 : i1
        %convert_element_type3A_269 = arith.extui %and3A_268 : i1 to i32
        %cond3A_270 = arith.constant 0 : i32
        %cond3A_271 = arith.cmpi ne, %convert_element_type3A_269, %cond3A_270 : i32
        scf.if %cond3A_271 {
          %dma_start3A_272 = arith.constant 0 : i32
          %dma_start3A_273 = arith.constant 0 : i32
          %dma_start3A_274 = tpu.memref_slice %arg16[%sub3A_171, %dma_start3A_272, %dma_start3A_273] : memref<2x64x512xf32, #tpu.memory_space<vmem>> -> memref<1x64x128xf32, #tpu.memory_space<vmem>>
          %dma_start3A_275 = tpu.memref_squeeze %dma_start3A_274 : memref<1x64x128xf32, #tpu.memory_space<vmem>> -> memref<64x128xf32, #tpu.memory_space<vmem>>
          %dma_start3A_276 = arith.constant 0 : i32
          %dma_start3A_277 = arith.constant 0 : i32
          %dma_start3A_278 = tpu.memref_slice %arg16[%sub3A_171, %dma_start3A_276, %dma_start3A_277] : memref<2x64x512xf32, #tpu.memory_space<vmem>> -> memref<1x64x128xf32, #tpu.memory_space<vmem>>
          %dma_start3A_279 = tpu.memref_squeeze %dma_start3A_278 : memref<1x64x128xf32, #tpu.memory_space<vmem>> -> memref<64x128xf32, #tpu.memory_space<vmem>>
          tpu.enqueue_dma source(%arg4 : memref<64x128xf32, #tpu.memory_space<hbm>>) target(%dma_start3A_279 : memref<64x128xf32, #tpu.memory_space<vmem>>) target_semaphore(%arg23 : memref<!tpu.dma_semaphore, #tpu.memory_space<semaphore_mem>>)
        } else {
        }
      } else {
      }
      %eq3A = arith.constant 0 : i32
      %eq3A_145 = arith.cmpi eq, %while3A_126, %eq3A : i32
      %convert_element_type3A_146 = arith.extui %eq3A_145 : i1 to i32
      %cond3A_147 = arith.constant 0 : i32
      %cond3A_148 = arith.cmpi ne, %convert_element_type3A_146, %cond3A_147 : i32
      scf.if %cond3A_148 {
        %dma_wait3A_165 = arith.constant 0 : i32
        %dma_wait3A_166 = arith.constant 0 : i32
        %dma_wait3A_167 = tpu.memref_slice %arg16[%and3A_138, %dma_wait3A_165, %dma_wait3A_166] : memref<2x64x512xf32, #tpu.memory_space<vmem>> -> memref<1x64x512xf32, #tpu.memory_space<vmem>>
        %dma_wait3A_168 = tpu.memref_squeeze %dma_wait3A_167 : memref<1x64x512xf32, #tpu.memory_space<vmem>> -> memref<64x512xf32, #tpu.memory_space<vmem>>
        %dma_wait3A_169 = arith.constant 0 : i32
        %dma_wait3A_170 = arith.constant 0 : i32
        %dma_wait3A_171 = tpu.memref_slice %arg3[%dma_wait3A_169, %dma_wait3A_170] : memref<64x1000000xf32, #tpu.memory_space<hbm>> -> memref<64x512xf32, #tpu.memory_space<hbm>>
        %dma_wait3A_172 = arith.constant 0 : i32
        %dma_wait3A_173 = arith.constant 0 : i32
        %dma_wait3A_174 = tpu.memref_slice %arg16[%and3A_138, %dma_wait3A_172, %dma_wait3A_173] : memref<2x64x512xf32, #tpu.memory_space<vmem>> -> memref<1x64x512xf32, #tpu.memory_space<vmem>>
        %dma_wait3A_175 = tpu.memref_squeeze %dma_wait3A_174 : memref<1x64x512xf32, #tpu.memory_space<vmem>> -> memref<64x512xf32, #tpu.memory_space<vmem>>
        %dma_wait3A_176 = arith.constant 0 : i32
        %dma_wait3A_177 = arith.constant 0 : i32
        %dma_wait3A_178 = tpu.memref_slice %arg3[%dma_wait3A_176, %dma_wait3A_177] : memref<64x1000000xf32, #tpu.memory_space<hbm>> -> memref<64x512xf32, #tpu.memory_space<hbm>>
        tpu.wait_dma2 semaphore(%arg23 : memref<!tpu.dma_semaphore, #tpu.memory_space<semaphore_mem>>) src(%dma_wait3A_178 : memref<64x512xf32, #tpu.memory_space<hbm>>) dst(%dma_wait3A_175 : memref<64x512xf32, #tpu.memory_space<vmem>>)
      } else {
      }
      %ne3A = arith.constant 0 : i32
      %ne3A_149 = arith.cmpi ne, %while3A_126, %ne3A : i32
      %convert_element_type3A_150 = arith.extui %ne3A_149 : i1 to i32
      %cond3A_151 = arith.constant 0 : i32
      %cond3A_152 = arith.cmpi ne, %convert_element_type3A_150, %cond3A_151 : i32
      scf.if %cond3A_152 {
        %mul3A_165 = arith.constant 4 : i32
        %mul3A_166 = arith.muli %add3A_134, %mul3A_165 : i32
        %add3A_167 = arith.constant 0 : i32
        %add3A_168 = arith.addi %mul3A_166, %add3A_167 : i32
        %get3A = arith.index_cast %add3A_168 : i32 to index
        %get3A_169 = tpu.vector_load %arg18[%get3A] {strides = array<i32>} : memref<7844xi32, #tpu.memory_space<vmem>>, vector<16xi32>,
        %slice3A = vector.extract_strided_slice %get3A_169 {offsets = [0], sizes = [1], strides = [1]} : vector<16xi32> to vector<1xi32>
        %squeeze3A = vector.extract %slice3A[0] : i32 from vector<1xi32>
        %gt3A = arith.constant 0 : i32
        %gt3A_170 = arith.cmpi sgt, %squeeze3A, %gt3A : i32
        %convert_element_type3A_171 = arith.extui %gt3A_170 : i1 to i32
        %cond3A_172 = arith.constant 0 : i32
        %cond3A_173 = arith.cmpi ne, %convert_element_type3A_171, %cond3A_172 : i32
        scf.if %cond3A_173 {
          %dma_wait3A_213 = arith.constant 0 : i32
          %dma_wait3A_214 = arith.constant 0 : i32
          %dma_wait3A_215 = tpu.memref_slice %arg16[%and3A_138, %dma_wait3A_213, %dma_wait3A_214] : memref<2x64x512xf32, #tpu.memory_space<vmem>> -> memref<1x64x128xf32, #tpu.memory_space<vmem>>
          %dma_wait3A_216 = tpu.memref_squeeze %dma_wait3A_215 : memref<1x64x128xf32, #tpu.memory_space<vmem>> -> memref<64x128xf32, #tpu.memory_space<vmem>>
          %dma_wait3A_217 = arith.constant 0 : i32
          %dma_wait3A_218 = arith.constant 0 : i32
          %dma_wait3A_219 = tpu.memref_slice %arg3[%dma_wait3A_217, %dma_wait3A_218] : memref<64x1000000xf32, #tpu.memory_space<hbm>> -> memref<64x128xf32, #tpu.memory_space<hbm>>
          %dma_wait3A_220 = arith.constant 0 : i32
          %dma_wait3A_221 = arith.constant 0 : i32
          %dma_wait3A_222 = tpu.memref_slice %arg16[%and3A_138, %dma_wait3A_220, %dma_wait3A_221] : memref<2x64x512xf32, #tpu.memory_space<vmem>> -> memref<1x64x128xf32, #tpu.memory_space<vmem>>
          %dma_wait3A_223 = tpu.memref_squeeze %dma_wait3A_222 : memref<1x64x128xf32, #tpu.memory_space<vmem>> -> memref<64x128xf32, #tpu.memory_space<vmem>>
          %dma_wait3A_224 = arith.constant 0 : i32
          %dma_wait3A_225 = arith.constant 0 : i32
          %dma_wait3A_226 = tpu.memref_slice %arg3[%dma_wait3A_224, %dma_wait3A_225] : memref<64x1000000xf32, #tpu.memory_space<hbm>> -> memref<64x128xf32, #tpu.memory_space<hbm>>
          tpu.wait_dma2 semaphore(%arg23 : memref<!tpu.dma_semaphore, #tpu.memory_space<semaphore_mem>>) src(%dma_wait3A_226 : memref<64x128xf32, #tpu.memory_space<hbm>>) dst(%dma_wait3A_223 : memref<64x128xf32, #tpu.memory_space<vmem>>)
        } else {
        }
        %mul3A_174 = arith.constant 4 : i32
        %mul3A_175 = arith.muli %add3A_134, %mul3A_174 : i32
        %add3A_176 = arith.constant 1 : i32
        %add3A_177 = arith.addi %mul3A_175, %add3A_176 : i32
        %get3A_178 = arith.index_cast %add3A_177 : i32 to index
        %get3A_179 = tpu.vector_load %arg18[%get3A_178] {strides = array<i32>} : memref<7844xi32, #tpu.memory_space<vmem>>, vector<16xi32>,
        %slice3A_180 = vector.extract_strided_slice %get3A_179 {offsets = [0], sizes = [1], strides = [1]} : vector<16xi32> to vector<1xi32>
        %squeeze3A_181 = vector.extract %slice3A_180[0] : i32 from vector<1xi32>
        %gt3A_182 = arith.constant 0 : i32
        %gt3A_183 = arith.cmpi sgt, %squeeze3A_181, %gt3A_182 : i32
        %convert_element_type3A_184 = arith.extui %gt3A_183 : i1 to i32
        %cond3A_185 = arith.constant 0 : i32
        %cond3A_186 = arith.cmpi ne, %convert_element_type3A_184, %cond3A_185 : i32
        scf.if %cond3A_186 {
          %dma_wait3A_213 = arith.constant 0 : i32
          %dma_wait3A_214 = arith.constant 128 : i32
          %dma_wait3A_215 = tpu.memref_slice %arg16[%and3A_138, %dma_wait3A_213, %dma_wait3A_214] : memref<2x64x512xf32, #tpu.memory_space<vmem>> -> memref<1x64x128xf32, #tpu.memory_space<vmem>>
          %dma_wait3A_216 = tpu.memref_squeeze %dma_wait3A_215 : memref<1x64x128xf32, #tpu.memory_space<vmem>> -> memref<64x128xf32, #tpu.memory_space<vmem>>
          %dma_wait3A_217 = arith.constant 0 : i32
          %dma_wait3A_218 = arith.constant 0 : i32
          %dma_wait3A_219 = tpu.memref_slice %arg3[%dma_wait3A_217, %dma_wait3A_218] : memref<64x1000000xf32, #tpu.memory_space<hbm>> -> memref<64x128xf32, #tpu.memory_space<hbm>>
          %dma_wait3A_220 = arith.constant 0 : i32
          %dma_wait3A_221 = arith.constant 128 : i32
          %dma_wait3A_222 = tpu.memref_slice %arg16[%and3A_138, %dma_wait3A_220, %dma_wait3A_221] : memref<2x64x512xf32, #tpu.memory_space<vmem>> -> memref<1x64x128xf32, #tpu.memory_space<vmem>>
          %dma_wait3A_223 = tpu.memref_squeeze %dma_wait3A_222 : memref<1x64x128xf32, #tpu.memory_space<vmem>> -> memref<64x128xf32, #tpu.memory_space<vmem>>
          %dma_wait3A_224 = arith.constant 0 : i32
          %dma_wait3A_225 = arith.constant 0 : i32
          %dma_wait3A_226 = tpu.memref_slice %arg3[%dma_wait3A_224, %dma_wait3A_225] : memref<64x1000000xf32, #tpu.memory_space<hbm>> -> memref<64x128xf32, #tpu.memory_space<hbm>>
          tpu.wait_dma2 semaphore(%arg23 : memref<!tpu.dma_semaphore, #tpu.memory_space<semaphore_mem>>) src(%dma_wait3A_226 : memref<64x128xf32, #tpu.memory_space<hbm>>) dst(%dma_wait3A_223 : memref<64x128xf32, #tpu.memory_space<vmem>>)
        } else {
        }
        %mul3A_187 = arith.constant 4 : i32
        %mul3A_188 = arith.muli %add3A_134, %mul3A_187 : i32
        %add3A_189 = arith.constant 2 : i32
        %add3A_190 = arith.addi %mul3A_188, %add3A_189 : i32
        %get3A_191 = arith.index_cast %add3A_190 : i32 to index
        %get3A_192 = tpu.vector_load %arg18[%get3A_191] {strides = array<i32>} : memref<7844xi32, #tpu.memory_space<vmem>>, vector<16xi32>,
        %slice3A_193 = vector.extract_strided_slice %get3A_192 {offsets = [0], sizes = [1], strides = [1]} : vector<16xi32> to vector<1xi32>
        %squeeze3A_194 = vector.extract %slice3A_193[0] : i32 from vector<1xi32>
        %gt3A_195 = arith.constant 0 : i32
        %gt3A_196 = arith.cmpi sgt, %squeeze3A_194, %gt3A_195 : i32
        %convert_element_type3A_197 = arith.extui %gt3A_196 : i1 to i32
        %cond3A_198 = arith.constant 0 : i32
        %cond3A_199 = arith.cmpi ne, %convert_element_type3A_197, %cond3A_198 : i32
        scf.if %cond3A_199 {
          %dma_wait3A_213 = arith.constant 0 : i32
          %dma_wait3A_214 = arith.constant 256 : i32
          %dma_wait3A_215 = tpu.memref_slice %arg16[%and3A_138, %dma_wait3A_213, %dma_wait3A_214] : memref<2x64x512xf32, #tpu.memory_space<vmem>> -> memref<1x64x128xf32, #tpu.memory_space<vmem>>
          %dma_wait3A_216 = tpu.memref_squeeze %dma_wait3A_215 : memref<1x64x128xf32, #tpu.memory_space<vmem>> -> memref<64x128xf32, #tpu.memory_space<vmem>>
          %dma_wait3A_217 = arith.constant 0 : i32
          %dma_wait3A_218 = arith.constant 0 : i32
          %dma_wait3A_219 = tpu.memref_slice %arg3[%dma_wait3A_217, %dma_wait3A_218] : memref<64x1000000xf32, #tpu.memory_space<hbm>> -> memref<64x128xf32, #tpu.memory_space<hbm>>
          %dma_wait3A_220 = arith.constant 0 : i32
          %dma_wait3A_221 = arith.constant 256 : i32
          %dma_wait3A_222 = tpu.memref_slice %arg16[%and3A_138, %dma_wait3A_220, %dma_wait3A_221] : memref<2x64x512xf32, #tpu.memory_space<vmem>> -> memref<1x64x128xf32, #tpu.memory_space<vmem>>
          %dma_wait3A_223 = tpu.memref_squeeze %dma_wait3A_222 : memref<1x64x128xf32, #tpu.memory_space<vmem>> -> memref<64x128xf32, #tpu.memory_space<vmem>>
          %dma_wait3A_224 = arith.constant 0 : i32
          %dma_wait3A_225 = arith.constant 0 : i32
          %dma_wait3A_226 = tpu.memref_slice %arg3[%dma_wait3A_224, %dma_wait3A_225] : memref<64x1000000xf32, #tpu.memory_space<hbm>> -> memref<64x128xf32, #tpu.memory_space<hbm>>
          tpu.wait_dma2 semaphore(%arg23 : memref<!tpu.dma_semaphore, #tpu.memory_space<semaphore_mem>>) src(%dma_wait3A_226 : memref<64x128xf32, #tpu.memory_space<hbm>>) dst(%dma_wait3A_223 : memref<64x128xf32, #tpu.memory_space<vmem>>)
        } else {
        }
        %mul3A_200 = arith.constant 4 : i32
        %mul3A_201 = arith.muli %add3A_134, %mul3A_200 : i32
        %add3A_202 = arith.constant 3 : i32
        %add3A_203 = arith.addi %mul3A_201, %add3A_202 : i32
        %get3A_204 = arith.index_cast %add3A_203 : i32 to index
        %get3A_205 = tpu.vector_load %arg18[%get3A_204] {strides = array<i32>} : memref<7844xi32, #tpu.memory_space<vmem>>, vector<16xi32>,
        %slice3A_206 = vector.extract_strided_slice %get3A_205 {offsets = [0], sizes = [1], strides = [1]} : vector<16xi32> to vector<1xi32>
        %squeeze3A_207 = vector.extract %slice3A_206[0] : i32 from vector<1xi32>
        %gt3A_208 = arith.constant 0 : i32
        %gt3A_209 = arith.cmpi sgt, %squeeze3A_207, %gt3A_208 : i32
        %convert_element_type3A_210 = arith.extui %gt3A_209 : i1 to i32
        %cond3A_211 = arith.constant 0 : i32
        %cond3A_212 = arith.cmpi ne, %convert_element_type3A_210, %cond3A_211 : i32
        scf.if %cond3A_212 {
          %dma_wait3A_213 = arith.constant 0 : i32
          %dma_wait3A_214 = arith.constant 384 : i32
          %dma_wait3A_215 = tpu.memref_slice %arg16[%and3A_138, %dma_wait3A_213, %dma_wait3A_214] : memref<2x64x512xf32, #tpu.memory_space<vmem>> -> memref<1x64x128xf32, #tpu.memory_space<vmem>>
          %dma_wait3A_216 = tpu.memref_squeeze %dma_wait3A_215 : memref<1x64x128xf32, #tpu.memory_space<vmem>> -> memref<64x128xf32, #tpu.memory_space<vmem>>
          %dma_wait3A_217 = arith.constant 0 : i32
          %dma_wait3A_218 = arith.constant 0 : i32
          %dma_wait3A_219 = tpu.memref_slice %arg3[%dma_wait3A_217, %dma_wait3A_218] : memref<64x1000000xf32, #tpu.memory_space<hbm>> -> memref<64x128xf32, #tpu.memory_space<hbm>>
          %dma_wait3A_220 = arith.constant 0 : i32
          %dma_wait3A_221 = arith.constant 384 : i32
          %dma_wait3A_222 = tpu.memref_slice %arg16[%and3A_138, %dma_wait3A_220, %dma_wait3A_221] : memref<2x64x512xf32, #tpu.memory_space<vmem>> -> memref<1x64x128xf32, #tpu.memory_space<vmem>>
          %dma_wait3A_223 = tpu.memref_squeeze %dma_wait3A_222 : memref<1x64x128xf32, #tpu.memory_space<vmem>> -> memref<64x128xf32, #tpu.memory_space<vmem>>
          %dma_wait3A_224 = arith.constant 0 : i32
          %dma_wait3A_225 = arith.constant 0 : i32
          %dma_wait3A_226 = tpu.memref_slice %arg3[%dma_wait3A_224, %dma_wait3A_225] : memref<64x1000000xf32, #tpu.memory_space<hbm>> -> memref<64x128xf32, #tpu.memory_space<hbm>>
          tpu.wait_dma2 semaphore(%arg23 : memref<!tpu.dma_semaphore, #tpu.memory_space<semaphore_mem>>) src(%dma_wait3A_226 : memref<64x128xf32, #tpu.memory_space<hbm>>) dst(%dma_wait3A_223 : memref<64x128xf32, #tpu.memory_space<vmem>>)
        } else {
        }
      } else {
      }
      %broadcast_in_dim3A_153 = vector.broadcast %and3A_138 : i32 to vector<16xi32>
      %while3A_154 = arith.constant 0 : i32
      %while3A_155 = arith.subi %shift_right_arithmetic3A_44, %while3A_154 : i32
      %while3A_156 = arith.addi %while3A_154, %while3A_155 : i32
      %while3A_157 = arith.constant 1 : i32
      %while3A_158 = arith.divsi %while3A_155, %while3A_157 : i32
      %while3A_159 = arith.muli %while3A_158, %while3A_157 : i32
      %while3A_160 = arith.addi %while3A_154, %while3A_159 : i32
      %while3A_161 = arith.constant 1 : i32
      %while3A_162:5 = scf.for %while3A_165 = %while3A_154 to %while3A_160 step %while3A_161 iter_args(%while3A_166 = %while3A_127, %while3A_167 = %while3A_128, %while3A_168 = %while3A_129, %while3A_169 = %while3A_130, %while3A_170 = %while3A_131) -> (i32, vector<16xi32>, vector<16xi32>, vector<16xi32>, vector<16xi32>)  : i32 {
        %mul3A_171 = arith.constant 16 : i32
        %mul3A_172 = arith.muli %while3A_165, %mul3A_171 : i32
        %get3A = arith.index_cast %mul3A_172 : i32 to index
        %get3A_173 = tpu.vector_load %arg12[%get3A] {strides = array<i32>} : memref<8208xi32, #tpu.memory_space<vmem>>, vector<16xi32>,
        %mul3A_174 = arith.constant 16 : i32
        %mul3A_175 = arith.muli %while3A_165, %mul3A_174 : i32
        %get3A_176 = arith.index_cast %mul3A_175 : i32 to index
        %get3A_177 = tpu.vector_load %arg13[%get3A_176] {strides = array<i32>} : memref<8208xi32, #tpu.memory_space<vmem>>, vector<16xi32>,
        %mul3A_178 = arith.constant 16 : i32
        %mul3A_179 = arith.muli %while3A_165, %mul3A_178 : i32
        %add3A_180 = vector.broadcast %mul3A_179 : i32 to vector<16xi32>
        %add3A_181 = arith.addi %add3A_180, %iota3A : vector<16xi32>
        %lt3A_182 = vector.broadcast %scan3A_37 : i32 to vector<16xi32>
        %lt3A_183 = arith.cmpi slt, %add3A_181, %lt3A_182 : vector<16xi32>
        %shift_right_arithmetic3A_184 = arith.constant 9 : i32
        %shift_right_arithmetic3A_185 = vector.broadcast %shift_right_arithmetic3A_184 : i32 to vector<16xi32>
        %shift_right_arithmetic3A_186 = arith.shrsi %get3A_173, %shift_right_arithmetic3A_185 : vector<16xi32>
        %eq3A_187 = vector.broadcast %add3A_134 : i32 to vector<16xi32>
        %eq3A_188 = arith.cmpi eq, %shift_right_arithmetic3A_186, %eq3A_187 : vector<16xi32>
        %and3A_189 = arith.andi %lt3A_183, %eq3A_188 : vector<16xi1>
        %swap3A_190 = arith.constant 0 : index
        %swap3A_191 = tpu.vector_load %arg14[%swap3A_190] masked %and3A_189 {strides = array<i32>} : memref<32xi32, #tpu.memory_space<vmem>>, vector<16xi32>, vector<16xi1>
        tpu.vector_store %arg14[%swap3A_190], %get3A_173 masked %and3A_189 {strides = array<i32>} : memref<32xi32, #tpu.memory_space<vmem>>, vector<16xi32>, vector<16xi1>
        %swap3A_192 = arith.constant 0 : index
        %swap3A_193 = tpu.vector_load %arg15[%swap3A_192] masked %and3A_189 {strides = array<i32>} : memref<32xi32, #tpu.memory_space<vmem>>, vector<16xi32>, vector<16xi1>
        tpu.vector_store %arg15[%swap3A_192], %get3A_177 masked %and3A_189 {strides = array<i32>} : memref<32xi32, #tpu.memory_space<vmem>>, vector<16xi32>, vector<16xi1>
        %all_reduce_population_count3A = tpu.all_reduce %and3A_189 {dim = 0 : i64, kind = #tpu.reduction_kind<sum>} : vector<16xi1> -> vector<16xi32>
        %slice3A = vector.extract_strided_slice %all_reduce_population_count3A {offsets = [0], sizes = [1], strides = [1]} : vector<16xi32> to vector<1xi32>
        %squeeze3A = vector.extract %slice3A[0] : i32 from vector<1xi32>
        %while3A_194 = arith.constant 0 : i32
        %while3A_195 = arith.subi %squeeze3A, %while3A_194 : i32
        %while3A_196 = arith.addi %while3A_194, %while3A_195 : i32
        %while3A_197 = arith.constant 1 : i32
        %while3A_198 = arith.divsi %while3A_195, %while3A_197 : i32
        %while3A_199 = arith.muli %while3A_198, %while3A_197 : i32
        %while3A_200 = arith.addi %while3A_194, %while3A_199 : i32
        %while3A_201 = arith.constant 1 : i32
        %while3A_202:5 = scf.for %while3A_205 = %while3A_194 to %while3A_200 step %while3A_201 iter_args(%while3A_206 = %while3A_166, %while3A_207 = %while3A_167, %while3A_208 = %while3A_168, %while3A_209 = %while3A_169, %while3A_210 = %while3A_170) -> (i32, vector<16xi32>, vector<16xi32>, vector<16xi32>, vector<16xi32>)  : i32 {
          %get3A_211 = arith.index_cast %while3A_205 : i32 to index
          %get3A_212 = tpu.vector_load %arg14[%get3A_211] {strides = array<i32>} : memref<32xi32, #tpu.memory_space<vmem>>, vector<16xi32>,
          %slice3A_213 = vector.extract_strided_slice %get3A_212 {offsets = [0], sizes = [1], strides = [1]} : vector<16xi32> to vector<1xi32>
          %squeeze3A_214 = vector.extract %slice3A_213[0] : i32 from vector<1xi32>
          %get3A_215 = arith.index_cast %while3A_205 : i32 to index
          %get3A_216 = tpu.vector_load %arg15[%get3A_215] {strides = array<i32>} : memref<32xi32, #tpu.memory_space<vmem>>, vector<16xi32>,
          %slice3A_217 = vector.extract_strided_slice %get3A_216 {offsets = [0], sizes = [1], strides = [1]} : vector<16xi32> to vector<1xi32>
          %squeeze3A_218 = vector.extract %slice3A_217[0] : i32 from vector<1xi32>
          %sub3A_219 = arith.subi %squeeze3A_214, %mul3A_136 : i32
          %and3A_220 = arith.constant 63 : i32
          %and3A_221 = arith.andi %while3A_206, %and3A_220 : i32
          %shift_right_arithmetic3A_222 = arith.constant 4 : i32
          %shift_right_arithmetic3A_223 = arith.shrsi %and3A_221, %shift_right_arithmetic3A_222 : i32
          %and3A_224 = arith.constant 15 : i32
          %and3A_225 = arith.andi %and3A_221, %and3A_224 : i32
          %broadcast_in_dim3A_226 = vector.broadcast %sub3A_219 : i32 to vector<16xi32>
          %add3A_227 = arith.constant 0 : i32
          %add3A_228 = vector.broadcast %add3A_227 : i32 to vector<16xi32>
          %add3A_229 = arith.addi %iota3A, %add3A_228 : vector<16xi32>
          %gather3A = tpu.vector_load_idx %arg16[%broadcast_in_dim3A_153, %add3A_229, %broadcast_in_dim3A_226] : memref<2x64x512xf32, #tpu.memory_space<vmem>>[vector<16xi32>, vector<16xi32>, vector<16xi32>], vector<16xf32>,
          %swap3A_230 = arith.index_cast %and3A_221 : i32 to index
          %swap3A_231 = arith.constant 0 : index
          %swap3A_232 = tpu.vector_load %arg19[%swap3A_230, %swap3A_231] {strides = array<i32>} : memref<64x128xf32, #tpu.memory_space<vmem>>, vector<16xf32>,
          tpu.vector_store %arg19[%swap3A_230, %swap3A_231], %gather3A {strides = array<i32>} : memref<64x128xf32, #tpu.memory_space<vmem>>, vector<16xf32>,
          %add3A_233 = arith.constant 16 : i32
          %add3A_234 = vector.broadcast %add3A_233 : i32 to vector<16xi32>
          %add3A_235 = arith.addi %iota3A, %add3A_234 : vector<16xi32>
          %gather3A_236 = tpu.vector_load_idx %arg16[%broadcast_in_dim3A_153, %add3A_235, %broadcast_in_dim3A_226] : memref<2x64x512xf32, #tpu.memory_space<vmem>>[vector<16xi32>, vector<16xi32>, vector<16xi32>], vector<16xf32>,
          %swap3A_237 = arith.index_cast %and3A_221 : i32 to index
          %swap3A_238 = arith.constant 16 : index
          %swap3A_239 = tpu.vector_load %arg19[%swap3A_237, %swap3A_238] {strides = array<i32>} : memref<64x128xf32, #tpu.memory_space<vmem>>, vector<16xf32>,
          tpu.vector_store %arg19[%swap3A_237, %swap3A_238], %gather3A_236 {strides = array<i32>} : memref<64x128xf32, #tpu.memory_space<vmem>>, vector<16xf32>,
          %add3A_240 = arith.constant 32 : i32
          %add3A_241 = vector.broadcast %add3A_240 : i32 to vector<16xi32>
          %add3A_242 = arith.addi %iota3A, %add3A_241 : vector<16xi32>
          %gather3A_243 = tpu.vector_load_idx %arg16[%broadcast_in_dim3A_153, %add3A_242, %broadcast_in_dim3A_226] : memref<2x64x512xf32, #tpu.memory_space<vmem>>[vector<16xi32>, vector<16xi32>, vector<16xi32>], vector<16xf32>,
          %swap3A_244 = arith.index_cast %and3A_221 : i32 to index
          %swap3A_245 = arith.constant 32 : index
          %swap3A_246 = tpu.vector_load %arg19[%swap3A_244, %swap3A_245] {strides = array<i32>} : memref<64x128xf32, #tpu.memory_space<vmem>>, vector<16xf32>,
          tpu.vector_store %arg19[%swap3A_244, %swap3A_245], %gather3A_243 {strides = array<i32>} : memref<64x128xf32, #tpu.memory_space<vmem>>, vector<16xf32>,
          %add3A_247 = arith.constant 48 : i32
          %add3A_248 = vector.broadcast %add3A_247 : i32 to vector<16xi32>
          %add3A_249 = arith.addi %iota3A, %add3A_248 : vector<16xi32>
          %gather3A_250 = tpu.vector_load_idx %arg16[%broadcast_in_dim3A_153, %add3A_249, %broadcast_in_dim3A_226] : memref<2x64x512xf32, #tpu.memory_space<vmem>>[vector<16xi32>, vector<16xi32>, vector<16xi32>], vector<16xf32>,
          %swap3A_251 = arith.index_cast %and3A_221 : i32 to index
          %swap3A_252 = arith.constant 48 : index
          %swap3A_253 = tpu.vector_load %arg19[%swap3A_251, %swap3A_252] {strides = array<i32>} : memref<64x128xf32, #tpu.memory_space<vmem>>, vector<16xf32>,
          tpu.vector_store %arg19[%swap3A_251, %swap3A_252], %gather3A_250 {strides = array<i32>} : memref<64x128xf32, #tpu.memory_space<vmem>>, vector<16xf32>,
          %eq3A_254 = vector.broadcast %and3A_225 : i32 to vector<16xi32>
          %eq3A_255 = arith.cmpi eq, %iota3A, %eq3A_254 : vector<16xi32>
          %eq3A_256 = arith.constant 0 : i32
          %eq3A_257 = arith.cmpi eq, %shift_right_arithmetic3A_223, %eq3A_256 : i32
          %and3A_258 = vector.broadcast %eq3A_257 : i1 to vector<16xi1>
          %and3A_259 = arith.andi %eq3A_255, %and3A_258 : vector<16xi1>
          %broadcast_in_dim3A_260 = vector.broadcast %squeeze3A_218 : i32 to vector<16xi32>
          %select_n3A = arith.select %and3A_259, %broadcast_in_dim3A_260, %while3A_207 : vector<16xi1>, vector<16xi32>
          %eq3A_261 = vector.broadcast %and3A_225 : i32 to vector<16xi32>
          %eq3A_262 = arith.cmpi eq, %iota3A, %eq3A_261 : vector<16xi32>
          %eq3A_263 = arith.constant 1 : i32
          %eq3A_264 = arith.cmpi eq, %shift_right_arithmetic3A_223, %eq3A_263 : i32
          %and3A_265 = vector.broadcast %eq3A_264 : i1 to vector<16xi1>
          %and3A_266 = arith.andi %eq3A_262, %and3A_265 : vector<16xi1>
          %broadcast_in_dim3A_267 = vector.broadcast %squeeze3A_218 : i32 to vector<16xi32>
          %select_n3A_268 = arith.select %and3A_266, %broadcast_in_dim3A_267, %while3A_208 : vector<16xi1>, vector<16xi32>
          %eq3A_269 = vector.broadcast %and3A_225 : i32 to vector<16xi32>
          %eq3A_270 = arith.cmpi eq, %iota3A, %eq3A_269 : vector<16xi32>
          %eq3A_271 = arith.constant 2 : i32
          %eq3A_272 = arith.cmpi eq, %shift_right_arithmetic3A_223, %eq3A_271 : i32
          %and3A_273 = vector.broadcast %eq3A_272 : i1 to vector<16xi1>
          %and3A_274 = arith.andi %eq3A_270, %and3A_273 : vector<16xi1>
          %broadcast_in_dim3A_275 = vector.broadcast %squeeze3A_218 : i32 to vector<16xi32>
          %select_n3A_276 = arith.select %and3A_274, %broadcast_in_dim3A_275, %while3A_209 : vector<16xi1>, vector<16xi32>
          %eq3A_277 = vector.broadcast %and3A_225 : i32 to vector<16xi32>
          %eq3A_278 = arith.cmpi eq, %iota3A, %eq3A_277 : vector<16xi32>
          %eq3A_279 = arith.constant 3 : i32
          %eq3A_280 = arith.cmpi eq, %shift_right_arithmetic3A_223, %eq3A_279 : i32
          %and3A_281 = vector.broadcast %eq3A_280 : i1 to vector<16xi1>
          %and3A_282 = arith.andi %eq3A_278, %and3A_281 : vector<16xi1>
          %broadcast_in_dim3A_283 = vector.broadcast %squeeze3A_218 : i32 to vector<16xi32>
          %select_n3A_284 = arith.select %and3A_282, %broadcast_in_dim3A_283, %while3A_210 : vector<16xi1>, vector<16xi32>
          %eq3A_285 = arith.constant 63 : i32
          %eq3A_286 = arith.cmpi eq, %and3A_221, %eq3A_285 : i32
          %convert_element_type3A_287 = arith.extui %eq3A_286 : i1 to i32
          %cond3A_288 = arith.constant 0 : i32
          %cond3A_289 = arith.cmpi ne, %convert_element_type3A_287, %cond3A_288 : i32
          scf.if %cond3A_289 {
            %swap3A_305 = arith.constant 0 : i32
            %swap3A_306 = arith.index_cast %swap3A_305 : i32 to index
            %swap3A_307 = arith.constant 0 : index
            %swap3A_308 = tpu.vector_load %arg21[%swap3A_306, %swap3A_307] {strides = array<i32>} : memref<1x64xi32, #tpu.memory_space<vmem>>, vector<16xi32>,
            tpu.vector_store %arg21[%swap3A_306, %swap3A_307], %select_n3A {strides = array<i32>} : memref<1x64xi32, #tpu.memory_space<vmem>>, vector<16xi32>,
            %and3A_309 = arith.constant 2047 : i32
            %and3A_310 = vector.broadcast %and3A_309 : i32 to vector<16xi32>
            %and3A_311 = arith.andi %select_n3A, %and3A_310 : vector<16xi32>
            %swap3A_312 = arith.constant 0 : i32
            %swap3A_313 = arith.index_cast %swap3A_312 : i32 to index
            %swap3A_314 = arith.constant 0 : index
            %swap3A_315 = tpu.vector_load %arg22[%swap3A_313, %swap3A_314] {strides = array<i32>} : memref<1x64xi32, #tpu.memory_space<vmem>>, vector<16xi32>,
            tpu.vector_store %arg22[%swap3A_313, %swap3A_314], %and3A_311 {strides = array<i32>} : memref<1x64xi32, #tpu.memory_space<vmem>>, vector<16xi32>,
            %swap3A_316 = arith.constant 0 : i32
            %swap3A_317 = arith.index_cast %swap3A_316 : i32 to index
            %swap3A_318 = arith.constant 16 : index
            %swap3A_319 = tpu.vector_load %arg21[%swap3A_317, %swap3A_318] {strides = array<i32>} : memref<1x64xi32, #tpu.memory_space<vmem>>, vector<16xi32>,
            tpu.vector_store %arg21[%swap3A_317, %swap3A_318], %select_n3A_268 {strides = array<i32>} : memref<1x64xi32, #tpu.memory_space<vmem>>, vector<16xi32>,
            %and3A_320 = arith.constant 2047 : i32
            %and3A_321 = vector.broadcast %and3A_320 : i32 to vector<16xi32>
            %and3A_322 = arith.andi %select_n3A_268, %and3A_321 : vector<16xi32>
            %swap3A_323 = arith.constant 0 : i32
            %swap3A_324 = arith.index_cast %swap3A_323 : i32 to index
            %swap3A_325 = arith.constant 16 : index
            %swap3A_326 = tpu.vector_load %arg22[%swap3A_324, %swap3A_325] {strides = array<i32>} : memref<1x64xi32, #tpu.memory_space<vmem>>, vector<16xi32>,
            tpu.vector_store %arg22[%swap3A_324, %swap3A_325], %and3A_322 {strides = array<i32>} : memref<1x64xi32, #tpu.memory_space<vmem>>, vector<16xi32>,
            %swap3A_327 = arith.constant 0 : i32
            %swap3A_328 = arith.index_cast %swap3A_327 : i32 to index
            %swap3A_329 = arith.constant 32 : index
            %swap3A_330 = tpu.vector_load %arg21[%swap3A_328, %swap3A_329] {strides = array<i32>} : memref<1x64xi32, #tpu.memory_space<vmem>>, vector<16xi32>,
            tpu.vector_store %arg21[%swap3A_328, %swap3A_329], %select_n3A_276 {strides = array<i32>} : memref<1x64xi32, #tpu.memory_space<vmem>>, vector<16xi32>,
            %and3A_331 = arith.constant 2047 : i32
            %and3A_332 = vector.broadcast %and3A_331 : i32 to vector<16xi32>
            %and3A_333 = arith.andi %select_n3A_276, %and3A_332 : vector<16xi32>
            %swap3A_334 = arith.constant 0 : i32
            %swap3A_335 = arith.index_cast %swap3A_334 : i32 to index
            %swap3A_336 = arith.constant 32 : index
            %swap3A_337 = tpu.vector_load %arg22[%swap3A_335, %swap3A_336] {strides = array<i32>} : memref<1x64xi32, #tpu.memory_space<vmem>>, vector<16xi32>,
            tpu.vector_store %arg22[%swap3A_335, %swap3A_336], %and3A_333 {strides = array<i32>} : memref<1x64xi32, #tpu.memory_space<vmem>>, vector<16xi32>,
            %swap3A_338 = arith.constant 0 : i32
            %swap3A_339 = arith.index_cast %swap3A_338 : i32 to index
            %swap3A_340 = arith.constant 48 : index
            %swap3A_341 = tpu.vector_load %arg21[%swap3A_339, %swap3A_340] {strides = array<i32>} : memref<1x64xi32, #tpu.memory_space<vmem>>, vector<16xi32>,
            tpu.vector_store %arg21[%swap3A_339, %swap3A_340], %select_n3A_284 {strides = array<i32>} : memref<1x64xi32, #tpu.memory_space<vmem>>, vector<16xi32>,
            %and3A_342 = arith.constant 2047 : i32
            %and3A_343 = vector.broadcast %and3A_342 : i32 to vector<16xi32>
            %and3A_344 = arith.andi %select_n3A_284, %and3A_343 : vector<16xi32>
            %swap3A_345 = arith.constant 0 : i32
            %swap3A_346 = arith.index_cast %swap3A_345 : i32 to index
            %swap3A_347 = arith.constant 48 : index
            %swap3A_348 = tpu.vector_load %arg22[%swap3A_346, %swap3A_347] {strides = array<i32>} : memref<1x64xi32, #tpu.memory_space<vmem>>, vector<16xi32>,
            tpu.vector_store %arg22[%swap3A_346, %swap3A_347], %and3A_344 {strides = array<i32>} : memref<1x64xi32, #tpu.memory_space<vmem>>, vector<16xi32>,
            %dma_start3A_349 = arith.constant 0 : i32
            %dma_start3A_350 = arith.constant 0 : i32
            %dma_start3A_351 = tpu.memref_slice %arg22[%dma_start3A_349, %dma_start3A_350] : memref<1x64xi32, #tpu.memory_space<vmem>> -> memref<1x64xi32, #tpu.memory_space<vmem>>
            %dma_start3A_352 = tpu.memref_squeeze %dma_start3A_351 : memref<1x64xi32, #tpu.memory_space<vmem>> -> memref<64xi32, #tpu.memory_space<vmem>>
            %dma_start3A_353 = arith.constant 0 : i32
            %dma_start3A_354 = arith.constant 0 : i32
            %dma_start3A_355 = tpu.memref_slice %arg5[%dma_start3A_353, %dma_start3A_354] : memref<2048x128xf32, #tpu.memory_space<hbm>> -> memref<2048x128xf32, #tpu.memory_space<hbm>>
            tpu.enqueue_indirect_dma source(%dma_start3A_355 : memref<2048x128xf32, #tpu.memory_space<hbm>>) target(%arg20 : memref<64x128xf32, #tpu.memory_space<vmem>>) offsets(%dma_start3A_352 : memref<64xi32, #tpu.memory_space<vmem>>) semaphore(%arg24 : memref<!tpu.dma_semaphore, #tpu.memory_space<semaphore_mem>>)
            %dma_wait3A_356 = arith.constant 0 : i32
            %dma_wait3A_357 = arith.constant 0 : i32
            %dma_wait3A_358 = tpu.memref_slice %arg22[%dma_wait3A_356, %dma_wait3A_357] : memref<1x64xi32, #tpu.memory_space<vmem>> -> memref<1x64xi32, #tpu.memory_space<vmem>>
            %dma_wait3A_359 = tpu.memref_squeeze %dma_wait3A_358 : memref<1x64xi32, #tpu.memory_space<vmem>> -> memref<64xi32, #tpu.memory_space<vmem>>
            %dma_wait3A_360 = arith.constant 0 : i32
            %dma_wait3A_361 = arith.constant 0 : i32
            %dma_wait3A_362 = tpu.memref_slice %arg5[%dma_wait3A_360, %dma_wait3A_361] : memref<2048x128xf32, #tpu.memory_space<hbm>> -> memref<2048x128xf32, #tpu.memory_space<hbm>>
            tpu.wait_indirect_dma semaphore(%arg24 : memref<!tpu.dma_semaphore, #tpu.memory_space<semaphore_mem>>) src(%dma_wait3A_362 : memref<2048x128xf32, #tpu.memory_space<hbm>>) dst(%arg20 : memref<64x128xf32, #tpu.memory_space<vmem>>)
            %scan3A_363 = arith.constant 0 : i32
            %scan3A_364 = arith.constant 0 : i32
            %scan3A_365 = arith.constant 64 : i32
            %scan3A_366 = arith.addi %scan3A_364, %scan3A_365 : i32
            %scan3A_367 = arith.constant 1 : i32
            %scan3A_368 = scf.for %scan3A_371 = %scan3A_364 to %scan3A_366 step %scan3A_367 iter_args(%scan3A_372 = %scan3A_363) -> (i32)  : i32 {
              %get3A_373 = arith.index_cast %scan3A_371 : i32 to index
              %get3A_374 = arith.constant 0 : index
              %get3A_375 = tpu.vector_load %arg19[%get3A_373, %get3A_374] {strides = array<i32>} : memref<64x128xf32, #tpu.memory_space<vmem>>, vector<16xf32>,
              %get3A_376 = arith.index_cast %scan3A_371 : i32 to index
              %get3A_377 = arith.constant 0 : index
              %get3A_378 = tpu.vector_load %arg20[%get3A_376, %get3A_377] {strides = array<i32>} : memref<64x128xf32, #tpu.memory_space<vmem>>, vector<16xf32>,
              %add3A_379 = arith.addf %get3A_375, %get3A_378 : vector<16xf32>
              %swap3A_380 = arith.index_cast %scan3A_371 : i32 to index
              %swap3A_381 = arith.constant 0 : index
              %swap3A_382 = tpu.vector_load %arg19[%swap3A_380, %swap3A_381] {strides = array<i32>} : memref<64x128xf32, #tpu.memory_space<vmem>>, vector<16xf32>,
              tpu.vector_store %arg19[%swap3A_380, %swap3A_381], %add3A_379 {strides = array<i32>} : memref<64x128xf32, #tpu.memory_space<vmem>>, vector<16xf32>,
              %get3A_383 = arith.index_cast %scan3A_371 : i32 to index
              %get3A_384 = arith.constant 16 : index
              %get3A_385 = tpu.vector_load %arg19[%get3A_383, %get3A_384] {strides = array<i32>} : memref<64x128xf32, #tpu.memory_space<vmem>>, vector<16xf32>,
              %get3A_386 = arith.index_cast %scan3A_371 : i32 to index
              %get3A_387 = arith.constant 16 : index
              %get3A_388 = tpu.vector_load %arg20[%get3A_386, %get3A_387] {strides = array<i32>} : memref<64x128xf32, #tpu.memory_space<vmem>>, vector<16xf32>,
              %add3A_389 = arith.addf %get3A_385, %get3A_388 : vector<16xf32>
              %swap3A_390 = arith.index_cast %scan3A_371 : i32 to index
              %swap3A_391 = arith.constant 16 : index
              %swap3A_392 = tpu.vector_load %arg19[%swap3A_390, %swap3A_391] {strides = array<i32>} : memref<64x128xf32, #tpu.memory_space<vmem>>, vector<16xf32>,
              tpu.vector_store %arg19[%swap3A_390, %swap3A_391], %add3A_389 {strides = array<i32>} : memref<64x128xf32, #tpu.memory_space<vmem>>, vector<16xf32>,
              %get3A_393 = arith.index_cast %scan3A_371 : i32 to index
              %get3A_394 = arith.constant 32 : index
              %get3A_395 = tpu.vector_load %arg19[%get3A_393, %get3A_394] {strides = array<i32>} : memref<64x128xf32, #tpu.memory_space<vmem>>, vector<16xf32>,
              %get3A_396 = arith.index_cast %scan3A_371 : i32 to index
              %get3A_397 = arith.constant 32 : index
              %get3A_398 = tpu.vector_load %arg20[%get3A_396, %get3A_397] {strides = array<i32>} : memref<64x128xf32, #tpu.memory_space<vmem>>, vector<16xf32>,
              %add3A_399 = arith.addf %get3A_395, %get3A_398 : vector<16xf32>
              %swap3A_400 = arith.index_cast %scan3A_371 : i32 to index
              %swap3A_401 = arith.constant 32 : index
              %swap3A_402 = tpu.vector_load %arg19[%swap3A_400, %swap3A_401] {strides = array<i32>} : memref<64x128xf32, #tpu.memory_space<vmem>>, vector<16xf32>,
              tpu.vector_store %arg19[%swap3A_400, %swap3A_401], %add3A_399 {strides = array<i32>} : memref<64x128xf32, #tpu.memory_space<vmem>>, vector<16xf32>,
              %get3A_403 = arith.index_cast %scan3A_371 : i32 to index
              %get3A_404 = arith.constant 48 : index
              %get3A_405 = tpu.vector_load %arg19[%get3A_403, %get3A_404] {strides = array<i32>} : memref<64x128xf32, #tpu.memory_space<vmem>>, vector<16xf32>,
              %get3A_406 = arith.index_cast %scan3A_371 : i32 to index
              %get3A_407 = arith.constant 48 : index
              %get3A_408 = tpu.vector_load %arg20[%get3A_406, %get3A_407] {strides = array<i32>} : memref<64x128xf32, #tpu.memory_space<vmem>>, vector<16xf32>,
              %add3A_409 = arith.addf %get3A_405, %get3A_408 : vector<16xf32>
              %swap3A_410 = arith.index_cast %scan3A_371 : i32 to index
              %swap3A_411 = arith.constant 48 : index
              %swap3A_412 = tpu.vector_load %arg19[%swap3A_410, %swap3A_411] {strides = array<i32>} : memref<64x128xf32, #tpu.memory_space<vmem>>, vector<16xf32>,
              tpu.vector_store %arg19[%swap3A_410, %swap3A_411], %add3A_409 {strides = array<i32>} : memref<64x128xf32, #tpu.memory_space<vmem>>, vector<16xf32>,
              %scan3A_413 = arith.constant 0 : i32
              scf.yield %scan3A_413 : i32
            }
            %scan3A_369 = arith.constant 64 : i32
            %run_scoped3A_370 = arith.constant 0 : i32
            "tpu.region"() ({
              %run_scoped3A_371 = tpu.sem_alloc : memref<!tpu.dma_semaphore, #tpu.memory_space<semaphore_mem>>
              %dma_start3A_372 = arith.constant 0 : i32
              %dma_start3A_373 = tpu.memref_slice %arg21[%run_scoped3A_370, %dma_start3A_372] : memref<1x64xi32, #tpu.memory_space<vmem>> -> memref<1x64xi32, #tpu.memory_space<vmem>>
              %dma_start3A_374 = tpu.memref_squeeze %dma_start3A_373 : memref<1x64xi32, #tpu.memory_space<vmem>> -> memref<64xi32, #tpu.memory_space<vmem>>
              %dma_start3A_375 = arith.constant 0 : i32
              %dma_start3A_376 = arith.constant 0 : i32
              %dma_start3A_377 = tpu.memref_slice %arg8[%dma_start3A_375, %dma_start3A_376] : memref<8224x128xf32, #tpu.memory_space<hbm>> -> memref<8224x128xf32, #tpu.memory_space<hbm>>
              tpu.enqueue_indirect_dma source(%arg19 : memref<64x128xf32, #tpu.memory_space<vmem>>) target(%dma_start3A_377 : memref<8224x128xf32, #tpu.memory_space<hbm>>) offsets(%dma_start3A_374 : memref<64xi32, #tpu.memory_space<vmem>>) semaphore(%run_scoped3A_371 : memref<!tpu.dma_semaphore, #tpu.memory_space<semaphore_mem>>)
              %dma_wait3A_378 = arith.constant 0 : i32
              %dma_wait3A_379 = tpu.memref_slice %arg21[%run_scoped3A_370, %dma_wait3A_378] : memref<1x64xi32, #tpu.memory_space<vmem>> -> memref<1x64xi32, #tpu.memory_space<vmem>>
              %dma_wait3A_380 = tpu.memref_squeeze %dma_wait3A_379 : memref<1x64xi32, #tpu.memory_space<vmem>> -> memref<64xi32, #tpu.memory_space<vmem>>
              %dma_wait3A_381 = arith.constant 0 : i32
              %dma_wait3A_382 = arith.constant 0 : i32
              %dma_wait3A_383 = tpu.memref_slice %arg8[%dma_wait3A_381, %dma_wait3A_382] : memref<8224x128xf32, #tpu.memory_space<hbm>> -> memref<8224x128xf32, #tpu.memory_space<hbm>>
              tpu.wait_indirect_dma semaphore(%run_scoped3A_371 : memref<!tpu.dma_semaphore, #tpu.memory_space<semaphore_mem>>) src(%arg19 : memref<64x128xf32, #tpu.memory_space<vmem>>) dst(%dma_wait3A_383 : memref<8224x128xf32, #tpu.memory_space<hbm>>)
              tpu.yield
            }) : () -> ()
          } else {
          }
          %broadcast_in_dim3A_290 = vector.broadcast %add3A_40 : i32 to vector<16xi32>
          %eq3A_291 = arith.constant 63 : i32
          %eq3A_292 = arith.cmpi eq, %and3A_221, %eq3A_291 : i32
          %select_n3A_293 = arith.select %eq3A_292, %broadcast_in_dim3A_290, %select_n3A : vector<16xi32>
          %eq3A_294 = arith.constant 63 : i32
          %eq3A_295 = arith.cmpi eq, %and3A_221, %eq3A_294 : i32
          %select_n3A_296 = arith.select %eq3A_295, %broadcast_in_dim3A_290, %select_n3A_268 : vector<16xi32>
          %eq3A_297 = arith.constant 63 : i32
          %eq3A_298 = arith.cmpi eq, %and3A_221, %eq3A_297 : i32
          %select_n3A_299 = arith.select %eq3A_298, %broadcast_in_dim3A_290, %select_n3A_276 : vector<16xi32>
          %eq3A_300 = arith.constant 63 : i32
          %eq3A_301 = arith.cmpi eq, %and3A_221, %eq3A_300 : i32
          %select_n3A_302 = arith.select %eq3A_301, %broadcast_in_dim3A_290, %select_n3A_284 : vector<16xi32>
          %add3A_303 = arith.constant 1 : i32
          %add3A_304 = arith.addi %while3A_206, %add3A_303 : i32
          scf.yield %add3A_304, %select_n3A_293, %select_n3A_296, %select_n3A_299, %select_n3A_302 : i32, vector<16xi32>, vector<16xi32>, vector<16xi32>, vector<16xi32>
        }
        %while3A_203 = arith.constant 1 : i32
        %while3A_204:5 = scf.for %while3A_205 = %while3A_200 to %while3A_196 step %while3A_203 iter_args(%while3A_206 = %while3A_202#0, %while3A_207 = %while3A_202#1, %while3A_208 = %while3A_202#2, %while3A_209 = %while3A_202#3, %while3A_210 = %while3A_202#4) -> (i32, vector<16xi32>, vector<16xi32>, vector<16xi32>, vector<16xi32>)  : i32 {
          %get3A_211 = arith.index_cast %while3A_205 : i32 to index
          %get3A_212 = tpu.vector_load %arg14[%get3A_211] {strides = array<i32>} : memref<32xi32, #tpu.memory_space<vmem>>, vector<16xi32>,
          %slice3A_213 = vector.extract_strided_slice %get3A_212 {offsets = [0], sizes = [1], strides = [1]} : vector<16xi32> to vector<1xi32>
          %squeeze3A_214 = vector.extract %slice3A_213[0] : i32 from vector<1xi32>
          %get3A_215 = arith.index_cast %while3A_205 : i32 to index
          %get3A_216 = tpu.vector_load %arg15[%get3A_215] {strides = array<i32>} : memref<32xi32, #tpu.memory_space<vmem>>, vector<16xi32>,
          %slice3A_217 = vector.extract_strided_slice %get3A_216 {offsets = [0], sizes = [1], strides = [1]} : vector<16xi32> to vector<1xi32>
          %squeeze3A_218 = vector.extract %slice3A_217[0] : i32 from vector<1xi32>
          %sub3A_219 = arith.subi %squeeze3A_214, %mul3A_136 : i32
          %and3A_220 = arith.constant 63 : i32
          %and3A_221 = arith.andi %while3A_206, %and3A_220 : i32
          %shift_right_arithmetic3A_222 = arith.constant 4 : i32
          %shift_right_arithmetic3A_223 = arith.shrsi %and3A_221, %shift_right_arithmetic3A_222 : i32
          %and3A_224 = arith.constant 15 : i32
          %and3A_225 = arith.andi %and3A_221, %and3A_224 : i32
          %broadcast_in_dim3A_226 = vector.broadcast %sub3A_219 : i32 to vector<16xi32>
          %add3A_227 = arith.constant 0 : i32
          %add3A_228 = vector.broadcast %add3A_227 : i32 to vector<16xi32>
          %add3A_229 = arith.addi %iota3A, %add3A_228 : vector<16xi32>
          %gather3A = tpu.vector_load_idx %arg16[%broadcast_in_dim3A_153, %add3A_229, %broadcast_in_dim3A_226] : memref<2x64x512xf32, #tpu.memory_space<vmem>>[vector<16xi32>, vector<16xi32>, vector<16xi32>], vector<16xf32>,
          %swap3A_230 = arith.index_cast %and3A_221 : i32 to index
          %swap3A_231 = arith.constant 0 : index
          %swap3A_232 = tpu.vector_load %arg19[%swap3A_230, %swap3A_231] {strides = array<i32>} : memref<64x128xf32, #tpu.memory_space<vmem>>, vector<16xf32>,
          tpu.vector_store %arg19[%swap3A_230, %swap3A_231], %gather3A {strides = array<i32>} : memref<64x128xf32, #tpu.memory_space<vmem>>, vector<16xf32>,
          %add3A_233 = arith.constant 16 : i32
          %add3A_234 = vector.broadcast %add3A_233 : i32 to vector<16xi32>
          %add3A_235 = arith.addi %iota3A, %add3A_234 : vector<16xi32>
          %gather3A_236 = tpu.vector_load_idx %arg16[%broadcast_in_dim3A_153, %add3A_235, %broadcast_in_dim3A_226] : memref<2x64x512xf32, #tpu.memory_space<vmem>>[vector<16xi32>, vector<16xi32>, vector<16xi32>], vector<16xf32>,
          %swap3A_237 = arith.index_cast %and3A_221 : i32 to index
          %swap3A_238 = arith.constant 16 : index
          %swap3A_239 = tpu.vector_load %arg19[%swap3A_237, %swap3A_238] {strides = array<i32>} : memref<64x128xf32, #tpu.memory_space<vmem>>, vector<16xf32>,
          tpu.vector_store %arg19[%swap3A_237, %swap3A_238], %gather3A_236 {strides = array<i32>} : memref<64x128xf32, #tpu.memory_space<vmem>>, vector<16xf32>,
          %add3A_240 = arith.constant 32 : i32
          %add3A_241 = vector.broadcast %add3A_240 : i32 to vector<16xi32>
          %add3A_242 = arith.addi %iota3A, %add3A_241 : vector<16xi32>
          %gather3A_243 = tpu.vector_load_idx %arg16[%broadcast_in_dim3A_153, %add3A_242, %broadcast_in_dim3A_226] : memref<2x64x512xf32, #tpu.memory_space<vmem>>[vector<16xi32>, vector<16xi32>, vector<16xi32>], vector<16xf32>,
          %swap3A_244 = arith.index_cast %and3A_221 : i32 to index
          %swap3A_245 = arith.constant 32 : index
          %swap3A_246 = tpu.vector_load %arg19[%swap3A_244, %swap3A_245] {strides = array<i32>} : memref<64x128xf32, #tpu.memory_space<vmem>>, vector<16xf32>,
          tpu.vector_store %arg19[%swap3A_244, %swap3A_245], %gather3A_243 {strides = array<i32>} : memref<64x128xf32, #tpu.memory_space<vmem>>, vector<16xf32>,
          %add3A_247 = arith.constant 48 : i32
          %add3A_248 = vector.broadcast %add3A_247 : i32 to vector<16xi32>
          %add3A_249 = arith.addi %iota3A, %add3A_248 : vector<16xi32>
          %gather3A_250 = tpu.vector_load_idx %arg16[%broadcast_in_dim3A_153, %add3A_249, %broadcast_in_dim3A_226] : memref<2x64x512xf32, #tpu.memory_space<vmem>>[vector<16xi32>, vector<16xi32>, vector<16xi32>], vector<16xf32>,
          %swap3A_251 = arith.index_cast %and3A_221 : i32 to index
          %swap3A_252 = arith.constant 48 : index
          %swap3A_253 = tpu.vector_load %arg19[%swap3A_251, %swap3A_252] {strides = array<i32>} : memref<64x128xf32, #tpu.memory_space<vmem>>, vector<16xf32>,
          tpu.vector_store %arg19[%swap3A_251, %swap3A_252], %gather3A_250 {strides = array<i32>} : memref<64x128xf32, #tpu.memory_space<vmem>>, vector<16xf32>,
          %eq3A_254 = vector.broadcast %and3A_225 : i32 to vector<16xi32>
          %eq3A_255 = arith.cmpi eq, %iota3A, %eq3A_254 : vector<16xi32>
          %eq3A_256 = arith.constant 0 : i32
          %eq3A_257 = arith.cmpi eq, %shift_right_arithmetic3A_223, %eq3A_256 : i32
          %and3A_258 = vector.broadcast %eq3A_257 : i1 to vector<16xi1>
          %and3A_259 = arith.andi %eq3A_255, %and3A_258 : vector<16xi1>
          %broadcast_in_dim3A_260 = vector.broadcast %squeeze3A_218 : i32 to vector<16xi32>
          %select_n3A = arith.select %and3A_259, %broadcast_in_dim3A_260, %while3A_207 : vector<16xi1>, vector<16xi32>
          %eq3A_261 = vector.broadcast %and3A_225 : i32 to vector<16xi32>
          %eq3A_262 = arith.cmpi eq, %iota3A, %eq3A_261 : vector<16xi32>
          %eq3A_263 = arith.constant 1 : i32
          %eq3A_264 = arith.cmpi eq, %shift_right_arithmetic3A_223, %eq3A_263 : i32
          %and3A_265 = vector.broadcast %eq3A_264 : i1 to vector<16xi1>
          %and3A_266 = arith.andi %eq3A_262, %and3A_265 : vector<16xi1>
          %broadcast_in_dim3A_267 = vector.broadcast %squeeze3A_218 : i32 to vector<16xi32>
          %select_n3A_268 = arith.select %and3A_266, %broadcast_in_dim3A_267, %while3A_208 : vector<16xi1>, vector<16xi32>
          %eq3A_269 = vector.broadcast %and3A_225 : i32 to vector<16xi32>
          %eq3A_270 = arith.cmpi eq, %iota3A, %eq3A_269 : vector<16xi32>
          %eq3A_271 = arith.constant 2 : i32
          %eq3A_272 = arith.cmpi eq, %shift_right_arithmetic3A_223, %eq3A_271 : i32
          %and3A_273 = vector.broadcast %eq3A_272 : i1 to vector<16xi1>
          %and3A_274 = arith.andi %eq3A_270, %and3A_273 : vector<16xi1>
          %broadcast_in_dim3A_275 = vector.broadcast %squeeze3A_218 : i32 to vector<16xi32>
          %select_n3A_276 = arith.select %and3A_274, %broadcast_in_dim3A_275, %while3A_209 : vector<16xi1>, vector<16xi32>
          %eq3A_277 = vector.broadcast %and3A_225 : i32 to vector<16xi32>
          %eq3A_278 = arith.cmpi eq, %iota3A, %eq3A_277 : vector<16xi32>
          %eq3A_279 = arith.constant 3 : i32
          %eq3A_280 = arith.cmpi eq, %shift_right_arithmetic3A_223, %eq3A_279 : i32
          %and3A_281 = vector.broadcast %eq3A_280 : i1 to vector<16xi1>
          %and3A_282 = arith.andi %eq3A_278, %and3A_281 : vector<16xi1>
          %broadcast_in_dim3A_283 = vector.broadcast %squeeze3A_218 : i32 to vector<16xi32>
          %select_n3A_284 = arith.select %and3A_282, %broadcast_in_dim3A_283, %while3A_210 : vector<16xi1>, vector<16xi32>
          %eq3A_285 = arith.constant 63 : i32
          %eq3A_286 = arith.cmpi eq, %and3A_221, %eq3A_285 : i32
          %convert_element_type3A_287 = arith.extui %eq3A_286 : i1 to i32
          %cond3A_288 = arith.constant 0 : i32
          %cond3A_289 = arith.cmpi ne, %convert_element_type3A_287, %cond3A_288 : i32
          scf.if %cond3A_289 {
            %swap3A_305 = arith.constant 0 : i32
            %swap3A_306 = arith.index_cast %swap3A_305 : i32 to index
            %swap3A_307 = arith.constant 0 : index
            %swap3A_308 = tpu.vector_load %arg21[%swap3A_306, %swap3A_307] {strides = array<i32>} : memref<1x64xi32, #tpu.memory_space<vmem>>, vector<16xi32>,
            tpu.vector_store %arg21[%swap3A_306, %swap3A_307], %select_n3A {strides = array<i32>} : memref<1x64xi32, #tpu.memory_space<vmem>>, vector<16xi32>,
            %and3A_309 = arith.constant 2047 : i32
            %and3A_310 = vector.broadcast %and3A_309 : i32 to vector<16xi32>
            %and3A_311 = arith.andi %select_n3A, %and3A_310 : vector<16xi32>
            %swap3A_312 = arith.constant 0 : i32
            %swap3A_313 = arith.index_cast %swap3A_312 : i32 to index
            %swap3A_314 = arith.constant 0 : index
            %swap3A_315 = tpu.vector_load %arg22[%swap3A_313, %swap3A_314] {strides = array<i32>} : memref<1x64xi32, #tpu.memory_space<vmem>>, vector<16xi32>,
            tpu.vector_store %arg22[%swap3A_313, %swap3A_314], %and3A_311 {strides = array<i32>} : memref<1x64xi32, #tpu.memory_space<vmem>>, vector<16xi32>,
            %swap3A_316 = arith.constant 0 : i32
            %swap3A_317 = arith.index_cast %swap3A_316 : i32 to index
            %swap3A_318 = arith.constant 16 : index
            %swap3A_319 = tpu.vector_load %arg21[%swap3A_317, %swap3A_318] {strides = array<i32>} : memref<1x64xi32, #tpu.memory_space<vmem>>, vector<16xi32>,
            tpu.vector_store %arg21[%swap3A_317, %swap3A_318], %select_n3A_268 {strides = array<i32>} : memref<1x64xi32, #tpu.memory_space<vmem>>, vector<16xi32>,
            %and3A_320 = arith.constant 2047 : i32
            %and3A_321 = vector.broadcast %and3A_320 : i32 to vector<16xi32>
            %and3A_322 = arith.andi %select_n3A_268, %and3A_321 : vector<16xi32>
            %swap3A_323 = arith.constant 0 : i32
            %swap3A_324 = arith.index_cast %swap3A_323 : i32 to index
            %swap3A_325 = arith.constant 16 : index
            %swap3A_326 = tpu.vector_load %arg22[%swap3A_324, %swap3A_325] {strides = array<i32>} : memref<1x64xi32, #tpu.memory_space<vmem>>, vector<16xi32>,
            tpu.vector_store %arg22[%swap3A_324, %swap3A_325], %and3A_322 {strides = array<i32>} : memref<1x64xi32, #tpu.memory_space<vmem>>, vector<16xi32>,
            %swap3A_327 = arith.constant 0 : i32
            %swap3A_328 = arith.index_cast %swap3A_327 : i32 to index
            %swap3A_329 = arith.constant 32 : index
            %swap3A_330 = tpu.vector_load %arg21[%swap3A_328, %swap3A_329] {strides = array<i32>} : memref<1x64xi32, #tpu.memory_space<vmem>>, vector<16xi32>,
            tpu.vector_store %arg21[%swap3A_328, %swap3A_329], %select_n3A_276 {strides = array<i32>} : memref<1x64xi32, #tpu.memory_space<vmem>>, vector<16xi32>,
            %and3A_331 = arith.constant 2047 : i32
            %and3A_332 = vector.broadcast %and3A_331 : i32 to vector<16xi32>
            %and3A_333 = arith.andi %select_n3A_276, %and3A_332 : vector<16xi32>
            %swap3A_334 = arith.constant 0 : i32
            %swap3A_335 = arith.index_cast %swap3A_334 : i32 to index
            %swap3A_336 = arith.constant 32 : index
            %swap3A_337 = tpu.vector_load %arg22[%swap3A_335, %swap3A_336] {strides = array<i32>} : memref<1x64xi32, #tpu.memory_space<vmem>>, vector<16xi32>,
            tpu.vector_store %arg22[%swap3A_335, %swap3A_336], %and3A_333 {strides = array<i32>} : memref<1x64xi32, #tpu.memory_space<vmem>>, vector<16xi32>,
            %swap3A_338 = arith.constant 0 : i32
            %swap3A_339 = arith.index_cast %swap3A_338 : i32 to index
            %swap3A_340 = arith.constant 48 : index
            %swap3A_341 = tpu.vector_load %arg21[%swap3A_339, %swap3A_340] {strides = array<i32>} : memref<1x64xi32, #tpu.memory_space<vmem>>, vector<16xi32>,
            tpu.vector_store %arg21[%swap3A_339, %swap3A_340], %select_n3A_284 {strides = array<i32>} : memref<1x64xi32, #tpu.memory_space<vmem>>, vector<16xi32>,
            %and3A_342 = arith.constant 2047 : i32
            %and3A_343 = vector.broadcast %and3A_342 : i32 to vector<16xi32>
            %and3A_344 = arith.andi %select_n3A_284, %and3A_343 : vector<16xi32>
            %swap3A_345 = arith.constant 0 : i32
            %swap3A_346 = arith.index_cast %swap3A_345 : i32 to index
            %swap3A_347 = arith.constant 48 : index
            %swap3A_348 = tpu.vector_load %arg22[%swap3A_346, %swap3A_347] {strides = array<i32>} : memref<1x64xi32, #tpu.memory_space<vmem>>, vector<16xi32>,
            tpu.vector_store %arg22[%swap3A_346, %swap3A_347], %and3A_344 {strides = array<i32>} : memref<1x64xi32, #tpu.memory_space<vmem>>, vector<16xi32>,
            %dma_start3A_349 = arith.constant 0 : i32
            %dma_start3A_350 = arith.constant 0 : i32
            %dma_start3A_351 = tpu.memref_slice %arg22[%dma_start3A_349, %dma_start3A_350] : memref<1x64xi32, #tpu.memory_space<vmem>> -> memref<1x64xi32, #tpu.memory_space<vmem>>
            %dma_start3A_352 = tpu.memref_squeeze %dma_start3A_351 : memref<1x64xi32, #tpu.memory_space<vmem>> -> memref<64xi32, #tpu.memory_space<vmem>>
            %dma_start3A_353 = arith.constant 0 : i32
            %dma_start3A_354 = arith.constant 0 : i32
            %dma_start3A_355 = tpu.memref_slice %arg5[%dma_start3A_353, %dma_start3A_354] : memref<2048x128xf32, #tpu.memory_space<hbm>> -> memref<2048x128xf32, #tpu.memory_space<hbm>>
            tpu.enqueue_indirect_dma source(%dma_start3A_355 : memref<2048x128xf32, #tpu.memory_space<hbm>>) target(%arg20 : memref<64x128xf32, #tpu.memory_space<vmem>>) offsets(%dma_start3A_352 : memref<64xi32, #tpu.memory_space<vmem>>) semaphore(%arg24 : memref<!tpu.dma_semaphore, #tpu.memory_space<semaphore_mem>>)
            %dma_wait3A_356 = arith.constant 0 : i32
            %dma_wait3A_357 = arith.constant 0 : i32
            %dma_wait3A_358 = tpu.memref_slice %arg22[%dma_wait3A_356, %dma_wait3A_357] : memref<1x64xi32, #tpu.memory_space<vmem>> -> memref<1x64xi32, #tpu.memory_space<vmem>>
            %dma_wait3A_359 = tpu.memref_squeeze %dma_wait3A_358 : memref<1x64xi32, #tpu.memory_space<vmem>> -> memref<64xi32, #tpu.memory_space<vmem>>
            %dma_wait3A_360 = arith.constant 0 : i32
            %dma_wait3A_361 = arith.constant 0 : i32
            %dma_wait3A_362 = tpu.memref_slice %arg5[%dma_wait3A_360, %dma_wait3A_361] : memref<2048x128xf32, #tpu.memory_space<hbm>> -> memref<2048x128xf32, #tpu.memory_space<hbm>>
            tpu.wait_indirect_dma semaphore(%arg24 : memref<!tpu.dma_semaphore, #tpu.memory_space<semaphore_mem>>) src(%dma_wait3A_362 : memref<2048x128xf32, #tpu.memory_space<hbm>>) dst(%arg20 : memref<64x128xf32, #tpu.memory_space<vmem>>)
            %scan3A_363 = arith.constant 0 : i32
            %scan3A_364 = arith.constant 0 : i32
            %scan3A_365 = arith.constant 64 : i32
            %scan3A_366 = arith.addi %scan3A_364, %scan3A_365 : i32
            %scan3A_367 = arith.constant 1 : i32
            %scan3A_368 = scf.for %scan3A_371 = %scan3A_364 to %scan3A_366 step %scan3A_367 iter_args(%scan3A_372 = %scan3A_363) -> (i32)  : i32 {
              %get3A_373 = arith.index_cast %scan3A_371 : i32 to index
              %get3A_374 = arith.constant 0 : index
              %get3A_375 = tpu.vector_load %arg19[%get3A_373, %get3A_374] {strides = array<i32>} : memref<64x128xf32, #tpu.memory_space<vmem>>, vector<16xf32>,
              %get3A_376 = arith.index_cast %scan3A_371 : i32 to index
              %get3A_377 = arith.constant 0 : index
              %get3A_378 = tpu.vector_load %arg20[%get3A_376, %get3A_377] {strides = array<i32>} : memref<64x128xf32, #tpu.memory_space<vmem>>, vector<16xf32>,
              %add3A_379 = arith.addf %get3A_375, %get3A_378 : vector<16xf32>
              %swap3A_380 = arith.index_cast %scan3A_371 : i32 to index
              %swap3A_381 = arith.constant 0 : index
              %swap3A_382 = tpu.vector_load %arg19[%swap3A_380, %swap3A_381] {strides = array<i32>} : memref<64x128xf32, #tpu.memory_space<vmem>>, vector<16xf32>,
              tpu.vector_store %arg19[%swap3A_380, %swap3A_381], %add3A_379 {strides = array<i32>} : memref<64x128xf32, #tpu.memory_space<vmem>>, vector<16xf32>,
              %get3A_383 = arith.index_cast %scan3A_371 : i32 to index
              %get3A_384 = arith.constant 16 : index
              %get3A_385 = tpu.vector_load %arg19[%get3A_383, %get3A_384] {strides = array<i32>} : memref<64x128xf32, #tpu.memory_space<vmem>>, vector<16xf32>,
              %get3A_386 = arith.index_cast %scan3A_371 : i32 to index
              %get3A_387 = arith.constant 16 : index
              %get3A_388 = tpu.vector_load %arg20[%get3A_386, %get3A_387] {strides = array<i32>} : memref<64x128xf32, #tpu.memory_space<vmem>>, vector<16xf32>,
              %add3A_389 = arith.addf %get3A_385, %get3A_388 : vector<16xf32>
              %swap3A_390 = arith.index_cast %scan3A_371 : i32 to index
              %swap3A_391 = arith.constant 16 : index
              %swap3A_392 = tpu.vector_load %arg19[%swap3A_390, %swap3A_391] {strides = array<i32>} : memref<64x128xf32, #tpu.memory_space<vmem>>, vector<16xf32>,
              tpu.vector_store %arg19[%swap3A_390, %swap3A_391], %add3A_389 {strides = array<i32>} : memref<64x128xf32, #tpu.memory_space<vmem>>, vector<16xf32>,
              %get3A_393 = arith.index_cast %scan3A_371 : i32 to index
              %get3A_394 = arith.constant 32 : index
              %get3A_395 = tpu.vector_load %arg19[%get3A_393, %get3A_394] {strides = array<i32>} : memref<64x128xf32, #tpu.memory_space<vmem>>, vector<16xf32>,
              %get3A_396 = arith.index_cast %scan3A_371 : i32 to index
              %get3A_397 = arith.constant 32 : index
              %get3A_398 = tpu.vector_load %arg20[%get3A_396, %get3A_397] {strides = array<i32>} : memref<64x128xf32, #tpu.memory_space<vmem>>, vector<16xf32>,
              %add3A_399 = arith.addf %get3A_395, %get3A_398 : vector<16xf32>
              %swap3A_400 = arith.index_cast %scan3A_371 : i32 to index
              %swap3A_401 = arith.constant 32 : index
              %swap3A_402 = tpu.vector_load %arg19[%swap3A_400, %swap3A_401] {strides = array<i32>} : memref<64x128xf32, #tpu.memory_space<vmem>>, vector<16xf32>,
              tpu.vector_store %arg19[%swap3A_400, %swap3A_401], %add3A_399 {strides = array<i32>} : memref<64x128xf32, #tpu.memory_space<vmem>>, vector<16xf32>,
              %get3A_403 = arith.index_cast %scan3A_371 : i32 to index
              %get3A_404 = arith.constant 48 : index
              %get3A_405 = tpu.vector_load %arg19[%get3A_403, %get3A_404] {strides = array<i32>} : memref<64x128xf32, #tpu.memory_space<vmem>>, vector<16xf32>,
              %get3A_406 = arith.index_cast %scan3A_371 : i32 to index
              %get3A_407 = arith.constant 48 : index
              %get3A_408 = tpu.vector_load %arg20[%get3A_406, %get3A_407] {strides = array<i32>} : memref<64x128xf32, #tpu.memory_space<vmem>>, vector<16xf32>,
              %add3A_409 = arith.addf %get3A_405, %get3A_408 : vector<16xf32>
              %swap3A_410 = arith.index_cast %scan3A_371 : i32 to index
              %swap3A_411 = arith.constant 48 : index
              %swap3A_412 = tpu.vector_load %arg19[%swap3A_410, %swap3A_411] {strides = array<i32>} : memref<64x128xf32, #tpu.memory_space<vmem>>, vector<16xf32>,
              tpu.vector_store %arg19[%swap3A_410, %swap3A_411], %add3A_409 {strides = array<i32>} : memref<64x128xf32, #tpu.memory_space<vmem>>, vector<16xf32>,
              %scan3A_413 = arith.constant 0 : i32
              scf.yield %scan3A_413 : i32
            }
            %scan3A_369 = arith.constant 64 : i32
            %run_scoped3A_370 = arith.constant 0 : i32
            "tpu.region"() ({
              %run_scoped3A_371 = tpu.sem_alloc : memref<!tpu.dma_semaphore, #tpu.memory_space<semaphore_mem>>
              %dma_start3A_372 = arith.constant 0 : i32
              %dma_start3A_373 = tpu.memref_slice %arg21[%run_scoped3A_370, %dma_start3A_372] : memref<1x64xi32, #tpu.memory_space<vmem>> -> memref<1x64xi32, #tpu.memory_space<vmem>>
              %dma_start3A_374 = tpu.memref_squeeze %dma_start3A_373 : memref<1x64xi32, #tpu.memory_space<vmem>> -> memref<64xi32, #tpu.memory_space<vmem>>
              %dma_start3A_375 = arith.constant 0 : i32
              %dma_start3A_376 = arith.constant 0 : i32
              %dma_start3A_377 = tpu.memref_slice %arg8[%dma_start3A_375, %dma_start3A_376] : memref<8224x128xf32, #tpu.memory_space<hbm>> -> memref<8224x128xf32, #tpu.memory_space<hbm>>
              tpu.enqueue_indirect_dma source(%arg19 : memref<64x128xf32, #tpu.memory_space<vmem>>) target(%dma_start3A_377 : memref<8224x128xf32, #tpu.memory_space<hbm>>) offsets(%dma_start3A_374 : memref<64xi32, #tpu.memory_space<vmem>>) semaphore(%run_scoped3A_371 : memref<!tpu.dma_semaphore, #tpu.memory_space<semaphore_mem>>)
              %dma_wait3A_378 = arith.constant 0 : i32
              %dma_wait3A_379 = tpu.memref_slice %arg21[%run_scoped3A_370, %dma_wait3A_378] : memref<1x64xi32, #tpu.memory_space<vmem>> -> memref<1x64xi32, #tpu.memory_space<vmem>>
              %dma_wait3A_380 = tpu.memref_squeeze %dma_wait3A_379 : memref<1x64xi32, #tpu.memory_space<vmem>> -> memref<64xi32, #tpu.memory_space<vmem>>
              %dma_wait3A_381 = arith.constant 0 : i32
              %dma_wait3A_382 = arith.constant 0 : i32
              %dma_wait3A_383 = tpu.memref_slice %arg8[%dma_wait3A_381, %dma_wait3A_382] : memref<8224x128xf32, #tpu.memory_space<hbm>> -> memref<8224x128xf32, #tpu.memory_space<hbm>>
              tpu.wait_indirect_dma semaphore(%run_scoped3A_371 : memref<!tpu.dma_semaphore, #tpu.memory_space<semaphore_mem>>) src(%arg19 : memref<64x128xf32, #tpu.memory_space<vmem>>) dst(%dma_wait3A_383 : memref<8224x128xf32, #tpu.memory_space<hbm>>)
              tpu.yield
            }) : () -> ()
          } else {
          }
          %broadcast_in_dim3A_290 = vector.broadcast %add3A_40 : i32 to vector<16xi32>
          %eq3A_291 = arith.constant 63 : i32
          %eq3A_292 = arith.cmpi eq, %and3A_221, %eq3A_291 : i32
          %select_n3A_293 = arith.select %eq3A_292, %broadcast_in_dim3A_290, %select_n3A : vector<16xi32>
          %eq3A_294 = arith.constant 63 : i32
          %eq3A_295 = arith.cmpi eq, %and3A_221, %eq3A_294 : i32
          %select_n3A_296 = arith.select %eq3A_295, %broadcast_in_dim3A_290, %select_n3A_268 : vector<16xi32>
          %eq3A_297 = arith.constant 63 : i32
          %eq3A_298 = arith.cmpi eq, %and3A_221, %eq3A_297 : i32
          %select_n3A_299 = arith.select %eq3A_298, %broadcast_in_dim3A_290, %select_n3A_276 : vector<16xi32>
          %eq3A_300 = arith.constant 63 : i32
          %eq3A_301 = arith.cmpi eq, %and3A_221, %eq3A_300 : i32
          %select_n3A_302 = arith.select %eq3A_301, %broadcast_in_dim3A_290, %select_n3A_284 : vector<16xi32>
          %add3A_303 = arith.constant 1 : i32
          %add3A_304 = arith.addi %while3A_206, %add3A_303 : i32
          scf.yield %add3A_304, %select_n3A_293, %select_n3A_296, %select_n3A_299, %select_n3A_302 : i32, vector<16xi32>, vector<16xi32>, vector<16xi32>, vector<16xi32>
        }
        scf.yield %while3A_204#0, %while3A_204#1, %while3A_204#2, %while3A_204#3, %while3A_204#4 : i32, vector<16xi32>, vector<16xi32>, vector<16xi32>, vector<16xi32>
      }
      %while3A_163 = arith.constant 1 : i32
      %while3A_164:5 = scf.for %while3A_165 = %while3A_160 to %while3A_156 step %while3A_163 iter_args(%while3A_166 = %while3A_162#0, %while3A_167 = %while3A_162#1, %while3A_168 = %while3A_162#2, %while3A_169 = %while3A_162#3, %while3A_170 = %while3A_162#4) -> (i32, vector<16xi32>, vector<16xi32>, vector<16xi32>, vector<16xi32>)  : i32 {
        %mul3A_171 = arith.constant 16 : i32
        %mul3A_172 = arith.muli %while3A_165, %mul3A_171 : i32
        %get3A = arith.index_cast %mul3A_172 : i32 to index
        %get3A_173 = tpu.vector_load %arg12[%get3A] {strides = array<i32>} : memref<8208xi32, #tpu.memory_space<vmem>>, vector<16xi32>,
        %mul3A_174 = arith.constant 16 : i32
        %mul3A_175 = arith.muli %while3A_165, %mul3A_174 : i32
        %get3A_176 = arith.index_cast %mul3A_175 : i32 to index
        %get3A_177 = tpu.vector_load %arg13[%get3A_176] {strides = array<i32>} : memref<8208xi32, #tpu.memory_space<vmem>>, vector<16xi32>,
        %mul3A_178 = arith.constant 16 : i32
        %mul3A_179 = arith.muli %while3A_165, %mul3A_178 : i32
        %add3A_180 = vector.broadcast %mul3A_179 : i32 to vector<16xi32>
        %add3A_181 = arith.addi %add3A_180, %iota3A : vector<16xi32>
        %lt3A_182 = vector.broadcast %scan3A_37 : i32 to vector<16xi32>
        %lt3A_183 = arith.cmpi slt, %add3A_181, %lt3A_182 : vector<16xi32>
        %shift_right_arithmetic3A_184 = arith.constant 9 : i32
        %shift_right_arithmetic3A_185 = vector.broadcast %shift_right_arithmetic3A_184 : i32 to vector<16xi32>
        %shift_right_arithmetic3A_186 = arith.shrsi %get3A_173, %shift_right_arithmetic3A_185 : vector<16xi32>
        %eq3A_187 = vector.broadcast %add3A_134 : i32 to vector<16xi32>
        %eq3A_188 = arith.cmpi eq, %shift_right_arithmetic3A_186, %eq3A_187 : vector<16xi32>
        %and3A_189 = arith.andi %lt3A_183, %eq3A_188 : vector<16xi1>
        %swap3A_190 = arith.constant 0 : index
        %swap3A_191 = tpu.vector_load %arg14[%swap3A_190] masked %and3A_189 {strides = array<i32>} : memref<32xi32, #tpu.memory_space<vmem>>, vector<16xi32>, vector<16xi1>
        tpu.vector_store %arg14[%swap3A_190], %get3A_173 masked %and3A_189 {strides = array<i32>} : memref<32xi32, #tpu.memory_space<vmem>>, vector<16xi32>, vector<16xi1>
        %swap3A_192 = arith.constant 0 : index
        %swap3A_193 = tpu.vector_load %arg15[%swap3A_192] masked %and3A_189 {strides = array<i32>} : memref<32xi32, #tpu.memory_space<vmem>>, vector<16xi32>, vector<16xi1>
        tpu.vector_store %arg15[%swap3A_192], %get3A_177 masked %and3A_189 {strides = array<i32>} : memref<32xi32, #tpu.memory_space<vmem>>, vector<16xi32>, vector<16xi1>
        %all_reduce_population_count3A = tpu.all_reduce %and3A_189 {dim = 0 : i64, kind = #tpu.reduction_kind<sum>} : vector<16xi1> -> vector<16xi32>
        %slice3A = vector.extract_strided_slice %all_reduce_population_count3A {offsets = [0], sizes = [1], strides = [1]} : vector<16xi32> to vector<1xi32>
        %squeeze3A = vector.extract %slice3A[0] : i32 from vector<1xi32>
        %while3A_194 = arith.constant 0 : i32
        %while3A_195 = arith.subi %squeeze3A, %while3A_194 : i32
        %while3A_196 = arith.addi %while3A_194, %while3A_195 : i32
        %while3A_197 = arith.constant 1 : i32
        %while3A_198 = arith.divsi %while3A_195, %while3A_197 : i32
        %while3A_199 = arith.muli %while3A_198, %while3A_197 : i32
        %while3A_200 = arith.addi %while3A_194, %while3A_199 : i32
        %while3A_201 = arith.constant 1 : i32
        %while3A_202:5 = scf.for %while3A_205 = %while3A_194 to %while3A_200 step %while3A_201 iter_args(%while3A_206 = %while3A_166, %while3A_207 = %while3A_167, %while3A_208 = %while3A_168, %while3A_209 = %while3A_169, %while3A_210 = %while3A_170) -> (i32, vector<16xi32>, vector<16xi32>, vector<16xi32>, vector<16xi32>)  : i32 {
          %get3A_211 = arith.index_cast %while3A_205 : i32 to index
          %get3A_212 = tpu.vector_load %arg14[%get3A_211] {strides = array<i32>} : memref<32xi32, #tpu.memory_space<vmem>>, vector<16xi32>,
          %slice3A_213 = vector.extract_strided_slice %get3A_212 {offsets = [0], sizes = [1], strides = [1]} : vector<16xi32> to vector<1xi32>
          %squeeze3A_214 = vector.extract %slice3A_213[0] : i32 from vector<1xi32>
          %get3A_215 = arith.index_cast %while3A_205 : i32 to index
          %get3A_216 = tpu.vector_load %arg15[%get3A_215] {strides = array<i32>} : memref<32xi32, #tpu.memory_space<vmem>>, vector<16xi32>,
          %slice3A_217 = vector.extract_strided_slice %get3A_216 {offsets = [0], sizes = [1], strides = [1]} : vector<16xi32> to vector<1xi32>
          %squeeze3A_218 = vector.extract %slice3A_217[0] : i32 from vector<1xi32>
          %sub3A_219 = arith.subi %squeeze3A_214, %mul3A_136 : i32
          %and3A_220 = arith.constant 63 : i32
          %and3A_221 = arith.andi %while3A_206, %and3A_220 : i32
          %shift_right_arithmetic3A_222 = arith.constant 4 : i32
          %shift_right_arithmetic3A_223 = arith.shrsi %and3A_221, %shift_right_arithmetic3A_222 : i32
          %and3A_224 = arith.constant 15 : i32
          %and3A_225 = arith.andi %and3A_221, %and3A_224 : i32
          %broadcast_in_dim3A_226 = vector.broadcast %sub3A_219 : i32 to vector<16xi32>
          %add3A_227 = arith.constant 0 : i32
          %add3A_228 = vector.broadcast %add3A_227 : i32 to vector<16xi32>
          %add3A_229 = arith.addi %iota3A, %add3A_228 : vector<16xi32>
          %gather3A = tpu.vector_load_idx %arg16[%broadcast_in_dim3A_153, %add3A_229, %broadcast_in_dim3A_226] : memref<2x64x512xf32, #tpu.memory_space<vmem>>[vector<16xi32>, vector<16xi32>, vector<16xi32>], vector<16xf32>,
          %swap3A_230 = arith.index_cast %and3A_221 : i32 to index
          %swap3A_231 = arith.constant 0 : index
          %swap3A_232 = tpu.vector_load %arg19[%swap3A_230, %swap3A_231] {strides = array<i32>} : memref<64x128xf32, #tpu.memory_space<vmem>>, vector<16xf32>,
          tpu.vector_store %arg19[%swap3A_230, %swap3A_231], %gather3A {strides = array<i32>} : memref<64x128xf32, #tpu.memory_space<vmem>>, vector<16xf32>,
          %add3A_233 = arith.constant 16 : i32
          %add3A_234 = vector.broadcast %add3A_233 : i32 to vector<16xi32>
          %add3A_235 = arith.addi %iota3A, %add3A_234 : vector<16xi32>
          %gather3A_236 = tpu.vector_load_idx %arg16[%broadcast_in_dim3A_153, %add3A_235, %broadcast_in_dim3A_226] : memref<2x64x512xf32, #tpu.memory_space<vmem>>[vector<16xi32>, vector<16xi32>, vector<16xi32>], vector<16xf32>,
          %swap3A_237 = arith.index_cast %and3A_221 : i32 to index
          %swap3A_238 = arith.constant 16 : index
          %swap3A_239 = tpu.vector_load %arg19[%swap3A_237, %swap3A_238] {strides = array<i32>} : memref<64x128xf32, #tpu.memory_space<vmem>>, vector<16xf32>,
          tpu.vector_store %arg19[%swap3A_237, %swap3A_238], %gather3A_236 {strides = array<i32>} : memref<64x128xf32, #tpu.memory_space<vmem>>, vector<16xf32>,
          %add3A_240 = arith.constant 32 : i32
          %add3A_241 = vector.broadcast %add3A_240 : i32 to vector<16xi32>
          %add3A_242 = arith.addi %iota3A, %add3A_241 : vector<16xi32>
          %gather3A_243 = tpu.vector_load_idx %arg16[%broadcast_in_dim3A_153, %add3A_242, %broadcast_in_dim3A_226] : memref<2x64x512xf32, #tpu.memory_space<vmem>>[vector<16xi32>, vector<16xi32>, vector<16xi32>], vector<16xf32>,
          %swap3A_244 = arith.index_cast %and3A_221 : i32 to index
          %swap3A_245 = arith.constant 32 : index
          %swap3A_246 = tpu.vector_load %arg19[%swap3A_244, %swap3A_245] {strides = array<i32>} : memref<64x128xf32, #tpu.memory_space<vmem>>, vector<16xf32>,
          tpu.vector_store %arg19[%swap3A_244, %swap3A_245], %gather3A_243 {strides = array<i32>} : memref<64x128xf32, #tpu.memory_space<vmem>>, vector<16xf32>,
          %add3A_247 = arith.constant 48 : i32
          %add3A_248 = vector.broadcast %add3A_247 : i32 to vector<16xi32>
          %add3A_249 = arith.addi %iota3A, %add3A_248 : vector<16xi32>
          %gather3A_250 = tpu.vector_load_idx %arg16[%broadcast_in_dim3A_153, %add3A_249, %broadcast_in_dim3A_226] : memref<2x64x512xf32, #tpu.memory_space<vmem>>[vector<16xi32>, vector<16xi32>, vector<16xi32>], vector<16xf32>,
          %swap3A_251 = arith.index_cast %and3A_221 : i32 to index
          %swap3A_252 = arith.constant 48 : index
          %swap3A_253 = tpu.vector_load %arg19[%swap3A_251, %swap3A_252] {strides = array<i32>} : memref<64x128xf32, #tpu.memory_space<vmem>>, vector<16xf32>,
          tpu.vector_store %arg19[%swap3A_251, %swap3A_252], %gather3A_250 {strides = array<i32>} : memref<64x128xf32, #tpu.memory_space<vmem>>, vector<16xf32>,
          %eq3A_254 = vector.broadcast %and3A_225 : i32 to vector<16xi32>
          %eq3A_255 = arith.cmpi eq, %iota3A, %eq3A_254 : vector<16xi32>
          %eq3A_256 = arith.constant 0 : i32
          %eq3A_257 = arith.cmpi eq, %shift_right_arithmetic3A_223, %eq3A_256 : i32
          %and3A_258 = vector.broadcast %eq3A_257 : i1 to vector<16xi1>
          %and3A_259 = arith.andi %eq3A_255, %and3A_258 : vector<16xi1>
          %broadcast_in_dim3A_260 = vector.broadcast %squeeze3A_218 : i32 to vector<16xi32>
          %select_n3A = arith.select %and3A_259, %broadcast_in_dim3A_260, %while3A_207 : vector<16xi1>, vector<16xi32>
          %eq3A_261 = vector.broadcast %and3A_225 : i32 to vector<16xi32>
          %eq3A_262 = arith.cmpi eq, %iota3A, %eq3A_261 : vector<16xi32>
          %eq3A_263 = arith.constant 1 : i32
          %eq3A_264 = arith.cmpi eq, %shift_right_arithmetic3A_223, %eq3A_263 : i32
          %and3A_265 = vector.broadcast %eq3A_264 : i1 to vector<16xi1>
          %and3A_266 = arith.andi %eq3A_262, %and3A_265 : vector<16xi1>
          %broadcast_in_dim3A_267 = vector.broadcast %squeeze3A_218 : i32 to vector<16xi32>
          %select_n3A_268 = arith.select %and3A_266, %broadcast_in_dim3A_267, %while3A_208 : vector<16xi1>, vector<16xi32>
          %eq3A_269 = vector.broadcast %and3A_225 : i32 to vector<16xi32>
          %eq3A_270 = arith.cmpi eq, %iota3A, %eq3A_269 : vector<16xi32>
          %eq3A_271 = arith.constant 2 : i32
          %eq3A_272 = arith.cmpi eq, %shift_right_arithmetic3A_223, %eq3A_271 : i32
          %and3A_273 = vector.broadcast %eq3A_272 : i1 to vector<16xi1>
          %and3A_274 = arith.andi %eq3A_270, %and3A_273 : vector<16xi1>
          %broadcast_in_dim3A_275 = vector.broadcast %squeeze3A_218 : i32 to vector<16xi32>
          %select_n3A_276 = arith.select %and3A_274, %broadcast_in_dim3A_275, %while3A_209 : vector<16xi1>, vector<16xi32>
          %eq3A_277 = vector.broadcast %and3A_225 : i32 to vector<16xi32>
          %eq3A_278 = arith.cmpi eq, %iota3A, %eq3A_277 : vector<16xi32>
          %eq3A_279 = arith.constant 3 : i32
          %eq3A_280 = arith.cmpi eq, %shift_right_arithmetic3A_223, %eq3A_279 : i32
          %and3A_281 = vector.broadcast %eq3A_280 : i1 to vector<16xi1>
          %and3A_282 = arith.andi %eq3A_278, %and3A_281 : vector<16xi1>
          %broadcast_in_dim3A_283 = vector.broadcast %squeeze3A_218 : i32 to vector<16xi32>
          %select_n3A_284 = arith.select %and3A_282, %broadcast_in_dim3A_283, %while3A_210 : vector<16xi1>, vector<16xi32>
          %eq3A_285 = arith.constant 63 : i32
          %eq3A_286 = arith.cmpi eq, %and3A_221, %eq3A_285 : i32
          %convert_element_type3A_287 = arith.extui %eq3A_286 : i1 to i32
          %cond3A_288 = arith.constant 0 : i32
          %cond3A_289 = arith.cmpi ne, %convert_element_type3A_287, %cond3A_288 : i32
          scf.if %cond3A_289 {
            %swap3A_305 = arith.constant 0 : i32
            %swap3A_306 = arith.index_cast %swap3A_305 : i32 to index
            %swap3A_307 = arith.constant 0 : index
            %swap3A_308 = tpu.vector_load %arg21[%swap3A_306, %swap3A_307] {strides = array<i32>} : memref<1x64xi32, #tpu.memory_space<vmem>>, vector<16xi32>,
            tpu.vector_store %arg21[%swap3A_306, %swap3A_307], %select_n3A {strides = array<i32>} : memref<1x64xi32, #tpu.memory_space<vmem>>, vector<16xi32>,
            %and3A_309 = arith.constant 2047 : i32
            %and3A_310 = vector.broadcast %and3A_309 : i32 to vector<16xi32>
            %and3A_311 = arith.andi %select_n3A, %and3A_310 : vector<16xi32>
            %swap3A_312 = arith.constant 0 : i32
            %swap3A_313 = arith.index_cast %swap3A_312 : i32 to index
            %swap3A_314 = arith.constant 0 : index
            %swap3A_315 = tpu.vector_load %arg22[%swap3A_313, %swap3A_314] {strides = array<i32>} : memref<1x64xi32, #tpu.memory_space<vmem>>, vector<16xi32>,
            tpu.vector_store %arg22[%swap3A_313, %swap3A_314], %and3A_311 {strides = array<i32>} : memref<1x64xi32, #tpu.memory_space<vmem>>, vector<16xi32>,
            %swap3A_316 = arith.constant 0 : i32
            %swap3A_317 = arith.index_cast %swap3A_316 : i32 to index
            %swap3A_318 = arith.constant 16 : index
            %swap3A_319 = tpu.vector_load %arg21[%swap3A_317, %swap3A_318] {strides = array<i32>} : memref<1x64xi32, #tpu.memory_space<vmem>>, vector<16xi32>,
            tpu.vector_store %arg21[%swap3A_317, %swap3A_318], %select_n3A_268 {strides = array<i32>} : memref<1x64xi32, #tpu.memory_space<vmem>>, vector<16xi32>,
            %and3A_320 = arith.constant 2047 : i32
            %and3A_321 = vector.broadcast %and3A_320 : i32 to vector<16xi32>
            %and3A_322 = arith.andi %select_n3A_268, %and3A_321 : vector<16xi32>
            %swap3A_323 = arith.constant 0 : i32
            %swap3A_324 = arith.index_cast %swap3A_323 : i32 to index
            %swap3A_325 = arith.constant 16 : index
            %swap3A_326 = tpu.vector_load %arg22[%swap3A_324, %swap3A_325] {strides = array<i32>} : memref<1x64xi32, #tpu.memory_space<vmem>>, vector<16xi32>,
            tpu.vector_store %arg22[%swap3A_324, %swap3A_325], %and3A_322 {strides = array<i32>} : memref<1x64xi32, #tpu.memory_space<vmem>>, vector<16xi32>,
            %swap3A_327 = arith.constant 0 : i32
            %swap3A_328 = arith.index_cast %swap3A_327 : i32 to index
            %swap3A_329 = arith.constant 32 : index
            %swap3A_330 = tpu.vector_load %arg21[%swap3A_328, %swap3A_329] {strides = array<i32>} : memref<1x64xi32, #tpu.memory_space<vmem>>, vector<16xi32>,
            tpu.vector_store %arg21[%swap3A_328, %swap3A_329], %select_n3A_276 {strides = array<i32>} : memref<1x64xi32, #tpu.memory_space<vmem>>, vector<16xi32>,
            %and3A_331 = arith.constant 2047 : i32
            %and3A_332 = vector.broadcast %and3A_331 : i32 to vector<16xi32>
            %and3A_333 = arith.andi %select_n3A_276, %and3A_332 : vector<16xi32>
            %swap3A_334 = arith.constant 0 : i32
            %swap3A_335 = arith.index_cast %swap3A_334 : i32 to index
            %swap3A_336 = arith.constant 32 : index
            %swap3A_337 = tpu.vector_load %arg22[%swap3A_335, %swap3A_336] {strides = array<i32>} : memref<1x64xi32, #tpu.memory_space<vmem>>, vector<16xi32>,
            tpu.vector_store %arg22[%swap3A_335, %swap3A_336], %and3A_333 {strides = array<i32>} : memref<1x64xi32, #tpu.memory_space<vmem>>, vector<16xi32>,
            %swap3A_338 = arith.constant 0 : i32
            %swap3A_339 = arith.index_cast %swap3A_338 : i32 to index
            %swap3A_340 = arith.constant 48 : index
            %swap3A_341 = tpu.vector_load %arg21[%swap3A_339, %swap3A_340] {strides = array<i32>} : memref<1x64xi32, #tpu.memory_space<vmem>>, vector<16xi32>,
            tpu.vector_store %arg21[%swap3A_339, %swap3A_340], %select_n3A_284 {strides = array<i32>} : memref<1x64xi32, #tpu.memory_space<vmem>>, vector<16xi32>,
            %and3A_342 = arith.constant 2047 : i32
            %and3A_343 = vector.broadcast %and3A_342 : i32 to vector<16xi32>
            %and3A_344 = arith.andi %select_n3A_284, %and3A_343 : vector<16xi32>
            %swap3A_345 = arith.constant 0 : i32
            %swap3A_346 = arith.index_cast %swap3A_345 : i32 to index
            %swap3A_347 = arith.constant 48 : index
            %swap3A_348 = tpu.vector_load %arg22[%swap3A_346, %swap3A_347] {strides = array<i32>} : memref<1x64xi32, #tpu.memory_space<vmem>>, vector<16xi32>,
            tpu.vector_store %arg22[%swap3A_346, %swap3A_347], %and3A_344 {strides = array<i32>} : memref<1x64xi32, #tpu.memory_space<vmem>>, vector<16xi32>,
            %dma_start3A_349 = arith.constant 0 : i32
            %dma_start3A_350 = arith.constant 0 : i32
            %dma_start3A_351 = tpu.memref_slice %arg22[%dma_start3A_349, %dma_start3A_350] : memref<1x64xi32, #tpu.memory_space<vmem>> -> memref<1x64xi32, #tpu.memory_space<vmem>>
            %dma_start3A_352 = tpu.memref_squeeze %dma_start3A_351 : memref<1x64xi32, #tpu.memory_space<vmem>> -> memref<64xi32, #tpu.memory_space<vmem>>
            %dma_start3A_353 = arith.constant 0 : i32
            %dma_start3A_354 = arith.constant 0 : i32
            %dma_start3A_355 = tpu.memref_slice %arg5[%dma_start3A_353, %dma_start3A_354] : memref<2048x128xf32, #tpu.memory_space<hbm>> -> memref<2048x128xf32, #tpu.memory_space<hbm>>
            tpu.enqueue_indirect_dma source(%dma_start3A_355 : memref<2048x128xf32, #tpu.memory_space<hbm>>) target(%arg20 : memref<64x128xf32, #tpu.memory_space<vmem>>) offsets(%dma_start3A_352 : memref<64xi32, #tpu.memory_space<vmem>>) semaphore(%arg24 : memref<!tpu.dma_semaphore, #tpu.memory_space<semaphore_mem>>)
            %dma_wait3A_356 = arith.constant 0 : i32
            %dma_wait3A_357 = arith.constant 0 : i32
            %dma_wait3A_358 = tpu.memref_slice %arg22[%dma_wait3A_356, %dma_wait3A_357] : memref<1x64xi32, #tpu.memory_space<vmem>> -> memref<1x64xi32, #tpu.memory_space<vmem>>
            %dma_wait3A_359 = tpu.memref_squeeze %dma_wait3A_358 : memref<1x64xi32, #tpu.memory_space<vmem>> -> memref<64xi32, #tpu.memory_space<vmem>>
            %dma_wait3A_360 = arith.constant 0 : i32
            %dma_wait3A_361 = arith.constant 0 : i32
            %dma_wait3A_362 = tpu.memref_slice %arg5[%dma_wait3A_360, %dma_wait3A_361] : memref<2048x128xf32, #tpu.memory_space<hbm>> -> memref<2048x128xf32, #tpu.memory_space<hbm>>
            tpu.wait_indirect_dma semaphore(%arg24 : memref<!tpu.dma_semaphore, #tpu.memory_space<semaphore_mem>>) src(%dma_wait3A_362 : memref<2048x128xf32, #tpu.memory_space<hbm>>) dst(%arg20 : memref<64x128xf32, #tpu.memory_space<vmem>>)
            %scan3A_363 = arith.constant 0 : i32
            %scan3A_364 = arith.constant 0 : i32
            %scan3A_365 = arith.constant 64 : i32
            %scan3A_366 = arith.addi %scan3A_364, %scan3A_365 : i32
            %scan3A_367 = arith.constant 1 : i32
            %scan3A_368 = scf.for %scan3A_371 = %scan3A_364 to %scan3A_366 step %scan3A_367 iter_args(%scan3A_372 = %scan3A_363) -> (i32)  : i32 {
              %get3A_373 = arith.index_cast %scan3A_371 : i32 to index
              %get3A_374 = arith.constant 0 : index
              %get3A_375 = tpu.vector_load %arg19[%get3A_373, %get3A_374] {strides = array<i32>} : memref<64x128xf32, #tpu.memory_space<vmem>>, vector<16xf32>,
              %get3A_376 = arith.index_cast %scan3A_371 : i32 to index
              %get3A_377 = arith.constant 0 : index
              %get3A_378 = tpu.vector_load %arg20[%get3A_376, %get3A_377] {strides = array<i32>} : memref<64x128xf32, #tpu.memory_space<vmem>>, vector<16xf32>,
              %add3A_379 = arith.addf %get3A_375, %get3A_378 : vector<16xf32>
              %swap3A_380 = arith.index_cast %scan3A_371 : i32 to index
              %swap3A_381 = arith.constant 0 : index
              %swap3A_382 = tpu.vector_load %arg19[%swap3A_380, %swap3A_381] {strides = array<i32>} : memref<64x128xf32, #tpu.memory_space<vmem>>, vector<16xf32>,
              tpu.vector_store %arg19[%swap3A_380, %swap3A_381], %add3A_379 {strides = array<i32>} : memref<64x128xf32, #tpu.memory_space<vmem>>, vector<16xf32>,
              %get3A_383 = arith.index_cast %scan3A_371 : i32 to index
              %get3A_384 = arith.constant 16 : index
              %get3A_385 = tpu.vector_load %arg19[%get3A_383, %get3A_384] {strides = array<i32>} : memref<64x128xf32, #tpu.memory_space<vmem>>, vector<16xf32>,
              %get3A_386 = arith.index_cast %scan3A_371 : i32 to index
              %get3A_387 = arith.constant 16 : index
              %get3A_388 = tpu.vector_load %arg20[%get3A_386, %get3A_387] {strides = array<i32>} : memref<64x128xf32, #tpu.memory_space<vmem>>, vector<16xf32>,
              %add3A_389 = arith.addf %get3A_385, %get3A_388 : vector<16xf32>
              %swap3A_390 = arith.index_cast %scan3A_371 : i32 to index
              %swap3A_391 = arith.constant 16 : index
              %swap3A_392 = tpu.vector_load %arg19[%swap3A_390, %swap3A_391] {strides = array<i32>} : memref<64x128xf32, #tpu.memory_space<vmem>>, vector<16xf32>,
              tpu.vector_store %arg19[%swap3A_390, %swap3A_391], %add3A_389 {strides = array<i32>} : memref<64x128xf32, #tpu.memory_space<vmem>>, vector<16xf32>,
              %get3A_393 = arith.index_cast %scan3A_371 : i32 to index
              %get3A_394 = arith.constant 32 : index
              %get3A_395 = tpu.vector_load %arg19[%get3A_393, %get3A_394] {strides = array<i32>} : memref<64x128xf32, #tpu.memory_space<vmem>>, vector<16xf32>,
              %get3A_396 = arith.index_cast %scan3A_371 : i32 to index
              %get3A_397 = arith.constant 32 : index
              %get3A_398 = tpu.vector_load %arg20[%get3A_396, %get3A_397] {strides = array<i32>} : memref<64x128xf32, #tpu.memory_space<vmem>>, vector<16xf32>,
              %add3A_399 = arith.addf %get3A_395, %get3A_398 : vector<16xf32>
              %swap3A_400 = arith.index_cast %scan3A_371 : i32 to index
              %swap3A_401 = arith.constant 32 : index
              %swap3A_402 = tpu.vector_load %arg19[%swap3A_400, %swap3A_401] {strides = array<i32>} : memref<64x128xf32, #tpu.memory_space<vmem>>, vector<16xf32>,
              tpu.vector_store %arg19[%swap3A_400, %swap3A_401], %add3A_399 {strides = array<i32>} : memref<64x128xf32, #tpu.memory_space<vmem>>, vector<16xf32>,
              %get3A_403 = arith.index_cast %scan3A_371 : i32 to index
              %get3A_404 = arith.constant 48 : index
              %get3A_405 = tpu.vector_load %arg19[%get3A_403, %get3A_404] {strides = array<i32>} : memref<64x128xf32, #tpu.memory_space<vmem>>, vector<16xf32>,
              %get3A_406 = arith.index_cast %scan3A_371 : i32 to index
              %get3A_407 = arith.constant 48 : index
              %get3A_408 = tpu.vector_load %arg20[%get3A_406, %get3A_407] {strides = array<i32>} : memref<64x128xf32, #tpu.memory_space<vmem>>, vector<16xf32>,
              %add3A_409 = arith.addf %get3A_405, %get3A_408 : vector<16xf32>
              %swap3A_410 = arith.index_cast %scan3A_371 : i32 to index
              %swap3A_411 = arith.constant 48 : index
              %swap3A_412 = tpu.vector_load %arg19[%swap3A_410, %swap3A_411] {strides = array<i32>} : memref<64x128xf32, #tpu.memory_space<vmem>>, vector<16xf32>,
              tpu.vector_store %arg19[%swap3A_410, %swap3A_411], %add3A_409 {strides = array<i32>} : memref<64x128xf32, #tpu.memory_space<vmem>>, vector<16xf32>,
              %scan3A_413 = arith.constant 0 : i32
              scf.yield %scan3A_413 : i32
            }
            %scan3A_369 = arith.constant 64 : i32
            %run_scoped3A_370 = arith.constant 0 : i32
            "tpu.region"() ({
              %run_scoped3A_371 = tpu.sem_alloc : memref<!tpu.dma_semaphore, #tpu.memory_space<semaphore_mem>>
              %dma_start3A_372 = arith.constant 0 : i32
              %dma_start3A_373 = tpu.memref_slice %arg21[%run_scoped3A_370, %dma_start3A_372] : memref<1x64xi32, #tpu.memory_space<vmem>> -> memref<1x64xi32, #tpu.memory_space<vmem>>
              %dma_start3A_374 = tpu.memref_squeeze %dma_start3A_373 : memref<1x64xi32, #tpu.memory_space<vmem>> -> memref<64xi32, #tpu.memory_space<vmem>>
              %dma_start3A_375 = arith.constant 0 : i32
              %dma_start3A_376 = arith.constant 0 : i32
              %dma_start3A_377 = tpu.memref_slice %arg8[%dma_start3A_375, %dma_start3A_376] : memref<8224x128xf32, #tpu.memory_space<hbm>> -> memref<8224x128xf32, #tpu.memory_space<hbm>>
              tpu.enqueue_indirect_dma source(%arg19 : memref<64x128xf32, #tpu.memory_space<vmem>>) target(%dma_start3A_377 : memref<8224x128xf32, #tpu.memory_space<hbm>>) offsets(%dma_start3A_374 : memref<64xi32, #tpu.memory_space<vmem>>) semaphore(%run_scoped3A_371 : memref<!tpu.dma_semaphore, #tpu.memory_space<semaphore_mem>>)
              %dma_wait3A_378 = arith.constant 0 : i32
              %dma_wait3A_379 = tpu.memref_slice %arg21[%run_scoped3A_370, %dma_wait3A_378] : memref<1x64xi32, #tpu.memory_space<vmem>> -> memref<1x64xi32, #tpu.memory_space<vmem>>
              %dma_wait3A_380 = tpu.memref_squeeze %dma_wait3A_379 : memref<1x64xi32, #tpu.memory_space<vmem>> -> memref<64xi32, #tpu.memory_space<vmem>>
              %dma_wait3A_381 = arith.constant 0 : i32
              %dma_wait3A_382 = arith.constant 0 : i32
              %dma_wait3A_383 = tpu.memref_slice %arg8[%dma_wait3A_381, %dma_wait3A_382] : memref<8224x128xf32, #tpu.memory_space<hbm>> -> memref<8224x128xf32, #tpu.memory_space<hbm>>
              tpu.wait_indirect_dma semaphore(%run_scoped3A_371 : memref<!tpu.dma_semaphore, #tpu.memory_space<semaphore_mem>>) src(%arg19 : memref<64x128xf32, #tpu.memory_space<vmem>>) dst(%dma_wait3A_383 : memref<8224x128xf32, #tpu.memory_space<hbm>>)
              tpu.yield
            }) : () -> ()
          } else {
          }
          %broadcast_in_dim3A_290 = vector.broadcast %add3A_40 : i32 to vector<16xi32>
          %eq3A_291 = arith.constant 63 : i32
          %eq3A_292 = arith.cmpi eq, %and3A_221, %eq3A_291 : i32
          %select_n3A_293 = arith.select %eq3A_292, %broadcast_in_dim3A_290, %select_n3A : vector<16xi32>
          %eq3A_294 = arith.constant 63 : i32
          %eq3A_295 = arith.cmpi eq, %and3A_221, %eq3A_294 : i32
          %select_n3A_296 = arith.select %eq3A_295, %broadcast_in_dim3A_290, %select_n3A_268 : vector<16xi32>
          %eq3A_297 = arith.constant 63 : i32
          %eq3A_298 = arith.cmpi eq, %and3A_221, %eq3A_297 : i32
          %select_n3A_299 = arith.select %eq3A_298, %broadcast_in_dim3A_290, %select_n3A_276 : vector<16xi32>
          %eq3A_300 = arith.constant 63 : i32
          %eq3A_301 = arith.cmpi eq, %and3A_221, %eq3A_300 : i32
          %select_n3A_302 = arith.select %eq3A_301, %broadcast_in_dim3A_290, %select_n3A_284 : vector<16xi32>
          %add3A_303 = arith.constant 1 : i32
          %add3A_304 = arith.addi %while3A_206, %add3A_303 : i32
          scf.yield %add3A_304, %select_n3A_293, %select_n3A_296, %select_n3A_299, %select_n3A_302 : i32, vector<16xi32>, vector<16xi32>, vector<16xi32>, vector<16xi32>
        }
        %while3A_203 = arith.constant 1 : i32
        %while3A_204:5 = scf.for %while3A_205 = %while3A_200 to %while3A_196 step %while3A_203 iter_args(%while3A_206 = %while3A_202#0, %while3A_207 = %while3A_202#1, %while3A_208 = %while3A_202#2, %while3A_209 = %while3A_202#3, %while3A_210 = %while3A_202#4) -> (i32, vector<16xi32>, vector<16xi32>, vector<16xi32>, vector<16xi32>)  : i32 {
          %get3A_211 = arith.index_cast %while3A_205 : i32 to index
          %get3A_212 = tpu.vector_load %arg14[%get3A_211] {strides = array<i32>} : memref<32xi32, #tpu.memory_space<vmem>>, vector<16xi32>,
          %slice3A_213 = vector.extract_strided_slice %get3A_212 {offsets = [0], sizes = [1], strides = [1]} : vector<16xi32> to vector<1xi32>
          %squeeze3A_214 = vector.extract %slice3A_213[0] : i32 from vector<1xi32>
          %get3A_215 = arith.index_cast %while3A_205 : i32 to index
          %get3A_216 = tpu.vector_load %arg15[%get3A_215] {strides = array<i32>} : memref<32xi32, #tpu.memory_space<vmem>>, vector<16xi32>,
          %slice3A_217 = vector.extract_strided_slice %get3A_216 {offsets = [0], sizes = [1], strides = [1]} : vector<16xi32> to vector<1xi32>
          %squeeze3A_218 = vector.extract %slice3A_217[0] : i32 from vector<1xi32>
          %sub3A_219 = arith.subi %squeeze3A_214, %mul3A_136 : i32
          %and3A_220 = arith.constant 63 : i32
          %and3A_221 = arith.andi %while3A_206, %and3A_220 : i32
          %shift_right_arithmetic3A_222 = arith.constant 4 : i32
          %shift_right_arithmetic3A_223 = arith.shrsi %and3A_221, %shift_right_arithmetic3A_222 : i32
          %and3A_224 = arith.constant 15 : i32
          %and3A_225 = arith.andi %and3A_221, %and3A_224 : i32
          %broadcast_in_dim3A_226 = vector.broadcast %sub3A_219 : i32 to vector<16xi32>
          %add3A_227 = arith.constant 0 : i32
          %add3A_228 = vector.broadcast %add3A_227 : i32 to vector<16xi32>
          %add3A_229 = arith.addi %iota3A, %add3A_228 : vector<16xi32>
          %gather3A = tpu.vector_load_idx %arg16[%broadcast_in_dim3A_153, %add3A_229, %broadcast_in_dim3A_226] : memref<2x64x512xf32, #tpu.memory_space<vmem>>[vector<16xi32>, vector<16xi32>, vector<16xi32>], vector<16xf32>,
          %swap3A_230 = arith.index_cast %and3A_221 : i32 to index
          %swap3A_231 = arith.constant 0 : index
          %swap3A_232 = tpu.vector_load %arg19[%swap3A_230, %swap3A_231] {strides = array<i32>} : memref<64x128xf32, #tpu.memory_space<vmem>>, vector<16xf32>,
          tpu.vector_store %arg19[%swap3A_230, %swap3A_231], %gather3A {strides = array<i32>} : memref<64x128xf32, #tpu.memory_space<vmem>>, vector<16xf32>,
          %add3A_233 = arith.constant 16 : i32
          %add3A_234 = vector.broadcast %add3A_233 : i32 to vector<16xi32>
          %add3A_235 = arith.addi %iota3A, %add3A_234 : vector<16xi32>
          %gather3A_236 = tpu.vector_load_idx %arg16[%broadcast_in_dim3A_153, %add3A_235, %broadcast_in_dim3A_226] : memref<2x64x512xf32, #tpu.memory_space<vmem>>[vector<16xi32>, vector<16xi32>, vector<16xi32>], vector<16xf32>,
          %swap3A_237 = arith.index_cast %and3A_221 : i32 to index
          %swap3A_238 = arith.constant 16 : index
          %swap3A_239 = tpu.vector_load %arg19[%swap3A_237, %swap3A_238] {strides = array<i32>} : memref<64x128xf32, #tpu.memory_space<vmem>>, vector<16xf32>,
          tpu.vector_store %arg19[%swap3A_237, %swap3A_238], %gather3A_236 {strides = array<i32>} : memref<64x128xf32, #tpu.memory_space<vmem>>, vector<16xf32>,
          %add3A_240 = arith.constant 32 : i32
          %add3A_241 = vector.broadcast %add3A_240 : i32 to vector<16xi32>
          %add3A_242 = arith.addi %iota3A, %add3A_241 : vector<16xi32>
          %gather3A_243 = tpu.vector_load_idx %arg16[%broadcast_in_dim3A_153, %add3A_242, %broadcast_in_dim3A_226] : memref<2x64x512xf32, #tpu.memory_space<vmem>>[vector<16xi32>, vector<16xi32>, vector<16xi32>], vector<16xf32>,
          %swap3A_244 = arith.index_cast %and3A_221 : i32 to index
          %swap3A_245 = arith.constant 32 : index
          %swap3A_246 = tpu.vector_load %arg19[%swap3A_244, %swap3A_245] {strides = array<i32>} : memref<64x128xf32, #tpu.memory_space<vmem>>, vector<16xf32>,
          tpu.vector_store %arg19[%swap3A_244, %swap3A_245], %gather3A_243 {strides = array<i32>} : memref<64x128xf32, #tpu.memory_space<vmem>>, vector<16xf32>,
          %add3A_247 = arith.constant 48 : i32
          %add3A_248 = vector.broadcast %add3A_247 : i32 to vector<16xi32>
          %add3A_249 = arith.addi %iota3A, %add3A_248 : vector<16xi32>
          %gather3A_250 = tpu.vector_load_idx %arg16[%broadcast_in_dim3A_153, %add3A_249, %broadcast_in_dim3A_226] : memref<2x64x512xf32, #tpu.memory_space<vmem>>[vector<16xi32>, vector<16xi32>, vector<16xi32>], vector<16xf32>,
          %swap3A_251 = arith.index_cast %and3A_221 : i32 to index
          %swap3A_252 = arith.constant 48 : index
          %swap3A_253 = tpu.vector_load %arg19[%swap3A_251, %swap3A_252] {strides = array<i32>} : memref<64x128xf32, #tpu.memory_space<vmem>>, vector<16xf32>,
          tpu.vector_store %arg19[%swap3A_251, %swap3A_252], %gather3A_250 {strides = array<i32>} : memref<64x128xf32, #tpu.memory_space<vmem>>, vector<16xf32>,
          %eq3A_254 = vector.broadcast %and3A_225 : i32 to vector<16xi32>
          %eq3A_255 = arith.cmpi eq, %iota3A, %eq3A_254 : vector<16xi32>
          %eq3A_256 = arith.constant 0 : i32
          %eq3A_257 = arith.cmpi eq, %shift_right_arithmetic3A_223, %eq3A_256 : i32
          %and3A_258 = vector.broadcast %eq3A_257 : i1 to vector<16xi1>
          %and3A_259 = arith.andi %eq3A_255, %and3A_258 : vector<16xi1>
          %broadcast_in_dim3A_260 = vector.broadcast %squeeze3A_218 : i32 to vector<16xi32>
          %select_n3A = arith.select %and3A_259, %broadcast_in_dim3A_260, %while3A_207 : vector<16xi1>, vector<16xi32>
          %eq3A_261 = vector.broadcast %and3A_225 : i32 to vector<16xi32>
          %eq3A_262 = arith.cmpi eq, %iota3A, %eq3A_261 : vector<16xi32>
          %eq3A_263 = arith.constant 1 : i32
          %eq3A_264 = arith.cmpi eq, %shift_right_arithmetic3A_223, %eq3A_263 : i32
          %and3A_265 = vector.broadcast %eq3A_264 : i1 to vector<16xi1>
          %and3A_266 = arith.andi %eq3A_262, %and3A_265 : vector<16xi1>
          %broadcast_in_dim3A_267 = vector.broadcast %squeeze3A_218 : i32 to vector<16xi32>
          %select_n3A_268 = arith.select %and3A_266, %broadcast_in_dim3A_267, %while3A_208 : vector<16xi1>, vector<16xi32>
          %eq3A_269 = vector.broadcast %and3A_225 : i32 to vector<16xi32>
          %eq3A_270 = arith.cmpi eq, %iota3A, %eq3A_269 : vector<16xi32>
          %eq3A_271 = arith.constant 2 : i32
          %eq3A_272 = arith.cmpi eq, %shift_right_arithmetic3A_223, %eq3A_271 : i32
          %and3A_273 = vector.broadcast %eq3A_272 : i1 to vector<16xi1>
          %and3A_274 = arith.andi %eq3A_270, %and3A_273 : vector<16xi1>
          %broadcast_in_dim3A_275 = vector.broadcast %squeeze3A_218 : i32 to vector<16xi32>
          %select_n3A_276 = arith.select %and3A_274, %broadcast_in_dim3A_275, %while3A_209 : vector<16xi1>, vector<16xi32>
          %eq3A_277 = vector.broadcast %and3A_225 : i32 to vector<16xi32>
          %eq3A_278 = arith.cmpi eq, %iota3A, %eq3A_277 : vector<16xi32>
          %eq3A_279 = arith.constant 3 : i32
          %eq3A_280 = arith.cmpi eq, %shift_right_arithmetic3A_223, %eq3A_279 : i32
          %and3A_281 = vector.broadcast %eq3A_280 : i1 to vector<16xi1>
          %and3A_282 = arith.andi %eq3A_278, %and3A_281 : vector<16xi1>
          %broadcast_in_dim3A_283 = vector.broadcast %squeeze3A_218 : i32 to vector<16xi32>
          %select_n3A_284 = arith.select %and3A_282, %broadcast_in_dim3A_283, %while3A_210 : vector<16xi1>, vector<16xi32>
          %eq3A_285 = arith.constant 63 : i32
          %eq3A_286 = arith.cmpi eq, %and3A_221, %eq3A_285 : i32
          %convert_element_type3A_287 = arith.extui %eq3A_286 : i1 to i32
          %cond3A_288 = arith.constant 0 : i32
          %cond3A_289 = arith.cmpi ne, %convert_element_type3A_287, %cond3A_288 : i32
          scf.if %cond3A_289 {
            %swap3A_305 = arith.constant 0 : i32
            %swap3A_306 = arith.index_cast %swap3A_305 : i32 to index
            %swap3A_307 = arith.constant 0 : index
            %swap3A_308 = tpu.vector_load %arg21[%swap3A_306, %swap3A_307] {strides = array<i32>} : memref<1x64xi32, #tpu.memory_space<vmem>>, vector<16xi32>,
            tpu.vector_store %arg21[%swap3A_306, %swap3A_307], %select_n3A {strides = array<i32>} : memref<1x64xi32, #tpu.memory_space<vmem>>, vector<16xi32>,
            %and3A_309 = arith.constant 2047 : i32
            %and3A_310 = vector.broadcast %and3A_309 : i32 to vector<16xi32>
            %and3A_311 = arith.andi %select_n3A, %and3A_310 : vector<16xi32>
            %swap3A_312 = arith.constant 0 : i32
            %swap3A_313 = arith.index_cast %swap3A_312 : i32 to index
            %swap3A_314 = arith.constant 0 : index
            %swap3A_315 = tpu.vector_load %arg22[%swap3A_313, %swap3A_314] {strides = array<i32>} : memref<1x64xi32, #tpu.memory_space<vmem>>, vector<16xi32>,
            tpu.vector_store %arg22[%swap3A_313, %swap3A_314], %and3A_311 {strides = array<i32>} : memref<1x64xi32, #tpu.memory_space<vmem>>, vector<16xi32>,
            %swap3A_316 = arith.constant 0 : i32
            %swap3A_317 = arith.index_cast %swap3A_316 : i32 to index
            %swap3A_318 = arith.constant 16 : index
            %swap3A_319 = tpu.vector_load %arg21[%swap3A_317, %swap3A_318] {strides = array<i32>} : memref<1x64xi32, #tpu.memory_space<vmem>>, vector<16xi32>,
            tpu.vector_store %arg21[%swap3A_317, %swap3A_318], %select_n3A_268 {strides = array<i32>} : memref<1x64xi32, #tpu.memory_space<vmem>>, vector<16xi32>,
            %and3A_320 = arith.constant 2047 : i32
            %and3A_321 = vector.broadcast %and3A_320 : i32 to vector<16xi32>
            %and3A_322 = arith.andi %select_n3A_268, %and3A_321 : vector<16xi32>
            %swap3A_323 = arith.constant 0 : i32
            %swap3A_324 = arith.index_cast %swap3A_323 : i32 to index
            %swap3A_325 = arith.constant 16 : index
            %swap3A_326 = tpu.vector_load %arg22[%swap3A_324, %swap3A_325] {strides = array<i32>} : memref<1x64xi32, #tpu.memory_space<vmem>>, vector<16xi32>,
            tpu.vector_store %arg22[%swap3A_324, %swap3A_325], %and3A_322 {strides = array<i32>} : memref<1x64xi32, #tpu.memory_space<vmem>>, vector<16xi32>,
            %swap3A_327 = arith.constant 0 : i32
            %swap3A_328 = arith.index_cast %swap3A_327 : i32 to index
            %swap3A_329 = arith.constant 32 : index
            %swap3A_330 = tpu.vector_load %arg21[%swap3A_328, %swap3A_329] {strides = array<i32>} : memref<1x64xi32, #tpu.memory_space<vmem>>, vector<16xi32>,
            tpu.vector_store %arg21[%swap3A_328, %swap3A_329], %select_n3A_276 {strides = array<i32>} : memref<1x64xi32, #tpu.memory_space<vmem>>, vector<16xi32>,
            %and3A_331 = arith.constant 2047 : i32
            %and3A_332 = vector.broadcast %and3A_331 : i32 to vector<16xi32>
            %and3A_333 = arith.andi %select_n3A_276, %and3A_332 : vector<16xi32>
            %swap3A_334 = arith.constant 0 : i32
            %swap3A_335 = arith.index_cast %swap3A_334 : i32 to index
            %swap3A_336 = arith.constant 32 : index
            %swap3A_337 = tpu.vector_load %arg22[%swap3A_335, %swap3A_336] {strides = array<i32>} : memref<1x64xi32, #tpu.memory_space<vmem>>, vector<16xi32>,
            tpu.vector_store %arg22[%swap3A_335, %swap3A_336], %and3A_333 {strides = array<i32>} : memref<1x64xi32, #tpu.memory_space<vmem>>, vector<16xi32>,
            %swap3A_338 = arith.constant 0 : i32
            %swap3A_339 = arith.index_cast %swap3A_338 : i32 to index
            %swap3A_340 = arith.constant 48 : index
            %swap3A_341 = tpu.vector_load %arg21[%swap3A_339, %swap3A_340] {strides = array<i32>} : memref<1x64xi32, #tpu.memory_space<vmem>>, vector<16xi32>,
            tpu.vector_store %arg21[%swap3A_339, %swap3A_340], %select_n3A_284 {strides = array<i32>} : memref<1x64xi32, #tpu.memory_space<vmem>>, vector<16xi32>,
            %and3A_342 = arith.constant 2047 : i32
            %and3A_343 = vector.broadcast %and3A_342 : i32 to vector<16xi32>
            %and3A_344 = arith.andi %select_n3A_284, %and3A_343 : vector<16xi32>
            %swap3A_345 = arith.constant 0 : i32
            %swap3A_346 = arith.index_cast %swap3A_345 : i32 to index
            %swap3A_347 = arith.constant 48 : index
            %swap3A_348 = tpu.vector_load %arg22[%swap3A_346, %swap3A_347] {strides = array<i32>} : memref<1x64xi32, #tpu.memory_space<vmem>>, vector<16xi32>,
            tpu.vector_store %arg22[%swap3A_346, %swap3A_347], %and3A_344 {strides = array<i32>} : memref<1x64xi32, #tpu.memory_space<vmem>>, vector<16xi32>,
            %dma_start3A_349 = arith.constant 0 : i32
            %dma_start3A_350 = arith.constant 0 : i32
            %dma_start3A_351 = tpu.memref_slice %arg22[%dma_start3A_349, %dma_start3A_350] : memref<1x64xi32, #tpu.memory_space<vmem>> -> memref<1x64xi32, #tpu.memory_space<vmem>>
            %dma_start3A_352 = tpu.memref_squeeze %dma_start3A_351 : memref<1x64xi32, #tpu.memory_space<vmem>> -> memref<64xi32, #tpu.memory_space<vmem>>
            %dma_start3A_353 = arith.constant 0 : i32
            %dma_start3A_354 = arith.constant 0 : i32
            %dma_start3A_355 = tpu.memref_slice %arg5[%dma_start3A_353, %dma_start3A_354] : memref<2048x128xf32, #tpu.memory_space<hbm>> -> memref<2048x128xf32, #tpu.memory_space<hbm>>
            tpu.enqueue_indirect_dma source(%dma_start3A_355 : memref<2048x128xf32, #tpu.memory_space<hbm>>) target(%arg20 : memref<64x128xf32, #tpu.memory_space<vmem>>) offsets(%dma_start3A_352 : memref<64xi32, #tpu.memory_space<vmem>>) semaphore(%arg24 : memref<!tpu.dma_semaphore, #tpu.memory_space<semaphore_mem>>)
            %dma_wait3A_356 = arith.constant 0 : i32
            %dma_wait3A_357 = arith.constant 0 : i32
            %dma_wait3A_358 = tpu.memref_slice %arg22[%dma_wait3A_356, %dma_wait3A_357] : memref<1x64xi32, #tpu.memory_space<vmem>> -> memref<1x64xi32, #tpu.memory_space<vmem>>
            %dma_wait3A_359 = tpu.memref_squeeze %dma_wait3A_358 : memref<1x64xi32, #tpu.memory_space<vmem>> -> memref<64xi32, #tpu.memory_space<vmem>>
            %dma_wait3A_360 = arith.constant 0 : i32
            %dma_wait3A_361 = arith.constant 0 : i32
            %dma_wait3A_362 = tpu.memref_slice %arg5[%dma_wait3A_360, %dma_wait3A_361] : memref<2048x128xf32, #tpu.memory_space<hbm>> -> memref<2048x128xf32, #tpu.memory_space<hbm>>
            tpu.wait_indirect_dma semaphore(%arg24 : memref<!tpu.dma_semaphore, #tpu.memory_space<semaphore_mem>>) src(%dma_wait3A_362 : memref<2048x128xf32, #tpu.memory_space<hbm>>) dst(%arg20 : memref<64x128xf32, #tpu.memory_space<vmem>>)
            %scan3A_363 = arith.constant 0 : i32
            %scan3A_364 = arith.constant 0 : i32
            %scan3A_365 = arith.constant 64 : i32
            %scan3A_366 = arith.addi %scan3A_364, %scan3A_365 : i32
            %scan3A_367 = arith.constant 1 : i32
            %scan3A_368 = scf.for %scan3A_371 = %scan3A_364 to %scan3A_366 step %scan3A_367 iter_args(%scan3A_372 = %scan3A_363) -> (i32)  : i32 {
              %get3A_373 = arith.index_cast %scan3A_371 : i32 to index
              %get3A_374 = arith.constant 0 : index
              %get3A_375 = tpu.vector_load %arg19[%get3A_373, %get3A_374] {strides = array<i32>} : memref<64x128xf32, #tpu.memory_space<vmem>>, vector<16xf32>,
              %get3A_376 = arith.index_cast %scan3A_371 : i32 to index
              %get3A_377 = arith.constant 0 : index
              %get3A_378 = tpu.vector_load %arg20[%get3A_376, %get3A_377] {strides = array<i32>} : memref<64x128xf32, #tpu.memory_space<vmem>>, vector<16xf32>,
              %add3A_379 = arith.addf %get3A_375, %get3A_378 : vector<16xf32>
              %swap3A_380 = arith.index_cast %scan3A_371 : i32 to index
              %swap3A_381 = arith.constant 0 : index
              %swap3A_382 = tpu.vector_load %arg19[%swap3A_380, %swap3A_381] {strides = array<i32>} : memref<64x128xf32, #tpu.memory_space<vmem>>, vector<16xf32>,
              tpu.vector_store %arg19[%swap3A_380, %swap3A_381], %add3A_379 {strides = array<i32>} : memref<64x128xf32, #tpu.memory_space<vmem>>, vector<16xf32>,
              %get3A_383 = arith.index_cast %scan3A_371 : i32 to index
              %get3A_384 = arith.constant 16 : index
              %get3A_385 = tpu.vector_load %arg19[%get3A_383, %get3A_384] {strides = array<i32>} : memref<64x128xf32, #tpu.memory_space<vmem>>, vector<16xf32>,
              %get3A_386 = arith.index_cast %scan3A_371 : i32 to index
              %get3A_387 = arith.constant 16 : index
              %get3A_388 = tpu.vector_load %arg20[%get3A_386, %get3A_387] {strides = array<i32>} : memref<64x128xf32, #tpu.memory_space<vmem>>, vector<16xf32>,
              %add3A_389 = arith.addf %get3A_385, %get3A_388 : vector<16xf32>
              %swap3A_390 = arith.index_cast %scan3A_371 : i32 to index
              %swap3A_391 = arith.constant 16 : index
              %swap3A_392 = tpu.vector_load %arg19[%swap3A_390, %swap3A_391] {strides = array<i32>} : memref<64x128xf32, #tpu.memory_space<vmem>>, vector<16xf32>,
              tpu.vector_store %arg19[%swap3A_390, %swap3A_391], %add3A_389 {strides = array<i32>} : memref<64x128xf32, #tpu.memory_space<vmem>>, vector<16xf32>,
              %get3A_393 = arith.index_cast %scan3A_371 : i32 to index
              %get3A_394 = arith.constant 32 : index
              %get3A_395 = tpu.vector_load %arg19[%get3A_393, %get3A_394] {strides = array<i32>} : memref<64x128xf32, #tpu.memory_space<vmem>>, vector<16xf32>,
              %get3A_396 = arith.index_cast %scan3A_371 : i32 to index
              %get3A_397 = arith.constant 32 : index
              %get3A_398 = tpu.vector_load %arg20[%get3A_396, %get3A_397] {strides = array<i32>} : memref<64x128xf32, #tpu.memory_space<vmem>>, vector<16xf32>,
              %add3A_399 = arith.addf %get3A_395, %get3A_398 : vector<16xf32>
              %swap3A_400 = arith.index_cast %scan3A_371 : i32 to index
              %swap3A_401 = arith.constant 32 : index
              %swap3A_402 = tpu.vector_load %arg19[%swap3A_400, %swap3A_401] {strides = array<i32>} : memref<64x128xf32, #tpu.memory_space<vmem>>, vector<16xf32>,
              tpu.vector_store %arg19[%swap3A_400, %swap3A_401], %add3A_399 {strides = array<i32>} : memref<64x128xf32, #tpu.memory_space<vmem>>, vector<16xf32>,
              %get3A_403 = arith.index_cast %scan3A_371 : i32 to index
              %get3A_404 = arith.constant 48 : index
              %get3A_405 = tpu.vector_load %arg19[%get3A_403, %get3A_404] {strides = array<i32>} : memref<64x128xf32, #tpu.memory_space<vmem>>, vector<16xf32>,
              %get3A_406 = arith.index_cast %scan3A_371 : i32 to index
              %get3A_407 = arith.constant 48 : index
              %get3A_408 = tpu.vector_load %arg20[%get3A_406, %get3A_407] {strides = array<i32>} : memref<64x128xf32, #tpu.memory_space<vmem>>, vector<16xf32>,
              %add3A_409 = arith.addf %get3A_405, %get3A_408 : vector<16xf32>
              %swap3A_410 = arith.index_cast %scan3A_371 : i32 to index
              %swap3A_411 = arith.constant 48 : index
              %swap3A_412 = tpu.vector_load %arg19[%swap3A_410, %swap3A_411] {strides = array<i32>} : memref<64x128xf32, #tpu.memory_space<vmem>>, vector<16xf32>,
              tpu.vector_store %arg19[%swap3A_410, %swap3A_411], %add3A_409 {strides = array<i32>} : memref<64x128xf32, #tpu.memory_space<vmem>>, vector<16xf32>,
              %scan3A_413 = arith.constant 0 : i32
              scf.yield %scan3A_413 : i32
            }
            %scan3A_369 = arith.constant 64 : i32
            %run_scoped3A_370 = arith.constant 0 : i32
            "tpu.region"() ({
              %run_scoped3A_371 = tpu.sem_alloc : memref<!tpu.dma_semaphore, #tpu.memory_space<semaphore_mem>>
              %dma_start3A_372 = arith.constant 0 : i32
              %dma_start3A_373 = tpu.memref_slice %arg21[%run_scoped3A_370, %dma_start3A_372] : memref<1x64xi32, #tpu.memory_space<vmem>> -> memref<1x64xi32, #tpu.memory_space<vmem>>
              %dma_start3A_374 = tpu.memref_squeeze %dma_start3A_373 : memref<1x64xi32, #tpu.memory_space<vmem>> -> memref<64xi32, #tpu.memory_space<vmem>>
              %dma_start3A_375 = arith.constant 0 : i32
              %dma_start3A_376 = arith.constant 0 : i32
              %dma_start3A_377 = tpu.memref_slice %arg8[%dma_start3A_375, %dma_start3A_376] : memref<8224x128xf32, #tpu.memory_space<hbm>> -> memref<8224x128xf32, #tpu.memory_space<hbm>>
              tpu.enqueue_indirect_dma source(%arg19 : memref<64x128xf32, #tpu.memory_space<vmem>>) target(%dma_start3A_377 : memref<8224x128xf32, #tpu.memory_space<hbm>>) offsets(%dma_start3A_374 : memref<64xi32, #tpu.memory_space<vmem>>) semaphore(%run_scoped3A_371 : memref<!tpu.dma_semaphore, #tpu.memory_space<semaphore_mem>>)
              %dma_wait3A_378 = arith.constant 0 : i32
              %dma_wait3A_379 = tpu.memref_slice %arg21[%run_scoped3A_370, %dma_wait3A_378] : memref<1x64xi32, #tpu.memory_space<vmem>> -> memref<1x64xi32, #tpu.memory_space<vmem>>
              %dma_wait3A_380 = tpu.memref_squeeze %dma_wait3A_379 : memref<1x64xi32, #tpu.memory_space<vmem>> -> memref<64xi32, #tpu.memory_space<vmem>>
              %dma_wait3A_381 = arith.constant 0 : i32
              %dma_wait3A_382 = arith.constant 0 : i32
              %dma_wait3A_383 = tpu.memref_slice %arg8[%dma_wait3A_381, %dma_wait3A_382] : memref<8224x128xf32, #tpu.memory_space<hbm>> -> memref<8224x128xf32, #tpu.memory_space<hbm>>
              tpu.wait_indirect_dma semaphore(%run_scoped3A_371 : memref<!tpu.dma_semaphore, #tpu.memory_space<semaphore_mem>>) src(%arg19 : memref<64x128xf32, #tpu.memory_space<vmem>>) dst(%dma_wait3A_383 : memref<8224x128xf32, #tpu.memory_space<hbm>>)
              tpu.yield
            }) : () -> ()
          } else {
          }
          %broadcast_in_dim3A_290 = vector.broadcast %add3A_40 : i32 to vector<16xi32>
          %eq3A_291 = arith.constant 63 : i32
          %eq3A_292 = arith.cmpi eq, %and3A_221, %eq3A_291 : i32
          %select_n3A_293 = arith.select %eq3A_292, %broadcast_in_dim3A_290, %select_n3A : vector<16xi32>
          %eq3A_294 = arith.constant 63 : i32
          %eq3A_295 = arith.cmpi eq, %and3A_221, %eq3A_294 : i32
          %select_n3A_296 = arith.select %eq3A_295, %broadcast_in_dim3A_290, %select_n3A_268 : vector<16xi32>
          %eq3A_297 = arith.constant 63 : i32
          %eq3A_298 = arith.cmpi eq, %and3A_221, %eq3A_297 : i32
          %select_n3A_299 = arith.select %eq3A_298, %broadcast_in_dim3A_290, %select_n3A_276 : vector<16xi32>
          %eq3A_300 = arith.constant 63 : i32
          %eq3A_301 = arith.cmpi eq, %and3A_221, %eq3A_300 : i32
          %select_n3A_302 = arith.select %eq3A_301, %broadcast_in_dim3A_290, %select_n3A_284 : vector<16xi32>
          %add3A_303 = arith.constant 1 : i32
          %add3A_304 = arith.addi %while3A_206, %add3A_303 : i32
          scf.yield %add3A_304, %select_n3A_293, %select_n3A_296, %select_n3A_299, %select_n3A_302 : i32, vector<16xi32>, vector<16xi32>, vector<16xi32>, vector<16xi32>
        }
        scf.yield %while3A_204#0, %while3A_204#1, %while3A_204#2, %while3A_204#3, %while3A_204#4 : i32, vector<16xi32>, vector<16xi32>, vector<16xi32>, vector<16xi32>
      }
      scf.yield %while3A_164#0, %while3A_164#1, %while3A_164#2, %while3A_164#3, %while3A_164#4 : i32, vector<16xi32>, vector<16xi32>, vector<16xi32>, vector<16xi32>
    }
    %swap3A = arith.constant 0 : i32
    %swap3A_63 = arith.index_cast %swap3A : i32 to index
    %swap3A_64 = arith.constant 0 : index
    %swap3A_65 = tpu.vector_load %arg21[%swap3A_63, %swap3A_64] {strides = array<i32>} : memref<1x64xi32, #tpu.memory_space<vmem>>, vector<16xi32>,
    tpu.vector_store %arg21[%swap3A_63, %swap3A_64], %while3A_62#1 {strides = array<i32>} : memref<1x64xi32, #tpu.memory_space<vmem>>, vector<16xi32>,
    %and3A_66 = arith.constant 2047 : i32
    %and3A_67 = vector.broadcast %and3A_66 : i32 to vector<16xi32>
    %and3A_68 = arith.andi %while3A_62#1, %and3A_67 : vector<16xi32>
    %swap3A_69 = arith.constant 0 : i32
    %swap3A_70 = arith.index_cast %swap3A_69 : i32 to index
    %swap3A_71 = arith.constant 0 : index
    %swap3A_72 = tpu.vector_load %arg22[%swap3A_70, %swap3A_71] {strides = array<i32>} : memref<1x64xi32, #tpu.memory_space<vmem>>, vector<16xi32>,
    tpu.vector_store %arg22[%swap3A_70, %swap3A_71], %and3A_68 {strides = array<i32>} : memref<1x64xi32, #tpu.memory_space<vmem>>, vector<16xi32>,
    %swap3A_73 = arith.constant 0 : i32
    %swap3A_74 = arith.index_cast %swap3A_73 : i32 to index
    %swap3A_75 = arith.constant 16 : index
    %swap3A_76 = tpu.vector_load %arg21[%swap3A_74, %swap3A_75] {strides = array<i32>} : memref<1x64xi32, #tpu.memory_space<vmem>>, vector<16xi32>,
    tpu.vector_store %arg21[%swap3A_74, %swap3A_75], %while3A_62#2 {strides = array<i32>} : memref<1x64xi32, #tpu.memory_space<vmem>>, vector<16xi32>,
    %and3A_77 = arith.constant 2047 : i32
    %and3A_78 = vector.broadcast %and3A_77 : i32 to vector<16xi32>
    %and3A_79 = arith.andi %while3A_62#2, %and3A_78 : vector<16xi32>
    %swap3A_80 = arith.constant 0 : i32
    %swap3A_81 = arith.index_cast %swap3A_80 : i32 to index
    %swap3A_82 = arith.constant 16 : index
    %swap3A_83 = tpu.vector_load %arg22[%swap3A_81, %swap3A_82] {strides = array<i32>} : memref<1x64xi32, #tpu.memory_space<vmem>>, vector<16xi32>,
    tpu.vector_store %arg22[%swap3A_81, %swap3A_82], %and3A_79 {strides = array<i32>} : memref<1x64xi32, #tpu.memory_space<vmem>>, vector<16xi32>,
    %swap3A_84 = arith.constant 0 : i32
    %swap3A_85 = arith.index_cast %swap3A_84 : i32 to index
    %swap3A_86 = arith.constant 32 : index
    %swap3A_87 = tpu.vector_load %arg21[%swap3A_85, %swap3A_86] {strides = array<i32>} : memref<1x64xi32, #tpu.memory_space<vmem>>, vector<16xi32>,
    tpu.vector_store %arg21[%swap3A_85, %swap3A_86], %while3A_62#3 {strides = array<i32>} : memref<1x64xi32, #tpu.memory_space<vmem>>, vector<16xi32>,
    %and3A_88 = arith.constant 2047 : i32
    %and3A_89 = vector.broadcast %and3A_88 : i32 to vector<16xi32>
    %and3A_90 = arith.andi %while3A_62#3, %and3A_89 : vector<16xi32>
    %swap3A_91 = arith.constant 0 : i32
    %swap3A_92 = arith.index_cast %swap3A_91 : i32 to index
    %swap3A_93 = arith.constant 32 : index
    %swap3A_94 = tpu.vector_load %arg22[%swap3A_92, %swap3A_93] {strides = array<i32>} : memref<1x64xi32, #tpu.memory_space<vmem>>, vector<16xi32>,
    tpu.vector_store %arg22[%swap3A_92, %swap3A_93], %and3A_90 {strides = array<i32>} : memref<1x64xi32, #tpu.memory_space<vmem>>, vector<16xi32>,
    %swap3A_95 = arith.constant 0 : i32
    %swap3A_96 = arith.index_cast %swap3A_95 : i32 to index
    %swap3A_97 = arith.constant 48 : index
    %swap3A_98 = tpu.vector_load %arg21[%swap3A_96, %swap3A_97] {strides = array<i32>} : memref<1x64xi32, #tpu.memory_space<vmem>>, vector<16xi32>,
    tpu.vector_store %arg21[%swap3A_96, %swap3A_97], %while3A_62#4 {strides = array<i32>} : memref<1x64xi32, #tpu.memory_space<vmem>>, vector<16xi32>,
    %and3A_99 = arith.constant 2047 : i32
    %and3A_100 = vector.broadcast %and3A_99 : i32 to vector<16xi32>
    %and3A_101 = arith.andi %while3A_62#4, %and3A_100 : vector<16xi32>
    %swap3A_102 = arith.constant 0 : i32
    %swap3A_103 = arith.index_cast %swap3A_102 : i32 to index
    %swap3A_104 = arith.constant 48 : index
    %swap3A_105 = tpu.vector_load %arg22[%swap3A_103, %swap3A_104] {strides = array<i32>} : memref<1x64xi32, #tpu.memory_space<vmem>>, vector<16xi32>,
    tpu.vector_store %arg22[%swap3A_103, %swap3A_104], %and3A_101 {strides = array<i32>} : memref<1x64xi32, #tpu.memory_space<vmem>>, vector<16xi32>,
    %dma_start3A_106 = arith.constant 0 : i32
    %dma_start3A_107 = arith.constant 0 : i32
    %dma_start3A_108 = tpu.memref_slice %arg22[%dma_start3A_106, %dma_start3A_107] : memref<1x64xi32, #tpu.memory_space<vmem>> -> memref<1x64xi32, #tpu.memory_space<vmem>>
    %dma_start3A_109 = tpu.memref_squeeze %dma_start3A_108 : memref<1x64xi32, #tpu.memory_space<vmem>> -> memref<64xi32, #tpu.memory_space<vmem>>
    %dma_start3A_110 = arith.constant 0 : i32
    %dma_start3A_111 = arith.constant 0 : i32
    %dma_start3A_112 = tpu.memref_slice %arg5[%dma_start3A_110, %dma_start3A_111] : memref<2048x128xf32, #tpu.memory_space<hbm>> -> memref<2048x128xf32, #tpu.memory_space<hbm>>
    tpu.enqueue_indirect_dma source(%dma_start3A_112 : memref<2048x128xf32, #tpu.memory_space<hbm>>) target(%arg20 : memref<64x128xf32, #tpu.memory_space<vmem>>) offsets(%dma_start3A_109 : memref<64xi32, #tpu.memory_space<vmem>>) semaphore(%arg24 : memref<!tpu.dma_semaphore, #tpu.memory_space<semaphore_mem>>)
    %dma_wait3A = arith.constant 0 : i32
    %dma_wait3A_113 = arith.constant 0 : i32
    %dma_wait3A_114 = tpu.memref_slice %arg22[%dma_wait3A, %dma_wait3A_113] : memref<1x64xi32, #tpu.memory_space<vmem>> -> memref<1x64xi32, #tpu.memory_space<vmem>>
    %dma_wait3A_115 = tpu.memref_squeeze %dma_wait3A_114 : memref<1x64xi32, #tpu.memory_space<vmem>> -> memref<64xi32, #tpu.memory_space<vmem>>
    %dma_wait3A_116 = arith.constant 0 : i32
    %dma_wait3A_117 = arith.constant 0 : i32
    %dma_wait3A_118 = tpu.memref_slice %arg5[%dma_wait3A_116, %dma_wait3A_117] : memref<2048x128xf32, #tpu.memory_space<hbm>> -> memref<2048x128xf32, #tpu.memory_space<hbm>>
    tpu.wait_indirect_dma semaphore(%arg24 : memref<!tpu.dma_semaphore, #tpu.memory_space<semaphore_mem>>) src(%dma_wait3A_118 : memref<2048x128xf32, #tpu.memory_space<hbm>>) dst(%arg20 : memref<64x128xf32, #tpu.memory_space<vmem>>)
    %scan3A_119 = arith.constant 0 : i32
    %scan3A_120 = arith.constant 0 : i32
    %scan3A_121 = arith.constant 64 : i32
    %scan3A_122 = arith.addi %scan3A_120, %scan3A_121 : i32
    %scan3A_123 = arith.constant 1 : i32
    %scan3A_124 = scf.for %scan3A_126 = %scan3A_120 to %scan3A_122 step %scan3A_123 iter_args(%scan3A_127 = %scan3A_119) -> (i32)  : i32 {
      %get3A = arith.index_cast %scan3A_126 : i32 to index
      %get3A_128 = arith.constant 0 : index
      %get3A_129 = tpu.vector_load %arg19[%get3A, %get3A_128] {strides = array<i32>} : memref<64x128xf32, #tpu.memory_space<vmem>>, vector<16xf32>,
      %get3A_130 = arith.index_cast %scan3A_126 : i32 to index
      %get3A_131 = arith.constant 0 : index
      %get3A_132 = tpu.vector_load %arg20[%get3A_130, %get3A_131] {strides = array<i32>} : memref<64x128xf32, #tpu.memory_space<vmem>>, vector<16xf32>,
      %add3A_133 = arith.addf %get3A_129, %get3A_132 : vector<16xf32>
      %swap3A_134 = arith.index_cast %scan3A_126 : i32 to index
      %swap3A_135 = arith.constant 0 : index
      %swap3A_136 = tpu.vector_load %arg19[%swap3A_134, %swap3A_135] {strides = array<i32>} : memref<64x128xf32, #tpu.memory_space<vmem>>, vector<16xf32>,
      tpu.vector_store %arg19[%swap3A_134, %swap3A_135], %add3A_133 {strides = array<i32>} : memref<64x128xf32, #tpu.memory_space<vmem>>, vector<16xf32>,
      %get3A_137 = arith.index_cast %scan3A_126 : i32 to index
      %get3A_138 = arith.constant 16 : index
      %get3A_139 = tpu.vector_load %arg19[%get3A_137, %get3A_138] {strides = array<i32>} : memref<64x128xf32, #tpu.memory_space<vmem>>, vector<16xf32>,
      %get3A_140 = arith.index_cast %scan3A_126 : i32 to index
      %get3A_141 = arith.constant 16 : index
      %get3A_142 = tpu.vector_load %arg20[%get3A_140, %get3A_141] {strides = array<i32>} : memref<64x128xf32, #tpu.memory_space<vmem>>, vector<16xf32>,
      %add3A_143 = arith.addf %get3A_139, %get3A_142 : vector<16xf32>
      %swap3A_144 = arith.index_cast %scan3A_126 : i32 to index
      %swap3A_145 = arith.constant 16 : index
      %swap3A_146 = tpu.vector_load %arg19[%swap3A_144, %swap3A_145] {strides = array<i32>} : memref<64x128xf32, #tpu.memory_space<vmem>>, vector<16xf32>,
      tpu.vector_store %arg19[%swap3A_144, %swap3A_145], %add3A_143 {strides = array<i32>} : memref<64x128xf32, #tpu.memory_space<vmem>>, vector<16xf32>,
      %get3A_147 = arith.index_cast %scan3A_126 : i32 to index
      %get3A_148 = arith.constant 32 : index
      %get3A_149 = tpu.vector_load %arg19[%get3A_147, %get3A_148] {strides = array<i32>} : memref<64x128xf32, #tpu.memory_space<vmem>>, vector<16xf32>,
      %get3A_150 = arith.index_cast %scan3A_126 : i32 to index
      %get3A_151 = arith.constant 32 : index
      %get3A_152 = tpu.vector_load %arg20[%get3A_150, %get3A_151] {strides = array<i32>} : memref<64x128xf32, #tpu.memory_space<vmem>>, vector<16xf32>,
      %add3A_153 = arith.addf %get3A_149, %get3A_152 : vector<16xf32>
      %swap3A_154 = arith.index_cast %scan3A_126 : i32 to index
      %swap3A_155 = arith.constant 32 : index
      %swap3A_156 = tpu.vector_load %arg19[%swap3A_154, %swap3A_155] {strides = array<i32>} : memref<64x128xf32, #tpu.memory_space<vmem>>, vector<16xf32>,
      tpu.vector_store %arg19[%swap3A_154, %swap3A_155], %add3A_153 {strides = array<i32>} : memref<64x128xf32, #tpu.memory_space<vmem>>, vector<16xf32>,
      %get3A_157 = arith.index_cast %scan3A_126 : i32 to index
      %get3A_158 = arith.constant 48 : index
      %get3A_159 = tpu.vector_load %arg19[%get3A_157, %get3A_158] {strides = array<i32>} : memref<64x128xf32, #tpu.memory_space<vmem>>, vector<16xf32>,
      %get3A_160 = arith.index_cast %scan3A_126 : i32 to index
      %get3A_161 = arith.constant 48 : index
      %get3A_162 = tpu.vector_load %arg20[%get3A_160, %get3A_161] {strides = array<i32>} : memref<64x128xf32, #tpu.memory_space<vmem>>, vector<16xf32>,
      %add3A_163 = arith.addf %get3A_159, %get3A_162 : vector<16xf32>
      %swap3A_164 = arith.index_cast %scan3A_126 : i32 to index
      %swap3A_165 = arith.constant 48 : index
      %swap3A_166 = tpu.vector_load %arg19[%swap3A_164, %swap3A_165] {strides = array<i32>} : memref<64x128xf32, #tpu.memory_space<vmem>>, vector<16xf32>,
      tpu.vector_store %arg19[%swap3A_164, %swap3A_165], %add3A_163 {strides = array<i32>} : memref<64x128xf32, #tpu.memory_space<vmem>>, vector<16xf32>,
      %scan3A_167 = arith.constant 0 : i32
      scf.yield %scan3A_167 : i32
    }
    %scan3A_125 = arith.constant 64 : i32
    %run_scoped3A = arith.constant 0 : i32
    "tpu.region"() ({
      %run_scoped3A_126 = tpu.sem_alloc : memref<!tpu.dma_semaphore, #tpu.memory_space<semaphore_mem>>
      %dma_start3A_127 = arith.constant 0 : i32
      %dma_start3A_128 = tpu.memref_slice %arg21[%run_scoped3A, %dma_start3A_127] : memref<1x64xi32, #tpu.memory_space<vmem>> -> memref<1x64xi32, #tpu.memory_space<vmem>>
      %dma_start3A_129 = tpu.memref_squeeze %dma_start3A_128 : memref<1x64xi32, #tpu.memory_space<vmem>> -> memref<64xi32, #tpu.memory_space<vmem>>
      %dma_start3A_130 = arith.constant 0 : i32
      %dma_start3A_131 = arith.constant 0 : i32
      %dma_start3A_132 = tpu.memref_slice %arg8[%dma_start3A_130, %dma_start3A_131] : memref<8224x128xf32, #tpu.memory_space<hbm>> -> memref<8224x128xf32, #tpu.memory_space<hbm>>
      tpu.enqueue_indirect_dma source(%arg19 : memref<64x128xf32, #tpu.memory_space<vmem>>) target(%dma_start3A_132 : memref<8224x128xf32, #tpu.memory_space<hbm>>) offsets(%dma_start3A_129 : memref<64xi32, #tpu.memory_space<vmem>>) semaphore(%run_scoped3A_126 : memref<!tpu.dma_semaphore, #tpu.memory_space<semaphore_mem>>)
      %dma_wait3A_133 = arith.constant 0 : i32
      %dma_wait3A_134 = tpu.memref_slice %arg21[%run_scoped3A, %dma_wait3A_133] : memref<1x64xi32, #tpu.memory_space<vmem>> -> memref<1x64xi32, #tpu.memory_space<vmem>>
      %dma_wait3A_135 = tpu.memref_squeeze %dma_wait3A_134 : memref<1x64xi32, #tpu.memory_space<vmem>> -> memref<64xi32, #tpu.memory_space<vmem>>
      %dma_wait3A_136 = arith.constant 0 : i32
      %dma_wait3A_137 = arith.constant 0 : i32
      %dma_wait3A_138 = tpu.memref_slice %arg8[%dma_wait3A_136, %dma_wait3A_137] : memref<8224x128xf32, #tpu.memory_space<hbm>> -> memref<8224x128xf32, #tpu.memory_space<hbm>>
      tpu.wait_indirect_dma semaphore(%run_scoped3A_126 : memref<!tpu.dma_semaphore, #tpu.memory_space<semaphore_mem>>) src(%arg19 : memref<64x128xf32, #tpu.memory_space<vmem>>) dst(%dma_wait3A_138 : memref<8224x128xf32, #tpu.memory_space<hbm>>)
      tpu.yield
    }) : () -> ()
    return
  }
}

</mosaic_0001>

<sc_bundles>
// kernel: _embed.3.cloned.1.call-start
scs
__scs_entry_jumppad:
0x0: {  	(pc) =	sbr.rel $0x88, $3  }
0x1: {  	(tag) =	ssettag $0x0;
	lr =	simm.s32 $0x1  }
0x2: {  	[smem:$0x3F9B] =	sst lr;
	_ =	strace $0xD0000000  }
0x3: {  	_ = 	snop  }
0x4: {  	_ = 	snop  }
0x5: {  	_ = 	snop  }
0x6: {  	_ = 	snop  }
0x7: {  	_ = 	snop  }
__scs_overlays_trampoline_lowered:
0x8: {  	[smem:$0x3FAA] =	sst s0  }
0x9: {  	[smem:$0x3FAB] =	sst s1  }
0xa: {  	[smem:$0x3FAC] =	sst s2  }
0xb: {  	[smem:$0x3FAD] =	sst s3  }
0xc: {  	[smem:$0x3FAE] =	sst s4  }
0xd: {  	[smem:$0x3FAF] =	sst s5  }
0xe: {  	[smem:$0x3FB0] =	sst s6  }
0xf: {  	[smem:$0x3FB1] =	sst s7  }
0x10: {  	[smem:$0x3FB2] =	sst s8  }
0x11: {  	[smem:$0x3FB3] =	sst s9;
	s0 =	simm.s32 @!p0 $0x0  }
0x12: {  	s1 =	sld [smem:$0x3F99];
	s0 =	simm.s32 @p0 $0x1  }
0x13: {  	[smem:$0x3FB4] =	sst s0;
	s0 =	simm.s32 @!p1 $0x0  }
0x14: {  	s2 =	sld [smem:$0x3F98];
	s0 =	simm.s32 @p1 $0x1  }
0x15: {  	[smem:$0x3FB5] =	sst s0;
	s0 =	simm.s32 @!p2 $0x0  }
0x16: {  	s3 =	sld [smem:$0x3FDB];
	s0 =	simm.s32 @p2 $0x1  }
0x17: {  	s4 =	simm.s32 $0x1BF5;
	[smem:$0x3FB7] =	sst s0  }
0x18: {  	s0 =	sld [smem:$0x3F9A];
	_ =	swait.ge [sflag:s4], $0x0  }
0x19: {  	s7 =	sld [smem:$0x3F9B]  }
0x1a: {  	s8 =	sadd.s32 $0xFFFFE003, lr  }
0x1b: {  	s9 =	sadd.s32 $0xFFFFFEF7, lr;
	s5 =	simm.s32 $0xFFFFFFFF;
	p2 =	slt.u32 s8, $0xFFFFF086  }
0x1c: {  	p1 =	slt.u32 s9, $0xF7A;
	s5 =	simm.s32 @!p2 $0x0  }
0x1d: {  	s5 =	simm.s32 @p1 $0x1;
	p0 =	seq.s32 s7, s2  }
0x1e: {  	s7 =	smul.u32 @!p0 $0xF7A, s2;
	p2 =	seq.s32 @!p0 s5, $0x0  }
0x1f: {  	s9 =	smul.u32 $0xF7A, s1;
	s8 =	simm.s32 @!p0 $0x1BF5;
	p2 =	por !p2, p0  }
0x20: {  	[sflag:s8] =	ssyncset.s32 @!p0 $0xFFFFF086;
	s6 =	sadd.s32 @!p0 s3, s7;
	s7 =	simm.s32 @!p0 $0x108  }
0x21: {  	s3 =	sadd.s32 s3, s9;
	s6 =	sadd.s32 @!p0 $0x88, s6;
	s7 =	simm.s32 @p2 $0x1082  }
0x22: {  	[simem:s7], [sflag:s8] =	dma.local @!p0 [hbm:s6], $0xF7A  }
0x23: {  	s9 =	sor.u32 $0xD0000000, s2;
	s6 =	simm.s32 $0x108;
	_ =	swait.ge @!p0 [sflag:s8], $0x0  }
0x24: {  	s3 =	sadd.s32 $0x88, s3;
	s6 =	simm.s32 @!p1 $0x1082;
	[sflag:s4] =	ssyncset.s32 $0xFFFFF086  }
0x25: {  	[simem:s6], [sflag:s4] =	dma.local [hbm:s3], $0xF7A  }
0x26: {  	[smem:$0x3F9B] =	sst s1;
	(tag) =	ssettag s2;
	_ =	strace s9  }
0x27: {  	s1 =	sld [smem:$0x3FAB]  }
0x28: {  	s2 =	sld [smem:$0x3FAC]  }
0x29: {  	s4 =	sld [smem:$0x3FAE]  }
0x2a: {  	p0 =	seq.s32 s5, $0x0;
	s5 =	sld [smem:$0x3FAF]  }
0x2b: {  	s6 =	sld [smem:$0x3FB0]  }
0x2c: {  	s7 =	sld [smem:$0x3FB1]  }
0x2d: {  	s3 =	simm.s32 $0x108;
	s8 =	sld [smem:$0x3FB2]  }
0x2e: {  	s3 =	simm.s32 @!p0 $0x1082;
	s9 =	sld [smem:$0x3FB3]  }
0x2f: {  	lr =	sadd.s32 s0, s3;
	s0 =	sld [smem:$0x3FAA]  }
0x30: {  	s3 =	sld [smem:$0x3FAD]  }
0x31: {  	[smem:$0x3FB6] =	sst s10  }
0x32: {  	s10 =	sld [smem:$0x3FB4];
	_ =	sdelay $0x3  }
0x33: {  	p0 =	seq.s32 s10, $0x1;
	s10 =	sld [smem:$0x3FB6];
	_ =	sdelay $0x3  }
0x34: {  	[smem:$0x3FB6] =	sst s10  }
0x35: {  	s10 =	sld [smem:$0x3FB5];
	_ =	sdelay $0x3  }
0x36: {  	p1 =	seq.s32 s10, $0x1;
	s10 =	sld [smem:$0x3FB6];
	_ =	sdelay $0x3  }
0x37: {  	[smem:$0x3FB6] =	sst s10  }
0x38: {  	s10 =	sld [smem:$0x3FB7]  }
0x39: {  	_ = 	snop;
	(pc) =	sbr.ind lr, $3  }
0x3a: {  	_ = 	snop  }
0x3b: {  	_ = 	snop  }
0x3c: {  	p2 =	seq.s32 s10, $0x1;
	s10 =	sld [smem:$0x3FB6]  }
0x3d: {  	_ =	shalt  }
0x3e: {  	_ =	shalt  }
0x3f: {  	_ =	shalt  }
0x40: {  	_ =	shalt  }
0x41: {  	_ =	shalt  }
0x42: {  	_ =	shalt  }
0x43: {  	_ =	shalt  }
0x44: {  	_ =	shalt  }
0x45: {  	_ =	shalt  }
0x46: {  	_ =	shalt  }
0x47: {  	_ =	shalt  }
0x48: {  	_ =	shalt  }
0x49: {  	_ =	shalt  }
0x4a: {  	_ =	shalt  }
0x4b: {  	_ =	shalt  }
0x4c: {  	_ =	shalt  }
0x4d: {  	_ =	shalt  }
0x4e: {  	_ =	shalt  }
0x4f: {  	_ =	shalt  }
0x50: {  	_ =	shalt  }
0x51: {  	_ =	shalt  }
0x52: {  	_ =	shalt  }
0x53: {  	_ =	shalt  }
0x54: {  	_ =	shalt  }
0x55: {  	_ =	shalt  }
0x56: {  	_ =	shalt  }
0x57: {  	_ =	shalt  }
0x58: {  	_ =	shalt  }
0x59: {  	_ =	shalt  }
0x5a: {  	_ =	shalt  }
0x5b: {  	_ =	shalt  }
0x5c: {  	_ =	shalt  }
0x5d: {  	_ =	shalt  }
0x5e: {  	_ =	shalt  }
0x5f: {  	_ =	shalt  }
0x60: {  	_ =	shalt  }
0x61: {  	_ =	shalt  }
0x62: {  	_ =	shalt  }
0x63: {  	_ =	shalt  }
0x64: {  	_ =	shalt  }
0x65: {  	_ =	shalt  }
0x66: {  	_ =	shalt  }
0x67: {  	_ =	shalt  }
0x68: {  	_ =	shalt  }
0x69: {  	_ =	shalt  }
0x6a: {  	_ =	shalt  }
0x6b: {  	_ =	shalt  }
0x6c: {  	_ =	shalt  }
0x6d: {  	_ =	shalt  }
0x6e: {  	_ =	shalt  }
0x6f: {  	_ =	shalt  }
0x70: {  	_ =	shalt  }
0x71: {  	_ =	shalt  }
0x72: {  	_ =	shalt  }
0x73: {  	_ =	shalt  }
0x74: {  	_ =	shalt  }
0x75: {  	_ =	shalt  }
0x76: {  	_ =	shalt  }
0x77: {  	_ =	shalt  }
0x78: {  	_ =	shalt  }
0x79: {  	_ =	shalt  }
0x7a: {  	_ =	shalt  }
0x7b: {  	_ =	shalt  }
0x7c: {  	_ =	shalt  }
0x7d: {  	_ =	shalt  }
0x7e: {  	_ =	shalt  }
0x7f: {  	_ =	shalt  }
0x80: {  	_ =	shalt  }
0x81: {  	_ =	shalt  }
0x82: {  	_ =	shalt  }
0x83: {  	_ =	shalt  }
0x84: {  	_ =	shalt  }
0x85: {  	_ =	shalt  }
0x86: {  	_ =	shalt  }
0x87: {  	_ =	shalt  }
.Lfunc_end0:
.L_simem_size_0:
called_computation_lowered:
.L_overlay_start_0:
0x88: {  	s2 =	sld [smem:$0x3FD9]  }
0x89: {  	s3 =	sld [smem:$0x3FFE];
	_ =	sdelay $0x1  }
0x8a: {  	s1 =	srdreg.scid  }
0x8b: {  	s0 =	sand.u32 $0x1, s1  }
0x8c: {  	s15 =	sshll.u32 s0, $0xA;
	s2 =	sadd.s32 s3, s2  }
0x8d: {  	s2 =	sadd.s32 s2, s15  }
0x8e: {  	[smem:$0x3FC2] =	sst s2  }
0x8f: {  	_ = 	snop  }
0x90: {  	s2 =	sld [smem:$0x3FC9]  }
0x91: {  	s16 =	sld [smem:$0x3FC8]  }
0x92: {  	s4 =	sld [smem:$0x3FC7]  }
0x93: {  	s5 =	sld [smem:$0x3FD0]  }
0x94: {  	s6 =	sld [smem:$0x3FC6]  }
0x95: {  	s7 =	sld [smem:$0x3FC5]  }
0x96: {  	s9 =	simm.s32 $0xA;
	s10 =	simm.s32 $0x10;
	s8 =	sld [smem:$0x3FC4]  }
0x97: {  	[smem:s10], [sflag:s9] =	dma.local [hbm:s5], $0x1  }
0x98: {  	_ =	swait.eq [sflag:s9], $0x1  }
0x99: {  	s17 =	sld [smem:$0x10];
	[sflag:s9] =	ssyncset.done $0x0  }
0x9a: {  	s18 =	sld [smem:$0x11];
	[sflag:s9] =	ssyncadd.s32 $0xFFFFFFFF  }
0x9b: {  	s19 =	sld [smem:$0x12];
	(tm) =	ssettm $0x1  }
0x9c: {  	s11 =	sld [smem:$0x3FFB];
	_ =	sdelay $0x3  }
0x9d: {  	_ =	strace s11  }
0x9e: {  	s11 =	sld [smem:$0x3FFC];
	_ =	sdelay $0x3  }
0x9f: {  	_ =	strace s11  }
0xa0: {  	s11 =	sld [smem:$0x3FFD];
	_ =	sdelay $0x3  }
0xa1: {  	_ =	strace s11  }
0xa2: {  	_ =	strace $0x8FFFFFFF  }
0xa3: {  	s20 =	sld [smem:$0x3FDB];
	_ =	sdelay $0x1  }
0xa4: {  	s12 =	simm.s32 $_scs_section_size  }
0xa5: {  	s13 =	simm.s32 $_size__tile_overlayer_lowered;
	s14 =	simm.s32 $_tile_overlayer_lowered  }
0xa6: {  	s23 =	simm.s32 $0x1BFF;
	s22 =	sshll.u32 s14, $0x1;
	s11 =	sadd.s32 s12, s20  }
0xa7: {  	s21 =	sshll.u32 s13, $0x1;
	s15 =	simm.s32 $0x0;
	s13 =	sadd.s32 s22, s11  }
0xa8: {  	[timem:s15], [sflag:s23] =	dma.local [hbm:s13], s21  }
0xa9: {  	_ =	swait.ge [sflag:s23], s21  }
0xaa: {  	s12 =	ssub.s32 $0x0, s21;
	[sflag:s23] =	ssyncset.done $0x0  }
0xab: {  	[sflag:s23] =	ssyncadd.s32 s12;
	_ =	sdelay $0x1  }
0xac: {  	s24 =	simm.s32 $0x1B8B  }
0xad: {  	_ =	swait.ge [sflag:s24], $0x1  }
0xae: {  	[sflag:s24] =	ssyncset.done $0x0  }
0xaf: {  	s25 =	simm.s32 $0x1B8E;
	[sflag:s24] =	ssyncadd.s32 $0xFFFFFFFF  }
0xb0: {  	s26 =	simm.s32 $execute0_lowered;
	[smem:$0x3FD2] =	sst s25  }
0xb1: {  	s12 =	sshll.u32 s26, $0x1;
	_ =	strace $0x80000046;
	[dreg:$0x1] =	wrdreg $0xFFFFFFFF  }
0xb2: {  	s28 =	simm.s32 $_size_execute0_lowered;
	s11 =	sadd.s32 s11, s12;
	[dreg:$0x0] =	wrdreg $0x0  }
0xb3: {  	s12 =	sshll.u32 s28, $0x1;
	[dreg:$0x2] =	wrdreg s11  }
0xb4: {  	[dreg:$0x3] =	wrdreg s12  }
0xb5: {  	[dreg:$0x4] =	wrdreg $0xC0  }
0xb6: {  	_ =	task [dreg:s15], $0x5FFFF  }
0xb7: {  	[dreg:$0x1] =	wrdreg $0xFFFFFFFF  }
0xb8: {  	[dreg:$0x0] =	wrdreg $0x60  }
0xb9: {  	[dreg:$0x2] =	wrdreg s2  }
0xba: {  	[dreg:$0x3] =	wrdreg s16  }
0xbb: {  	[dreg:$0x4] =	wrdreg s4  }
0xbc: {  	[dreg:$0x5] =	wrdreg s6  }
0xbd: {  	[dreg:$0x6] =	wrdreg s7  }
0xbe: {  	[dreg:$0x7] =	wrdreg s8  }
0xbf: {  	[dreg:$0x8] =	wrdreg s17  }
0xc0: {  	[dreg:$0x9] =	wrdreg s18  }
0xc1: {  	[dreg:$0xa] =	wrdreg s19  }
0xc2: {  	[dreg:$0xb] =	wrdreg $0x9  }
0xc3: {  	_ =	task.clear_ibuf [dreg:s15], $0xCFFFF;
	_ =	strace $0x90000046  }
0xc4: {  	s29 =	simm.s32 $0x9;
	_ =	strace $0x80000048  }
0xc5: {  	_ =	swait.ge [sflag:s29], $0x1  }
0xc6: {  	[sflag:s29] =	ssyncadd.s32 $0xFFFFFFFF  }
0xc7: {  	_ =	strace $0x90000048  }
0xc8: {  	_ =	sfence  }
0xc9: {  	s30 =	sld [smem:$0x0];
	_ =	sdelay $0x2  }
0xca: {  	s31 =	sshll.u32 s1, $0xD;
	s1 =	sshrl.u32 s1, $0x2  }
0xcb: {  	s3 =	sand.u32 $0x4000, s31;
	s1 =	sadd.s32 s1, s30  }
0xcc: {  	s0 =	sor.u32 s3, s0;
	s1 =	sshll.u32 s1, $0x11  }
0xcd: {  	s0 =	sor.u32 s1, s0  }
0xce: {  	s0 =	sadd.s32 $0x8F2B, s0  }
0xcf: {  	[sflag:s0] =	ssyncadd.remote.s32 $0x1  }
0xd0: {  	_ =	sfence.sel $0xFFFF  }
0xd1: {  	[dreg:$0x0] =	wrdreg $0xFFFFFFFF;
	(pc) =	sbr.abs _section_cstart, $3  }
0xd2: {  	[dreg:$0x1] =	wrdreg $0xFFFFFFFF  }
0xd3: {  	_ =	task.clear_ibuf [dreg:s15], $0x2FFFF;
	_ =	strace $0x9FFFFFFF  }
0xd4: {  	(tm) =	ssettm $0x7FFFFFFF  }
0xd5: {  	_ =	shalt  }
tec
execute0_lowered:
.L_overlay_start_1:
0x0: {  	(tag) =	ssettag $0x1  }
0x1: {  	s1 =	rddreg [dreg:$0x1]  }
0x2: {  	s15 =	rddreg [dreg:$0x2]  }
0x3: {  	s3 =	rddreg [dreg:$0x3]  }
0x4: {  	s5 =	rddreg [dreg:$0x4]  }
0x5: {  	s0 =	rddreg [dreg:$0x5]  }
0x6: {  	v0 =	vimm.s32 $0x1380;
	s4 =	rddreg [dreg:$0x6]  }
0x7: {  	vm14 =	vcmask $0x300;
	vm13 =	vcmask $0x704;
	vm12 =	vcmask $0xB08;
	s10 =	rddreg [dreg:$0x7]  }
0x8: {  	vm11 =	vcmask $0xF0C;
	vm10 =	vcmask $0x1310;
	vm9 =	vcmask $0x1714;
	s2 =	rddreg [dreg:$0x8];
	s6 =	srdreg.scid  }
0x9: {  	vm8 =	vcmask $0x1B18;
	vm6 =	vcmask $0x1F1C;
	s18 =	stileid.u32;
	vm0 =	vcmask $0x2320;
	s7 =	simm.s32 $0x0;
	s29 =	simm.s32 $0x6200  }
0xa: {  	vm1 =	vcmask $0x2724;
	vm2 =	vcmask $0x2B28;
	vm3 =	vcmask $0x2F2C;
	s30 =	simm.s32 $0x3;
	s28 =	simm.s32 $0x1E180;
	s31 =	simm.s32 $0x1C100  }
0xb: {  	vm4 =	vcmask $0x3330;
	vm5 =	vcmask $0x3734;
	vm7 =	vcmask $0x3B38;
	s9 =	sand.u32 $0x1, s6;
	s11 =	sshll.u32 s18, $0x1;
	[smem:$0x7FF] =	sst s7  }
0xc: {  	v6 =	vimm.s32 $0x3380;
	v7 =	vimm.s32 $0x5380;
	v8 =	vimm.s32 $0x7380;
	s14 =	sshll.u32 s18, $0xB;
	s17 =	sadd.s32 $0x80, s1;
	s20 =	sadd.s32 $0x80, s15  }
0xd: {  	v0 =	vsel vm14, $0x0, v0;
	v6 =	vsel vm14, $0x2000, v6;
	v7 =	vsel vm14, $0x4000, v7;
	s21 =	sadd.s32 $0x100, s15;
	s6 =	ssub.s32 $0x2, s9;
	s8 =	sor.u32 s9, s11  }
0xe: {  	v8 =	vsel vm14, $0x6000, v8;
	v0 =	vsel vm13, $0x80, v0;
	_ =	strace $0x80000047;
	p1 =	seq.s32 s9, $0x1;
	s11 =	sadd.s32 $0xFFFFFFF0, s11;
	v6 =	vsel vm13, $0x2080, v6  }
0xf: {  	s25 =	sand.u32 $0x3000, s14;
	s26 =	sshll.u32 s9, $0xA;
	v7 =	vsel vm13, $0x4080, v7;
	v8 =	vsel vm13, $0x6080, v8;
	[dreg:$0xf] =	wrdreg s17;
	v0 =	vsel vm12, $0x100, v0  }
0x10: {  	s9 =	sshll.u32 s9, $0x7;
	s17 =	sadd.s32 $0x180, s1;
	[dreg:$0x11] =	wrdreg s20;
	v6 =	vsel vm12, $0x2100, v6;
	v7 =	vsel vm12, $0x4100, v7;
	v8 =	vsel vm12, $0x6100, v8  }
0x11: {  	[dreg:$0x12] =	wrdreg s21;
	s12 =	sshrl.u32 s6, $0x1;
	s13 =	sor.u32 $0x2000, s8;
	v0 =	vsel vm11, $0x180, v0;
	v6 =	vsel vm11, $0x2180, v6;
	v7 =	vsel vm11, $0x4180, v7  }
0x12: {  	s22 =	sshll.u32 s8, $0x9;
	s23 =	sshll.u32 s8, $0x7;
	p0 =	slt.u32 s8, $0x11;
	v8 =	vsel vm11, $0x6180, v8;
	v0 =	vsel vm10, $0x200, v0;
	v6 =	vsel vm10, $0x2200, v6  }
0x13: {  	s11 =	sshrl.u32 s11, $0x1;
	s14 =	ssub.s32 $0x7A1, s8;
	s0 =	sadd.s32 s0, s9;
	v7 =	vsel vm10, $0x4200, v7;
	v8 =	vsel vm10, $0x6200, v8;
	v0 =	vsel vm9, $0x280, v0  }
0x14: {  	s9 =	simm.s32 $0x1A100;
	s6 =	ssub.s32 s6, s12;
	s12 =	sadd.s32 s1, s22;
	v6 =	vsel vm9, $0x2280, v6;
	v7 =	vsel vm9, $0x4280, v7;
	v8 =	vsel vm9, $0x6280, v8  }
0x15: {  	s24 =	sand.u32 $0x180, s23;
	p0 =	por !p0, !p1;
	[dreg:$0xd] =	wrdreg s0;
	v0 =	vsel vm8, $0x300, v0;
	v6 =	vsel vm8, $0x2300, v6;
	v7 =	vsel vm8, $0x4300, v7  }
0x16: {  	s14 =	sshrl.u32 s14, $0x5;
	s22 =	sadd.s32 $0x180, s15;
	s23 =	sadd.s32 $0x200, s15;
	v8 =	vsel vm8, $0x6300, v8;
	v0 =	vsel vm6, $0x380, v0;
	v6 =	vsel vm6, $0x2380, v6  }
0x17: {  	p1 =	sgt.u32 s18, $0x7;
	s0 =	simm.s32 $0x18200;
	[dreg:$0xa] =	wrdreg s12;
	v7 =	vsel vm6, $0x4380, v7;
	v8 =	vsel vm6, $0x6380, v8;
	v0 =	vsel vm0, $0x1000, v0  }
0x18: {  	p0 =	por !p0, !p0;
	s5 =	sadd.s32 s5, s24;
	[dreg:$0x13] =	wrdreg s22;
	v6 =	vsel vm0, $0x3000, v6;
	v7 =	vsel vm0, $0x5000, v7;
	v8 =	vsel vm0, $0x7000, v8  }
0x19: {  	s19 =	smax.u32 s6, $0x1;
	[dreg:$0x14] =	wrdreg s23;
	s12 =	simm.s32 $0x6100;
	vm0 =	vmxor vm0, vm0;
	v1 =	vsel vm1, $0x1080, v0;
	v0 =	vmov s8  }
0x1a: {  	s6 =	simm.s32 $0x2;
	[dreg:$0xb] =	wrdreg s5;
	s5 =	sadd.s32 s10, s25;
	v6 =	vsel vm1, $0x3080, v6;
	v7 =	vsel vm1, $0x5080, v7;
	v8 =	vsel vm1, $0x7080, v8  }
0x1b: {  	[dreg:$0x10] =	wrdreg s19;
	s25 =	sadd.s32 $0x300, s15;
	v2 =	vsel vm2, $0x1100, v1;
	v1 =	vmov s13;
	s13 =	simm.s32 $0x1;
	v6 =	vsel vm2, $0x3100, v6  }
0x1c: {  	s5 =	sadd.s32 s24, s5;
	[dreg:$0x16] =	wrdreg s25;
	v7 =	vsel vm2, $0x5100, v7;
	v8 =	vsel vm2, $0x7100, v8;
	v3 =	vsel vm3, $0x1180, v2;
	s13 =	simm.s32 @!p0 $0x0  }
0x1d: {  	s24 =	sadd.s32 $0x280, s15;
	[dreg:$0xc] =	wrdreg s5;
	v2 =	vimm.s32 $0x0;
	v6 =	vsel vm3, $0x3180, v6;
	v7 =	vsel vm3, $0x5180, v7;
	s11 =	ssub.s32 s11, s13  }
0x1e: {  	[dreg:$0x15] =	wrdreg s24;
	v8 =	vsel vm3, $0x7180, v8;
	v4 =	vsel vm4, $0x1200, v3;
	v3 =	vlaneseq.u32;
	s13 =	sand.u32 $0xC, s18;
	s11 =	sshll.u32 s11, $0xE  }
0x1f: {  	s5 =	simm.s32 $0x1E100;
	v6 =	vsel vm4, $0x3200, v6;
	v7 =	vsel vm4, $0x5200, v7;
	v8 =	vsel vm4, $0x7200, v8;
	p0 =	sne.s32 s13, $0x8;
	s10 =	sor.u32 s26, s11  }
0x20: {  	v5 =	vsel vm5, $0x1280, v4;
	v4 =	vimm.s32 $0x1;
	v6 =	vsel vm5, $0x3280, v6;
	s13 =	simm.s32 $0x6180;
	s26 =	sadd.s32 $0x380, s15;
	s10 =	sshrl.u32 s10, $0x3  }
0x21: {  	v7 =	vsel vm5, $0x5280, v7;
	v8 =	vsel vm5, $0x7280, v8;
	v5 =	vsel vm7, $0x1300, v5;
	[dreg:$0x17] =	wrdreg s26;
	s26 =	simm.s32 $0x40;
	s16 =	sadd.s32 s2, s10  }
0x22: {  	v6 =	vsel vm7, $0x3300, v6;
	v7 =	vsel vm7, $0x5300, v7;
	v8 =	vsel vm7, $0x7300, v8;
	s2 =	simm.s32 $0x0;
	[dreg:$0xe] =	wrdreg s16;
	s16 =	sadd.s32 $0x100, s1  }
.LBB2_1:
0x23: {  	[dreg:$0x18] =	wrdreg s2  }
0x24: {  	s1 =	rddreg [dreg:$0xa];
	s24 =	simm.s32 $0x1000;
	s10 =	simm.s32 $0x7A1400  }
0x25: {  	[tilespmem:s29], [sflag:$0x1] =	stream.strided.gather [hbm4b:s1+s24], $0x8000, s10, s24, $0x38;
	[tilespmem:$0x1E200] =	vst v63  }
0x26: {  	s25 =	rddreg [dreg:$0x0]  }
0x27: {  	[tilespmem:s7], [sflag:$0x3] =	stream.linear.gather [hbm4b:s25+s7], $0x2000, $0x38;
	[tilespmem:$0x1E200] =	vst v63  }
0x28: {  	s2 =	simm.s32 @!p1 $0x400;
	_ =	swait.ge [sflag:s30], $0x2000  }
0x29: {  	s11 =	simm.s32 @!p1 $0x1000;
	s18 =	simm.s32 @!p1 $0x16200;
	[sflag:s30] =	ssyncset.done $0x0  }
0x2a: {  	s19 =	simm.s32 @!p1 $0x3;
	s1 =	rddreg [dreg:$0xb];
	[sflag:s30] =	ssyncadd.s32 $0xFFFFE000  }
0x2b: {  	[tilespmem:s18], [sflag:$0x3] =	stream.strided.gather @!p1 [hbm4b:s1+s2], $0x2000, s11, s2, $0x38;
	[tilespmem:$0x1E200] =	vst v63  }
0x2c: {  	_ =	swait.ge @!p1 [sflag:s19], $0x2000  }
0x2d: {  	[sflag:s19] =	ssyncset.done @!p1 $0x0  }
.Ltmp0:
0x2e: {  	s1 =	rddreg [dreg:$0xc];
	[sflag:s19] =	ssyncadd.s32 @!p1 $0xFFFFE000;
	(pc) =	sbr.rel @p0 .LBB2_5-.Ltmp0, $4  }
0x2f: {  	[hbm4b:s1+s2] =	stream.strided.scatter @!p1 [tilespmem:s18], [sflag:$0x3], $0x2000, s11, s2, $0x38;
	[tilespmem:$0x1E200] =	vst v63  }
0x30: {  	_ =	swait.ge @!p1 [sflag:s19], $0x2000  }
0x31: {  	[sflag:s19] =	ssyncset.done @!p1 $0x0  }
0x32: {  	[sflag:s19] =	ssyncadd.s32 @!p1 $0xFFFFE000  }
0x33: {  	s1 =	rddreg [dreg:$0xd]  }
0x34: {  	s2 =	simm.s32 $0x400;
	s10 =	simm.s32 $0x800;
	s11 =	simm.s32 $0x16200  }
0x35: {  	[tilespmem:s11], [sflag:$0x3] =	stream.strided.gather [hbm4b:s1+s2], $0x2000, s10, s2, $0x38;
	[tilespmem:$0x1E200] =	vst v63  }
0x36: {  	_ =	swait.ge [sflag:s30], $0x2000  }
0x37: {  	[sflag:s30] =	ssyncset.done $0x0  }
0x38: {  	s2 =	simm.s32 $0x0;
	[sflag:s30] =	ssyncadd.s32 $0xFFFFE000  }
0x39: {  	v12 =	vld [tilespmem:s2+$0x16200]  }
0x3a: {  	v14 =	vld [tilespmem:s2+$0x16210]  }
0x3b: {  	v13 =	vld [tilespmem:s2+$0x16220]  }
0x3c: {  	v11 =	vld [tilespmem:s2+$0x16230]  }
0x3d: {  	v9 =	vld [tilespmem:s2+$0x16240]  }
0x3e: {  	v10 =	vld [tilespmem:s2+$0x16250];
	v15 =	vadd.f32 v12, v12  }
0x3f: {  	s11 =	simm.s32 $0x200;
	v14 =	vadd.f32 v14, v14;
	v12 =	vld [tilespmem:s2+$0x16260]  }
.LBB2_3:
0x40: {  	s18 =	sshra.s32 s11, $0x2;
	p2 =	sne.s32 s11, $0x7E00;
	[tilespmem:s2+$0x16200] =	vst v15;
	v13 =	vadd.f32 v13, v13;
	v15 =	vld [tilespmem:s2+$0x16270]  }
0x41: {  	v16 =	vld [tilespmem:s18+$0x16200];
	[tilespmem:s2+$0x16210] =	vst v14;
	v11 =	vadd.f32 v11, v11  }
0x42: {  	v14 =	vld [tilespmem:s18+$0x16210];
	[tilespmem:s2+$0x16220] =	vst v13;
	v9 =	vadd.f32 v9, v9  }
.Ltmp1:
0x43: {  	v13 =	vld [tilespmem:s18+$0x16220];
	[tilespmem:s2+$0x16230] =	vst v11;
	v10 =	vadd.f32 v10, v10;
	(pc) =	sbr.rel @p2 .LBB2_3-.Ltmp1, $4  }
0x44: {  	v11 =	vld [tilespmem:s18+$0x16230];
	[tilespmem:s2+$0x16240] =	vst v9;
	v12 =	vadd.f32 v12, v12  }
0x45: {  	v9 =	vld [tilespmem:s18+$0x16240];
	[tilespmem:s2+$0x16250] =	vst v10;
	v17 =	vadd.f32 v15, v15  }
0x46: {  	v15 =	vadd.f32 v16, v16;
	v10 =	vld [tilespmem:s18+$0x16250];
	[tilespmem:s2+$0x16260] =	vst v12  }
0x47: {  	s11 =	sadd.s32 $0x200, s11;
	v14 =	vadd.f32 v14, v14;
	v12 =	vld [tilespmem:s18+$0x16260];
	[tilespmem:s2+$0x16270] =	vst v17;
	s2 =	smov.u32 s18  }
0x48: {  	[tilespmem:s2+$0x16200] =	vst v15;
	v13 =	vadd.f32 v13, v13;
	v63 =	vld [tilespmem:s2+$0x16270]  }
0x49: {  	[tilespmem:s2+$0x16210] =	vst v14;
	v11 =	vadd.f32 v11, v11  }
0x4a: {  	[tilespmem:s2+$0x16220] =	vst v13;
	v9 =	vadd.f32 v9, v9  }
0x4b: {  	[tilespmem:s2+$0x16230] =	vst v11;
	v10 =	vadd.f32 v10, v10  }
0x4c: {  	[tilespmem:s2+$0x16240] =	vst v9;
	v9 =	vadd.f32 v12, v12  }
0x4d: {  	[tilespmem:s2+$0x16250] =	vst v10;
	v10 =	vadd.f32 v63, v63  }
0x4e: {  	s1 =	rddreg [dreg:$0xe];
	[tilespmem:s2+$0x16260] =	vst v9  }
0x4f: {  	s25 =	simm.s32 $0x400;
	s10 =	simm.s32 $0x800;
	s11 =	simm.s32 $0x16200;
	[tilespmem:s2+$0x16270] =	vst v10  }
0x50: {  	[hbm4b:s1+s25] =	stream.strided.scatter [tilespmem:s11], [sflag:$0x3], $0x2000, s10, s25, $0x38;
	[tilespmem:$0x1E200] =	vst v63  }
0x51: {  	_ =	swait.ge [sflag:s30], $0x2000  }
0x52: {  	[sflag:s30] =	ssyncset.done $0x0  }
0x53: {  	[sflag:s30] =	ssyncadd.s32 $0xFFFFE000  }
.LBB2_5:
0x54: {  	s2 =	simm.s32 $0x0;
	s11 =	simm.s32 $0x40;
	s18 =	simm.s32 $0x0  }
.LBB2_6:
0x55: {  	p2 =	sne.s32 s11, $0x7A40;
	[tilespmem:s18+$0x18200] =	vst v2;
	s18 =	smov.u32 s11;
	s11 =	sadd.s32 $0x40, s11  }
.Ltmp2:
0x56: {  	(pc) =	sbr.rel @p2 .LBB2_6-.Ltmp2, $2  }
0x57: {  	_ =	sdelay $0x2  }
0x58: {  	s18 =	sshra.s32 s18, $0x2  }
0x59: {  	s11 =	sand.u32 $0x7E00, s2  }
0x5a: {  	s19 =	sand.u32 $0x70, s2;
	s11 =	sshrl.u32 s11, $0x2  }
0x5b: {  	[tilespmem:s18+$0x18200] =	vst v2;
	s11 =	sor.u32 s19, s11  }
0x5c: {  	v9 =	vld [tilespmem:s11+$0x0];
	_ =	sdelay $0x4  }
0x5d: {  	v10 =	vshrl.u32 v9, $0x9  }
0x5e: {  	v10 =	vand.u32 $0x1F, v10  }
0x5f: {  	vm1 =	veq.s32 v10, v0  }
0x60: {  	v10 =	vshra.s32 v9, $0x7;
	v11 =	vmpcnt.ones.xlane vm1;
	_ =	sdelay $0x1  }
0x61: {  	(v2sf) =	vpush v11, $0x0  }
0x62: {  	[tilespmem:s2+$0x2000] =	vst.msk vm1, v9;
	v9 =	vor.u32 s2, v3  }
0x63: {  	s25 =	simm.s32 $0x40;
	[tilespmem:s2+$0x4080] =	vst.msk vm1, v9  }
0x64: {  	s18 =	simm.s32 $0x80;
	s19 =	sand.u32 $0x7E00, s25;
	s11 =	simm.s32 $0x10;
	[tilespmem:v10+s0+$0x0] =	vst.idx.msk vm1, v4  }
.LBB2_8:
0x65: {  	p2 =	sne.s32 s18, $0x7FC0;
	s20 =	sand.u32 $0x70, s11;
	s19 =	sshrl.u32 s19, $0x2  }
0x66: {  	s19 =	sor.u32 s20, s19  }
0x67: {  	v9 =	vld [tilespmem:s19+$0x0];
	_ =	sdelay $0x4  }
0x68: {  	v10 =	vshrl.u32 v9, $0x9;
	v11 =	vshra.s32 v9, $0x7  }
0x69: {  	v10 =	vand.u32 $0x1F, v10  }
0x6a: {  	vm1 =	veq.s32 v10, v0  }
0x6b: {  	v10 =	vmpcnt.ones.xlane vm1  }
.Ltmp3:
0x6c: {  	s19 =	spop (v2sf);
	(pc) =	sbr.rel @p2 .LBB2_8-.Ltmp3, $4  }
0x6d: {  	(v2sf) =	vpush v10, $0x0;
	s2 =	sadd.s32 s2, s19  }
0x6e: {  	v10 =	vor.u32 s11, v3;
	[tilespmem:s2+$0x2000] =	vst.msk vm1, v9  }
0x6f: {  	[tilespmem:s2+$0x4080] =	vst.msk vm1, v10  }
0x70: {  	s19 =	sand.u32 $0x7E00, s18;
	s18 =	sadd.s32 $0x40, s18;
	s11 =	sadd.s32 $0x10, s11;
	[tilespmem:v11+s0+$0x0] =	vst.idx.msk vm1, v4  }
0x71: {  	s18 =	sand.u32 $0x70, s11;
	s19 =	sshrl.u32 s19, $0x2  }
0x72: {  	s18 =	sor.u32 s18, s19  }
0x73: {  	v9 =	vld [tilespmem:s18+$0x0];
	_ =	sdelay $0x4  }
0x74: {  	v10 =	vshrl.u32 v9, $0x9  }
0x75: {  	v10 =	vand.u32 $0x1F, v10  }
0x76: {  	vm1 =	veq.s32 v10, v0  }
0x77: {  	v10 =	vmpcnt.ones.xlane vm1;
	_ =	sdelay $0x1  }
0x78: {  	(v2sf) =	vpush v10, $0x0;
	_ =	sdelay $0xd  }
0x79: {  	s23 =	spop (v2sf);
	v10 =	vshra.s32 v9, $0x7  }
.Ltmp4:
0x7a: {  	s2 =	sadd.s32 s2, s23;
	s24 =	spop (v2sf);
	(pc) =	sbr.rel .LBB2_11-.Ltmp4, $4  }
0x7b: {  	v11 =	vor.u32 s11, v3;
	s18 =	sadd.s32 s2, s24  }
0x7c: {  	[tilespmem:s2+$0x2000] =	vst.msk vm1, v9;
	s25 =	sadd.s32 $0xF, s18  }
0x7d: {  	[tilespmem:s2+$0x4080] =	vst.msk vm1, v11;
	s11 =	sshra.s32 s25, $0x4  }
0x7e: {  	v12 =	vmovc v1;
	v13 =	vmovc v1;
	s19 =	simm.s32 $0x0;
	v11 =	vmov v1;
	[tilespmem:v10+s0+$0x0] =	vst.idx.msk vm1, v4;
	v10 =	vmov v1;
	s2 =	simm.s32 $0x0;
	v9 =	vmov s18;
	p2 =	slt.s32 s11, $0x1  }
.LBB2_10:
0x7f: {  	p3 =	seq.s32 s18, s14  }
.Ltmp5:
0x80: {  	_ = 	snop;
	(pc) =	sbr.rel @p3 .LBB2_26-.Ltmp5, $1  }
0x81: {  	_ =	sdelay $0x3  }
.LBB2_11:
0x82: {  	p3 =	sge.u32 s19, s14  }
.Ltmp6:
0x83: {  	_ = 	snop;
	(pc) =	sbr.rel @p3 .LBB2_17-.Ltmp6, $2  }
0x84: {  	_ =	sdelay $0x2  }
0x85: {  	s18 =	smov.u32 s19;
	s20 =	sand.u32 $0x1, s19;
	s19 =	sadd.s32 $0x1, s19  }
0x86: {  	s21 =	sshll.u32 s19, $0x5  }
0x87: {  	s21 =	sor.u32 s8, s21  }
0x88: {  	s22 =	sshll.u32 s21, $0x4  }
0x89: {  	s23 =	sshra.s32 s22, $0x2  }
0x8a: {  	v14 =	vld [tilespmem:s23+$0x18200];
	_ =	sdelay $0x4  }
0x8b: {  	(v2sf) =	vpush v14, $0x0;
	_ =	sdelay $0xe  }
0x8c: {  	p3 =	seq.s32 s21, $0x7A1;
	s24 =	spop (v2sf)  }
0x8d: {  	p4 =	slt.s32 @!p3 s24, $0x1  }
0x8e: {  	p4 =	por p3, p4  }
.Ltmp7:
0x8f: {  	_ = 	snop;
	(pc) =	sbr.rel @p4 .LBB2_15-.Ltmp7, $2  }
0x90: {  	_ =	sdelay $0x2  }
0x91: {  	s22 =	sxor.u32 $0x1, s20  }
0x92: {  	s24 =	sshll.u32 s21, $0x9  }
0x93: {  	s25 =	sshll.u32 s22, $0xF;
	s10 =	rddreg [dreg:$0x1];
	s24 =	sand.u32 $0x1FFFFE00, s24  }
0x94: {  	s1 =	sor.u32 $0x6200, s25;
	s24 =	sadd.s32 s10, s24  }
0x95: {  	[tilespmem:s1], [sflag:$0x1] =	stream.linear.gather [hbm4b:s24+s7], $0x400, $0x38;
	[tilespmem:$0x1E200] =	vst v63  }
0x96: {  	s15 =	sor.u32 $0x7200, s25;
	s10 =	sadd.s32 $0xF4280, s24  }
0x97: {  	[tilespmem:s15], [sflag:$0x1] =	stream.linear.gather [hbm4b:s10+s7], $0x400, $0x38;
	[tilespmem:$0x1E200] =	vst v63  }
0x98: {  	s10 =	sadd.s32 $0x1E8500, s24;
	s15 =	sadd.s32 $0x8200, s25  }
0x99: {  	[tilespmem:s15], [sflag:$0x1] =	stream.linear.gather [hbm4b:s10+s7], $0x400, $0x38;
	[tilespmem:$0x1E200] =	vst v63  }
0x9a: {  	s10 =	sadd.s32 $0x2DC780, s24;
	s15 =	sadd.s32 $0x9200, s25  }
0x9b: {  	[tilespmem:s15], [sflag:$0x1] =	stream.linear.gather [hbm4b:s10+s7], $0x400, $0x38;
	[tilespmem:$0x1E200] =	vst v63  }
0x9c: {  	s10 =	sadd.s32 $0x3D0A00, s24;
	s15 =	sadd.s32 $0xA200, s25  }
0x9d: {  	[tilespmem:s15], [sflag:$0x1] =	stream.linear.gather [hbm4b:s10+s7], $0x400, $0x38;
	[tilespmem:$0x1E200] =	vst v63  }
0x9e: {  	s10 =	sadd.s32 $0x4C4C80, s24;
	s15 =	sadd.s32 $0xB200, s25  }
0x9f: {  	[tilespmem:s15], [sflag:$0x1] =	stream.linear.gather [hbm4b:s10+s7], $0x400, $0x38;
	[tilespmem:$0x1E200] =	vst v63  }
0xa0: {  	s10 =	sadd.s32 $0x5B8F00, s24;
	s15 =	sadd.s32 $0xC200, s25  }
0xa1: {  	[tilespmem:s15], [sflag:$0x1] =	stream.linear.gather [hbm4b:s10+s7], $0x400, $0x38;
	[tilespmem:$0x1E200] =	vst v63  }
0xa2: {  	s24 =	sadd.s32 $0x6AD180, s24;
	s25 =	sadd.s32 $0xD200, s25  }
0xa3: {  	[tilespmem:s25], [sflag:$0x1] =	stream.linear.gather [hbm4b:s24+s7], $0x400, $0x38;
	[tilespmem:$0x1E200] =	vst v63  }
.LBB2_14:
0xa4: {  	v14 =	vld [tilespmem:s23+$0x18201];
	_ =	sdelay $0x4  }
0xa5: {  	(v2sf) =	vpush v14, $0x0;
	_ =	sdelay $0xe  }
0xa6: {  	s1 =	spop (v2sf)  }
0xa7: {  	p4 =	slt.s32 @!p3 s1, $0x1  }
0xa8: {  	p4 =	por p4, p3  }
0xa9: {  	s1 =	sshll.u32 @!p4 s21, $0x9  }
0xaa: {  	s15 =	rddreg [dreg:$0xf];
	s10 =	sshll.u32 @!p4 s22, $0xF;
	s1 =	sand.u32 @!p4 $0x1FFFFE00, s1  }
0xab: {  	s25 =	simm.s32 @!p4 $0x0;
	s24 =	sor.u32 @!p4 $0x6600, s10;
	s1 =	sadd.s32 @!p4 s1, s15  }
0xac: {  	[tilespmem:s24], [sflag:$0x1] =	stream.linear.gather @!p4 [hbm4b:s1+s25], $0x400, $0x38;
	[tilespmem:$0x1E200] =	vst v63  }
0xad: {  	s15 =	sor.u32 @!p4 $0x7600, s10;
	s24 =	sadd.s32 @!p4 $0xF4280, s1  }
0xae: {  	[tilespmem:s15], [sflag:$0x1] =	stream.linear.gather @!p4 [hbm4b:s24+s25], $0x400, $0x38;
	[tilespmem:$0x1E200] =	vst v63  }
0xaf: {  	s15 =	sadd.s32 @!p4 $0x1E8500, s1;
	s24 =	sadd.s32 @!p4 $0x8600, s10  }
0xb0: {  	[tilespmem:s24], [sflag:$0x1] =	stream.linear.gather @!p4 [hbm4b:s15+s25], $0x400, $0x38;
	[tilespmem:$0x1E200] =	vst v63  }
0xb1: {  	s15 =	sadd.s32 @!p4 $0x2DC780, s1;
	s24 =	sadd.s32 @!p4 $0x9600, s10  }
0xb2: {  	[tilespmem:s24], [sflag:$0x1] =	stream.linear.gather @!p4 [hbm4b:s15+s25], $0x400, $0x38;
	[tilespmem:$0x1E200] =	vst v63  }
0xb3: {  	s15 =	sadd.s32 @!p4 $0x3D0A00, s1;
	s24 =	sadd.s32 @!p4 $0xA600, s10  }
0xb4: {  	[tilespmem:s24], [sflag:$0x1] =	stream.linear.gather @!p4 [hbm4b:s15+s25], $0x400, $0x38;
	[tilespmem:$0x1E200] =	vst v63  }
0xb5: {  	s15 =	sadd.s32 @!p4 $0x4C4C80, s1;
	s24 =	sadd.s32 @!p4 $0xB600, s10  }
0xb6: {  	[tilespmem:s24], [sflag:$0x1] =	stream.linear.gather @!p4 [hbm4b:s15+s25], $0x400, $0x38;
	[tilespmem:$0x1E200] =	vst v63  }
0xb7: {  	s15 =	sadd.s32 @!p4 $0x5B8F00, s1;
	s24 =	sadd.s32 @!p4 $0xC600, s10  }
0xb8: {  	[tilespmem:s24], [sflag:$0x1] =	stream.linear.gather @!p4 [hbm4b:s15+s25], $0x400, $0x38;
	[tilespmem:$0x1E200] =	vst v63  }
0xb9: {  	s1 =	sadd.s32 @!p4 $0x6AD180, s1;
	s10 =	sadd.s32 @!p4 $0xD600, s10  }
0xba: {  	[tilespmem:s10], [sflag:$0x1] =	stream.linear.gather @!p4 [hbm4b:s1+s25], $0x400, $0x38;
	[tilespmem:$0x1E200] =	vst v63  }
0xbb: {  	v14 =	vld [tilespmem:s23+$0x18202];
	_ =	sdelay $0x4  }
0xbc: {  	(v2sf) =	vpush v14, $0x0;
	_ =	sdelay $0xe  }
0xbd: {  	s1 =	spop (v2sf)  }
0xbe: {  	p4 =	slt.s32 @!p3 s1, $0x1  }
0xbf: {  	p4 =	por p4, p3  }
0xc0: {  	s1 =	sshll.u32 @!p4 s21, $0x9  }
0xc1: {  	s10 =	sshll.u32 @!p4 s22, $0xF;
	s1 =	sand.u32 @!p4 $0x1FFFFE00, s1  }
0xc2: {  	s24 =	simm.s32 @!p4 $0x0;
	s15 =	sor.u32 @!p4 $0x6A00, s10;
	s1 =	sadd.s32 @!p4 s1, s16  }
0xc3: {  	[tilespmem:s15], [sflag:$0x1] =	stream.linear.gather @!p4 [hbm4b:s1+s24], $0x400, $0x38;
	[tilespmem:$0x1E200] =	vst v63  }
0xc4: {  	s25 =	sor.u32 @!p4 $0x7A00, s10;
	s15 =	sadd.s32 @!p4 $0xF4280, s1  }
0xc5: {  	[tilespmem:s25], [sflag:$0x1] =	stream.linear.gather @!p4 [hbm4b:s15+s24], $0x400, $0x38;
	[tilespmem:$0x1E200] =	vst v63  }
0xc6: {  	s15 =	sadd.s32 @!p4 $0x1E8500, s1;
	s25 =	sadd.s32 @!p4 $0x8A00, s10  }
0xc7: {  	[tilespmem:s25], [sflag:$0x1] =	stream.linear.gather @!p4 [hbm4b:s15+s24], $0x400, $0x38;
	[tilespmem:$0x1E200] =	vst v63  }
0xc8: {  	s15 =	sadd.s32 @!p4 $0x2DC780, s1;
	s25 =	sadd.s32 @!p4 $0x9A00, s10  }
0xc9: {  	[tilespmem:s25], [sflag:$0x1] =	stream.linear.gather @!p4 [hbm4b:s15+s24], $0x400, $0x38;
	[tilespmem:$0x1E200] =	vst v63  }
0xca: {  	s15 =	sadd.s32 @!p4 $0x3D0A00, s1;
	s25 =	sadd.s32 @!p4 $0xAA00, s10  }
0xcb: {  	[tilespmem:s25], [sflag:$0x1] =	stream.linear.gather @!p4 [hbm4b:s15+s24], $0x400, $0x38;
	[tilespmem:$0x1E200] =	vst v63  }
0xcc: {  	s15 =	sadd.s32 @!p4 $0x4C4C80, s1;
	s25 =	sadd.s32 @!p4 $0xBA00, s10  }
0xcd: {  	[tilespmem:s25], [sflag:$0x1] =	stream.linear.gather @!p4 [hbm4b:s15+s24], $0x400, $0x38;
	[tilespmem:$0x1E200] =	vst v63  }
0xce: {  	s15 =	sadd.s32 @!p4 $0x5B8F00, s1;
	s25 =	sadd.s32 @!p4 $0xCA00, s10  }
0xcf: {  	[tilespmem:s25], [sflag:$0x1] =	stream.linear.gather @!p4 [hbm4b:s15+s24], $0x400, $0x38;
	[tilespmem:$0x1E200] =	vst v63  }
0xd0: {  	s1 =	sadd.s32 @!p4 $0x6AD180, s1;
	s10 =	sadd.s32 @!p4 $0xDA00, s10  }
0xd1: {  	[tilespmem:s10], [sflag:$0x1] =	stream.linear.gather @!p4 [hbm4b:s1+s24], $0x400, $0x38;
	[tilespmem:$0x1E200] =	vst v63  }
0xd2: {  	v14 =	vld [tilespmem:s23+$0x18203];
	_ =	sdelay $0x4  }
0xd3: {  	(v2sf) =	vpush v14, $0x0;
	_ =	sdelay $0xe  }
0xd4: {  	s1 =	spop (v2sf)  }
0xd5: {  	p4 =	slt.s32 @!p3 s1, $0x1  }
0xd6: {  	p3 =	por p4, p3  }
0xd7: {  	s1 =	sshll.u32 @!p3 s21, $0x9  }
0xd8: {  	s10 =	sshll.u32 @!p3 s22, $0xF;
	s1 =	sand.u32 @!p3 $0x1FFFFE00, s1  }
0xd9: {  	s21 =	simm.s32 @!p3 $0x0;
	s15 =	sor.u32 @!p3 $0x6E00, s10;
	s1 =	sadd.s32 @!p3 s1, s17  }
0xda: {  	[tilespmem:s15], [sflag:$0x1] =	stream.linear.gather @!p3 [hbm4b:s1+s21], $0x400, $0x38;
	[tilespmem:$0x1E200] =	vst v63  }
0xdb: {  	s22 =	sor.u32 @!p3 $0x7E00, s10;
	s15 =	sadd.s32 @!p3 $0xF4280, s1  }
0xdc: {  	[tilespmem:s22], [sflag:$0x1] =	stream.linear.gather @!p3 [hbm4b:s15+s21], $0x400, $0x38;
	[tilespmem:$0x1E200] =	vst v63  }
0xdd: {  	s15 =	sadd.s32 @!p3 $0x1E8500, s1;
	s22 =	sadd.s32 @!p3 $0x8E00, s10  }
0xde: {  	[tilespmem:s22], [sflag:$0x1] =	stream.linear.gather @!p3 [hbm4b:s15+s21], $0x400, $0x38;
	[tilespmem:$0x1E200] =	vst v63  }
0xdf: {  	s15 =	sadd.s32 @!p3 $0x2DC780, s1;
	s22 =	sadd.s32 @!p3 $0x9E00, s10  }
0xe0: {  	[tilespmem:s22], [sflag:$0x1] =	stream.linear.gather @!p3 [hbm4b:s15+s21], $0x400, $0x38;
	[tilespmem:$0x1E200] =	vst v63  }
0xe1: {  	s15 =	sadd.s32 @!p3 $0x3D0A00, s1;
	s22 =	sadd.s32 @!p3 $0xAE00, s10  }
0xe2: {  	[tilespmem:s22], [sflag:$0x1] =	stream.linear.gather @!p3 [hbm4b:s15+s21], $0x400, $0x38;
	[tilespmem:$0x1E200] =	vst v63  }
0xe3: {  	s15 =	sadd.s32 @!p3 $0x4C4C80, s1;
	s22 =	sadd.s32 @!p3 $0xBE00, s10  }
0xe4: {  	[tilespmem:s22], [sflag:$0x1] =	stream.linear.gather @!p3 [hbm4b:s15+s21], $0x400, $0x38;
	[tilespmem:$0x1E200] =	vst v63  }
.Ltmp8:
0xe5: {  	_ = 	snop;
	(pc) =	sbr.rel .LBB2_17-.Ltmp8, $4  }
0xe6: {  	s15 =	sadd.s32 @!p3 $0x5B8F00, s1;
	s22 =	sadd.s32 @!p3 $0xCE00, s10  }
0xe7: {  	[tilespmem:s22], [sflag:$0x1] =	stream.linear.gather @!p3 [hbm4b:s15+s21], $0x400, $0x38;
	[tilespmem:$0x1E200] =	vst v63  }
0xe8: {  	s1 =	sadd.s32 @!p3 $0x6AD180, s1;
	s10 =	sadd.s32 @!p3 $0xDE00, s10  }
0xe9: {  	[tilespmem:s10], [sflag:$0x1] =	stream.linear.gather @!p3 [hbm4b:s1+s21], $0x400, $0x38;
	[tilespmem:$0x1E200] =	vst v63  }
.LBB2_15:
0xea: {  	p4 =	sne.s32 s21, $0x7A1  }
0xeb: {  	p5 =	slt.s32 @!p4 s24, $0x1  }
0xec: {  	p4 =	por p4, p5  }
.Ltmp9:
0xed: {  	_ = 	snop;
	(pc) =	sbr.rel @p4 .LBB2_14-.Ltmp9, $1  }
0xee: {  	_ =	sdelay $0x3  }
0xef: {  	s1 =	sshll.u32 s22, $0xF  }
0xf0: {  	s15 =	rddreg [dreg:$0x2];
	s10 =	sor.u32 $0x6200, s1  }
0xf1: {  	[tilespmem:s10], [sflag:$0x1] =	stream.linear.gather [hbm4b:s15+s7], $0x400, $0x38;
	[tilespmem:$0x1E200] =	vst v63  }
0xf2: {  	s25 =	rddreg [dreg:$0x11];
	s24 =	sor.u32 $0x7200, s1  }
0xf3: {  	[tilespmem:s24], [sflag:$0x1] =	stream.linear.gather [hbm4b:s25+s7], $0x400, $0x38;
	[tilespmem:$0x1E200] =	vst v63  }
0xf4: {  	s21 =	rddreg [dreg:$0x12];
	s15 =	sadd.s32 $0x8200, s1  }
0xf5: {  	[tilespmem:s15], [sflag:$0x1] =	stream.linear.gather [hbm4b:s21+s7], $0x400, $0x38;
	[tilespmem:$0x1E200] =	vst v63  }
0xf6: {  	s23 =	rddreg [dreg:$0x13];
	s22 =	sadd.s32 $0x9200, s1  }
0xf7: {  	[tilespmem:s22], [sflag:$0x1] =	stream.linear.gather [hbm4b:s23+s7], $0x400, $0x38;
	[tilespmem:$0x1E200] =	vst v63  }
0xf8: {  	s24 =	sadd.s32 $0xA200, s1;
	s25 =	rddreg [dreg:$0x14]  }
0xf9: {  	[tilespmem:s24], [sflag:$0x1] =	stream.linear.gather [hbm4b:s25+s7], $0x400, $0x38;
	[tilespmem:$0x1E200] =	vst v63  }
0xfa: {  	s21 =	sadd.s32 $0xB200, s1;
	s22 =	rddreg [dreg:$0x15]  }
0xfb: {  	[tilespmem:s21], [sflag:$0x1] =	stream.linear.gather [hbm4b:s22+s7], $0x400, $0x38;
	[tilespmem:$0x1E200] =	vst v63  }
0xfc: {  	s23 =	sadd.s32 $0xC200, s1;
	s24 =	rddreg [dreg:$0x16]  }
0xfd: {  	[tilespmem:s23], [sflag:$0x1] =	stream.linear.gather [hbm4b:s24+s7], $0x400, $0x38;
	[tilespmem:$0x1E200] =	vst v63  }
0xfe: {  	s1 =	sadd.s32 $0xD200, s1;
	s25 =	rddreg [dreg:$0x17]  }
0xff: {  	[tilespmem:s1], [sflag:$0x1] =	stream.linear.gather [hbm4b:s25+s7], $0x400, $0x38;
	[tilespmem:$0x1E200] =	vst v63  }
.LBB2_17:
0x100: {  	s1 =	sshll.u32 s18, $0x5  }
0x101: {  	p3 =	sne.s32 s18, $0x0;
	s21 =	sor.u32 s8, s1  }
0x102: {  	s1 =	sshll.u32 @p3 s21, $0x4  }
0x103: {  	s1 =	sshra.s32 @p3 s1, $0x2  }
0x104: {  	v14 =	vld @p3 [tilespmem:s1+$0x18200];
	_ =	sdelay $0x4  }
0x105: {  	(v2sf) =	vpush @p3 v14, $0x0;
	_ =	sdelay $0xe  }
0x106: {  	s10 =	spop @p3 (v2sf)  }
0x107: {  	p4 =	slt.s32 @p3 s10, $0x1  }
0x108: {  	p4 =	por p4, !p3  }
0x109: {  	s10 =	simm.s32 @!p4 $0x1  }
0x10a: {  	_ =	swait.ge @!p4 [sflag:s10], $0x2000  }
0x10b: {  	[sflag:s10] =	ssyncset.done @!p4 $0x0  }
0x10c: {  	[sflag:s10] =	ssyncadd.s32 @!p4 $0xFFFFE000  }
0x10d: {  	v14 =	vld @p3 [tilespmem:s1+$0x18201];
	_ =	sdelay $0x4  }
0x10e: {  	(v2sf) =	vpush @p3 v14, $0x0;
	_ =	sdelay $0xe  }
0x10f: {  	s10 =	spop @p3 (v2sf)  }
0x110: {  	p4 =	slt.s32 @p3 s10, $0x1  }
0x111: {  	p4 =	por p4, !p3  }
0x112: {  	s10 =	simm.s32 @!p4 $0x1  }
0x113: {  	_ =	swait.ge @!p4 [sflag:s10], $0x2000  }
0x114: {  	[sflag:s10] =	ssyncset.done @!p4 $0x0  }
0x115: {  	[sflag:s10] =	ssyncadd.s32 @!p4 $0xFFFFE000  }
0x116: {  	v14 =	vld @p3 [tilespmem:s1+$0x18202];
	_ =	sdelay $0x4  }
0x117: {  	(v2sf) =	vpush @p3 v14, $0x0;
	_ =	sdelay $0xe  }
0x118: {  	s10 =	spop @p3 (v2sf)  }
0x119: {  	p4 =	slt.s32 @p3 s10, $0x1  }
0x11a: {  	p4 =	por p4, !p3  }
0x11b: {  	s10 =	simm.s32 @!p4 $0x1  }
0x11c: {  	_ =	swait.ge @!p4 [sflag:s10], $0x2000  }
0x11d: {  	[sflag:s10] =	ssyncset.done @!p4 $0x0  }
0x11e: {  	[sflag:s10] =	ssyncadd.s32 @!p4 $0xFFFFE000  }
0x11f: {  	v14 =	vld @p3 [tilespmem:s1+$0x18203];
	_ =	sdelay $0x4  }
0x120: {  	(v2sf) =	vpush @p3 v14, $0x0;
	_ =	sdelay $0xe  }
0x121: {  	s1 =	spop @p3 (v2sf)  }
0x122: {  	p4 =	slt.s32 @p3 s1, $0x1  }
0x123: {  	p4 =	por p4, !p3  }
0x124: {  	s1 =	simm.s32 @!p4 $0x1  }
0x125: {  	_ =	swait.ge @!p4 [sflag:s1], $0x2000  }
.Ltmp10:
0x126: {  	[sflag:s1] =	ssyncset.done @!p4 $0x0;
	(pc) =	sbr.rel @p2 .LBB2_10-.Ltmp10, $4  }
0x127: {  	[sflag:s1] =	ssyncadd.s32 @!p4 $0xFFFFE000;
	s1 =	simm.s32 @!p3 $0x1  }
0x128: {  	_ =	swait.ge @!p3 [sflag:s1], $0x8000  }
0x129: {  	[sflag:s1] =	ssyncset.done @!p3 $0x0  }
0x12a: {  	[sflag:s1] =	ssyncadd.s32 @!p3 $0xFFFF8000  }
.Ltmp11:
0x12b: {  	(pc) =	sbr.rel .LBB2_19-.Ltmp11, $4  }
0x12c: {  	_ = 	snop  }
0x12d: {  	s1 =	sshll.u32 s20, $0xF  }
0x12e: {  	v14 =	vmov s21;
	v15 =	vor.u32 s1, v5  }
0x12f: {  	s20 =	sshll.u32 s21, $0x9;
	s21 =	simm.s32 $0x0;
	v16 =	vor.u32 s1, v6;
	v17 =	vor.u32 s1, v7;
	v18 =	vor.u32 s1, v8  }
.LBB2_25:
0x130: {  	s21 =	sadd.s32 $0x1, s21  }
0x131: {  	p3 =	seq.s32 s21, s11  }
.Ltmp12:
0x132: {  	_ = 	snop;
	(pc) =	sbr.rel @p3 .LBB2_10-.Ltmp12, $1  }
0x133: {  	_ =	sdelay $0x3  }
.LBB2_19:
0x134: {  	s1 =	sshll.u32 s21, $0x4  }
0x135: {  	v19 =	vld [tilespmem:s1+$0x2000];
	_ =	sdelay $0x4  }
0x136: {  	v20 =	vor.u32 s1, v3;
	v21 =	vshra.s32 v19, $0x9  }
0x137: {  	vm1 =	vlt.s32 v20, v9;
	vm2 =	veq.s32 v21, v14  }
0x138: {  	vm1 =	vmand vm1, vm2  }
0x139: {  	v20 =	vmpcnt.ones.xlane vm1;
	_ =	sdelay $0x1  }
0x13a: {  	(v2sf) =	vpush v20, $0x0;
	_ =	sdelay $0xe  }
0x13b: {  	s22 =	spop (v2sf)  }
0x13c: {  	v20 =	vld [tilespmem:s1+$0x4080];
	p3 =	slt.s32 s22, $0x1  }
.Ltmp13:
0x13d: {  	_ = 	snop;
	(pc) =	sbr.rel @!p3 .LBB2_20-.Ltmp13, $4  }
.Ltmp14:
0x13e: {  	_ = 	snop;
	(pc) =	sbr.rel @p3 .LBB2_25-.Ltmp14, $4  }
0x13f: {  	_ = 	snop  }
0x140: {  	[tilespmem:s12+$0x0] =	vst.msk vm1, v19  }
0x141: {  	s23 =	simm.s32 $0x0;
	[tilespmem:s13+$0x0] =	vst.msk vm1, v20  }
0x142: {  	_ = 	snop  }
.LBB2_24:
0x143: {  	s23 =	sadd.s32 $0x1, s23  }
0x144: {  	p3 =	sne.s32 s23, s22  }
.Ltmp15:
0x145: {  	_ = 	snop;
	(pc) =	sbr.rel @!p3 .LBB2_25-.Ltmp15, $2  }
0x146: {  	_ =	sdelay $0x2  }
0x147: {  	s2 =	sadd.s32 $0x1, s2  }
.LBB2_20:
0x148: {  	v19 =	vld [tilespmem:s23+$0x6100];
	_ =	sdelay $0x4  }
0x149: {  	(v2sf) =	vpush v19, $0x0;
	_ =	sdelay $0xe  }
0x14a: {  	s1 =	spop (v2sf)  }
0x14b: {  	s1 =	ssub.s32 s1, s20  }
0x14c: {  	v19 =	vmov s1  }
0x14d: {  	v20 =	vand.u32 $0x7F, v19;
	v19 =	vshll.u32 v19, $0x3  }
0x14e: {  	v19 =	vand.u32 $0xFFFFFC00, v19;
	v21 =	vor.u32 v20, v15  }
0x14f: {  	v21 =	vadd.s32 v19, v21;
	_ =	sdelay $0x4  }
0x150: {  	v22 =	vor.u32 v20, v16;
	v21 =	vld.idx.msk [tilespmem:v21+s29+$0x0], $0xffff  }
0x151: {  	v22 =	vadd.s32 v19, v22;
	_ =	sdelay $0x1  }
0x152: {  	s25 =	sand.u32 $0x3F, s2  }
0x153: {  	s10 =	sshll.u32 s25, $0x7  }
0x154: {  	v23 =	vld.msk [tilespmem:s23+$0x6180 ss:$0x0], $0xffff;
	[tilespmem:s10+$0x1A100] =	vst v21  }
0x155: {  	v63 =	vor.u32 v20, v17;
	v21 =	vld.idx.msk [tilespmem:v22+s29+$0x0], $0xffff  }
0x156: {  	v22 =	vadd.s32 v19, v63;
	_ =	sdelay $0x3  }
0x157: {  	[tilespmem:s10+$0x1A110] =	vst v21  }
0x158: {  	v20 =	vor.u32 v20, v18;
	v21 =	vld.idx.msk [tilespmem:v22+s29+$0x0], $0xffff  }
0x159: {  	s24 =	sand.u32 $0xF, s2;
	s15 =	sshrl.u32 s25, $0x4;
	v19 =	vadd.s32 v19, v20  }
0x15a: {  	vm1 =	vmmov vm0;
	p3 =	seq.s32 s15, $0x0;
	v20 =	vmov s24  }
0x15b: {  	vm1 =	vmneg @p3 vm1;
	vm2 =	veq.s32 v20, v3  }
0x15c: {  	vm1 =	vmand vm2, vm1  }
0x15d: {  	p3 =	seq.s32 s15, $0x1;
	v13 =	vsel vm1, v23, v13;
	vm1 =	vmmov vm0;
	[tilespmem:s10+$0x1A120] =	vst v21  }
0x15e: {  	vm1 =	vmneg @p3 vm1;
	p3 =	sne.s32 s25, $0x3F;
	v19 =	vld.idx.msk [tilespmem:v19+s29+$0x0], $0xffff  }
.Ltmp16:
0x15f: {  	_ = 	snop;
	(pc) =	sbr.rel @p3 .LBB2_24-.Ltmp16, $4  }
0x160: {  	vm3 =	vmmov vm0;
	vm4 =	vmmov vm0;
	p4 =	seq.s32 s15, $0x2;
	p5 =	seq.s32 s15, $0x3  }
0x161: {  	vm3 =	vmneg @p4 vm3;
	vm4 =	vmneg @p5 vm4  }
0x162: {  	vm3 =	vmand vm2, vm3;
	vm1 =	vmand vm2, vm1;
	vm2 =	vmand vm2, vm4  }
0x163: {  	v11 =	vsel vm3, v23, v11;
	v12 =	vsel vm1, v23, v12;
	v10 =	vsel vm2, v23, v10;
	[tilespmem:s10+$0x1A130] =	vst v19  }
0x164: {  	[tilespmem:$0x1E100] =	vst v13  }
0x165: {  	[tilespmem:$0x1E110] =	vst v12  }
0x166: {  	[tilespmem:$0x1E120] =	vst v11  }
0x167: {  	v13 =	vand.u32 $0x7FF, v13;
	[tilespmem:$0x1E130] =	vst v10  }
0x168: {  	v12 =	vand.u32 $0x7FF, v12;
	[tilespmem:$0x1E180] =	vst v13  }
0x169: {  	v11 =	vand.u32 $0x7FF, v11;
	[tilespmem:$0x1E190] =	vst v12  }
0x16a: {  	v10 =	vand.u32 $0x7FF, v10;
	[tilespmem:$0x1E1A0] =	vst v11  }
0x16b: {  	[tilespmem:$0x1E1B0] =	vst v10  }
0x16c: {  	[tilespmem:s31], [sflag:$0x2] =	stream.indirect.gather [hbm4b:s3+s26], $0x80, s28, s26, $0xb8;
	[tilespmem:$0x1E200] =	vst v63  }
0x16d: {  	_ =	swait.ge [sflag:s6], $0x2000  }
0x16e: {  	[sflag:s6] =	ssyncset.done $0x0  }
0x16f: {  	s24 =	simm.s32 $0x0;
	[sflag:s6] =	ssyncadd.s32 $0xFFFFE000  }
0x170: {  	v20 =	vld [tilespmem:s24+$0x1C100]  }
0x171: {  	v21 =	vld [tilespmem:s24+$0x1C110]  }
0x172: {  	v11 =	vld [tilespmem:s24+$0x1C120]  }
0x173: {  	v10 =	vld [tilespmem:s24+$0x1C130]  }
0x174: {  	v12 =	vld [tilespmem:s24+$0x1A100]  }
0x175: {  	v19 =	vld [tilespmem:s24+$0x1A110]  }
0x176: {  	s25 =	simm.s32 $0x200;
	v13 =	vld [tilespmem:s24+$0x1A120]  }
.LBB2_22:
0x177: {  	s1 =	sshra.s32 s25, $0x2;
	p3 =	sne.s32 s25, $0x7E00;
	v22 =	vld [tilespmem:s24+$0x1A130];
	v23 =	vmov v11  }
0x178: {  	v24 =	vld [tilespmem:s1+$0x1C100];
	v25 =	vmov v10  }
0x179: {  	v26 =	vld [tilespmem:s1+$0x1C110];
	v12 =	vadd.f32 v20, v12  }
.Ltmp17:
0x17a: {  	v11 =	vld [tilespmem:s1+$0x1C120];
	v19 =	vadd.f32 v21, v19;
	(pc) =	sbr.rel @p3 .LBB2_22-.Ltmp17, $4  }
0x17b: {  	v10 =	vld [tilespmem:s1+$0x1C130];
	[tilespmem:s24+$0x1A100] =	vst v12;
	v13 =	vadd.f32 v23, v13  }
0x17c: {  	v12 =	vld [tilespmem:s1+$0x1A100];
	[tilespmem:s24+$0x1A110] =	vst v19;
	v22 =	vadd.f32 v25, v22  }
0x17d: {  	v19 =	vld [tilespmem:s1+$0x1A110];
	[tilespmem:s24+$0x1A120] =	vst v13;
	v20 =	vmov v24  }
0x17e: {  	s25 =	sadd.s32 $0x200, s25;
	v13 =	vld [tilespmem:s1+$0x1A120];
	[tilespmem:s24+$0x1A130] =	vst v22;
	v21 =	vmov v26;
	s24 =	smov.u32 s1  }
0x17f: {  	v22 =	vld [tilespmem:s24+$0x1A130];
	_ =	sdelay $0x1  }
0x180: {  	v12 =	vadd.f32 v20, v12  }
0x181: {  	v19 =	vadd.f32 v21, v19  }
0x182: {  	[tilespmem:s24+$0x1A100] =	vst v12;
	v11 =	vadd.f32 v11, v13  }
0x183: {  	[tilespmem:s24+$0x1A110] =	vst v19;
	v10 =	vadd.f32 v10, v22  }
0x184: {  	[tilespmem:s24+$0x1A120] =	vst v11  }
.Ltmp18:
0x185: {  	[tilespmem:s24+$0x1A130] =	vst v10;
	(pc) =	sbr.rel .LBB2_24-.Ltmp18, $4  }
0x186: {  	[hbm4b:s4+s26] =	stream.indirect.scatter [tilespmem:s9], [sflag:$0x3], $0x80, s5, s26, $0xb8;
	[tilespmem:$0x1E200] =	vst v63  }
0x187: {  	_ =	swait.ge [sflag:s30], $0x2000  }
0x188: {  	[sflag:s30] =	ssyncset.done $0x0  }
0x189: {  	v13 =	vmovc v1;
	v12 =	vmov v1;
	v11 =	vmov v1;
	v10 =	vmov v1;
	[sflag:s30] =	ssyncadd.s32 $0xFFFFE000  }
.LBB2_26:
0x18a: {  	[tilespmem:$0x1E100] =	vst v13  }
0x18b: {  	[tilespmem:$0x1E110] =	vst v12  }
0x18c: {  	[tilespmem:$0x1E120] =	vst v11  }
0x18d: {  	v9 =	vand.u32 $0x7FF, v13;
	[tilespmem:$0x1E130] =	vst v10  }
0x18e: {  	[tilespmem:$0x1E180] =	vst v9;
	v9 =	vand.u32 $0x7FF, v12  }
0x18f: {  	[tilespmem:$0x1E190] =	vst v9;
	v9 =	vand.u32 $0x7FF, v11  }
0x190: {  	[tilespmem:$0x1E1A0] =	vst v9;
	v9 =	vand.u32 $0x7FF, v10  }
0x191: {  	[tilespmem:$0x1E1B0] =	vst v9  }
0x192: {  	[tilespmem:s31], [sflag:$0x2] =	stream.indirect.gather [hbm4b:s3+s26], $0x80, s28, s26, $0xb8;
	[tilespmem:$0x1E200] =	vst v63  }
0x193: {  	_ =	swait.ge [sflag:s6], $0x2000  }
0x194: {  	[sflag:s6] =	ssyncset.done $0x0  }
0x195: {  	s2 =	simm.s32 $0x0;
	[sflag:s6] =	ssyncadd.s32 $0xFFFFE000  }
0x196: {  	v14 =	vld [tilespmem:s2+$0x1C100]  }
0x197: {  	v15 =	vld [tilespmem:s2+$0x1C110]  }
0x198: {  	v10 =	vld [tilespmem:s2+$0x1C120]  }
0x199: {  	v9 =	vld [tilespmem:s2+$0x1C130]  }
0x19a: {  	v11 =	vld [tilespmem:s2+$0x1A100]  }
0x19b: {  	v13 =	vld [tilespmem:s2+$0x1A110]  }
0x19c: {  	s11 =	simm.s32 $0x200;
	v12 =	vld [tilespmem:s2+$0x1A120]  }
.LBB2_27:
0x19d: {  	s1 =	sshra.s32 s11, $0x2;
	p2 =	sne.s32 s11, $0x7E00;
	v16 =	vld [tilespmem:s2+$0x1A130];
	v17 =	vmov v10  }
0x19e: {  	v18 =	vld [tilespmem:s1+$0x1C100];
	v19 =	vmov v9  }
0x19f: {  	v20 =	vld [tilespmem:s1+$0x1C110];
	v11 =	vadd.f32 v14, v11  }
.Ltmp19:
0x1a0: {  	v10 =	vld [tilespmem:s1+$0x1C120];
	v13 =	vadd.f32 v15, v13;
	(pc) =	sbr.rel @p2 .LBB2_27-.Ltmp19, $4  }
0x1a1: {  	v9 =	vld [tilespmem:s1+$0x1C130];
	[tilespmem:s2+$0x1A100] =	vst v11;
	v12 =	vadd.f32 v17, v12  }
0x1a2: {  	v11 =	vld [tilespmem:s1+$0x1A100];
	[tilespmem:s2+$0x1A110] =	vst v13;
	v16 =	vadd.f32 v19, v16  }
0x1a3: {  	v13 =	vld [tilespmem:s1+$0x1A110];
	[tilespmem:s2+$0x1A120] =	vst v12;
	v14 =	vmov v18  }
0x1a4: {  	s11 =	sadd.s32 $0x200, s11;
	v12 =	vld [tilespmem:s1+$0x1A120];
	[tilespmem:s2+$0x1A130] =	vst v16;
	v15 =	vmov v20;
	s2 =	smov.u32 s1  }
0x1a5: {  	v16 =	vld [tilespmem:s2+$0x1A130];
	_ =	sdelay $0x1  }
0x1a6: {  	v11 =	vadd.f32 v14, v11  }
0x1a7: {  	v13 =	vadd.f32 v15, v13  }
0x1a8: {  	[tilespmem:s2+$0x1A100] =	vst v11;
	v10 =	vadd.f32 v10, v12  }
0x1a9: {  	[tilespmem:s2+$0x1A110] =	vst v13;
	v9 =	vadd.f32 v9, v16  }
0x1aa: {  	[tilespmem:s2+$0x1A120] =	vst v10  }
0x1ab: {  	[tilespmem:s2+$0x1A130] =	vst v9  }
0x1ac: {  	[hbm4b:s4+s26] =	stream.indirect.scatter [tilespmem:s9], [sflag:$0x3], $0x80, s5, s26, $0xb8;
	[tilespmem:$0x1E200] =	vst v63  }
0x1ad: {  	_ =	swait.ge [sflag:s30], $0x2000  }
0x1ae: {  	s25 =	rddreg [dreg:$0x18]  }
0x1af: {  	s1 =	rddreg [dreg:$0x10];
	s2 =	sadd.s32 $0x1, s25  }
0x1b0: {  	p2 =	sne.s32 s2, s1  }
.Ltmp20:
0x1b1: {  	_ = 	snop;
	(pc) =	sbr.rel @p2 .LBB2_1-.Ltmp20, $3  }
0x1b2: {  	_ =	sdelay $0x1  }
0x1b3: {  	[sflag:s30] =	ssyncset.done $0x0  }
0x1b4: {  	[sflag:s30] =	ssyncadd.s32 $0xFFFFE000  }
0x1b5: {  	_ =	sfence.sel $0x180000  }
0x1b6: {  	[bflag:$0x0] =	sbarrier.arrive $0xFFFF  }
0x1b7: {  	_ =	strace $0x90000047  }
0x1b8: {  	s0 =	stileid.u32;
	[bflag:$0x2] =	sbarrier.arrive $0xFFFF  }
0x1b9: {  	p0 =	sne.s32 s0, $0x0;
	s0 =	rddreg [dreg:$0x9]  }
0x1ba: {  	s0 =	sadd.s32 @!p0 $0x100000, s0  }
0x1bb: {  	[sflag:s0] =	ssyncadd.tile.s32 @!p0 $0x1;
	_ =	shalt  }
.Lfunc_end2:
_tile_overlayer_lowered:
.L_overlay_start_2:
0x1bc: {  	(tag) =	ssettag $0x2  }
0x1bd: {  	s0 =	rddreg [dreg:$0x0];
	s2 =	stileid.u32  }
0x1be: {  	s1 =	rddreg [dreg:$0x1];
	p0 =	sne.s32 s2, $0x0  }
0x1bf: {  	s3 =	rddreg [dreg:$0x2];
	[bflag:$0x3] =	sbarrier.arrive $0xFFFF;
	s2 =	simm.s32 @!p0 $0x1C03  }
0x1c0: {  	[timem:s3], [sflag:s2] =	dma.local @!p0 [hbm:s0], s1  }
0x1c1: {  	s0 =	simm.s32 @!p0 $0x3  }
0x1c2: {  	_ =	swait.ge @!p0 [sflag:s0], s1  }
0x1c3: {  	s1 =	ssub.s32 @!p0 $0x0, s1;
	[sflag:s0] =	ssyncset.done @!p0 $0x0  }
0x1c4: {  	[sflag:s0] =	ssyncadd.s32 @!p0 s1  }
0x1c5: {  	[bflag:$0x3] =	sbarrier.arrive $0xFFFF  }
0x1c6: {  	_ =	shalt  }

</sc_bundles>
